<compile_context>
chip_gen: v7x
topology: tpu7x:2x2x1
jax: 0.10.2.dev20260603
libtpu: 0.0.44.dev20260713+nightly
codegen_flags: <defaults>
</compile_context>

<pallas_src>
import functools

import jax
import jax.numpy as jnp
from jax import lax
from jax.experimental import pallas as pl
from jax.experimental.pallas import tpu as pltpu
from jax.experimental.pallas import tpu_sc as plsc

nP, nA, nRr, nRf = 4000, 2000, 2000, 2000
N = nP + nA + nRr + nRf
E = 160000
D = 128
NETP = 16
DROW = 80
NPAD = DROW * 128

NC, NS, L = 2, 16, 16
NW = NC * NS
EPW = E // NW
NVEC = (EPW + L - 1) // L
EBUF = 5120
CHUNK = 40
NCHUNK = EPW // CHUNK

CCH = 128
EPAD = 163840
EPWC = EPAD // NW
NCCH = EPWC // CCH
NVECC = EPWC // L



def _tc0_body(x_ref, w_ref, b_ref, w4_ref, b4_ref, wvm_ref, bvm_ref,
              scal_ref, vm_ref):
    x0 = jnp.dot(x_ref[...], w_ref[0], preferred_element_type=jnp.float32)
    x0 = x0 + b_ref[0, 0][None, :]
    scal_ref[...] = jnp.dot(x0, w4_ref[...],
                            preferred_element_type=jnp.float32) + b4_ref[...][None, :]
    vm_ref[...] = jnp.dot(x0, wvm_ref[...],
                          preferred_element_type=jnp.float32) + bvm_ref[...][None, :]


def _tc0(xin, w_in, b_in, w4, b4, wvm, bvm):
    blk = 1000
    grid = N // blk

    def tmap(i):
        return jnp.where(i < 4, 0, (i - 4) // 2 + 1)

    return pl.pallas_call(
        _tc0_body,
        grid=(grid,),
        in_specs=[
            pl.BlockSpec((blk, D), lambda i: (i, 0)),
            pl.BlockSpec((1, D, D), lambda i: (tmap(i), 0, 0)),
            pl.BlockSpec((1, 1, D), lambda i: (tmap(i), 0, 0)),
            pl.BlockSpec((D, 4), lambda i: (0, 0)),
            pl.BlockSpec((4,), lambda i: (0,)),
            pl.BlockSpec((D, D), lambda i: (0, 0)),
            pl.BlockSpec((D,), lambda i: (0,)),
        ],
        out_specs=[
            pl.BlockSpec((blk, 4), lambda i: (i, 0)),
            pl.BlockSpec((blk, D), lambda i: (i, 0)),
        ],
        out_shape=[
            jax.ShapeDtypeStruct((N, 4), jnp.float32),
            jax.ShapeDtypeStruct((N, D), jnp.float32),
        ],
    )(xin, w_in, b_in, w4, b4, wvm, bvm)


def _edge_body(f_ref, grw_ref, grb_ref, r1w_ref, r1b_ref, r2w_ref, r2b_ref,
               er1_ref, er2_ref, b1_ref, b2_ref):
    f = f_ref[...]
    for l, (er_ref, b_ref) in enumerate(((er1_ref, b1_ref), (er2_ref, b2_ref))):
        er = jnp.dot(f, grw_ref[l], preferred_element_type=jnp.float32)
        er_ref[0, 0, :] = er[:, 0] + grb_ref[l]
        h = jnp.maximum(
            jnp.dot(f, r1w_ref[l], preferred_element_type=jnp.float32)
            + r1b_ref[l][None, :], 0.0)
        b = jnp.dot(h, r2w_ref[l], preferred_element_type=jnp.float32)
        b_ref[0, 0, :] = b[:, 0] + r2b_ref[l]


def _edge_tc(erf, grw, grb, r1w, r1b, r2w, r2b):
    blk = 8000
    grid = E // blk
    espec = pl.BlockSpec((1, 1, blk), lambda i: (i, 0, 0))
    outs = pl.pallas_call(
        _edge_body,
        grid=(grid,),
        in_specs=[
            pl.BlockSpec((blk, 4), lambda i: (i, 0)),
            pl.BlockSpec((2, 4, 1), lambda i: (0, 0, 0)),
            pl.BlockSpec((2,), lambda i: (0,)),
            pl.BlockSpec((2, 4, D), lambda i: (0, 0, 0)),
            pl.BlockSpec((2, D), lambda i: (0, 0)),
            pl.BlockSpec((2, D, 1), lambda i: (0, 0, 0)),
            pl.BlockSpec((2,), lambda i: (0,)),
        ],
        out_specs=[espec, espec, espec, espec],
        out_shape=[jax.ShapeDtypeStruct((grid, 1, blk), jnp.float32)] * 4,
    )(erf, grw, grb, r1w, r1b, r2w, r2b)
    return tuple(o.reshape(E) for o in outs)


def _mid_body(p_ref, w4_ref, b4_ref, wvm_ref, bvm_ref, scal_ref, vm_ref):
    x1 = jnp.maximum(p_ref[0] + p_ref[1], 0.0)
    scal_ref[...] = jnp.dot(x1, w4_ref[...],
                            preferred_element_type=jnp.float32) + b4_ref[...][None, :]
    vm_ref[...] = jnp.dot(x1, wvm_ref[...],
                          preferred_element_type=jnp.float32) + bvm_ref[...][None, :]


def _tc_mid(outp, w4, b4, wvm, bvm):
    blk = 1000
    return pl.pallas_call(
        _mid_body,
        grid=(N // blk,),
        in_specs=[
            pl.BlockSpec((2, blk, D), lambda i: (0, i, 0)),
            pl.BlockSpec((D, 4), lambda i: (0, 0)),
            pl.BlockSpec((4,), lambda i: (0,)),
            pl.BlockSpec((D, D), lambda i: (0, 0)),
            pl.BlockSpec((D,), lambda i: (0,)),
        ],
        out_specs=[
            pl.BlockSpec((blk, 4), lambda i: (i, 0)),
            pl.BlockSpec((blk, D), lambda i: (i, 0)),
        ],
        out_shape=[
            jax.ShapeDtypeStruct((N, 4), jnp.float32),
            jax.ShapeDtypeStruct((N, D), jnp.float32),
        ],
    )(outp, w4, b4, wvm, bvm)


def _relu_body(p_ref, x_ref):
    x_ref[...] = jnp.maximum(p_ref[0] + p_ref[1], 0.0)


def _tc_relu(outp):
    blk = 1000
    return pl.pallas_call(
        _relu_body,
        grid=(N // blk,),
        in_specs=[pl.BlockSpec((2, blk, D), lambda i: (0, i, 0))],
        out_specs=pl.BlockSpec((blk, D), lambda i: (i, 0)),
        out_shape=jax.ShapeDtypeStruct((N, D), jnp.float32),
    )(outp)


def _xhat_body(a_ref, b_ref, o_ref):
    z = lax.dot_general(a_ref[...], b_ref[...], (((1,), (1,)), ((), ())),
                        preferred_element_type=jnp.float32)
    o_ref[...] = jax.nn.sigmoid(z)


def _tc_xhat(x):
    blk = 1000
    return pl.pallas_call(
        _xhat_body,
        grid=(nP // blk,),
        in_specs=[
            pl.BlockSpec((blk, D), lambda i: (i, 0)),
            pl.BlockSpec((nA, D), lambda i: (nP // nA, 0)),
        ],
        out_specs=pl.BlockSpec((blk, nA), lambda i: (i, 0)),
        out_shape=jax.ShapeDtypeStruct((nP, nA), jnp.float32),
    )(x, x)



def _sc_a_body(ks_hbm, qs_hbm, gns_hbm, gnd_hbm, rela_hbm, src_hbm, dst_hbm,
               et_hbm, er_hbm, bij_hbm,
               gam_hbm, ex_hbm, denp_hbm,
               ks_v, qs_v, gns_v, gnd_v, rela_v, src_v, dst_v, et_v, er_v,
               bij_v, gam_v, ex_v, den_l, den_2d, idxrows_v, den_sh):
    cid = lax.axis_index("c")
    sid = lax.axis_index("s")
    wid = sid * NC + cid
    base = wid * EPW

    pltpu.sync_copy(ks_hbm, ks_v.at[pl.ds(0, N)])
    pltpu.sync_copy(qs_hbm, qs_v.at[pl.ds(0, N)])
    pltpu.sync_copy(gns_hbm, gns_v.at[pl.ds(0, N)])
    pltpu.sync_copy(gnd_hbm, gnd_v.at[pl.ds(0, N)])
    pltpu.sync_copy(rela_hbm, rela_v.at[pl.ds(0, NETP)])
    pltpu.sync_copy(src_hbm.at[pl.ds(base, EPW)], src_v.at[pl.ds(0, EPW)])
    pltpu.sync_copy(dst_hbm.at[pl.ds(base, EPW)], dst_v.at[pl.ds(0, EPW)])
    pltpu.sync_copy(et_hbm.at[pl.ds(base, EPW)], et_v.at[pl.ds(0, EPW)])
    pltpu.sync_copy(er_hbm.at[pl.ds(base, EPW)], er_v.at[pl.ds(0, EPW)])
    pltpu.sync_copy(bij_hbm.at[pl.ds(base, EPW)], bij_v.at[pl.ds(0, EPW)])

    def zinit(i, _):
        for j in range(128 // L):
            den_l[pl.ds(i * 128 + j * L, L)] = jnp.zeros((L,), jnp.float32)
            den_2d[i, pl.ds(j * L, L)] = jnp.zeros((L,), jnp.float32)
        return _
    lax.fori_loop(0, DROW, zinit, 0)

    @pl.when(sid == 0)
    def _():
        pltpu.sync_copy(den_2d, den_sh)

    for j in range(DROW // L):
        idxrows_v[pl.ds(j * L, L)] = lax.iota(jnp.int32, L) + j * L

    def body(i, _):
        sl = pl.ds(i * L, L)
        mask = (lax.iota(jnp.int32, L) + i * L) < EPW
        zero = jnp.zeros((L,), jnp.int32)
        s = jnp.where(mask, src_v[sl], zero)
        d = jnp.where(mask, dst_v[sl], zero)
        t = jnp.where(mask, et_v[sl], zero)
        ks16 = plsc.load_gather(ks_v, [s])
        qs16 = plsc.load_gather(qs_v, [d])
        gns16 = plsc.load_gather(gns_v, [s])
        gnd16 = plsc.load_gather(gnd_v, [d])
        ra16 = plsc.load_gather(rela_v, [t])
        er16 = er_v[sl]
        b16 = bij_v[sl]
        eb = ks16 + qs16 + ra16
        eb = jnp.where(eb > 0, eb, 0.2 * eb)
        z = er16 + gns16 + gnd16
        g = 1.0 / (1.0 + jnp.exp(-z))
        ex = jnp.exp(eb + g * b16)
        gam_v[sl] = g
        ex_v[sl] = ex
        plsc.addupdate_scatter(den_l, [d], ex, mask=mask)
        return _
    lax.fori_loop(0, NVEC, body, 0)

    pltpu.sync_copy(gam_v.at[pl.ds(0, EPW)], gam_hbm.at[pl.ds(base, EPW)])
    pltpu.sync_copy(ex_v.at[pl.ds(0, EPW)], ex_hbm.at[pl.ds(base, EPW)])

    def to2d(i, _):
        for j in range(128 // L):
            den_2d[i, pl.ds(j * L, L)] = den_l[pl.ds(i * 128 + j * L, L)]
        return _
    lax.fori_loop(0, DROW, to2d, 0)

    plsc.subcore_barrier()
    pltpu.sync_copy(den_2d, den_sh.at[idxrows_v], add=True)
    plsc.subcore_barrier()

    @pl.when(sid < DROW // 8)
    def _():
        rsl = pl.ds(sid * 8, 8)
        pltpu.sync_copy(den_sh.at[rsl, :], denp_hbm.at[cid, rsl, :])


def _sc_a(ks, qs, gns, gnd, rela, src, dst, et, er, bij):
    mesh = plsc.VectorSubcoreMesh(core_axis_name="c", subcore_axis_name="s")
    f32, i32 = jnp.float32, jnp.int32
    kern = pl.kernel(
        _sc_a_body,
        out_type=[
            jax.ShapeDtypeStruct((E,), f32),
            jax.ShapeDtypeStruct((E,), f32),
            jax.ShapeDtypeStruct((NC, DROW, 128), f32),
        ],
        mesh=mesh,
        scratch_types=[
            pltpu.VMEM((NPAD,), f32), pltpu.VMEM((NPAD,), f32),
            pltpu.VMEM((NPAD,), f32), pltpu.VMEM((NPAD,), f32),
            pltpu.VMEM((128,), f32),
            pltpu.VMEM((EBUF,), i32), pltpu.VMEM((EBUF,), i32),
            pltpu.VMEM((EBUF,), i32),
            pltpu.VMEM((EBUF,), f32), pltpu.VMEM((EBUF,), f32),
            pltpu.VMEM((EBUF,), f32), pltpu.VMEM((EBUF,), f32),
            pltpu.VMEM((NPAD,), f32),
            pltpu.VMEM((DROW, 128), f32),
            pltpu.VMEM((DROW,), i32),
            pltpu.VMEM_SHARED((DROW, 128), f32),
        ],
        compiler_params=pltpu.CompilerParams(needs_layout_passes=False),
    )
    return kern(ks, qs, gns, gnd, rela, src, dst, et, er, bij)



DCH = 1280
ZR = 40


def _sc_c_body(vm_hbm, relmf_hbm, src_hbm, dst_hbm,
               et_hbm, ex_hbm, denpf_hbm,
               outp_hbm,
               dst_v, exal_v, denF, denB, relm_v, rows_v, zbuf,
               src_i, dst_i, et_i, out_sh, sem1):
    cid = lax.axis_index("c")
    sid = lax.axis_index("s")
    wid = sid * NC + cid
    base = wid * EPWC

    pltpu.sync_copy(dst_hbm.at[pl.ds(base, EPWC)], dst_v)
    pltpu.sync_copy(ex_hbm.at[pl.ds(base, EPWC)], exal_v)
    pltpu.sync_copy(relmf_hbm, relm_v)
    pltpu.sync_copy(denpf_hbm.at[0], denF)
    for k in range(NPAD // DCH):
        pltpu.sync_copy(denpf_hbm.at[1, pl.ds(k * DCH, DCH)], denB)

        def dsum(i, _, k=k):
            sl = pl.ds(k * DCH + i * L, L)
            denF[sl] = denF[sl] + denB[pl.ds(i * L, L)]
            return _
        lax.fori_loop(0, DCH // L, dsum, 0)

    def alph(i, _):
        sl = pl.ds(i * L, L)
        den16 = plsc.load_gather(denF, [dst_v[sl]])
        exal_v[sl] = exal_v[sl] / (den16 + 1e-16)
        return _
    lax.fori_loop(0, NVECC, alph, 0)

    def zb(i, _):
        for j in range(D // L):
            zbuf[i, pl.ds(j * L, L)] = jnp.zeros((L,), jnp.float32)
        return _
    lax.fori_loop(0, ZR, zb, 0)

    nrows = jnp.where(sid < NS - 1, 640, 400)

    def zcp(k, _):
        pltpu.sync_copy(zbuf, out_sh.at[pl.ds(sid * 640 + k * ZR, ZR), :])
        return _
    lax.fori_loop(0, nrows // ZR, zcp, 0)
    plsc.subcore_barrier()

    iota16 = lax.iota(jnp.int32, L)

    def chunk(c, _):
        pltpu.sync_copy(src_hbm.at[pl.ds(base + c * CCH, CCH)], src_i)
        pltpu.sync_copy(dst_hbm.at[pl.ds(base + c * CCH, CCH)], dst_i)
        pltpu.sync_copy(et_hbm.at[pl.ds(base + c * CCH, CCH)], et_i)
        pltpu.async_copy(vm_hbm.at[src_i], rows_v, sem1).wait()

        def edge(e, _2):
            eidx = jnp.full((L,), c * CCH + e, jnp.int32)
            a16 = plsc.load_gather(exal_v, [eidx])
            et16 = plsc.load_gather(et_i, [jnp.full((L,), e, jnp.int32)])
            rbase = et16 * D + iota16
            for j in range(D // L):
                jsl = pl.ds(j * L, L)
                rel16 = plsc.load_gather(relm_v, [rbase + j * L])
                rows_v[e, jsl] = (rows_v[e, jsl] + rel16) * a16
            return _2
        lax.fori_loop(0, CCH, edge, 0)
        pltpu.sync_copy(rows_v, out_sh.at[dst_i], add=True)
        return _
    lax.fori_loop(0, NCCH, chunk, 0)

    plsc.subcore_barrier()

    @pl.when(sid < NS - 1)
    def _():
        zsl = pl.ds(sid * 640, 640)
        pltpu.sync_copy(out_sh.at[zsl, :], outp_hbm.at[cid, zsl, :])

    @pl.when(sid == NS - 1)
    def _():
        zsl = pl.ds((NS - 1) * 640, 400)
        pltpu.sync_copy(out_sh.at[zsl, :], outp_hbm.at[cid, zsl, :])


def _sc_c(vm, relm, src, dst, et, ex, denpf):
    mesh = plsc.VectorSubcoreMesh(core_axis_name="c", subcore_axis_name="s")
    f32, i32 = jnp.float32, jnp.int32
    kern = pl.kernel(
        _sc_c_body,
        out_type=[jax.ShapeDtypeStruct((NC, N, D), f32)],
        mesh=mesh,
        scratch_types=[
            pltpu.VMEM((EPWC,), i32), pltpu.VMEM((EPWC,), f32),
            pltpu.VMEM((NPAD,), f32), pltpu.VMEM((DCH,), f32),
            pltpu.VMEM((NETP * D,), f32),
            pltpu.VMEM((CCH, D), f32),
            pltpu.VMEM((ZR, D), f32),
            pltpu.VMEM((CCH,), i32), pltpu.VMEM((CCH,), i32),
            pltpu.VMEM((CCH,), i32),
            pltpu.VMEM_SHARED((N, D), f32),
            pltpu.SemaphoreType.DMA,
        ],
        compiler_params=pltpu.CompilerParams(needs_layout_passes=False),
    )
    pad = EPAD - E
    srcp = jnp.concatenate([src, jnp.zeros((pad,), jnp.int32)])
    dstp = jnp.concatenate([dst, jnp.zeros((pad,), jnp.int32)])
    etp = jnp.concatenate([et, jnp.zeros((pad,), jnp.int32)])
    exp_ = jnp.concatenate([ex, jnp.zeros((pad,), jnp.float32)])
    (outp,) = kern(vm, relm.reshape(NETP * D), srcp, dstp, etp, exp_, denpf)
    return outp



def _fold_layer(p):
    a1 = p["attn"][:D]
    a2 = p["attn"][D:2 * D]
    a3 = p["attn"][2 * D:]
    gn1 = p["gn"]["w"][:D, 0]
    gn2 = p["gn"]["w"][D:, 0]
    w4 = jnp.stack([
        p["Wk"]["w"] @ a1, p["Wq"]["w"] @ a2,
        p["Wk"]["w"] @ gn1, p["Wq"]["w"] @ gn2,
    ], axis=1)
    b4 = jnp.stack([
        p["Wk"]["b"] @ a1, p["Wq"]["b"] @ a2,
        p["Wk"]["b"] @ gn1, p["Wq"]["b"] @ gn2 + p["gn"]["b"][0],
    ])
    wvm = p["Wv"]["w"] @ p["msg"]["w"]
    bvm = p["Wv"]["b"] @ p["msg"]["w"] + p["msg"]["b"]
    rela = jnp.zeros((NETP,), jnp.float32).at[:9].set(p["rel"] @ a3)
    relm = jnp.zeros((NETP, D), jnp.float32).at[:9].set(p["rel"] @ p["msg"]["w"])
    return w4, b4, wvm, bvm, rela, relm


def kernel(process_x, action_x, rare_rule_x, freq_rule_x, edge_index,
           edge_type, edge_rule_feat, params):
    xin = jnp.concatenate([process_x, action_x, rare_rule_x, freq_rule_x],
                          axis=0)
    src = edge_index[0].astype(jnp.int32)
    dst = edge_index[1].astype(jnp.int32)
    et = edge_type.astype(jnp.int32)
    erf = edge_rule_feat.astype(jnp.float32)

    lp = params["layers"]
    w4_1, b4_1, wvm_1, bvm_1, rela_1, relm_1 = _fold_layer(lp[0])
    w4_2, b4_2, wvm_2, bvm_2, rela_2, relm_2 = _fold_layer(lp[1])

    w_in = jnp.stack([params["proc"]["w"], params["action"]["w"],
                      params["rare"]["w"], params["freq"]["w"]])
    b_in = jnp.stack([params["proc"]["b"], params["action"]["b"],
                      params["rare"]["b"], params["freq"]["b"]])[:, None, :]

    grw = jnp.stack([lp[0]["gr"]["w"], lp[1]["gr"]["w"]])
    grb = jnp.stack([lp[0]["gr"]["b"][0], lp[1]["gr"]["b"][0]])
    r1w = jnp.stack([lp[0]["r1"]["w"], lp[1]["r1"]["w"]])
    r1b = jnp.stack([lp[0]["r1"]["b"], lp[1]["r1"]["b"]])
    r2w = jnp.stack([lp[0]["r2"]["w"], lp[1]["r2"]["w"]])
    r2b = jnp.stack([lp[0]["r2"]["b"][0], lp[1]["r2"]["b"][0]])

    er1, er2, b1, b2 = _edge_tc(erf, grw, grb, r1w, r1b, r2w, r2b)
    scal1, vm1 = _tc0(xin, w_in, b_in, w4_1, b4_1, wvm_1, bvm_1)

    gam1, ex1, denp1 = _sc_a(scal1[:, 0], scal1[:, 1], scal1[:, 2],
                             scal1[:, 3], rela_1, src, dst, et, er1, b1)
    outp1 = _sc_c(vm1, relm_1, src, dst, et, ex1,
                  denp1.reshape(NC, NPAD))
    scal2, vm2 = _tc_mid(outp1, w4_2, b4_2, wvm_2, bvm_2)

    gam2, ex2, denp2 = _sc_a(scal2[:, 0], scal2[:, 1], scal2[:, 2],
                             scal2[:, 3], rela_2, src, dst, et, er2, b2)
    outp2 = _sc_c(vm2, relm_2, src, dst, et, ex2,
                  denp2.reshape(NC, NPAD))
    x = _tc_relu(outp2)
    x_hat = _tc_xhat(x)
    return (x_hat, x, gam1, gam2, b1, b2)

# --- scband reference (transcript-rebuilt; emitter-appended) ---
"""Pipeline reference for scband-rgapmodel-17995912970447 (READ-ONLY COPY).

The authoritative reference and input builder live on the scoring server;
editing this copy changes nothing except your own understanding.
"""

import jax, jax.numpy as jnp
import numpy as np

nP, nA, nRr, nRf = 4000, 2000, 2000, 2000
N = nP + nA + nRr + nRf
E = 160000
D = 128
NET = 9
RF = 4


def _lin(key, i, o):
    k1, k2 = jax.random.split(key)
    return {"w": jax.random.normal(k1, (i, o), dtype=jnp.float32) * 0.05,
            "b": jax.random.normal(k2, (o,), dtype=jnp.float32) * 0.05}


def _layer_params(key):
    ks = jax.random.split(key, 10)
    return {
        "Wq": _lin(ks[0], D, D), "Wk": _lin(ks[1], D, D), "Wv": _lin(ks[2], D, D),
        "rel": jax.random.normal(ks[3], (NET, D), dtype=jnp.float32) * 0.05,
        "attn": jax.random.normal(ks[4], (3 * D,), dtype=jnp.float32) * 0.05,
        "r1": _lin(ks[5], RF, D), "r2": _lin(ks[6], D, 1),
        "gr": _lin(ks[7], RF, 1), "gn": _lin(ks[8], 2 * D, 1),
        "msg": _lin(ks[9], D, D),
    }


def setup_inputs(seed: int = 0):
    key = jax.random.key(seed)
    ks = jax.random.split(key, 13)
    process_x = jax.random.normal(ks[0], (nP, D), dtype=jnp.float32)
    action_x = jax.random.normal(ks[1], (nA, D), dtype=jnp.float32)
    rare_rule_x = jax.random.normal(ks[2], (nRr, D), dtype=jnp.float32)
    freq_rule_x = jax.random.normal(ks[3], (nRf, D), dtype=jnp.float32)
    edge_index = jax.random.randint(ks[4], (2, E), 0, N)
    edge_type = jax.random.randint(ks[5], (E,), 0, NET)
    edge_rule_feat = jax.random.uniform(ks[6], (E, RF), dtype=jnp.float32)
    params = {
        "proc": _lin(ks[7], D, D), "action": _lin(ks[8], D, D),
        "rare": _lin(ks[9], D, D), "freq": _lin(ks[10], D, D),
        "layers": [_layer_params(ks[11]), _layer_params(ks[12])],
    }
    return {"process_x": process_x, "action_x": action_x, "rare_rule_x": rare_rule_x,
            "freq_rule_x": freq_rule_x, "edge_index": edge_index, "edge_type": edge_type,
            "edge_rule_feat": edge_rule_feat, "params": params}


def _apply(lin, x):
    return x @ lin["w"] + lin["b"]


def _conv(p, x, src, dst, etype, erf, n_nodes):
    h_src = _apply(p["Wk"], x[src])
    h_dst = _apply(p["Wq"], x[dst])
    rel = p["rel"][etype]
    base_in = jnp.concatenate([h_src, h_dst, rel], axis=1)
    e_base = jax.nn.leaky_relu(jnp.sum(base_in * p["attn"], axis=1), negative_slope=0.2)
    b_ij = jnp.squeeze(_apply(p["r2"], jax.nn.relu(_apply(p["r1"], erf))), -1)
    gamma = jax.nn.sigmoid(jnp.squeeze(_apply(p["gr"], erf), -1)
                           + jnp.squeeze(_apply(p["gn"], jnp.concatenate([h_src, h_dst], axis=1)), -1))
    e = e_base + gamma * b_ij
    seg_max = jax.ops.segment_max(e, dst, num_segments=n_nodes)
    seg_max = jnp.where(jnp.isfinite(seg_max), seg_max, 0.0)
    ex = jnp.exp(e - seg_max[dst])
    denom = jax.ops.segment_sum(ex, dst, num_segments=n_nodes)
    alpha = ex / (denom[dst] + 1e-16)
    msg = _apply(p["msg"], _apply(p["Wv"], x[src]) + rel) * alpha[:, None]
    out = jnp.zeros((n_nodes, D), dtype=x.dtype).at[dst].add(msg)
    return out, alpha, gamma, b_ij


def reference(process_x, action_x, rare_rule_x, freq_rule_x, edge_index, edge_type, edge_rule_feat, params):
    # eval mode: dropout is identity
    x = jnp.concatenate([
        _apply(params["proc"], process_x),
        _apply(params["action"], action_x),
        _apply(params["rare"], rare_rule_x),
        _apply(params["freq"], freq_rule_x),
    ], axis=0)
    src, dst = edge_index[0], edge_index[1]
    gates, priors = [], []
    for p in params["layers"]:
        x_new, alpha, gamma, b_ij = _conv(p, x, src, dst, edge_type, edge_rule_feat, N)
        x = jax.nn.relu(x_new)
        gates.append(gamma)
        priors.append(b_ij)
    z_proc = x[0:nP]
    z_action = x[nP:nP + nA]
    x_hat = jax.nn.sigmoid(z_proc @ z_action.T)
    return (x_hat, x, gates[0], gates[1], priors[0], priors[1])

if __name__ == "__main__":
    import jax
    _d = setup_inputs()
    print(jax.jit(kernel)(*tuple(_d.values())))

</pallas_src>

<mosaic_0001>
#map = affine_map<(d0, d1) -> (0, 0)>
#map1 = affine_map<(d0, d1) -> (0)>
#map2 = affine_map<(d0, d1) -> (0, 0, 0)>
module attributes {stable_mosaic.version = 14 : i64} {
  func.func @_sc_c_body(%arg0: i32, %arg1: i32, %arg2: memref<10000x128xf32, #tpu.memory_space<hbm>>, %arg3: memref<2048xf32, #tpu.memory_space<hbm>>, %arg4: memref<163840xi32, #tpu.memory_space<hbm>>, %arg5: memref<163840xi32, #tpu.memory_space<hbm>>, %arg6: memref<163840xi32, #tpu.memory_space<hbm>>, %arg7: memref<163840xf32, #tpu.memory_space<hbm>>, %arg8: memref<2x10240xf32, #tpu.memory_space<hbm>>, %arg9: memref<2x10000x128xf32, #tpu.memory_space<hbm>>, %arg10: memref<5120xi32, #tpu.memory_space<vmem>>, %arg11: memref<5120xf32, #tpu.memory_space<vmem>>, %arg12: memref<10240xf32, #tpu.memory_space<vmem>>, %arg13: memref<1280xf32, #tpu.memory_space<vmem>>, %arg14: memref<2048xf32, #tpu.memory_space<vmem>>, %arg15: memref<128x128xf32, #tpu.memory_space<vmem>>, %arg16: memref<40x128xf32, #tpu.memory_space<vmem>>, %arg17: memref<128xi32, #tpu.memory_space<vmem>>, %arg18: memref<128xi32, #tpu.memory_space<vmem>>, %arg19: memref<128xi32, #tpu.memory_space<vmem>>, %arg20: memref<10000x128xf32, #tpu.memory_space<vmem_shared>>, %arg21: memref<!tpu.dma_semaphore, #tpu.memory_space<semaphore_mem>>) attributes {dimension_semantics = [#tpu.dimension_semantics<core_parallel>, #tpu.dimension_semantics<subcore_parallel>], iteration_bounds = array<i64: 2, 16>, scalar_prefetch = 0 : i64, scratch_operands = 12 : i64, tpu.core_type = #tpu.core_type<sc_vector_subcore>, window_params = [{transform_indices = #map}, {transform_indices = #map1}, {transform_indices = #map1}, {transform_indices = #map1}, {transform_indices = #map1}, {transform_indices = #map1}, {transform_indices = #map}, {transform_indices = #map2}]} {
    %mul3A = arith.constant 2 : i32
    %mul3A_0 = arith.muli %arg1, %mul3A : i32
    %add3A = arith.addi %mul3A_0, %arg0 : i32
    %mul3A_1 = arith.constant 5120 : i32
    %mul3A_2 = arith.muli %add3A, %mul3A_1 : i32
    "tpu.region"() ({
      %run_scoped3A_113 = tpu.sem_alloc : memref<!tpu.dma_semaphore, #tpu.memory_space<semaphore_mem>>
      %dma_start3A = tpu.memref_slice %arg5[%mul3A_2] : memref<163840xi32, #tpu.memory_space<hbm>> -> memref<5120xi32, #tpu.memory_space<hbm>>
      %dma_start3A_114 = tpu.memref_slice %arg5[%mul3A_2] : memref<163840xi32, #tpu.memory_space<hbm>> -> memref<5120xi32, #tpu.memory_space<hbm>>
      tpu.enqueue_dma source(%dma_start3A_114 : memref<5120xi32, #tpu.memory_space<hbm>>) target(%arg10 : memref<5120xi32, #tpu.memory_space<vmem>>) target_semaphore(%run_scoped3A_113 : memref<!tpu.dma_semaphore, #tpu.memory_space<semaphore_mem>>)
      %dma_wait3A = tpu.memref_slice %arg5[%mul3A_2] : memref<163840xi32, #tpu.memory_space<hbm>> -> memref<5120xi32, #tpu.memory_space<hbm>>
      %dma_wait3A_115 = tpu.memref_slice %arg5[%mul3A_2] : memref<163840xi32, #tpu.memory_space<hbm>> -> memref<5120xi32, #tpu.memory_space<hbm>>
      tpu.wait_dma2 semaphore(%run_scoped3A_113 : memref<!tpu.dma_semaphore, #tpu.memory_space<semaphore_mem>>) src(%dma_wait3A_115 : memref<5120xi32, #tpu.memory_space<hbm>>) dst(%arg10 : memref<5120xi32, #tpu.memory_space<vmem>>)
      tpu.yield
    }) : () -> ()
    "tpu.region"() ({
      %run_scoped3A_113 = tpu.sem_alloc : memref<!tpu.dma_semaphore, #tpu.memory_space<semaphore_mem>>
      %dma_start3A = tpu.memref_slice %arg7[%mul3A_2] : memref<163840xf32, #tpu.memory_space<hbm>> -> memref<5120xf32, #tpu.memory_space<hbm>>
      %dma_start3A_114 = tpu.memref_slice %arg7[%mul3A_2] : memref<163840xf32, #tpu.memory_space<hbm>> -> memref<5120xf32, #tpu.memory_space<hbm>>
      tpu.enqueue_dma source(%dma_start3A_114 : memref<5120xf32, #tpu.memory_space<hbm>>) target(%arg11 : memref<5120xf32, #tpu.memory_space<vmem>>) target_semaphore(%run_scoped3A_113 : memref<!tpu.dma_semaphore, #tpu.memory_space<semaphore_mem>>)
      %dma_wait3A = tpu.memref_slice %arg7[%mul3A_2] : memref<163840xf32, #tpu.memory_space<hbm>> -> memref<5120xf32, #tpu.memory_space<hbm>>
      %dma_wait3A_115 = tpu.memref_slice %arg7[%mul3A_2] : memref<163840xf32, #tpu.memory_space<hbm>> -> memref<5120xf32, #tpu.memory_space<hbm>>
      tpu.wait_dma2 semaphore(%run_scoped3A_113 : memref<!tpu.dma_semaphore, #tpu.memory_space<semaphore_mem>>) src(%dma_wait3A_115 : memref<5120xf32, #tpu.memory_space<hbm>>) dst(%arg11 : memref<5120xf32, #tpu.memory_space<vmem>>)
      tpu.yield
    }) : () -> ()
    "tpu.region"() ({
      %run_scoped3A_113 = tpu.sem_alloc : memref<!tpu.dma_semaphore, #tpu.memory_space<semaphore_mem>>
      tpu.enqueue_dma source(%arg3 : memref<2048xf32, #tpu.memory_space<hbm>>) target(%arg14 : memref<2048xf32, #tpu.memory_space<vmem>>) target_semaphore(%run_scoped3A_113 : memref<!tpu.dma_semaphore, #tpu.memory_space<semaphore_mem>>)
      tpu.wait_dma2 semaphore(%run_scoped3A_113 : memref<!tpu.dma_semaphore, #tpu.memory_space<semaphore_mem>>) src(%arg3 : memref<2048xf32, #tpu.memory_space<hbm>>) dst(%arg14 : memref<2048xf32, #tpu.memory_space<vmem>>)
      tpu.yield
    }) : () -> ()
    %run_scoped3A = arith.constant 0 : i32
    "tpu.region"() ({
      %run_scoped3A_113 = tpu.sem_alloc : memref<!tpu.dma_semaphore, #tpu.memory_space<semaphore_mem>>
      %dma_start3A = arith.constant 0 : i32
      %dma_start3A_114 = tpu.memref_slice %arg8[%run_scoped3A, %dma_start3A] : memref<2x10240xf32, #tpu.memory_space<hbm>> -> memref<1x10240xf32, #tpu.memory_space<hbm>>
      %dma_start3A_115 = tpu.memref_squeeze %dma_start3A_114 : memref<1x10240xf32, #tpu.memory_space<hbm>> -> memref<10240xf32, #tpu.memory_space<hbm>>
      %dma_start3A_116 = arith.constant 0 : i32
      %dma_start3A_117 = tpu.memref_slice %arg8[%run_scoped3A, %dma_start3A_116] : memref<2x10240xf32, #tpu.memory_space<hbm>> -> memref<1x10240xf32, #tpu.memory_space<hbm>>
      %dma_start3A_118 = tpu.memref_squeeze %dma_start3A_117 : memref<1x10240xf32, #tpu.memory_space<hbm>> -> memref<10240xf32, #tpu.memory_space<hbm>>
      tpu.enqueue_dma source(%dma_start3A_118 : memref<10240xf32, #tpu.memory_space<hbm>>) target(%arg12 : memref<10240xf32, #tpu.memory_space<vmem>>) target_semaphore(%run_scoped3A_113 : memref<!tpu.dma_semaphore, #tpu.memory_space<semaphore_mem>>)
      %dma_wait3A = arith.constant 0 : i32
      %dma_wait3A_119 = tpu.memref_slice %arg8[%run_scoped3A, %dma_wait3A] : memref<2x10240xf32, #tpu.memory_space<hbm>> -> memref<1x10240xf32, #tpu.memory_space<hbm>>
      %dma_wait3A_120 = tpu.memref_squeeze %dma_wait3A_119 : memref<1x10240xf32, #tpu.memory_space<hbm>> -> memref<10240xf32, #tpu.memory_space<hbm>>
      %dma_wait3A_121 = arith.constant 0 : i32
      %dma_wait3A_122 = tpu.memref_slice %arg8[%run_scoped3A, %dma_wait3A_121] : memref<2x10240xf32, #tpu.memory_space<hbm>> -> memref<1x10240xf32, #tpu.memory_space<hbm>>
      %dma_wait3A_123 = tpu.memref_squeeze %dma_wait3A_122 : memref<1x10240xf32, #tpu.memory_space<hbm>> -> memref<10240xf32, #tpu.memory_space<hbm>>
      tpu.wait_dma2 semaphore(%run_scoped3A_113 : memref<!tpu.dma_semaphore, #tpu.memory_space<semaphore_mem>>) src(%dma_wait3A_123 : memref<10240xf32, #tpu.memory_space<hbm>>) dst(%arg12 : memref<10240xf32, #tpu.memory_space<vmem>>)
      tpu.yield
    }) : () -> ()
    %run_scoped3A_3 = arith.constant 1 : i32
    "tpu.region"() ({
      %run_scoped3A_113 = tpu.sem_alloc : memref<!tpu.dma_semaphore, #tpu.memory_space<semaphore_mem>>
      %dma_start3A = arith.constant 0 : i32
      %dma_start3A_114 = tpu.memref_slice %arg8[%run_scoped3A_3, %dma_start3A] : memref<2x10240xf32, #tpu.memory_space<hbm>> -> memref<1x1280xf32, #tpu.memory_space<hbm>>
      %dma_start3A_115 = tpu.memref_squeeze %dma_start3A_114 : memref<1x1280xf32, #tpu.memory_space<hbm>> -> memref<1280xf32, #tpu.memory_space<hbm>>
      %dma_start3A_116 = arith.constant 0 : i32
      %dma_start3A_117 = tpu.memref_slice %arg8[%run_scoped3A_3, %dma_start3A_116] : memref<2x10240xf32, #tpu.memory_space<hbm>> -> memref<1x1280xf32, #tpu.memory_space<hbm>>
      %dma_start3A_118 = tpu.memref_squeeze %dma_start3A_117 : memref<1x1280xf32, #tpu.memory_space<hbm>> -> memref<1280xf32, #tpu.memory_space<hbm>>
      tpu.enqueue_dma source(%dma_start3A_118 : memref<1280xf32, #tpu.memory_space<hbm>>) target(%arg13 : memref<1280xf32, #tpu.memory_space<vmem>>) target_semaphore(%run_scoped3A_113 : memref<!tpu.dma_semaphore, #tpu.memory_space<semaphore_mem>>)
      %dma_wait3A = arith.constant 0 : i32
      %dma_wait3A_119 = tpu.memref_slice %arg8[%run_scoped3A_3, %dma_wait3A] : memref<2x10240xf32, #tpu.memory_space<hbm>> -> memref<1x1280xf32, #tpu.memory_space<hbm>>
      %dma_wait3A_120 = tpu.memref_squeeze %dma_wait3A_119 : memref<1x1280xf32, #tpu.memory_space<hbm>> -> memref<1280xf32, #tpu.memory_space<hbm>>
      %dma_wait3A_121 = arith.constant 0 : i32
      %dma_wait3A_122 = tpu.memref_slice %arg8[%run_scoped3A_3, %dma_wait3A_121] : memref<2x10240xf32, #tpu.memory_space<hbm>> -> memref<1x1280xf32, #tpu.memory_space<hbm>>
      %dma_wait3A_123 = tpu.memref_squeeze %dma_wait3A_122 : memref<1x1280xf32, #tpu.memory_space<hbm>> -> memref<1280xf32, #tpu.memory_space<hbm>>
      tpu.wait_dma2 semaphore(%run_scoped3A_113 : memref<!tpu.dma_semaphore, #tpu.memory_space<semaphore_mem>>) src(%dma_wait3A_123 : memref<1280xf32, #tpu.memory_space<hbm>>) dst(%arg13 : memref<1280xf32, #tpu.memory_space<vmem>>)
      tpu.yield
    }) : () -> ()
    %scan3A = arith.constant 0 : i32
    %scan3A_4 = arith.constant 0 : i32
    %scan3A_5 = arith.constant 80 : i32
    %scan3A_6 = arith.addi %scan3A_4, %scan3A_5 : i32
    %scan3A_7 = arith.constant 1 : i32
    scf.for %scan3A_113 = %scan3A_4 to %scan3A_6 step %scan3A_7  : i32 {
      %mul3A_114 = arith.constant 16 : i32
      %mul3A_115 = arith.muli %scan3A_113, %mul3A_114 : i32
      %add3A_116 = arith.constant 0 : i32
      %add3A_117 = arith.addi %add3A_116, %mul3A_115 : i32
      %get3A = arith.index_cast %add3A_117 : i32 to index
      %get3A_118 = tpu.vector_load %arg12[%get3A] {strides = array<i32>} : memref<10240xf32, #tpu.memory_space<vmem>>, vector<16xf32>,
      %mul3A_119 = arith.constant 16 : i32
      %mul3A_120 = arith.muli %scan3A_113, %mul3A_119 : i32
      %get3A_121 = arith.index_cast %mul3A_120 : i32 to index
      %get3A_122 = tpu.vector_load %arg13[%get3A_121] {strides = array<i32>} : memref<1280xf32, #tpu.memory_space<vmem>>, vector<16xf32>,
      %add3A_123 = arith.addf %get3A_118, %get3A_122 : vector<16xf32>
      %swap3A = arith.index_cast %add3A_117 : i32 to index
      %swap3A_124 = tpu.vector_load %arg12[%swap3A] {strides = array<i32>} : memref<10240xf32, #tpu.memory_space<vmem>>, vector<16xf32>,
      tpu.vector_store %arg12[%swap3A], %add3A_123 {strides = array<i32>} : memref<10240xf32, #tpu.memory_space<vmem>>, vector<16xf32>,
    }
    %scan3A_8 = arith.constant 80 : i32
    %run_scoped3A_9 = arith.constant 1 : i32
    "tpu.region"() ({
      %run_scoped3A_113 = tpu.sem_alloc : memref<!tpu.dma_semaphore, #tpu.memory_space<semaphore_mem>>
      %dma_start3A = arith.constant 1280 : i32
      %dma_start3A_114 = tpu.memref_slice %arg8[%run_scoped3A_9, %dma_start3A] : memref<2x10240xf32, #tpu.memory_space<hbm>> -> memref<1x1280xf32, #tpu.memory_space<hbm>>
      %dma_start3A_115 = tpu.memref_squeeze %dma_start3A_114 : memref<1x1280xf32, #tpu.memory_space<hbm>> -> memref<1280xf32, #tpu.memory_space<hbm>>
      %dma_start3A_116 = arith.constant 1280 : i32
      %dma_start3A_117 = tpu.memref_slice %arg8[%run_scoped3A_9, %dma_start3A_116] : memref<2x10240xf32, #tpu.memory_space<hbm>> -> memref<1x1280xf32, #tpu.memory_space<hbm>>
      %dma_start3A_118 = tpu.memref_squeeze %dma_start3A_117 : memref<1x1280xf32, #tpu.memory_space<hbm>> -> memref<1280xf32, #tpu.memory_space<hbm>>
      tpu.enqueue_dma source(%dma_start3A_118 : memref<1280xf32, #tpu.memory_space<hbm>>) target(%arg13 : memref<1280xf32, #tpu.memory_space<vmem>>) target_semaphore(%run_scoped3A_113 : memref<!tpu.dma_semaphore, #tpu.memory_space<semaphore_mem>>)
      %dma_wait3A = arith.constant 1280 : i32
      %dma_wait3A_119 = tpu.memref_slice %arg8[%run_scoped3A_9, %dma_wait3A] : memref<2x10240xf32, #tpu.memory_space<hbm>> -> memref<1x1280xf32, #tpu.memory_space<hbm>>
      %dma_wait3A_120 = tpu.memref_squeeze %dma_wait3A_119 : memref<1x1280xf32, #tpu.memory_space<hbm>> -> memref<1280xf32, #tpu.memory_space<hbm>>
      %dma_wait3A_121 = arith.constant 1280 : i32
      %dma_wait3A_122 = tpu.memref_slice %arg8[%run_scoped3A_9, %dma_wait3A_121] : memref<2x10240xf32, #tpu.memory_space<hbm>> -> memref<1x1280xf32, #tpu.memory_space<hbm>>
      %dma_wait3A_123 = tpu.memref_squeeze %dma_wait3A_122 : memref<1x1280xf32, #tpu.memory_space<hbm>> -> memref<1280xf32, #tpu.memory_space<hbm>>
      tpu.wait_dma2 semaphore(%run_scoped3A_113 : memref<!tpu.dma_semaphore, #tpu.memory_space<semaphore_mem>>) src(%dma_wait3A_123 : memref<1280xf32, #tpu.memory_space<hbm>>) dst(%arg13 : memref<1280xf32, #tpu.memory_space<vmem>>)
      tpu.yield
    }) : () -> ()
    %scan3A_10 = arith.constant 0 : i32
    %scan3A_11 = arith.constant 0 : i32
    %scan3A_12 = arith.constant 80 : i32
    %scan3A_13 = arith.addi %scan3A_11, %scan3A_12 : i32
    %scan3A_14 = arith.constant 1 : i32
    scf.for %scan3A_113 = %scan3A_11 to %scan3A_13 step %scan3A_14  : i32 {
      %mul3A_114 = arith.constant 16 : i32
      %mul3A_115 = arith.muli %scan3A_113, %mul3A_114 : i32
      %add3A_116 = arith.constant 1280 : i32
      %add3A_117 = arith.addi %add3A_116, %mul3A_115 : i32
      %get3A = arith.index_cast %add3A_117 : i32 to index
      %get3A_118 = tpu.vector_load %arg12[%get3A] {strides = array<i32>} : memref<10240xf32, #tpu.memory_space<vmem>>, vector<16xf32>,
      %mul3A_119 = arith.constant 16 : i32
      %mul3A_120 = arith.muli %scan3A_113, %mul3A_119 : i32
      %get3A_121 = arith.index_cast %mul3A_120 : i32 to index
      %get3A_122 = tpu.vector_load %arg13[%get3A_121] {strides = array<i32>} : memref<1280xf32, #tpu.memory_space<vmem>>, vector<16xf32>,
      %add3A_123 = arith.addf %get3A_118, %get3A_122 : vector<16xf32>
      %swap3A = arith.index_cast %add3A_117 : i32 to index
      %swap3A_124 = tpu.vector_load %arg12[%swap3A] {strides = array<i32>} : memref<10240xf32, #tpu.memory_space<vmem>>, vector<16xf32>,
      tpu.vector_store %arg12[%swap3A], %add3A_123 {strides = array<i32>} : memref<10240xf32, #tpu.memory_space<vmem>>, vector<16xf32>,
    }
    %scan3A_15 = arith.constant 80 : i32
    %run_scoped3A_16 = arith.constant 1 : i32
    "tpu.region"() ({
      %run_scoped3A_113 = tpu.sem_alloc : memref<!tpu.dma_semaphore, #tpu.memory_space<semaphore_mem>>
      %dma_start3A = arith.constant 2560 : i32
      %dma_start3A_114 = tpu.memref_slice %arg8[%run_scoped3A_16, %dma_start3A] : memref<2x10240xf32, #tpu.memory_space<hbm>> -> memref<1x1280xf32, #tpu.memory_space<hbm>>
      %dma_start3A_115 = tpu.memref_squeeze %dma_start3A_114 : memref<1x1280xf32, #tpu.memory_space<hbm>> -> memref<1280xf32, #tpu.memory_space<hbm>>
      %dma_start3A_116 = arith.constant 2560 : i32
      %dma_start3A_117 = tpu.memref_slice %arg8[%run_scoped3A_16, %dma_start3A_116] : memref<2x10240xf32, #tpu.memory_space<hbm>> -> memref<1x1280xf32, #tpu.memory_space<hbm>>
      %dma_start3A_118 = tpu.memref_squeeze %dma_start3A_117 : memref<1x1280xf32, #tpu.memory_space<hbm>> -> memref<1280xf32, #tpu.memory_space<hbm>>
      tpu.enqueue_dma source(%dma_start3A_118 : memref<1280xf32, #tpu.memory_space<hbm>>) target(%arg13 : memref<1280xf32, #tpu.memory_space<vmem>>) target_semaphore(%run_scoped3A_113 : memref<!tpu.dma_semaphore, #tpu.memory_space<semaphore_mem>>)
      %dma_wait3A = arith.constant 2560 : i32
      %dma_wait3A_119 = tpu.memref_slice %arg8[%run_scoped3A_16, %dma_wait3A] : memref<2x10240xf32, #tpu.memory_space<hbm>> -> memref<1x1280xf32, #tpu.memory_space<hbm>>
      %dma_wait3A_120 = tpu.memref_squeeze %dma_wait3A_119 : memref<1x1280xf32, #tpu.memory_space<hbm>> -> memref<1280xf32, #tpu.memory_space<hbm>>
      %dma_wait3A_121 = arith.constant 2560 : i32
      %dma_wait3A_122 = tpu.memref_slice %arg8[%run_scoped3A_16, %dma_wait3A_121] : memref<2x10240xf32, #tpu.memory_space<hbm>> -> memref<1x1280xf32, #tpu.memory_space<hbm>>
      %dma_wait3A_123 = tpu.memref_squeeze %dma_wait3A_122 : memref<1x1280xf32, #tpu.memory_space<hbm>> -> memref<1280xf32, #tpu.memory_space<hbm>>
      tpu.wait_dma2 semaphore(%run_scoped3A_113 : memref<!tpu.dma_semaphore, #tpu.memory_space<semaphore_mem>>) src(%dma_wait3A_123 : memref<1280xf32, #tpu.memory_space<hbm>>) dst(%arg13 : memref<1280xf32, #tpu.memory_space<vmem>>)
      tpu.yield
    }) : () -> ()
    %scan3A_17 = arith.constant 0 : i32
    %scan3A_18 = arith.constant 0 : i32
    %scan3A_19 = arith.constant 80 : i32
    %scan3A_20 = arith.addi %scan3A_18, %scan3A_19 : i32
    %scan3A_21 = arith.constant 1 : i32
    scf.for %scan3A_113 = %scan3A_18 to %scan3A_20 step %scan3A_21  : i32 {
      %mul3A_114 = arith.constant 16 : i32
      %mul3A_115 = arith.muli %scan3A_113, %mul3A_114 : i32
      %add3A_116 = arith.constant 2560 : i32
      %add3A_117 = arith.addi %add3A_116, %mul3A_115 : i32
      %get3A = arith.index_cast %add3A_117 : i32 to index
      %get3A_118 = tpu.vector_load %arg12[%get3A] {strides = array<i32>} : memref<10240xf32, #tpu.memory_space<vmem>>, vector<16xf32>,
      %mul3A_119 = arith.constant 16 : i32
      %mul3A_120 = arith.muli %scan3A_113, %mul3A_119 : i32
      %get3A_121 = arith.index_cast %mul3A_120 : i32 to index
      %get3A_122 = tpu.vector_load %arg13[%get3A_121] {strides = array<i32>} : memref<1280xf32, #tpu.memory_space<vmem>>, vector<16xf32>,
      %add3A_123 = arith.addf %get3A_118, %get3A_122 : vector<16xf32>
      %swap3A = arith.index_cast %add3A_117 : i32 to index
      %swap3A_124 = tpu.vector_load %arg12[%swap3A] {strides = array<i32>} : memref<10240xf32, #tpu.memory_space<vmem>>, vector<16xf32>,
      tpu.vector_store %arg12[%swap3A], %add3A_123 {strides = array<i32>} : memref<10240xf32, #tpu.memory_space<vmem>>, vector<16xf32>,
    }
    %scan3A_22 = arith.constant 80 : i32
    %run_scoped3A_23 = arith.constant 1 : i32
    "tpu.region"() ({
      %run_scoped3A_113 = tpu.sem_alloc : memref<!tpu.dma_semaphore, #tpu.memory_space<semaphore_mem>>
      %dma_start3A = arith.constant 3840 : i32
      %dma_start3A_114 = tpu.memref_slice %arg8[%run_scoped3A_23, %dma_start3A] : memref<2x10240xf32, #tpu.memory_space<hbm>> -> memref<1x1280xf32, #tpu.memory_space<hbm>>
      %dma_start3A_115 = tpu.memref_squeeze %dma_start3A_114 : memref<1x1280xf32, #tpu.memory_space<hbm>> -> memref<1280xf32, #tpu.memory_space<hbm>>
      %dma_start3A_116 = arith.constant 3840 : i32
      %dma_start3A_117 = tpu.memref_slice %arg8[%run_scoped3A_23, %dma_start3A_116] : memref<2x10240xf32, #tpu.memory_space<hbm>> -> memref<1x1280xf32, #tpu.memory_space<hbm>>
      %dma_start3A_118 = tpu.memref_squeeze %dma_start3A_117 : memref<1x1280xf32, #tpu.memory_space<hbm>> -> memref<1280xf32, #tpu.memory_space<hbm>>
      tpu.enqueue_dma source(%dma_start3A_118 : memref<1280xf32, #tpu.memory_space<hbm>>) target(%arg13 : memref<1280xf32, #tpu.memory_space<vmem>>) target_semaphore(%run_scoped3A_113 : memref<!tpu.dma_semaphore, #tpu.memory_space<semaphore_mem>>)
      %dma_wait3A = arith.constant 3840 : i32
      %dma_wait3A_119 = tpu.memref_slice %arg8[%run_scoped3A_23, %dma_wait3A] : memref<2x10240xf32, #tpu.memory_space<hbm>> -> memref<1x1280xf32, #tpu.memory_space<hbm>>
      %dma_wait3A_120 = tpu.memref_squeeze %dma_wait3A_119 : memref<1x1280xf32, #tpu.memory_space<hbm>> -> memref<1280xf32, #tpu.memory_space<hbm>>
      %dma_wait3A_121 = arith.constant 3840 : i32
      %dma_wait3A_122 = tpu.memref_slice %arg8[%run_scoped3A_23, %dma_wait3A_121] : memref<2x10240xf32, #tpu.memory_space<hbm>> -> memref<1x1280xf32, #tpu.memory_space<hbm>>
      %dma_wait3A_123 = tpu.memref_squeeze %dma_wait3A_122 : memref<1x1280xf32, #tpu.memory_space<hbm>> -> memref<1280xf32, #tpu.memory_space<hbm>>
      tpu.wait_dma2 semaphore(%run_scoped3A_113 : memref<!tpu.dma_semaphore, #tpu.memory_space<semaphore_mem>>) src(%dma_wait3A_123 : memref<1280xf32, #tpu.memory_space<hbm>>) dst(%arg13 : memref<1280xf32, #tpu.memory_space<vmem>>)
      tpu.yield
    }) : () -> ()
    %scan3A_24 = arith.constant 0 : i32
    %scan3A_25 = arith.constant 0 : i32
    %scan3A_26 = arith.constant 80 : i32
    %scan3A_27 = arith.addi %scan3A_25, %scan3A_26 : i32
    %scan3A_28 = arith.constant 1 : i32
    scf.for %scan3A_113 = %scan3A_25 to %scan3A_27 step %scan3A_28  : i32 {
      %mul3A_114 = arith.constant 16 : i32
      %mul3A_115 = arith.muli %scan3A_113, %mul3A_114 : i32
      %add3A_116 = arith.constant 3840 : i32
      %add3A_117 = arith.addi %add3A_116, %mul3A_115 : i32
      %get3A = arith.index_cast %add3A_117 : i32 to index
      %get3A_118 = tpu.vector_load %arg12[%get3A] {strides = array<i32>} : memref<10240xf32, #tpu.memory_space<vmem>>, vector<16xf32>,
      %mul3A_119 = arith.constant 16 : i32
      %mul3A_120 = arith.muli %scan3A_113, %mul3A_119 : i32
      %get3A_121 = arith.index_cast %mul3A_120 : i32 to index
      %get3A_122 = tpu.vector_load %arg13[%get3A_121] {strides = array<i32>} : memref<1280xf32, #tpu.memory_space<vmem>>, vector<16xf32>,
      %add3A_123 = arith.addf %get3A_118, %get3A_122 : vector<16xf32>
      %swap3A = arith.index_cast %add3A_117 : i32 to index
      %swap3A_124 = tpu.vector_load %arg12[%swap3A] {strides = array<i32>} : memref<10240xf32, #tpu.memory_space<vmem>>, vector<16xf32>,
      tpu.vector_store %arg12[%swap3A], %add3A_123 {strides = array<i32>} : memref<10240xf32, #tpu.memory_space<vmem>>, vector<16xf32>,
    }
    %scan3A_29 = arith.constant 80 : i32
    %run_scoped3A_30 = arith.constant 1 : i32
    "tpu.region"() ({
      %run_scoped3A_113 = tpu.sem_alloc : memref<!tpu.dma_semaphore, #tpu.memory_space<semaphore_mem>>
      %dma_start3A = arith.constant 5120 : i32
      %dma_start3A_114 = tpu.memref_slice %arg8[%run_scoped3A_30, %dma_start3A] : memref<2x10240xf32, #tpu.memory_space<hbm>> -> memref<1x1280xf32, #tpu.memory_space<hbm>>
      %dma_start3A_115 = tpu.memref_squeeze %dma_start3A_114 : memref<1x1280xf32, #tpu.memory_space<hbm>> -> memref<1280xf32, #tpu.memory_space<hbm>>
      %dma_start3A_116 = arith.constant 5120 : i32
      %dma_start3A_117 = tpu.memref_slice %arg8[%run_scoped3A_30, %dma_start3A_116] : memref<2x10240xf32, #tpu.memory_space<hbm>> -> memref<1x1280xf32, #tpu.memory_space<hbm>>
      %dma_start3A_118 = tpu.memref_squeeze %dma_start3A_117 : memref<1x1280xf32, #tpu.memory_space<hbm>> -> memref<1280xf32, #tpu.memory_space<hbm>>
      tpu.enqueue_dma source(%dma_start3A_118 : memref<1280xf32, #tpu.memory_space<hbm>>) target(%arg13 : memref<1280xf32, #tpu.memory_space<vmem>>) target_semaphore(%run_scoped3A_113 : memref<!tpu.dma_semaphore, #tpu.memory_space<semaphore_mem>>)
      %dma_wait3A = arith.constant 5120 : i32
      %dma_wait3A_119 = tpu.memref_slice %arg8[%run_scoped3A_30, %dma_wait3A] : memref<2x10240xf32, #tpu.memory_space<hbm>> -> memref<1x1280xf32, #tpu.memory_space<hbm>>
      %dma_wait3A_120 = tpu.memref_squeeze %dma_wait3A_119 : memref<1x1280xf32, #tpu.memory_space<hbm>> -> memref<1280xf32, #tpu.memory_space<hbm>>
      %dma_wait3A_121 = arith.constant 5120 : i32
      %dma_wait3A_122 = tpu.memref_slice %arg8[%run_scoped3A_30, %dma_wait3A_121] : memref<2x10240xf32, #tpu.memory_space<hbm>> -> memref<1x1280xf32, #tpu.memory_space<hbm>>
      %dma_wait3A_123 = tpu.memref_squeeze %dma_wait3A_122 : memref<1x1280xf32, #tpu.memory_space<hbm>> -> memref<1280xf32, #tpu.memory_space<hbm>>
      tpu.wait_dma2 semaphore(%run_scoped3A_113 : memref<!tpu.dma_semaphore, #tpu.memory_space<semaphore_mem>>) src(%dma_wait3A_123 : memref<1280xf32, #tpu.memory_space<hbm>>) dst(%arg13 : memref<1280xf32, #tpu.memory_space<vmem>>)
      tpu.yield
    }) : () -> ()
    %scan3A_31 = arith.constant 0 : i32
    %scan3A_32 = arith.constant 0 : i32
    %scan3A_33 = arith.constant 80 : i32
    %scan3A_34 = arith.addi %scan3A_32, %scan3A_33 : i32
    %scan3A_35 = arith.constant 1 : i32
    scf.for %scan3A_113 = %scan3A_32 to %scan3A_34 step %scan3A_35  : i32 {
      %mul3A_114 = arith.constant 16 : i32
      %mul3A_115 = arith.muli %scan3A_113, %mul3A_114 : i32
      %add3A_116 = arith.constant 5120 : i32
      %add3A_117 = arith.addi %add3A_116, %mul3A_115 : i32
      %get3A = arith.index_cast %add3A_117 : i32 to index
      %get3A_118 = tpu.vector_load %arg12[%get3A] {strides = array<i32>} : memref<10240xf32, #tpu.memory_space<vmem>>, vector<16xf32>,
      %mul3A_119 = arith.constant 16 : i32
      %mul3A_120 = arith.muli %scan3A_113, %mul3A_119 : i32
      %get3A_121 = arith.index_cast %mul3A_120 : i32 to index
      %get3A_122 = tpu.vector_load %arg13[%get3A_121] {strides = array<i32>} : memref<1280xf32, #tpu.memory_space<vmem>>, vector<16xf32>,
      %add3A_123 = arith.addf %get3A_118, %get3A_122 : vector<16xf32>
      %swap3A = arith.index_cast %add3A_117 : i32 to index
      %swap3A_124 = tpu.vector_load %arg12[%swap3A] {strides = array<i32>} : memref<10240xf32, #tpu.memory_space<vmem>>, vector<16xf32>,
      tpu.vector_store %arg12[%swap3A], %add3A_123 {strides = array<i32>} : memref<10240xf32, #tpu.memory_space<vmem>>, vector<16xf32>,
    }
    %scan3A_36 = arith.constant 80 : i32
    %run_scoped3A_37 = arith.constant 1 : i32
    "tpu.region"() ({
      %run_scoped3A_113 = tpu.sem_alloc : memref<!tpu.dma_semaphore, #tpu.memory_space<semaphore_mem>>
      %dma_start3A = arith.constant 6400 : i32
      %dma_start3A_114 = tpu.memref_slice %arg8[%run_scoped3A_37, %dma_start3A] : memref<2x10240xf32, #tpu.memory_space<hbm>> -> memref<1x1280xf32, #tpu.memory_space<hbm>>
      %dma_start3A_115 = tpu.memref_squeeze %dma_start3A_114 : memref<1x1280xf32, #tpu.memory_space<hbm>> -> memref<1280xf32, #tpu.memory_space<hbm>>
      %dma_start3A_116 = arith.constant 6400 : i32
      %dma_start3A_117 = tpu.memref_slice %arg8[%run_scoped3A_37, %dma_start3A_116] : memref<2x10240xf32, #tpu.memory_space<hbm>> -> memref<1x1280xf32, #tpu.memory_space<hbm>>
      %dma_start3A_118 = tpu.memref_squeeze %dma_start3A_117 : memref<1x1280xf32, #tpu.memory_space<hbm>> -> memref<1280xf32, #tpu.memory_space<hbm>>
      tpu.enqueue_dma source(%dma_start3A_118 : memref<1280xf32, #tpu.memory_space<hbm>>) target(%arg13 : memref<1280xf32, #tpu.memory_space<vmem>>) target_semaphore(%run_scoped3A_113 : memref<!tpu.dma_semaphore, #tpu.memory_space<semaphore_mem>>)
      %dma_wait3A = arith.constant 6400 : i32
      %dma_wait3A_119 = tpu.memref_slice %arg8[%run_scoped3A_37, %dma_wait3A] : memref<2x10240xf32, #tpu.memory_space<hbm>> -> memref<1x1280xf32, #tpu.memory_space<hbm>>
      %dma_wait3A_120 = tpu.memref_squeeze %dma_wait3A_119 : memref<1x1280xf32, #tpu.memory_space<hbm>> -> memref<1280xf32, #tpu.memory_space<hbm>>
      %dma_wait3A_121 = arith.constant 6400 : i32
      %dma_wait3A_122 = tpu.memref_slice %arg8[%run_scoped3A_37, %dma_wait3A_121] : memref<2x10240xf32, #tpu.memory_space<hbm>> -> memref<1x1280xf32, #tpu.memory_space<hbm>>
      %dma_wait3A_123 = tpu.memref_squeeze %dma_wait3A_122 : memref<1x1280xf32, #tpu.memory_space<hbm>> -> memref<1280xf32, #tpu.memory_space<hbm>>
      tpu.wait_dma2 semaphore(%run_scoped3A_113 : memref<!tpu.dma_semaphore, #tpu.memory_space<semaphore_mem>>) src(%dma_wait3A_123 : memref<1280xf32, #tpu.memory_space<hbm>>) dst(%arg13 : memref<1280xf32, #tpu.memory_space<vmem>>)
      tpu.yield
    }) : () -> ()
    %scan3A_38 = arith.constant 0 : i32
    %scan3A_39 = arith.constant 0 : i32
    %scan3A_40 = arith.constant 80 : i32
    %scan3A_41 = arith.addi %scan3A_39, %scan3A_40 : i32
    %scan3A_42 = arith.constant 1 : i32
    scf.for %scan3A_113 = %scan3A_39 to %scan3A_41 step %scan3A_42  : i32 {
      %mul3A_114 = arith.constant 16 : i32
      %mul3A_115 = arith.muli %scan3A_113, %mul3A_114 : i32
      %add3A_116 = arith.constant 6400 : i32
      %add3A_117 = arith.addi %add3A_116, %mul3A_115 : i32
      %get3A = arith.index_cast %add3A_117 : i32 to index
      %get3A_118 = tpu.vector_load %arg12[%get3A] {strides = array<i32>} : memref<10240xf32, #tpu.memory_space<vmem>>, vector<16xf32>,
      %mul3A_119 = arith.constant 16 : i32
      %mul3A_120 = arith.muli %scan3A_113, %mul3A_119 : i32
      %get3A_121 = arith.index_cast %mul3A_120 : i32 to index
      %get3A_122 = tpu.vector_load %arg13[%get3A_121] {strides = array<i32>} : memref<1280xf32, #tpu.memory_space<vmem>>, vector<16xf32>,
      %add3A_123 = arith.addf %get3A_118, %get3A_122 : vector<16xf32>
      %swap3A = arith.index_cast %add3A_117 : i32 to index
      %swap3A_124 = tpu.vector_load %arg12[%swap3A] {strides = array<i32>} : memref<10240xf32, #tpu.memory_space<vmem>>, vector<16xf32>,
      tpu.vector_store %arg12[%swap3A], %add3A_123 {strides = array<i32>} : memref<10240xf32, #tpu.memory_space<vmem>>, vector<16xf32>,
    }
    %scan3A_43 = arith.constant 80 : i32
    %run_scoped3A_44 = arith.constant 1 : i32
    "tpu.region"() ({
      %run_scoped3A_113 = tpu.sem_alloc : memref<!tpu.dma_semaphore, #tpu.memory_space<semaphore_mem>>
      %dma_start3A = arith.constant 7680 : i32
      %dma_start3A_114 = tpu.memref_slice %arg8[%run_scoped3A_44, %dma_start3A] : memref<2x10240xf32, #tpu.memory_space<hbm>> -> memref<1x1280xf32, #tpu.memory_space<hbm>>
      %dma_start3A_115 = tpu.memref_squeeze %dma_start3A_114 : memref<1x1280xf32, #tpu.memory_space<hbm>> -> memref<1280xf32, #tpu.memory_space<hbm>>
      %dma_start3A_116 = arith.constant 7680 : i32
      %dma_start3A_117 = tpu.memref_slice %arg8[%run_scoped3A_44, %dma_start3A_116] : memref<2x10240xf32, #tpu.memory_space<hbm>> -> memref<1x1280xf32, #tpu.memory_space<hbm>>
      %dma_start3A_118 = tpu.memref_squeeze %dma_start3A_117 : memref<1x1280xf32, #tpu.memory_space<hbm>> -> memref<1280xf32, #tpu.memory_space<hbm>>
      tpu.enqueue_dma source(%dma_start3A_118 : memref<1280xf32, #tpu.memory_space<hbm>>) target(%arg13 : memref<1280xf32, #tpu.memory_space<vmem>>) target_semaphore(%run_scoped3A_113 : memref<!tpu.dma_semaphore, #tpu.memory_space<semaphore_mem>>)
      %dma_wait3A = arith.constant 7680 : i32
      %dma_wait3A_119 = tpu.memref_slice %arg8[%run_scoped3A_44, %dma_wait3A] : memref<2x10240xf32, #tpu.memory_space<hbm>> -> memref<1x1280xf32, #tpu.memory_space<hbm>>
      %dma_wait3A_120 = tpu.memref_squeeze %dma_wait3A_119 : memref<1x1280xf32, #tpu.memory_space<hbm>> -> memref<1280xf32, #tpu.memory_space<hbm>>
      %dma_wait3A_121 = arith.constant 7680 : i32
      %dma_wait3A_122 = tpu.memref_slice %arg8[%run_scoped3A_44, %dma_wait3A_121] : memref<2x10240xf32, #tpu.memory_space<hbm>> -> memref<1x1280xf32, #tpu.memory_space<hbm>>
      %dma_wait3A_123 = tpu.memref_squeeze %dma_wait3A_122 : memref<1x1280xf32, #tpu.memory_space<hbm>> -> memref<1280xf32, #tpu.memory_space<hbm>>
      tpu.wait_dma2 semaphore(%run_scoped3A_113 : memref<!tpu.dma_semaphore, #tpu.memory_space<semaphore_mem>>) src(%dma_wait3A_123 : memref<1280xf32, #tpu.memory_space<hbm>>) dst(%arg13 : memref<1280xf32, #tpu.memory_space<vmem>>)
      tpu.yield
    }) : () -> ()
    %scan3A_45 = arith.constant 0 : i32
    %scan3A_46 = arith.constant 0 : i32
    %scan3A_47 = arith.constant 80 : i32
    %scan3A_48 = arith.addi %scan3A_46, %scan3A_47 : i32
    %scan3A_49 = arith.constant 1 : i32
    scf.for %scan3A_113 = %scan3A_46 to %scan3A_48 step %scan3A_49  : i32 {
      %mul3A_114 = arith.constant 16 : i32
      %mul3A_115 = arith.muli %scan3A_113, %mul3A_114 : i32
      %add3A_116 = arith.constant 7680 : i32
      %add3A_117 = arith.addi %add3A_116, %mul3A_115 : i32
      %get3A = arith.index_cast %add3A_117 : i32 to index
      %get3A_118 = tpu.vector_load %arg12[%get3A] {strides = array<i32>} : memref<10240xf32, #tpu.memory_space<vmem>>, vector<16xf32>,
      %mul3A_119 = arith.constant 16 : i32
      %mul3A_120 = arith.muli %scan3A_113, %mul3A_119 : i32
      %get3A_121 = arith.index_cast %mul3A_120 : i32 to index
      %get3A_122 = tpu.vector_load %arg13[%get3A_121] {strides = array<i32>} : memref<1280xf32, #tpu.memory_space<vmem>>, vector<16xf32>,
      %add3A_123 = arith.addf %get3A_118, %get3A_122 : vector<16xf32>
      %swap3A = arith.index_cast %add3A_117 : i32 to index
      %swap3A_124 = tpu.vector_load %arg12[%swap3A] {strides = array<i32>} : memref<10240xf32, #tpu.memory_space<vmem>>, vector<16xf32>,
      tpu.vector_store %arg12[%swap3A], %add3A_123 {strides = array<i32>} : memref<10240xf32, #tpu.memory_space<vmem>>, vector<16xf32>,
    }
    %scan3A_50 = arith.constant 80 : i32
    %run_scoped3A_51 = arith.constant 1 : i32
    "tpu.region"() ({
      %run_scoped3A_113 = tpu.sem_alloc : memref<!tpu.dma_semaphore, #tpu.memory_space<semaphore_mem>>
      %dma_start3A = arith.constant 8960 : i32
      %dma_start3A_114 = tpu.memref_slice %arg8[%run_scoped3A_51, %dma_start3A] : memref<2x10240xf32, #tpu.memory_space<hbm>> -> memref<1x1280xf32, #tpu.memory_space<hbm>>
      %dma_start3A_115 = tpu.memref_squeeze %dma_start3A_114 : memref<1x1280xf32, #tpu.memory_space<hbm>> -> memref<1280xf32, #tpu.memory_space<hbm>>
      %dma_start3A_116 = arith.constant 8960 : i32
      %dma_start3A_117 = tpu.memref_slice %arg8[%run_scoped3A_51, %dma_start3A_116] : memref<2x10240xf32, #tpu.memory_space<hbm>> -> memref<1x1280xf32, #tpu.memory_space<hbm>>
      %dma_start3A_118 = tpu.memref_squeeze %dma_start3A_117 : memref<1x1280xf32, #tpu.memory_space<hbm>> -> memref<1280xf32, #tpu.memory_space<hbm>>
      tpu.enqueue_dma source(%dma_start3A_118 : memref<1280xf32, #tpu.memory_space<hbm>>) target(%arg13 : memref<1280xf32, #tpu.memory_space<vmem>>) target_semaphore(%run_scoped3A_113 : memref<!tpu.dma_semaphore, #tpu.memory_space<semaphore_mem>>)
      %dma_wait3A = arith.constant 8960 : i32
      %dma_wait3A_119 = tpu.memref_slice %arg8[%run_scoped3A_51, %dma_wait3A] : memref<2x10240xf32, #tpu.memory_space<hbm>> -> memref<1x1280xf32, #tpu.memory_space<hbm>>
      %dma_wait3A_120 = tpu.memref_squeeze %dma_wait3A_119 : memref<1x1280xf32, #tpu.memory_space<hbm>> -> memref<1280xf32, #tpu.memory_space<hbm>>
      %dma_wait3A_121 = arith.constant 8960 : i32
      %dma_wait3A_122 = tpu.memref_slice %arg8[%run_scoped3A_51, %dma_wait3A_121] : memref<2x10240xf32, #tpu.memory_space<hbm>> -> memref<1x1280xf32, #tpu.memory_space<hbm>>
      %dma_wait3A_123 = tpu.memref_squeeze %dma_wait3A_122 : memref<1x1280xf32, #tpu.memory_space<hbm>> -> memref<1280xf32, #tpu.memory_space<hbm>>
      tpu.wait_dma2 semaphore(%run_scoped3A_113 : memref<!tpu.dma_semaphore, #tpu.memory_space<semaphore_mem>>) src(%dma_wait3A_123 : memref<1280xf32, #tpu.memory_space<hbm>>) dst(%arg13 : memref<1280xf32, #tpu.memory_space<vmem>>)
      tpu.yield
    }) : () -> ()
    %scan3A_52 = arith.constant 0 : i32
    %scan3A_53 = arith.constant 0 : i32
    %scan3A_54 = arith.constant 80 : i32
    %scan3A_55 = arith.addi %scan3A_53, %scan3A_54 : i32
    %scan3A_56 = arith.constant 1 : i32
    scf.for %scan3A_113 = %scan3A_53 to %scan3A_55 step %scan3A_56  : i32 {
      %mul3A_114 = arith.constant 16 : i32
      %mul3A_115 = arith.muli %scan3A_113, %mul3A_114 : i32
      %add3A_116 = arith.constant 8960 : i32
      %add3A_117 = arith.addi %add3A_116, %mul3A_115 : i32
      %get3A = arith.index_cast %add3A_117 : i32 to index
      %get3A_118 = tpu.vector_load %arg12[%get3A] {strides = array<i32>} : memref<10240xf32, #tpu.memory_space<vmem>>, vector<16xf32>,
      %mul3A_119 = arith.constant 16 : i32
      %mul3A_120 = arith.muli %scan3A_113, %mul3A_119 : i32
      %get3A_121 = arith.index_cast %mul3A_120 : i32 to index
      %get3A_122 = tpu.vector_load %arg13[%get3A_121] {strides = array<i32>} : memref<1280xf32, #tpu.memory_space<vmem>>, vector<16xf32>,
      %add3A_123 = arith.addf %get3A_118, %get3A_122 : vector<16xf32>
      %swap3A = arith.index_cast %add3A_117 : i32 to index
      %swap3A_124 = tpu.vector_load %arg12[%swap3A] {strides = array<i32>} : memref<10240xf32, #tpu.memory_space<vmem>>, vector<16xf32>,
      tpu.vector_store %arg12[%swap3A], %add3A_123 {strides = array<i32>} : memref<10240xf32, #tpu.memory_space<vmem>>, vector<16xf32>,
    }
    %scan3A_57 = arith.constant 80 : i32
    %scan3A_58 = arith.constant 0 : i32
    %scan3A_59 = arith.constant 0 : i32
    %scan3A_60 = arith.constant 320 : i32
    %scan3A_61 = arith.addi %scan3A_59, %scan3A_60 : i32
    %scan3A_62 = arith.constant 1 : i32
    scf.for %scan3A_113 = %scan3A_59 to %scan3A_61 step %scan3A_62  : i32 {
      %mul3A_114 = arith.constant 16 : i32
      %mul3A_115 = arith.muli %scan3A_113, %mul3A_114 : i32
      %get3A = arith.index_cast %mul3A_115 : i32 to index
      %get3A_116 = tpu.vector_load %arg10[%get3A] {strides = array<i32>} : memref<5120xi32, #tpu.memory_space<vmem>>, vector<16xi32>,
      %gather3A = tpu.vector_load_idx %arg12[%get3A_116] : memref<10240xf32, #tpu.memory_space<vmem>>[vector<16xi32>], vector<16xf32>,
      %get3A_117 = arith.index_cast %mul3A_115 : i32 to index
      %get3A_118 = tpu.vector_load %arg11[%get3A_117] {strides = array<i32>} : memref<5120xf32, #tpu.memory_space<vmem>>, vector<16xf32>,
      %add3A_119 = arith.constant 1.000000e-16 : f32
      %add3A_120 = vector.broadcast %add3A_119 : f32 to vector<16xf32>
      %add3A_121 = arith.addf %gather3A, %add3A_120 : vector<16xf32>
      %div3A_122 = arith.divf %get3A_118, %add3A_121 : vector<16xf32>
      %swap3A = arith.index_cast %mul3A_115 : i32 to index
      %swap3A_123 = tpu.vector_load %arg11[%swap3A] {strides = array<i32>} : memref<5120xf32, #tpu.memory_space<vmem>>, vector<16xf32>,
      tpu.vector_store %arg11[%swap3A], %div3A_122 {strides = array<i32>} : memref<5120xf32, #tpu.memory_space<vmem>>, vector<16xf32>,
    }
    %scan3A_63 = arith.constant 320 : i32
    %scan3A_64 = arith.constant 0 : i32
    %scan3A_65 = arith.constant 0 : i32
    %scan3A_66 = arith.constant 40 : i32
    %scan3A_67 = arith.addi %scan3A_65, %scan3A_66 : i32
    %scan3A_68 = arith.constant 1 : i32
    scf.for %scan3A_113 = %scan3A_65 to %scan3A_67 step %scan3A_68  : i32 {
      %broadcast_in_dim3A = arith.constant 0.000000e+00 : f32
      %broadcast_in_dim3A_114 = vector.broadcast %broadcast_in_dim3A : f32 to vector<16xf32>
      %swap3A = arith.index_cast %scan3A_113 : i32 to index
      %swap3A_115 = arith.constant 0 : index
      %swap3A_116 = tpu.vector_load %arg16[%swap3A, %swap3A_115] {strides = array<i32>} : memref<40x128xf32, #tpu.memory_space<vmem>>, vector<16xf32>,
      tpu.vector_store %arg16[%swap3A, %swap3A_115], %broadcast_in_dim3A_114 {strides = array<i32>} : memref<40x128xf32, #tpu.memory_space<vmem>>, vector<16xf32>,
      %broadcast_in_dim3A_117 = arith.constant 0.000000e+00 : f32
      %broadcast_in_dim3A_118 = vector.broadcast %broadcast_in_dim3A_117 : f32 to vector<16xf32>
      %swap3A_119 = arith.index_cast %scan3A_113 : i32 to index
      %swap3A_120 = arith.constant 16 : index
      %swap3A_121 = tpu.vector_load %arg16[%swap3A_119, %swap3A_120] {strides = array<i32>} : memref<40x128xf32, #tpu.memory_space<vmem>>, vector<16xf32>,
      tpu.vector_store %arg16[%swap3A_119, %swap3A_120], %broadcast_in_dim3A_118 {strides = array<i32>} : memref<40x128xf32, #tpu.memory_space<vmem>>, vector<16xf32>,
      %broadcast_in_dim3A_122 = arith.constant 0.000000e+00 : f32
      %broadcast_in_dim3A_123 = vector.broadcast %broadcast_in_dim3A_122 : f32 to vector<16xf32>
      %swap3A_124 = arith.index_cast %scan3A_113 : i32 to index
      %swap3A_125 = arith.constant 32 : index
      %swap3A_126 = tpu.vector_load %arg16[%swap3A_124, %swap3A_125] {strides = array<i32>} : memref<40x128xf32, #tpu.memory_space<vmem>>, vector<16xf32>,
      tpu.vector_store %arg16[%swap3A_124, %swap3A_125], %broadcast_in_dim3A_123 {strides = array<i32>} : memref<40x128xf32, #tpu.memory_space<vmem>>, vector<16xf32>,
      %broadcast_in_dim3A_127 = arith.constant 0.000000e+00 : f32
      %broadcast_in_dim3A_128 = vector.broadcast %broadcast_in_dim3A_127 : f32 to vector<16xf32>
      %swap3A_129 = arith.index_cast %scan3A_113 : i32 to index
      %swap3A_130 = arith.constant 48 : index
      %swap3A_131 = tpu.vector_load %arg16[%swap3A_129, %swap3A_130] {strides = array<i32>} : memref<40x128xf32, #tpu.memory_space<vmem>>, vector<16xf32>,
      tpu.vector_store %arg16[%swap3A_129, %swap3A_130], %broadcast_in_dim3A_128 {strides = array<i32>} : memref<40x128xf32, #tpu.memory_space<vmem>>, vector<16xf32>,
      %broadcast_in_dim3A_132 = arith.constant 0.000000e+00 : f32
      %broadcast_in_dim3A_133 = vector.broadcast %broadcast_in_dim3A_132 : f32 to vector<16xf32>
      %swap3A_134 = arith.index_cast %scan3A_113 : i32 to index
      %swap3A_135 = arith.constant 64 : index
      %swap3A_136 = tpu.vector_load %arg16[%swap3A_134, %swap3A_135] {strides = array<i32>} : memref<40x128xf32, #tpu.memory_space<vmem>>, vector<16xf32>,
      tpu.vector_store %arg16[%swap3A_134, %swap3A_135], %broadcast_in_dim3A_133 {strides = array<i32>} : memref<40x128xf32, #tpu.memory_space<vmem>>, vector<16xf32>,
      %broadcast_in_dim3A_137 = arith.constant 0.000000e+00 : f32
      %broadcast_in_dim3A_138 = vector.broadcast %broadcast_in_dim3A_137 : f32 to vector<16xf32>
      %swap3A_139 = arith.index_cast %scan3A_113 : i32 to index
      %swap3A_140 = arith.constant 80 : index
      %swap3A_141 = tpu.vector_load %arg16[%swap3A_139, %swap3A_140] {strides = array<i32>} : memref<40x128xf32, #tpu.memory_space<vmem>>, vector<16xf32>,
      tpu.vector_store %arg16[%swap3A_139, %swap3A_140], %broadcast_in_dim3A_138 {strides = array<i32>} : memref<40x128xf32, #tpu.memory_space<vmem>>, vector<16xf32>,
      %broadcast_in_dim3A_142 = arith.constant 0.000000e+00 : f32
      %broadcast_in_dim3A_143 = vector.broadcast %broadcast_in_dim3A_142 : f32 to vector<16xf32>
      %swap3A_144 = arith.index_cast %scan3A_113 : i32 to index
      %swap3A_145 = arith.constant 96 : index
      %swap3A_146 = tpu.vector_load %arg16[%swap3A_144, %swap3A_145] {strides = array<i32>} : memref<40x128xf32, #tpu.memory_space<vmem>>, vector<16xf32>,
      tpu.vector_store %arg16[%swap3A_144, %swap3A_145], %broadcast_in_dim3A_143 {strides = array<i32>} : memref<40x128xf32, #tpu.memory_space<vmem>>, vector<16xf32>,
      %broadcast_in_dim3A_147 = arith.constant 0.000000e+00 : f32
      %broadcast_in_dim3A_148 = vector.broadcast %broadcast_in_dim3A_147 : f32 to vector<16xf32>
      %swap3A_149 = arith.index_cast %scan3A_113 : i32 to index
      %swap3A_150 = arith.constant 112 : index
      %swap3A_151 = tpu.vector_load %arg16[%swap3A_149, %swap3A_150] {strides = array<i32>} : memref<40x128xf32, #tpu.memory_space<vmem>>, vector<16xf32>,
      tpu.vector_store %arg16[%swap3A_149, %swap3A_150], %broadcast_in_dim3A_148 {strides = array<i32>} : memref<40x128xf32, #tpu.memory_space<vmem>>, vector<16xf32>,
    }
    %scan3A_69 = arith.constant 40 : i32
    %lt3A = arith.constant 15 : i32
    %lt3A_70 = arith.cmpi slt, %arg1, %lt3A : i32
    %jit3A = arith.constant 640 : i32
    %jit3A_71 = arith.constant 400 : i32
    %select_n3A = arith.select %lt3A_70, %jit3A, %jit3A_71 : i32
    %jit3A_72 = arith.constant 40 : i32
    %div3A = arith.divsi %select_n3A, %jit3A_72 : i32
    %sign3A = arith.constant 0 : i32
    %sign3A_73 = arith.cmpi sgt, %select_n3A, %sign3A : i32
    %sign3A_74 = arith.extui %sign3A_73 : i1 to i32
    %sign3A_75 = arith.constant 0 : i32
    %sign3A_76 = arith.cmpi slt, %select_n3A, %sign3A_75 : i32
    %sign3A_77 = arith.extui %sign3A_76 : i1 to i32
    %sign3A_78 = arith.subi %sign3A_74, %sign3A_77 : i32
    %sign3A_79 = arith.constant 0 : i32
    %sign3A_80 = arith.cmpi sgt, %jit3A_72, %sign3A_79 : i32
    %sign3A_81 = arith.extui %sign3A_80 : i1 to i32
    %sign3A_82 = arith.constant 0 : i32
    %sign3A_83 = arith.cmpi slt, %jit3A_72, %sign3A_82 : i32
    %sign3A_84 = arith.extui %sign3A_83 : i1 to i32
    %sign3A_85 = arith.subi %sign3A_81, %sign3A_84 : i32
    %ne3A = arith.cmpi ne, %sign3A_78, %sign3A_85 : i32
    %rem3A = arith.remsi %select_n3A, %jit3A_72 : i32
    %ne3A_86 = arith.constant 0 : i32
    %ne3A_87 = arith.cmpi ne, %rem3A, %ne3A_86 : i32
    %and3A = arith.andi %ne3A, %ne3A_87 : i1
    %sub3A = arith.constant 1 : i32
    %sub3A_88 = arith.subi %div3A, %sub3A : i32
    %select_n3A_89 = arith.select %and3A, %sub3A_88, %div3A : i32
    %while3A = arith.constant 0 : i32
    %while3A_90 = arith.constant 0 : i32
    %while3A_91 = arith.subi %select_n3A_89, %while3A_90 : i32
    %while3A_92 = arith.addi %while3A_90, %while3A_91 : i32
    %while3A_93 = arith.constant 1 : i32
    %while3A_94 = arith.divsi %while3A_91, %while3A_93 : i32
    %while3A_95 = arith.muli %while3A_94, %while3A_93 : i32
    %while3A_96 = arith.addi %while3A_90, %while3A_95 : i32
    %while3A_97 = arith.constant 1 : i32
    scf.for %while3A_113 = %while3A_90 to %while3A_96 step %while3A_97  : i32 {
      %mul3A_114 = arith.constant 640 : i32
      %mul3A_115 = arith.muli %arg1, %mul3A_114 : i32
      %mul3A_116 = arith.constant 40 : i32
      %mul3A_117 = arith.muli %while3A_113, %mul3A_116 : i32
      %add3A_118 = arith.addi %mul3A_115, %mul3A_117 : i32
      "tpu.region"() ({
        %run_scoped3A_119 = tpu.sem_alloc : memref<!tpu.dma_semaphore, #tpu.memory_space<semaphore_mem>>
        %dma_start3A = arith.constant 0 : i32
        %dma_start3A_120 = tpu.memref_slice %arg20[%add3A_118, %dma_start3A] : memref<10000x128xf32, #tpu.memory_space<vmem_shared>> -> memref<40x128xf32, #tpu.memory_space<vmem_shared>>
        %dma_start3A_121 = arith.constant 0 : i32
        %dma_start3A_122 = tpu.memref_slice %arg20[%add3A_118, %dma_start3A_121] : memref<10000x128xf32, #tpu.memory_space<vmem_shared>> -> memref<40x128xf32, #tpu.memory_space<vmem_shared>>
        tpu.enqueue_dma source(%arg16 : memref<40x128xf32, #tpu.memory_space<vmem>>) target(%dma_start3A_122 : memref<40x128xf32, #tpu.memory_space<vmem_shared>>) target_semaphore(%run_scoped3A_119 : memref<!tpu.dma_semaphore, #tpu.memory_space<semaphore_mem>>)
        %dma_wait3A = arith.constant 0 : i32
        %dma_wait3A_123 = tpu.memref_slice %arg20[%add3A_118, %dma_wait3A] : memref<10000x128xf32, #tpu.memory_space<vmem_shared>> -> memref<40x128xf32, #tpu.memory_space<vmem_shared>>
        %dma_wait3A_124 = arith.constant 0 : i32
        %dma_wait3A_125 = tpu.memref_slice %arg20[%add3A_118, %dma_wait3A_124] : memref<10000x128xf32, #tpu.memory_space<vmem_shared>> -> memref<40x128xf32, #tpu.memory_space<vmem_shared>>
        tpu.wait_dma2 semaphore(%run_scoped3A_119 : memref<!tpu.dma_semaphore, #tpu.memory_space<semaphore_mem>>) src(%arg16 : memref<40x128xf32, #tpu.memory_space<vmem>>) dst(%dma_wait3A_125 : memref<40x128xf32, #tpu.memory_space<vmem_shared>>)
        tpu.yield
      }) : () -> ()
    }
    %while3A_98 = arith.constant 1 : i32
    scf.for %while3A_113 = %while3A_96 to %while3A_92 step %while3A_98  : i32 {
      %mul3A_114 = arith.constant 640 : i32
      %mul3A_115 = arith.muli %arg1, %mul3A_114 : i32
      %mul3A_116 = arith.constant 40 : i32
      %mul3A_117 = arith.muli %while3A_113, %mul3A_116 : i32
      %add3A_118 = arith.addi %mul3A_115, %mul3A_117 : i32
      "tpu.region"() ({
        %run_scoped3A_119 = tpu.sem_alloc : memref<!tpu.dma_semaphore, #tpu.memory_space<semaphore_mem>>
        %dma_start3A = arith.constant 0 : i32
        %dma_start3A_120 = tpu.memref_slice %arg20[%add3A_118, %dma_start3A] : memref<10000x128xf32, #tpu.memory_space<vmem_shared>> -> memref<40x128xf32, #tpu.memory_space<vmem_shared>>
        %dma_start3A_121 = arith.constant 0 : i32
        %dma_start3A_122 = tpu.memref_slice %arg20[%add3A_118, %dma_start3A_121] : memref<10000x128xf32, #tpu.memory_space<vmem_shared>> -> memref<40x128xf32, #tpu.memory_space<vmem_shared>>
        tpu.enqueue_dma source(%arg16 : memref<40x128xf32, #tpu.memory_space<vmem>>) target(%dma_start3A_122 : memref<40x128xf32, #tpu.memory_space<vmem_shared>>) target_semaphore(%run_scoped3A_119 : memref<!tpu.dma_semaphore, #tpu.memory_space<semaphore_mem>>)
        %dma_wait3A = arith.constant 0 : i32
        %dma_wait3A_123 = tpu.memref_slice %arg20[%add3A_118, %dma_wait3A] : memref<10000x128xf32, #tpu.memory_space<vmem_shared>> -> memref<40x128xf32, #tpu.memory_space<vmem_shared>>
        %dma_wait3A_124 = arith.constant 0 : i32
        %dma_wait3A_125 = tpu.memref_slice %arg20[%add3A_118, %dma_wait3A_124] : memref<10000x128xf32, #tpu.memory_space<vmem_shared>> -> memref<40x128xf32, #tpu.memory_space<vmem_shared>>
        tpu.wait_dma2 semaphore(%run_scoped3A_119 : memref<!tpu.dma_semaphore, #tpu.memory_space<semaphore_mem>>) src(%arg16 : memref<40x128xf32, #tpu.memory_space<vmem>>) dst(%dma_wait3A_125 : memref<40x128xf32, #tpu.memory_space<vmem_shared>>)
        tpu.yield
      }) : () -> ()
    }
    %barrier3A = arith.constant 0 : index
    tpu.barrier barrier_id(%barrier3A)
    %iota3A = tpu.iota {dimensions = array<i32: 0>} : vector<16xi32>
    %scan3A_99 = arith.constant 0 : i32
    %scan3A_100 = arith.constant 0 : i32
    %scan3A_101 = arith.constant 40 : i32
    %scan3A_102 = arith.addi %scan3A_100, %scan3A_101 : i32
    %scan3A_103 = arith.constant 1 : i32
    scf.for %scan3A_113 = %scan3A_100 to %scan3A_102 step %scan3A_103  : i32 {
      %mul3A_114 = arith.constant 128 : i32
      %mul3A_115 = arith.muli %scan3A_113, %mul3A_114 : i32
      %add3A_116 = arith.addi %mul3A_2, %mul3A_115 : i32
      "tpu.region"() ({
        %run_scoped3A_133 = tpu.sem_alloc : memref<!tpu.dma_semaphore, #tpu.memory_space<semaphore_mem>>
        %dma_start3A_134 = tpu.memref_slice %arg4[%add3A_116] : memref<163840xi32, #tpu.memory_space<hbm>> -> memref<128xi32, #tpu.memory_space<hbm>>
        %dma_start3A_135 = tpu.memref_slice %arg4[%add3A_116] : memref<163840xi32, #tpu.memory_space<hbm>> -> memref<128xi32, #tpu.memory_space<hbm>>
        tpu.enqueue_dma source(%dma_start3A_135 : memref<128xi32, #tpu.memory_space<hbm>>) target(%arg17 : memref<128xi32, #tpu.memory_space<vmem>>) target_semaphore(%run_scoped3A_133 : memref<!tpu.dma_semaphore, #tpu.memory_space<semaphore_mem>>)
        %dma_wait3A_136 = tpu.memref_slice %arg4[%add3A_116] : memref<163840xi32, #tpu.memory_space<hbm>> -> memref<128xi32, #tpu.memory_space<hbm>>
        %dma_wait3A_137 = tpu.memref_slice %arg4[%add3A_116] : memref<163840xi32, #tpu.memory_space<hbm>> -> memref<128xi32, #tpu.memory_space<hbm>>
        tpu.wait_dma2 semaphore(%run_scoped3A_133 : memref<!tpu.dma_semaphore, #tpu.memory_space<semaphore_mem>>) src(%dma_wait3A_137 : memref<128xi32, #tpu.memory_space<hbm>>) dst(%arg17 : memref<128xi32, #tpu.memory_space<vmem>>)
        tpu.yield
      }) : () -> ()
      %mul3A_117 = arith.constant 128 : i32
      %mul3A_118 = arith.muli %scan3A_113, %mul3A_117 : i32
      %add3A_119 = arith.addi %mul3A_2, %mul3A_118 : i32
      "tpu.region"() ({
        %run_scoped3A_133 = tpu.sem_alloc : memref<!tpu.dma_semaphore, #tpu.memory_space<semaphore_mem>>
        %dma_start3A_134 = tpu.memref_slice %arg5[%add3A_119] : memref<163840xi32, #tpu.memory_space<hbm>> -> memref<128xi32, #tpu.memory_space<hbm>>
        %dma_start3A_135 = tpu.memref_slice %arg5[%add3A_119] : memref<163840xi32, #tpu.memory_space<hbm>> -> memref<128xi32, #tpu.memory_space<hbm>>
        tpu.enqueue_dma source(%dma_start3A_135 : memref<128xi32, #tpu.memory_space<hbm>>) target(%arg18 : memref<128xi32, #tpu.memory_space<vmem>>) target_semaphore(%run_scoped3A_133 : memref<!tpu.dma_semaphore, #tpu.memory_space<semaphore_mem>>)
        %dma_wait3A_136 = tpu.memref_slice %arg5[%add3A_119] : memref<163840xi32, #tpu.memory_space<hbm>> -> memref<128xi32, #tpu.memory_space<hbm>>
        %dma_wait3A_137 = tpu.memref_slice %arg5[%add3A_119] : memref<163840xi32, #tpu.memory_space<hbm>> -> memref<128xi32, #tpu.memory_space<hbm>>
        tpu.wait_dma2 semaphore(%run_scoped3A_133 : memref<!tpu.dma_semaphore, #tpu.memory_space<semaphore_mem>>) src(%dma_wait3A_137 : memref<128xi32, #tpu.memory_space<hbm>>) dst(%arg18 : memref<128xi32, #tpu.memory_space<vmem>>)
        tpu.yield
      }) : () -> ()
      %mul3A_120 = arith.constant 128 : i32
      %mul3A_121 = arith.muli %scan3A_113, %mul3A_120 : i32
      %add3A_122 = arith.addi %mul3A_2, %mul3A_121 : i32
      "tpu.region"() ({
        %run_scoped3A_133 = tpu.sem_alloc : memref<!tpu.dma_semaphore, #tpu.memory_space<semaphore_mem>>
        %dma_start3A_134 = tpu.memref_slice %arg6[%add3A_122] : memref<163840xi32, #tpu.memory_space<hbm>> -> memref<128xi32, #tpu.memory_space<hbm>>
        %dma_start3A_135 = tpu.memref_slice %arg6[%add3A_122] : memref<163840xi32, #tpu.memory_space<hbm>> -> memref<128xi32, #tpu.memory_space<hbm>>
        tpu.enqueue_dma source(%dma_start3A_135 : memref<128xi32, #tpu.memory_space<hbm>>) target(%arg19 : memref<128xi32, #tpu.memory_space<vmem>>) target_semaphore(%run_scoped3A_133 : memref<!tpu.dma_semaphore, #tpu.memory_space<semaphore_mem>>)
        %dma_wait3A_136 = tpu.memref_slice %arg6[%add3A_122] : memref<163840xi32, #tpu.memory_space<hbm>> -> memref<128xi32, #tpu.memory_space<hbm>>
        %dma_wait3A_137 = tpu.memref_slice %arg6[%add3A_122] : memref<163840xi32, #tpu.memory_space<hbm>> -> memref<128xi32, #tpu.memory_space<hbm>>
        tpu.wait_dma2 semaphore(%run_scoped3A_133 : memref<!tpu.dma_semaphore, #tpu.memory_space<semaphore_mem>>) src(%dma_wait3A_137 : memref<128xi32, #tpu.memory_space<hbm>>) dst(%arg19 : memref<128xi32, #tpu.memory_space<vmem>>)
        tpu.yield
      }) : () -> ()
      %dma_start3A = arith.constant 0 : i32
      %dma_start3A_123 = arith.constant 0 : i32
      %dma_start3A_124 = tpu.memref_slice %arg2[%dma_start3A, %dma_start3A_123] : memref<10000x128xf32, #tpu.memory_space<hbm>> -> memref<10000x128xf32, #tpu.memory_space<hbm>>
      tpu.enqueue_indirect_dma source(%dma_start3A_124 : memref<10000x128xf32, #tpu.memory_space<hbm>>) target(%arg15 : memref<128x128xf32, #tpu.memory_space<vmem>>) offsets(%arg17 : memref<128xi32, #tpu.memory_space<vmem>>) semaphore(%arg21 : memref<!tpu.dma_semaphore, #tpu.memory_space<semaphore_mem>>)
      %dma_wait3A = arith.constant 0 : i32
      %dma_wait3A_125 = arith.constant 0 : i32
      %dma_wait3A_126 = tpu.memref_slice %arg2[%dma_wait3A, %dma_wait3A_125] : memref<10000x128xf32, #tpu.memory_space<hbm>> -> memref<10000x128xf32, #tpu.memory_space<hbm>>
      tpu.wait_indirect_dma semaphore(%arg21 : memref<!tpu.dma_semaphore, #tpu.memory_space<semaphore_mem>>) src(%dma_wait3A_126 : memref<10000x128xf32, #tpu.memory_space<hbm>>) dst(%arg15 : memref<128x128xf32, #tpu.memory_space<vmem>>)
      %scan3A_127 = arith.constant 0 : i32
      %scan3A_128 = arith.constant 0 : i32
      %scan3A_129 = arith.constant 128 : i32
      %scan3A_130 = arith.addi %scan3A_128, %scan3A_129 : i32
      %scan3A_131 = arith.constant 1 : i32
      scf.for %scan3A_133 = %scan3A_128 to %scan3A_130 step %scan3A_131  : i32 {
        %mul3A_134 = arith.constant 128 : i32
        %mul3A_135 = arith.muli %scan3A_113, %mul3A_134 : i32
        %add3A_136 = arith.addi %mul3A_135, %scan3A_133 : i32
        %broadcast_in_dim3A = vector.broadcast %add3A_136 : i32 to vector<16xi32>
        %gather3A = tpu.vector_load_idx %arg11[%broadcast_in_dim3A] : memref<5120xf32, #tpu.memory_space<vmem>>[vector<16xi32>], vector<16xf32>,
        %broadcast_in_dim3A_137 = vector.broadcast %scan3A_133 : i32 to vector<16xi32>
        %gather3A_138 = tpu.vector_load_idx %arg19[%broadcast_in_dim3A_137] : memref<128xi32, #tpu.memory_space<vmem>>[vector<16xi32>], vector<16xi32>,
        %mul3A_139 = arith.constant 128 : i32
        %mul3A_140 = vector.broadcast %mul3A_139 : i32 to vector<16xi32>
        %mul3A_141 = arith.muli %gather3A_138, %mul3A_140 : vector<16xi32>
        %add3A_142 = arith.addi %mul3A_141, %iota3A : vector<16xi32>
        %add3A_143 = arith.constant 0 : i32
        %add3A_144 = vector.broadcast %add3A_143 : i32 to vector<16xi32>
        %add3A_145 = arith.addi %add3A_142, %add3A_144 : vector<16xi32>
        %gather3A_146 = tpu.vector_load_idx %arg14[%add3A_145] : memref<2048xf32, #tpu.memory_space<vmem>>[vector<16xi32>], vector<16xf32>,
        %get3A = arith.index_cast %scan3A_133 : i32 to index
        %get3A_147 = arith.constant 0 : index
        %get3A_148 = tpu.vector_load %arg15[%get3A, %get3A_147] {strides = array<i32>} : memref<128x128xf32, #tpu.memory_space<vmem>>, vector<16xf32>,
        %add3A_149 = arith.addf %get3A_148, %gather3A_146 : vector<16xf32>
        %mul3A_150 = arith.mulf %add3A_149, %gather3A : vector<16xf32>
        %swap3A = arith.index_cast %scan3A_133 : i32 to index
        %swap3A_151 = arith.constant 0 : index
        %swap3A_152 = tpu.vector_load %arg15[%swap3A, %swap3A_151] {strides = array<i32>} : memref<128x128xf32, #tpu.memory_space<vmem>>, vector<16xf32>,
        tpu.vector_store %arg15[%swap3A, %swap3A_151], %mul3A_150 {strides = array<i32>} : memref<128x128xf32, #tpu.memory_space<vmem>>, vector<16xf32>,
        %add3A_153 = arith.constant 16 : i32
        %add3A_154 = vector.broadcast %add3A_153 : i32 to vector<16xi32>
        %add3A_155 = arith.addi %add3A_142, %add3A_154 : vector<16xi32>
        %gather3A_156 = tpu.vector_load_idx %arg14[%add3A_155] : memref<2048xf32, #tpu.memory_space<vmem>>[vector<16xi32>], vector<16xf32>,
        %get3A_157 = arith.index_cast %scan3A_133 : i32 to index
        %get3A_158 = arith.constant 16 : index
        %get3A_159 = tpu.vector_load %arg15[%get3A_157, %get3A_158] {strides = array<i32>} : memref<128x128xf32, #tpu.memory_space<vmem>>, vector<16xf32>,
        %add3A_160 = arith.addf %get3A_159, %gather3A_156 : vector<16xf32>
        %mul3A_161 = arith.mulf %add3A_160, %gather3A : vector<16xf32>
        %swap3A_162 = arith.index_cast %scan3A_133 : i32 to index
        %swap3A_163 = arith.constant 16 : index
        %swap3A_164 = tpu.vector_load %arg15[%swap3A_162, %swap3A_163] {strides = array<i32>} : memref<128x128xf32, #tpu.memory_space<vmem>>, vector<16xf32>,
        tpu.vector_store %arg15[%swap3A_162, %swap3A_163], %mul3A_161 {strides = array<i32>} : memref<128x128xf32, #tpu.memory_space<vmem>>, vector<16xf32>,
        %add3A_165 = arith.constant 32 : i32
        %add3A_166 = vector.broadcast %add3A_165 : i32 to vector<16xi32>
        %add3A_167 = arith.addi %add3A_142, %add3A_166 : vector<16xi32>
        %gather3A_168 = tpu.vector_load_idx %arg14[%add3A_167] : memref<2048xf32, #tpu.memory_space<vmem>>[vector<16xi32>], vector<16xf32>,
        %get3A_169 = arith.index_cast %scan3A_133 : i32 to index
        %get3A_170 = arith.constant 32 : index
        %get3A_171 = tpu.vector_load %arg15[%get3A_169, %get3A_170] {strides = array<i32>} : memref<128x128xf32, #tpu.memory_space<vmem>>, vector<16xf32>,
        %add3A_172 = arith.addf %get3A_171, %gather3A_168 : vector<16xf32>
        %mul3A_173 = arith.mulf %add3A_172, %gather3A : vector<16xf32>
        %swap3A_174 = arith.index_cast %scan3A_133 : i32 to index
        %swap3A_175 = arith.constant 32 : index
        %swap3A_176 = tpu.vector_load %arg15[%swap3A_174, %swap3A_175] {strides = array<i32>} : memref<128x128xf32, #tpu.memory_space<vmem>>, vector<16xf32>,
        tpu.vector_store %arg15[%swap3A_174, %swap3A_175], %mul3A_173 {strides = array<i32>} : memref<128x128xf32, #tpu.memory_space<vmem>>, vector<16xf32>,
        %add3A_177 = arith.constant 48 : i32
        %add3A_178 = vector.broadcast %add3A_177 : i32 to vector<16xi32>
        %add3A_179 = arith.addi %add3A_142, %add3A_178 : vector<16xi32>
        %gather3A_180 = tpu.vector_load_idx %arg14[%add3A_179] : memref<2048xf32, #tpu.memory_space<vmem>>[vector<16xi32>], vector<16xf32>,
        %get3A_181 = arith.index_cast %scan3A_133 : i32 to index
        %get3A_182 = arith.constant 48 : index
        %get3A_183 = tpu.vector_load %arg15[%get3A_181, %get3A_182] {strides = array<i32>} : memref<128x128xf32, #tpu.memory_space<vmem>>, vector<16xf32>,
        %add3A_184 = arith.addf %get3A_183, %gather3A_180 : vector<16xf32>
        %mul3A_185 = arith.mulf %add3A_184, %gather3A : vector<16xf32>
        %swap3A_186 = arith.index_cast %scan3A_133 : i32 to index
        %swap3A_187 = arith.constant 48 : index
        %swap3A_188 = tpu.vector_load %arg15[%swap3A_186, %swap3A_187] {strides = array<i32>} : memref<128x128xf32, #tpu.memory_space<vmem>>, vector<16xf32>,
        tpu.vector_store %arg15[%swap3A_186, %swap3A_187], %mul3A_185 {strides = array<i32>} : memref<128x128xf32, #tpu.memory_space<vmem>>, vector<16xf32>,
        %add3A_189 = arith.constant 64 : i32
        %add3A_190 = vector.broadcast %add3A_189 : i32 to vector<16xi32>
        %add3A_191 = arith.addi %add3A_142, %add3A_190 : vector<16xi32>
        %gather3A_192 = tpu.vector_load_idx %arg14[%add3A_191] : memref<2048xf32, #tpu.memory_space<vmem>>[vector<16xi32>], vector<16xf32>,
        %get3A_193 = arith.index_cast %scan3A_133 : i32 to index
        %get3A_194 = arith.constant 64 : index
        %get3A_195 = tpu.vector_load %arg15[%get3A_193, %get3A_194] {strides = array<i32>} : memref<128x128xf32, #tpu.memory_space<vmem>>, vector<16xf32>,
        %add3A_196 = arith.addf %get3A_195, %gather3A_192 : vector<16xf32>
        %mul3A_197 = arith.mulf %add3A_196, %gather3A : vector<16xf32>
        %swap3A_198 = arith.index_cast %scan3A_133 : i32 to index
        %swap3A_199 = arith.constant 64 : index
        %swap3A_200 = tpu.vector_load %arg15[%swap3A_198, %swap3A_199] {strides = array<i32>} : memref<128x128xf32, #tpu.memory_space<vmem>>, vector<16xf32>,
        tpu.vector_store %arg15[%swap3A_198, %swap3A_199], %mul3A_197 {strides = array<i32>} : memref<128x128xf32, #tpu.memory_space<vmem>>, vector<16xf32>,
        %add3A_201 = arith.constant 80 : i32
        %add3A_202 = vector.broadcast %add3A_201 : i32 to vector<16xi32>
        %add3A_203 = arith.addi %add3A_142, %add3A_202 : vector<16xi32>
        %gather3A_204 = tpu.vector_load_idx %arg14[%add3A_203] : memref<2048xf32, #tpu.memory_space<vmem>>[vector<16xi32>], vector<16xf32>,
        %get3A_205 = arith.index_cast %scan3A_133 : i32 to index
        %get3A_206 = arith.constant 80 : index
        %get3A_207 = tpu.vector_load %arg15[%get3A_205, %get3A_206] {strides = array<i32>} : memref<128x128xf32, #tpu.memory_space<vmem>>, vector<16xf32>,
        %add3A_208 = arith.addf %get3A_207, %gather3A_204 : vector<16xf32>
        %mul3A_209 = arith.mulf %add3A_208, %gather3A : vector<16xf32>
        %swap3A_210 = arith.index_cast %scan3A_133 : i32 to index
        %swap3A_211 = arith.constant 80 : index
        %swap3A_212 = tpu.vector_load %arg15[%swap3A_210, %swap3A_211] {strides = array<i32>} : memref<128x128xf32, #tpu.memory_space<vmem>>, vector<16xf32>,
        tpu.vector_store %arg15[%swap3A_210, %swap3A_211], %mul3A_209 {strides = array<i32>} : memref<128x128xf32, #tpu.memory_space<vmem>>, vector<16xf32>,
        %add3A_213 = arith.constant 96 : i32
        %add3A_214 = vector.broadcast %add3A_213 : i32 to vector<16xi32>
        %add3A_215 = arith.addi %add3A_142, %add3A_214 : vector<16xi32>
        %gather3A_216 = tpu.vector_load_idx %arg14[%add3A_215] : memref<2048xf32, #tpu.memory_space<vmem>>[vector<16xi32>], vector<16xf32>,
        %get3A_217 = arith.index_cast %scan3A_133 : i32 to index
        %get3A_218 = arith.constant 96 : index
        %get3A_219 = tpu.vector_load %arg15[%get3A_217, %get3A_218] {strides = array<i32>} : memref<128x128xf32, #tpu.memory_space<vmem>>, vector<16xf32>,
        %add3A_220 = arith.addf %get3A_219, %gather3A_216 : vector<16xf32>
        %mul3A_221 = arith.mulf %add3A_220, %gather3A : vector<16xf32>
        %swap3A_222 = arith.index_cast %scan3A_133 : i32 to index
        %swap3A_223 = arith.constant 96 : index
        %swap3A_224 = tpu.vector_load %arg15[%swap3A_222, %swap3A_223] {strides = array<i32>} : memref<128x128xf32, #tpu.memory_space<vmem>>, vector<16xf32>,
        tpu.vector_store %arg15[%swap3A_222, %swap3A_223], %mul3A_221 {strides = array<i32>} : memref<128x128xf32, #tpu.memory_space<vmem>>, vector<16xf32>,
        %add3A_225 = arith.constant 112 : i32
        %add3A_226 = vector.broadcast %add3A_225 : i32 to vector<16xi32>
        %add3A_227 = arith.addi %add3A_142, %add3A_226 : vector<16xi32>
        %gather3A_228 = tpu.vector_load_idx %arg14[%add3A_227] : memref<2048xf32, #tpu.memory_space<vmem>>[vector<16xi32>], vector<16xf32>,
        %get3A_229 = arith.index_cast %scan3A_133 : i32 to index
        %get3A_230 = arith.constant 112 : index
        %get3A_231 = tpu.vector_load %arg15[%get3A_229, %get3A_230] {strides = array<i32>} : memref<128x128xf32, #tpu.memory_space<vmem>>, vector<16xf32>,
        %add3A_232 = arith.addf %get3A_231, %gather3A_228 : vector<16xf32>
        %mul3A_233 = arith.mulf %add3A_232, %gather3A : vector<16xf32>
        %swap3A_234 = arith.index_cast %scan3A_133 : i32 to index
        %swap3A_235 = arith.constant 112 : index
        %swap3A_236 = tpu.vector_load %arg15[%swap3A_234, %swap3A_235] {strides = array<i32>} : memref<128x128xf32, #tpu.memory_space<vmem>>, vector<16xf32>,
        tpu.vector_store %arg15[%swap3A_234, %swap3A_235], %mul3A_233 {strides = array<i32>} : memref<128x128xf32, #tpu.memory_space<vmem>>, vector<16xf32>,
      }
      %scan3A_132 = arith.constant 128 : i32
      "tpu.region"() ({
        %run_scoped3A_133 = tpu.sem_alloc : memref<!tpu.dma_semaphore, #tpu.memory_space<semaphore_mem>>
        %dma_start3A_134 = arith.constant 0 : i32
        %dma_start3A_135 = arith.constant 0 : i32
        %dma_start3A_136 = tpu.memref_slice %arg20[%dma_start3A_134, %dma_start3A_135] : memref<10000x128xf32, #tpu.memory_space<vmem_shared>> -> memref<10000x128xf32, #tpu.memory_space<vmem_shared>>
        tpu.enqueue_indirect_dma source(%arg15 : memref<128x128xf32, #tpu.memory_space<vmem>>) target(%dma_start3A_136 : memref<10000x128xf32, #tpu.memory_space<vmem_shared>>) offsets(%arg18 : memref<128xi32, #tpu.memory_space<vmem>>) semaphore(%run_scoped3A_133 : memref<!tpu.dma_semaphore, #tpu.memory_space<semaphore_mem>>) {add = true}
        %dma_wait3A_137 = arith.constant 0 : i32
        %dma_wait3A_138 = arith.constant 0 : i32
        %dma_wait3A_139 = tpu.memref_slice %arg20[%dma_wait3A_137, %dma_wait3A_138] : memref<10000x128xf32, #tpu.memory_space<vmem_shared>> -> memref<10000x128xf32, #tpu.memory_space<vmem_shared>>
        tpu.wait_indirect_dma semaphore(%run_scoped3A_133 : memref<!tpu.dma_semaphore, #tpu.memory_space<semaphore_mem>>) src(%arg15 : memref<128x128xf32, #tpu.memory_space<vmem>>) dst(%dma_wait3A_139 : memref<10000x128xf32, #tpu.memory_space<vmem_shared>>)
        tpu.yield
      }) : () -> ()
    }
    %scan3A_104 = arith.constant 40 : i32
    %barrier3A_105 = arith.constant 0 : index
    tpu.barrier barrier_id(%barrier3A_105)
    %lt3A_106 = arith.constant 15 : i32
    %lt3A_107 = arith.cmpi slt, %arg1, %lt3A_106 : i32
    %convert_element_type3A = arith.extui %lt3A_107 : i1 to i32
    %cond3A = arith.constant 0 : i32
    %cond3A_108 = arith.cmpi ne, %convert_element_type3A, %cond3A : i32
    scf.if %cond3A_108 {
      %mul3A_113 = arith.constant 640 : i32
      %mul3A_114 = arith.muli %arg1, %mul3A_113 : i32
      "tpu.region"() ({
        %run_scoped3A_115 = tpu.sem_alloc : memref<!tpu.dma_semaphore, #tpu.memory_space<semaphore_mem>>
        %dma_start3A = arith.constant 0 : i32
        %dma_start3A_116 = tpu.memref_slice %arg9[%arg0, %mul3A_114, %dma_start3A] : memref<2x10000x128xf32, #tpu.memory_space<hbm>> -> memref<1x640x128xf32, #tpu.memory_space<hbm>>
        %dma_start3A_117 = tpu.memref_squeeze %dma_start3A_116 : memref<1x640x128xf32, #tpu.memory_space<hbm>> -> memref<640x128xf32, #tpu.memory_space<hbm>>
        %dma_start3A_118 = arith.constant 0 : i32
        %dma_start3A_119 = tpu.memref_slice %arg20[%mul3A_114, %dma_start3A_118] : memref<10000x128xf32, #tpu.memory_space<vmem_shared>> -> memref<640x128xf32, #tpu.memory_space<vmem_shared>>
        tpu.enqueue_dma source(%dma_start3A_119 : memref<640x128xf32, #tpu.memory_space<vmem_shared>>) target(%dma_start3A_117 : memref<640x128xf32, #tpu.memory_space<hbm>>) target_semaphore(%run_scoped3A_115 : memref<!tpu.dma_semaphore, #tpu.memory_space<semaphore_mem>>)
        %dma_wait3A = arith.constant 0 : i32
        %dma_wait3A_120 = tpu.memref_slice %arg9[%arg0, %mul3A_114, %dma_wait3A] : memref<2x10000x128xf32, #tpu.memory_space<hbm>> -> memref<1x640x128xf32, #tpu.memory_space<hbm>>
        %dma_wait3A_121 = tpu.memref_squeeze %dma_wait3A_120 : memref<1x640x128xf32, #tpu.memory_space<hbm>> -> memref<640x128xf32, #tpu.memory_space<hbm>>
        %dma_wait3A_122 = arith.constant 0 : i32
        %dma_wait3A_123 = tpu.memref_slice %arg20[%mul3A_114, %dma_wait3A_122] : memref<10000x128xf32, #tpu.memory_space<vmem_shared>> -> memref<640x128xf32, #tpu.memory_space<vmem_shared>>
        tpu.wait_dma2 semaphore(%run_scoped3A_115 : memref<!tpu.dma_semaphore, #tpu.memory_space<semaphore_mem>>) src(%dma_wait3A_123 : memref<640x128xf32, #tpu.memory_space<vmem_shared>>) dst(%dma_wait3A_121 : memref<640x128xf32, #tpu.memory_space<hbm>>)
        tpu.yield
      }) : () -> ()
    } else {
    }
    %eq3A = arith.constant 15 : i32
    %eq3A_109 = arith.cmpi eq, %arg1, %eq3A : i32
    %convert_element_type3A_110 = arith.extui %eq3A_109 : i1 to i32
    %cond3A_111 = arith.constant 0 : i32
    %cond3A_112 = arith.cmpi ne, %convert_element_type3A_110, %cond3A_111 : i32
    scf.if %cond3A_112 {
      "tpu.region"() ({
        %run_scoped3A_113 = tpu.sem_alloc : memref<!tpu.dma_semaphore, #tpu.memory_space<semaphore_mem>>
        %dma_start3A = arith.constant 9600 : i32
        %dma_start3A_114 = arith.constant 0 : i32
        %dma_start3A_115 = tpu.memref_slice %arg9[%arg0, %dma_start3A, %dma_start3A_114] : memref<2x10000x128xf32, #tpu.memory_space<hbm>> -> memref<1x400x128xf32, #tpu.memory_space<hbm>>
        %dma_start3A_116 = tpu.memref_squeeze %dma_start3A_115 : memref<1x400x128xf32, #tpu.memory_space<hbm>> -> memref<400x128xf32, #tpu.memory_space<hbm>>
        %dma_start3A_117 = arith.constant 9600 : i32
        %dma_start3A_118 = arith.constant 0 : i32
        %dma_start3A_119 = tpu.memref_slice %arg20[%dma_start3A_117, %dma_start3A_118] : memref<10000x128xf32, #tpu.memory_space<vmem_shared>> -> memref<400x128xf32, #tpu.memory_space<vmem_shared>>
        tpu.enqueue_dma source(%dma_start3A_119 : memref<400x128xf32, #tpu.memory_space<vmem_shared>>) target(%dma_start3A_116 : memref<400x128xf32, #tpu.memory_space<hbm>>) target_semaphore(%run_scoped3A_113 : memref<!tpu.dma_semaphore, #tpu.memory_space<semaphore_mem>>)
        %dma_wait3A = arith.constant 9600 : i32
        %dma_wait3A_120 = arith.constant 0 : i32
        %dma_wait3A_121 = tpu.memref_slice %arg9[%arg0, %dma_wait3A, %dma_wait3A_120] : memref<2x10000x128xf32, #tpu.memory_space<hbm>> -> memref<1x400x128xf32, #tpu.memory_space<hbm>>
        %dma_wait3A_122 = tpu.memref_squeeze %dma_wait3A_121 : memref<1x400x128xf32, #tpu.memory_space<hbm>> -> memref<400x128xf32, #tpu.memory_space<hbm>>
        %dma_wait3A_123 = arith.constant 9600 : i32
        %dma_wait3A_124 = arith.constant 0 : i32
        %dma_wait3A_125 = tpu.memref_slice %arg20[%dma_wait3A_123, %dma_wait3A_124] : memref<10000x128xf32, #tpu.memory_space<vmem_shared>> -> memref<400x128xf32, #tpu.memory_space<vmem_shared>>
        tpu.wait_dma2 semaphore(%run_scoped3A_113 : memref<!tpu.dma_semaphore, #tpu.memory_space<semaphore_mem>>) src(%dma_wait3A_125 : memref<400x128xf32, #tpu.memory_space<vmem_shared>>) dst(%dma_wait3A_122 : memref<400x128xf32, #tpu.memory_space<hbm>>)
        tpu.yield
      }) : () -> ()
    } else {
    }
    return
  }
}

#map = affine_map<(d0, d1) -> (0)>
#map1 = affine_map<(d0, d1) -> (0, 0, 0)>
module attributes {stable_mosaic.version = 14 : i64} {
  func.func @_sc_a_body(%arg0: i32, %arg1: i32, %arg2: memref<10000xf32, #tpu.memory_space<hbm>>, %arg3: memref<10000xf32, #tpu.memory_space<hbm>>, %arg4: memref<10000xf32, #tpu.memory_space<hbm>>, %arg5: memref<10000xf32, #tpu.memory_space<hbm>>, %arg6: memref<16xf32, #tpu.memory_space<hbm>>, %arg7: memref<160000xi32, #tpu.memory_space<hbm>>, %arg8: memref<160000xi32, #tpu.memory_space<hbm>>, %arg9: memref<160000xi32, #tpu.memory_space<hbm>>, %arg10: memref<160000xf32, #tpu.memory_space<hbm>>, %arg11: memref<160000xf32, #tpu.memory_space<hbm>>, %arg12: memref<160000xf32, #tpu.memory_space<hbm>>, %arg13: memref<160000xf32, #tpu.memory_space<hbm>>, %arg14: memref<2x80x128xf32, #tpu.memory_space<hbm>>, %arg15: memref<10240xf32, #tpu.memory_space<vmem>>, %arg16: memref<10240xf32, #tpu.memory_space<vmem>>, %arg17: memref<10240xf32, #tpu.memory_space<vmem>>, %arg18: memref<10240xf32, #tpu.memory_space<vmem>>, %arg19: memref<128xf32, #tpu.memory_space<vmem>>, %arg20: memref<5120xi32, #tpu.memory_space<vmem>>, %arg21: memref<5120xi32, #tpu.memory_space<vmem>>, %arg22: memref<5120xi32, #tpu.memory_space<vmem>>, %arg23: memref<5120xf32, #tpu.memory_space<vmem>>, %arg24: memref<5120xf32, #tpu.memory_space<vmem>>, %arg25: memref<5120xf32, #tpu.memory_space<vmem>>, %arg26: memref<5120xf32, #tpu.memory_space<vmem>>, %arg27: memref<10240xf32, #tpu.memory_space<vmem>>, %arg28: memref<80x128xf32, #tpu.memory_space<vmem>>, %arg29: memref<80xi32, #tpu.memory_space<vmem>>, %arg30: memref<80x128xf32, #tpu.memory_space<vmem_shared>>) attributes {dimension_semantics = [#tpu.dimension_semantics<core_parallel>, #tpu.dimension_semantics<subcore_parallel>], iteration_bounds = array<i64: 2, 16>, scalar_prefetch = 0 : i64, scratch_operands = 16 : i64, tpu.core_type = #tpu.core_type<sc_vector_subcore>, window_params = [{transform_indices = #map}, {transform_indices = #map}, {transform_indices = #map}, {transform_indices = #map}, {transform_indices = #map}, {transform_indices = #map}, {transform_indices = #map}, {transform_indices = #map}, {transform_indices = #map}, {transform_indices = #map}, {transform_indices = #map}, {transform_indices = #map}, {transform_indices = #map1}]} {
    %mul3A = arith.constant 2 : i32
    %mul3A_0 = arith.muli %arg1, %mul3A : i32
    %add3A = arith.addi %mul3A_0, %arg0 : i32
    %mul3A_1 = arith.constant 5000 : i32
    %mul3A_2 = arith.muli %add3A, %mul3A_1 : i32
    "tpu.region"() ({
      %run_scoped3A = tpu.sem_alloc : memref<!tpu.dma_semaphore, #tpu.memory_space<semaphore_mem>>
      %dma_start3A = arith.constant 0 : i32
      %dma_start3A_55 = tpu.memref_slice %arg15[%dma_start3A] : memref<10240xf32, #tpu.memory_space<vmem>> -> memref<10000xf32, #tpu.memory_space<vmem>>
      %dma_start3A_56 = arith.constant 0 : i32
      %dma_start3A_57 = tpu.memref_slice %arg15[%dma_start3A_56] : memref<10240xf32, #tpu.memory_space<vmem>> -> memref<10000xf32, #tpu.memory_space<vmem>>
      tpu.enqueue_dma source(%arg2 : memref<10000xf32, #tpu.memory_space<hbm>>) target(%dma_start3A_57 : memref<10000xf32, #tpu.memory_space<vmem>>) target_semaphore(%run_scoped3A : memref<!tpu.dma_semaphore, #tpu.memory_space<semaphore_mem>>)
      %dma_wait3A = arith.constant 0 : i32
      %dma_wait3A_58 = tpu.memref_slice %arg15[%dma_wait3A] : memref<10240xf32, #tpu.memory_space<vmem>> -> memref<10000xf32, #tpu.memory_space<vmem>>
      %dma_wait3A_59 = arith.constant 0 : i32
      %dma_wait3A_60 = tpu.memref_slice %arg15[%dma_wait3A_59] : memref<10240xf32, #tpu.memory_space<vmem>> -> memref<10000xf32, #tpu.memory_space<vmem>>
      tpu.wait_dma2 semaphore(%run_scoped3A : memref<!tpu.dma_semaphore, #tpu.memory_space<semaphore_mem>>) src(%arg2 : memref<10000xf32, #tpu.memory_space<hbm>>) dst(%dma_wait3A_60 : memref<10000xf32, #tpu.memory_space<vmem>>)
      tpu.yield
    }) : () -> ()
    "tpu.region"() ({
      %run_scoped3A = tpu.sem_alloc : memref<!tpu.dma_semaphore, #tpu.memory_space<semaphore_mem>>
      %dma_start3A = arith.constant 0 : i32
      %dma_start3A_55 = tpu.memref_slice %arg16[%dma_start3A] : memref<10240xf32, #tpu.memory_space<vmem>> -> memref<10000xf32, #tpu.memory_space<vmem>>
      %dma_start3A_56 = arith.constant 0 : i32
      %dma_start3A_57 = tpu.memref_slice %arg16[%dma_start3A_56] : memref<10240xf32, #tpu.memory_space<vmem>> -> memref<10000xf32, #tpu.memory_space<vmem>>
      tpu.enqueue_dma source(%arg3 : memref<10000xf32, #tpu.memory_space<hbm>>) target(%dma_start3A_57 : memref<10000xf32, #tpu.memory_space<vmem>>) target_semaphore(%run_scoped3A : memref<!tpu.dma_semaphore, #tpu.memory_space<semaphore_mem>>)
      %dma_wait3A = arith.constant 0 : i32
      %dma_wait3A_58 = tpu.memref_slice %arg16[%dma_wait3A] : memref<10240xf32, #tpu.memory_space<vmem>> -> memref<10000xf32, #tpu.memory_space<vmem>>
      %dma_wait3A_59 = arith.constant 0 : i32
      %dma_wait3A_60 = tpu.memref_slice %arg16[%dma_wait3A_59] : memref<10240xf32, #tpu.memory_space<vmem>> -> memref<10000xf32, #tpu.memory_space<vmem>>
      tpu.wait_dma2 semaphore(%run_scoped3A : memref<!tpu.dma_semaphore, #tpu.memory_space<semaphore_mem>>) src(%arg3 : memref<10000xf32, #tpu.memory_space<hbm>>) dst(%dma_wait3A_60 : memref<10000xf32, #tpu.memory_space<vmem>>)
      tpu.yield
    }) : () -> ()
    "tpu.region"() ({
      %run_scoped3A = tpu.sem_alloc : memref<!tpu.dma_semaphore, #tpu.memory_space<semaphore_mem>>
      %dma_start3A = arith.constant 0 : i32
      %dma_start3A_55 = tpu.memref_slice %arg17[%dma_start3A] : memref<10240xf32, #tpu.memory_space<vmem>> -> memref<10000xf32, #tpu.memory_space<vmem>>
      %dma_start3A_56 = arith.constant 0 : i32
      %dma_start3A_57 = tpu.memref_slice %arg17[%dma_start3A_56] : memref<10240xf32, #tpu.memory_space<vmem>> -> memref<10000xf32, #tpu.memory_space<vmem>>
      tpu.enqueue_dma source(%arg4 : memref<10000xf32, #tpu.memory_space<hbm>>) target(%dma_start3A_57 : memref<10000xf32, #tpu.memory_space<vmem>>) target_semaphore(%run_scoped3A : memref<!tpu.dma_semaphore, #tpu.memory_space<semaphore_mem>>)
      %dma_wait3A = arith.constant 0 : i32
      %dma_wait3A_58 = tpu.memref_slice %arg17[%dma_wait3A] : memref<10240xf32, #tpu.memory_space<vmem>> -> memref<10000xf32, #tpu.memory_space<vmem>>
      %dma_wait3A_59 = arith.constant 0 : i32
      %dma_wait3A_60 = tpu.memref_slice %arg17[%dma_wait3A_59] : memref<10240xf32, #tpu.memory_space<vmem>> -> memref<10000xf32, #tpu.memory_space<vmem>>
      tpu.wait_dma2 semaphore(%run_scoped3A : memref<!tpu.dma_semaphore, #tpu.memory_space<semaphore_mem>>) src(%arg4 : memref<10000xf32, #tpu.memory_space<hbm>>) dst(%dma_wait3A_60 : memref<10000xf32, #tpu.memory_space<vmem>>)
      tpu.yield
    }) : () -> ()
    "tpu.region"() ({
      %run_scoped3A = tpu.sem_alloc : memref<!tpu.dma_semaphore, #tpu.memory_space<semaphore_mem>>
      %dma_start3A = arith.constant 0 : i32
      %dma_start3A_55 = tpu.memref_slice %arg18[%dma_start3A] : memref<10240xf32, #tpu.memory_space<vmem>> -> memref<10000xf32, #tpu.memory_space<vmem>>
      %dma_start3A_56 = arith.constant 0 : i32
      %dma_start3A_57 = tpu.memref_slice %arg18[%dma_start3A_56] : memref<10240xf32, #tpu.memory_space<vmem>> -> memref<10000xf32, #tpu.memory_space<vmem>>
      tpu.enqueue_dma source(%arg5 : memref<10000xf32, #tpu.memory_space<hbm>>) target(%dma_start3A_57 : memref<10000xf32, #tpu.memory_space<vmem>>) target_semaphore(%run_scoped3A : memref<!tpu.dma_semaphore, #tpu.memory_space<semaphore_mem>>)
      %dma_wait3A = arith.constant 0 : i32
      %dma_wait3A_58 = tpu.memref_slice %arg18[%dma_wait3A] : memref<10240xf32, #tpu.memory_space<vmem>> -> memref<10000xf32, #tpu.memory_space<vmem>>
      %dma_wait3A_59 = arith.constant 0 : i32
      %dma_wait3A_60 = tpu.memref_slice %arg18[%dma_wait3A_59] : memref<10240xf32, #tpu.memory_space<vmem>> -> memref<10000xf32, #tpu.memory_space<vmem>>
      tpu.wait_dma2 semaphore(%run_scoped3A : memref<!tpu.dma_semaphore, #tpu.memory_space<semaphore_mem>>) src(%arg5 : memref<10000xf32, #tpu.memory_space<hbm>>) dst(%dma_wait3A_60 : memref<10000xf32, #tpu.memory_space<vmem>>)
      tpu.yield
    }) : () -> ()
    "tpu.region"() ({
      %run_scoped3A = tpu.sem_alloc : memref<!tpu.dma_semaphore, #tpu.memory_space<semaphore_mem>>
      %dma_start3A = arith.constant 0 : i32
      %dma_start3A_55 = tpu.memref_slice %arg19[%dma_start3A] : memref<128xf32, #tpu.memory_space<vmem>> -> memref<16xf32, #tpu.memory_space<vmem>>
      %dma_start3A_56 = arith.constant 0 : i32
      %dma_start3A_57 = tpu.memref_slice %arg19[%dma_start3A_56] : memref<128xf32, #tpu.memory_space<vmem>> -> memref<16xf32, #tpu.memory_space<vmem>>
      tpu.enqueue_dma source(%arg6 : memref<16xf32, #tpu.memory_space<hbm>>) target(%dma_start3A_57 : memref<16xf32, #tpu.memory_space<vmem>>) target_semaphore(%run_scoped3A : memref<!tpu.dma_semaphore, #tpu.memory_space<semaphore_mem>>)
      %dma_wait3A = arith.constant 0 : i32
      %dma_wait3A_58 = tpu.memref_slice %arg19[%dma_wait3A] : memref<128xf32, #tpu.memory_space<vmem>> -> memref<16xf32, #tpu.memory_space<vmem>>
      %dma_wait3A_59 = arith.constant 0 : i32
      %dma_wait3A_60 = tpu.memref_slice %arg19[%dma_wait3A_59] : memref<128xf32, #tpu.memory_space<vmem>> -> memref<16xf32, #tpu.memory_space<vmem>>
      tpu.wait_dma2 semaphore(%run_scoped3A : memref<!tpu.dma_semaphore, #tpu.memory_space<semaphore_mem>>) src(%arg6 : memref<16xf32, #tpu.memory_space<hbm>>) dst(%dma_wait3A_60 : memref<16xf32, #tpu.memory_space<vmem>>)
      tpu.yield
    }) : () -> ()
    "tpu.region"() ({
      %run_scoped3A = tpu.sem_alloc : memref<!tpu.dma_semaphore, #tpu.memory_space<semaphore_mem>>
      %dma_start3A = arith.constant 0 : i32
      %dma_start3A_55 = tpu.memref_slice %arg20[%dma_start3A] : memref<5120xi32, #tpu.memory_space<vmem>> -> memref<5000xi32, #tpu.memory_space<vmem>>
      %dma_start3A_56 = tpu.memref_slice %arg7[%mul3A_2] : memref<160000xi32, #tpu.memory_space<hbm>> -> memref<5000xi32, #tpu.memory_space<hbm>>
      %dma_start3A_57 = arith.constant 0 : i32
      %dma_start3A_58 = tpu.memref_slice %arg20[%dma_start3A_57] : memref<5120xi32, #tpu.memory_space<vmem>> -> memref<5000xi32, #tpu.memory_space<vmem>>
      %dma_start3A_59 = tpu.memref_slice %arg7[%mul3A_2] : memref<160000xi32, #tpu.memory_space<hbm>> -> memref<5000xi32, #tpu.memory_space<hbm>>
      tpu.enqueue_dma source(%dma_start3A_59 : memref<5000xi32, #tpu.memory_space<hbm>>) target(%dma_start3A_58 : memref<5000xi32, #tpu.memory_space<vmem>>) target_semaphore(%run_scoped3A : memref<!tpu.dma_semaphore, #tpu.memory_space<semaphore_mem>>)
      %dma_wait3A = arith.constant 0 : i32
      %dma_wait3A_60 = tpu.memref_slice %arg20[%dma_wait3A] : memref<5120xi32, #tpu.memory_space<vmem>> -> memref<5000xi32, #tpu.memory_space<vmem>>
      %dma_wait3A_61 = tpu.memref_slice %arg7[%mul3A_2] : memref<160000xi32, #tpu.memory_space<hbm>> -> memref<5000xi32, #tpu.memory_space<hbm>>
      %dma_wait3A_62 = arith.constant 0 : i32
      %dma_wait3A_63 = tpu.memref_slice %arg20[%dma_wait3A_62] : memref<5120xi32, #tpu.memory_space<vmem>> -> memref<5000xi32, #tpu.memory_space<vmem>>
      %dma_wait3A_64 = tpu.memref_slice %arg7[%mul3A_2] : memref<160000xi32, #tpu.memory_space<hbm>> -> memref<5000xi32, #tpu.memory_space<hbm>>
      tpu.wait_dma2 semaphore(%run_scoped3A : memref<!tpu.dma_semaphore, #tpu.memory_space<semaphore_mem>>) src(%dma_wait3A_64 : memref<5000xi32, #tpu.memory_space<hbm>>) dst(%dma_wait3A_63 : memref<5000xi32, #tpu.memory_space<vmem>>)
      tpu.yield
    }) : () -> ()
    "tpu.region"() ({
      %run_scoped3A = tpu.sem_alloc : memref<!tpu.dma_semaphore, #tpu.memory_space<semaphore_mem>>
      %dma_start3A = arith.constant 0 : i32
      %dma_start3A_55 = tpu.memref_slice %arg21[%dma_start3A] : memref<5120xi32, #tpu.memory_space<vmem>> -> memref<5000xi32, #tpu.memory_space<vmem>>
      %dma_start3A_56 = tpu.memref_slice %arg8[%mul3A_2] : memref<160000xi32, #tpu.memory_space<hbm>> -> memref<5000xi32, #tpu.memory_space<hbm>>
      %dma_start3A_57 = arith.constant 0 : i32
      %dma_start3A_58 = tpu.memref_slice %arg21[%dma_start3A_57] : memref<5120xi32, #tpu.memory_space<vmem>> -> memref<5000xi32, #tpu.memory_space<vmem>>
      %dma_start3A_59 = tpu.memref_slice %arg8[%mul3A_2] : memref<160000xi32, #tpu.memory_space<hbm>> -> memref<5000xi32, #tpu.memory_space<hbm>>
      tpu.enqueue_dma source(%dma_start3A_59 : memref<5000xi32, #tpu.memory_space<hbm>>) target(%dma_start3A_58 : memref<5000xi32, #tpu.memory_space<vmem>>) target_semaphore(%run_scoped3A : memref<!tpu.dma_semaphore, #tpu.memory_space<semaphore_mem>>)
      %dma_wait3A = arith.constant 0 : i32
      %dma_wait3A_60 = tpu.memref_slice %arg21[%dma_wait3A] : memref<5120xi32, #tpu.memory_space<vmem>> -> memref<5000xi32, #tpu.memory_space<vmem>>
      %dma_wait3A_61 = tpu.memref_slice %arg8[%mul3A_2] : memref<160000xi32, #tpu.memory_space<hbm>> -> memref<5000xi32, #tpu.memory_space<hbm>>
      %dma_wait3A_62 = arith.constant 0 : i32
      %dma_wait3A_63 = tpu.memref_slice %arg21[%dma_wait3A_62] : memref<5120xi32, #tpu.memory_space<vmem>> -> memref<5000xi32, #tpu.memory_space<vmem>>
      %dma_wait3A_64 = tpu.memref_slice %arg8[%mul3A_2] : memref<160000xi32, #tpu.memory_space<hbm>> -> memref<5000xi32, #tpu.memory_space<hbm>>
      tpu.wait_dma2 semaphore(%run_scoped3A : memref<!tpu.dma_semaphore, #tpu.memory_space<semaphore_mem>>) src(%dma_wait3A_64 : memref<5000xi32, #tpu.memory_space<hbm>>) dst(%dma_wait3A_63 : memref<5000xi32, #tpu.memory_space<vmem>>)
      tpu.yield
    }) : () -> ()
    "tpu.region"() ({
      %run_scoped3A = tpu.sem_alloc : memref<!tpu.dma_semaphore, #tpu.memory_space<semaphore_mem>>
      %dma_start3A = arith.constant 0 : i32
      %dma_start3A_55 = tpu.memref_slice %arg22[%dma_start3A] : memref<5120xi32, #tpu.memory_space<vmem>> -> memref<5000xi32, #tpu.memory_space<vmem>>
      %dma_start3A_56 = tpu.memref_slice %arg9[%mul3A_2] : memref<160000xi32, #tpu.memory_space<hbm>> -> memref<5000xi32, #tpu.memory_space<hbm>>
      %dma_start3A_57 = arith.constant 0 : i32
      %dma_start3A_58 = tpu.memref_slice %arg22[%dma_start3A_57] : memref<5120xi32, #tpu.memory_space<vmem>> -> memref<5000xi32, #tpu.memory_space<vmem>>
      %dma_start3A_59 = tpu.memref_slice %arg9[%mul3A_2] : memref<160000xi32, #tpu.memory_space<hbm>> -> memref<5000xi32, #tpu.memory_space<hbm>>
      tpu.enqueue_dma source(%dma_start3A_59 : memref<5000xi32, #tpu.memory_space<hbm>>) target(%dma_start3A_58 : memref<5000xi32, #tpu.memory_space<vmem>>) target_semaphore(%run_scoped3A : memref<!tpu.dma_semaphore, #tpu.memory_space<semaphore_mem>>)
      %dma_wait3A = arith.constant 0 : i32
      %dma_wait3A_60 = tpu.memref_slice %arg22[%dma_wait3A] : memref<5120xi32, #tpu.memory_space<vmem>> -> memref<5000xi32, #tpu.memory_space<vmem>>
      %dma_wait3A_61 = tpu.memref_slice %arg9[%mul3A_2] : memref<160000xi32, #tpu.memory_space<hbm>> -> memref<5000xi32, #tpu.memory_space<hbm>>
      %dma_wait3A_62 = arith.constant 0 : i32
      %dma_wait3A_63 = tpu.memref_slice %arg22[%dma_wait3A_62] : memref<5120xi32, #tpu.memory_space<vmem>> -> memref<5000xi32, #tpu.memory_space<vmem>>
      %dma_wait3A_64 = tpu.memref_slice %arg9[%mul3A_2] : memref<160000xi32, #tpu.memory_space<hbm>> -> memref<5000xi32, #tpu.memory_space<hbm>>
      tpu.wait_dma2 semaphore(%run_scoped3A : memref<!tpu.dma_semaphore, #tpu.memory_space<semaphore_mem>>) src(%dma_wait3A_64 : memref<5000xi32, #tpu.memory_space<hbm>>) dst(%dma_wait3A_63 : memref<5000xi32, #tpu.memory_space<vmem>>)
      tpu.yield
    }) : () -> ()
    "tpu.region"() ({
      %run_scoped3A = tpu.sem_alloc : memref<!tpu.dma_semaphore, #tpu.memory_space<semaphore_mem>>
      %dma_start3A = arith.constant 0 : i32
      %dma_start3A_55 = tpu.memref_slice %arg23[%dma_start3A] : memref<5120xf32, #tpu.memory_space<vmem>> -> memref<5000xf32, #tpu.memory_space<vmem>>
      %dma_start3A_56 = tpu.memref_slice %arg10[%mul3A_2] : memref<160000xf32, #tpu.memory_space<hbm>> -> memref<5000xf32, #tpu.memory_space<hbm>>
      %dma_start3A_57 = arith.constant 0 : i32
      %dma_start3A_58 = tpu.memref_slice %arg23[%dma_start3A_57] : memref<5120xf32, #tpu.memory_space<vmem>> -> memref<5000xf32, #tpu.memory_space<vmem>>
      %dma_start3A_59 = tpu.memref_slice %arg10[%mul3A_2] : memref<160000xf32, #tpu.memory_space<hbm>> -> memref<5000xf32, #tpu.memory_space<hbm>>
      tpu.enqueue_dma source(%dma_start3A_59 : memref<5000xf32, #tpu.memory_space<hbm>>) target(%dma_start3A_58 : memref<5000xf32, #tpu.memory_space<vmem>>) target_semaphore(%run_scoped3A : memref<!tpu.dma_semaphore, #tpu.memory_space<semaphore_mem>>)
      %dma_wait3A = arith.constant 0 : i32
      %dma_wait3A_60 = tpu.memref_slice %arg23[%dma_wait3A] : memref<5120xf32, #tpu.memory_space<vmem>> -> memref<5000xf32, #tpu.memory_space<vmem>>
      %dma_wait3A_61 = tpu.memref_slice %arg10[%mul3A_2] : memref<160000xf32, #tpu.memory_space<hbm>> -> memref<5000xf32, #tpu.memory_space<hbm>>
      %dma_wait3A_62 = arith.constant 0 : i32
      %dma_wait3A_63 = tpu.memref_slice %arg23[%dma_wait3A_62] : memref<5120xf32, #tpu.memory_space<vmem>> -> memref<5000xf32, #tpu.memory_space<vmem>>
      %dma_wait3A_64 = tpu.memref_slice %arg10[%mul3A_2] : memref<160000xf32, #tpu.memory_space<hbm>> -> memref<5000xf32, #tpu.memory_space<hbm>>
      tpu.wait_dma2 semaphore(%run_scoped3A : memref<!tpu.dma_semaphore, #tpu.memory_space<semaphore_mem>>) src(%dma_wait3A_64 : memref<5000xf32, #tpu.memory_space<hbm>>) dst(%dma_wait3A_63 : memref<5000xf32, #tpu.memory_space<vmem>>)
      tpu.yield
    }) : () -> ()
    "tpu.region"() ({
      %run_scoped3A = tpu.sem_alloc : memref<!tpu.dma_semaphore, #tpu.memory_space<semaphore_mem>>
      %dma_start3A = arith.constant 0 : i32
      %dma_start3A_55 = tpu.memref_slice %arg24[%dma_start3A] : memref<5120xf32, #tpu.memory_space<vmem>> -> memref<5000xf32, #tpu.memory_space<vmem>>
      %dma_start3A_56 = tpu.memref_slice %arg11[%mul3A_2] : memref<160000xf32, #tpu.memory_space<hbm>> -> memref<5000xf32, #tpu.memory_space<hbm>>
      %dma_start3A_57 = arith.constant 0 : i32
      %dma_start3A_58 = tpu.memref_slice %arg24[%dma_start3A_57] : memref<5120xf32, #tpu.memory_space<vmem>> -> memref<5000xf32, #tpu.memory_space<vmem>>
      %dma_start3A_59 = tpu.memref_slice %arg11[%mul3A_2] : memref<160000xf32, #tpu.memory_space<hbm>> -> memref<5000xf32, #tpu.memory_space<hbm>>
      tpu.enqueue_dma source(%dma_start3A_59 : memref<5000xf32, #tpu.memory_space<hbm>>) target(%dma_start3A_58 : memref<5000xf32, #tpu.memory_space<vmem>>) target_semaphore(%run_scoped3A : memref<!tpu.dma_semaphore, #tpu.memory_space<semaphore_mem>>)
      %dma_wait3A = arith.constant 0 : i32
      %dma_wait3A_60 = tpu.memref_slice %arg24[%dma_wait3A] : memref<5120xf32, #tpu.memory_space<vmem>> -> memref<5000xf32, #tpu.memory_space<vmem>>
      %dma_wait3A_61 = tpu.memref_slice %arg11[%mul3A_2] : memref<160000xf32, #tpu.memory_space<hbm>> -> memref<5000xf32, #tpu.memory_space<hbm>>
      %dma_wait3A_62 = arith.constant 0 : i32
      %dma_wait3A_63 = tpu.memref_slice %arg24[%dma_wait3A_62] : memref<5120xf32, #tpu.memory_space<vmem>> -> memref<5000xf32, #tpu.memory_space<vmem>>
      %dma_wait3A_64 = tpu.memref_slice %arg11[%mul3A_2] : memref<160000xf32, #tpu.memory_space<hbm>> -> memref<5000xf32, #tpu.memory_space<hbm>>
      tpu.wait_dma2 semaphore(%run_scoped3A : memref<!tpu.dma_semaphore, #tpu.memory_space<semaphore_mem>>) src(%dma_wait3A_64 : memref<5000xf32, #tpu.memory_space<hbm>>) dst(%dma_wait3A_63 : memref<5000xf32, #tpu.memory_space<vmem>>)
      tpu.yield
    }) : () -> ()
    %scan3A = arith.constant 0 : i32
    %scan3A_3 = arith.constant 0 : i32
    %scan3A_4 = arith.constant 80 : i32
    %scan3A_5 = arith.addi %scan3A_3, %scan3A_4 : i32
    %scan3A_6 = arith.constant 1 : i32
    scf.for %scan3A_55 = %scan3A_3 to %scan3A_5 step %scan3A_6  : i32 {
      %broadcast_in_dim3A = arith.constant 0.000000e+00 : f32
      %broadcast_in_dim3A_56 = vector.broadcast %broadcast_in_dim3A : f32 to vector<16xf32>
      %mul3A_57 = arith.constant 128 : i32
      %mul3A_58 = arith.muli %scan3A_55, %mul3A_57 : i32
      %add3A_59 = arith.constant 0 : i32
      %add3A_60 = arith.addi %mul3A_58, %add3A_59 : i32
      %swap3A_61 = arith.index_cast %add3A_60 : i32 to index
      %swap3A_62 = tpu.vector_load %arg27[%swap3A_61] {strides = array<i32>} : memref<10240xf32, #tpu.memory_space<vmem>>, vector<16xf32>,
      tpu.vector_store %arg27[%swap3A_61], %broadcast_in_dim3A_56 {strides = array<i32>} : memref<10240xf32, #tpu.memory_space<vmem>>, vector<16xf32>,
      %broadcast_in_dim3A_63 = arith.constant 0.000000e+00 : f32
      %broadcast_in_dim3A_64 = vector.broadcast %broadcast_in_dim3A_63 : f32 to vector<16xf32>
      %swap3A_65 = arith.index_cast %scan3A_55 : i32 to index
      %swap3A_66 = arith.constant 0 : index
      %swap3A_67 = tpu.vector_load %arg28[%swap3A_65, %swap3A_66] {strides = array<i32>} : memref<80x128xf32, #tpu.memory_space<vmem>>, vector<16xf32>,
      tpu.vector_store %arg28[%swap3A_65, %swap3A_66], %broadcast_in_dim3A_64 {strides = array<i32>} : memref<80x128xf32, #tpu.memory_space<vmem>>, vector<16xf32>,
      %broadcast_in_dim3A_68 = arith.constant 0.000000e+00 : f32
      %broadcast_in_dim3A_69 = vector.broadcast %broadcast_in_dim3A_68 : f32 to vector<16xf32>
      %mul3A_70 = arith.constant 128 : i32
      %mul3A_71 = arith.muli %scan3A_55, %mul3A_70 : i32
      %add3A_72 = arith.constant 16 : i32
      %add3A_73 = arith.addi %mul3A_71, %add3A_72 : i32
      %swap3A_74 = arith.index_cast %add3A_73 : i32 to index
      %swap3A_75 = tpu.vector_load %arg27[%swap3A_74] {strides = array<i32>} : memref<10240xf32, #tpu.memory_space<vmem>>, vector<16xf32>,
      tpu.vector_store %arg27[%swap3A_74], %broadcast_in_dim3A_69 {strides = array<i32>} : memref<10240xf32, #tpu.memory_space<vmem>>, vector<16xf32>,
      %broadcast_in_dim3A_76 = arith.constant 0.000000e+00 : f32
      %broadcast_in_dim3A_77 = vector.broadcast %broadcast_in_dim3A_76 : f32 to vector<16xf32>
      %swap3A_78 = arith.index_cast %scan3A_55 : i32 to index
      %swap3A_79 = arith.constant 16 : index
      %swap3A_80 = tpu.vector_load %arg28[%swap3A_78, %swap3A_79] {strides = array<i32>} : memref<80x128xf32, #tpu.memory_space<vmem>>, vector<16xf32>,
      tpu.vector_store %arg28[%swap3A_78, %swap3A_79], %broadcast_in_dim3A_77 {strides = array<i32>} : memref<80x128xf32, #tpu.memory_space<vmem>>, vector<16xf32>,
      %broadcast_in_dim3A_81 = arith.constant 0.000000e+00 : f32
      %broadcast_in_dim3A_82 = vector.broadcast %broadcast_in_dim3A_81 : f32 to vector<16xf32>
      %mul3A_83 = arith.constant 128 : i32
      %mul3A_84 = arith.muli %scan3A_55, %mul3A_83 : i32
      %add3A_85 = arith.constant 32 : i32
      %add3A_86 = arith.addi %mul3A_84, %add3A_85 : i32
      %swap3A_87 = arith.index_cast %add3A_86 : i32 to index
      %swap3A_88 = tpu.vector_load %arg27[%swap3A_87] {strides = array<i32>} : memref<10240xf32, #tpu.memory_space<vmem>>, vector<16xf32>,
      tpu.vector_store %arg27[%swap3A_87], %broadcast_in_dim3A_82 {strides = array<i32>} : memref<10240xf32, #tpu.memory_space<vmem>>, vector<16xf32>,
      %broadcast_in_dim3A_89 = arith.constant 0.000000e+00 : f32
      %broadcast_in_dim3A_90 = vector.broadcast %broadcast_in_dim3A_89 : f32 to vector<16xf32>
      %swap3A_91 = arith.index_cast %scan3A_55 : i32 to index
      %swap3A_92 = arith.constant 32 : index
      %swap3A_93 = tpu.vector_load %arg28[%swap3A_91, %swap3A_92] {strides = array<i32>} : memref<80x128xf32, #tpu.memory_space<vmem>>, vector<16xf32>,
      tpu.vector_store %arg28[%swap3A_91, %swap3A_92], %broadcast_in_dim3A_90 {strides = array<i32>} : memref<80x128xf32, #tpu.memory_space<vmem>>, vector<16xf32>,
      %broadcast_in_dim3A_94 = arith.constant 0.000000e+00 : f32
      %broadcast_in_dim3A_95 = vector.broadcast %broadcast_in_dim3A_94 : f32 to vector<16xf32>
      %mul3A_96 = arith.constant 128 : i32
      %mul3A_97 = arith.muli %scan3A_55, %mul3A_96 : i32
      %add3A_98 = arith.constant 48 : i32
      %add3A_99 = arith.addi %mul3A_97, %add3A_98 : i32
      %swap3A_100 = arith.index_cast %add3A_99 : i32 to index
      %swap3A_101 = tpu.vector_load %arg27[%swap3A_100] {strides = array<i32>} : memref<10240xf32, #tpu.memory_space<vmem>>, vector<16xf32>,
      tpu.vector_store %arg27[%swap3A_100], %broadcast_in_dim3A_95 {strides = array<i32>} : memref<10240xf32, #tpu.memory_space<vmem>>, vector<16xf32>,
      %broadcast_in_dim3A_102 = arith.constant 0.000000e+00 : f32
      %broadcast_in_dim3A_103 = vector.broadcast %broadcast_in_dim3A_102 : f32 to vector<16xf32>
      %swap3A_104 = arith.index_cast %scan3A_55 : i32 to index
      %swap3A_105 = arith.constant 48 : index
      %swap3A_106 = tpu.vector_load %arg28[%swap3A_104, %swap3A_105] {strides = array<i32>} : memref<80x128xf32, #tpu.memory_space<vmem>>, vector<16xf32>,
      tpu.vector_store %arg28[%swap3A_104, %swap3A_105], %broadcast_in_dim3A_103 {strides = array<i32>} : memref<80x128xf32, #tpu.memory_space<vmem>>, vector<16xf32>,
      %broadcast_in_dim3A_107 = arith.constant 0.000000e+00 : f32
      %broadcast_in_dim3A_108 = vector.broadcast %broadcast_in_dim3A_107 : f32 to vector<16xf32>
      %mul3A_109 = arith.constant 128 : i32
      %mul3A_110 = arith.muli %scan3A_55, %mul3A_109 : i32
      %add3A_111 = arith.constant 64 : i32
      %add3A_112 = arith.addi %mul3A_110, %add3A_111 : i32
      %swap3A_113 = arith.index_cast %add3A_112 : i32 to index
      %swap3A_114 = tpu.vector_load %arg27[%swap3A_113] {strides = array<i32>} : memref<10240xf32, #tpu.memory_space<vmem>>, vector<16xf32>,
      tpu.vector_store %arg27[%swap3A_113], %broadcast_in_dim3A_108 {strides = array<i32>} : memref<10240xf32, #tpu.memory_space<vmem>>, vector<16xf32>,
      %broadcast_in_dim3A_115 = arith.constant 0.000000e+00 : f32
      %broadcast_in_dim3A_116 = vector.broadcast %broadcast_in_dim3A_115 : f32 to vector<16xf32>
      %swap3A_117 = arith.index_cast %scan3A_55 : i32 to index
      %swap3A_118 = arith.constant 64 : index
      %swap3A_119 = tpu.vector_load %arg28[%swap3A_117, %swap3A_118] {strides = array<i32>} : memref<80x128xf32, #tpu.memory_space<vmem>>, vector<16xf32>,
      tpu.vector_store %arg28[%swap3A_117, %swap3A_118], %broadcast_in_dim3A_116 {strides = array<i32>} : memref<80x128xf32, #tpu.memory_space<vmem>>, vector<16xf32>,
      %broadcast_in_dim3A_120 = arith.constant 0.000000e+00 : f32
      %broadcast_in_dim3A_121 = vector.broadcast %broadcast_in_dim3A_120 : f32 to vector<16xf32>
      %mul3A_122 = arith.constant 128 : i32
      %mul3A_123 = arith.muli %scan3A_55, %mul3A_122 : i32
      %add3A_124 = arith.constant 80 : i32
      %add3A_125 = arith.addi %mul3A_123, %add3A_124 : i32
      %swap3A_126 = arith.index_cast %add3A_125 : i32 to index
      %swap3A_127 = tpu.vector_load %arg27[%swap3A_126] {strides = array<i32>} : memref<10240xf32, #tpu.memory_space<vmem>>, vector<16xf32>,
      tpu.vector_store %arg27[%swap3A_126], %broadcast_in_dim3A_121 {strides = array<i32>} : memref<10240xf32, #tpu.memory_space<vmem>>, vector<16xf32>,
      %broadcast_in_dim3A_128 = arith.constant 0.000000e+00 : f32
      %broadcast_in_dim3A_129 = vector.broadcast %broadcast_in_dim3A_128 : f32 to vector<16xf32>
      %swap3A_130 = arith.index_cast %scan3A_55 : i32 to index
      %swap3A_131 = arith.constant 80 : index
      %swap3A_132 = tpu.vector_load %arg28[%swap3A_130, %swap3A_131] {strides = array<i32>} : memref<80x128xf32, #tpu.memory_space<vmem>>, vector<16xf32>,
      tpu.vector_store %arg28[%swap3A_130, %swap3A_131], %broadcast_in_dim3A_129 {strides = array<i32>} : memref<80x128xf32, #tpu.memory_space<vmem>>, vector<16xf32>,
      %broadcast_in_dim3A_133 = arith.constant 0.000000e+00 : f32
      %broadcast_in_dim3A_134 = vector.broadcast %broadcast_in_dim3A_133 : f32 to vector<16xf32>
      %mul3A_135 = arith.constant 128 : i32
      %mul3A_136 = arith.muli %scan3A_55, %mul3A_135 : i32
      %add3A_137 = arith.constant 96 : i32
      %add3A_138 = arith.addi %mul3A_136, %add3A_137 : i32
      %swap3A_139 = arith.index_cast %add3A_138 : i32 to index
      %swap3A_140 = tpu.vector_load %arg27[%swap3A_139] {strides = array<i32>} : memref<10240xf32, #tpu.memory_space<vmem>>, vector<16xf32>,
      tpu.vector_store %arg27[%swap3A_139], %broadcast_in_dim3A_134 {strides = array<i32>} : memref<10240xf32, #tpu.memory_space<vmem>>, vector<16xf32>,
      %broadcast_in_dim3A_141 = arith.constant 0.000000e+00 : f32
      %broadcast_in_dim3A_142 = vector.broadcast %broadcast_in_dim3A_141 : f32 to vector<16xf32>
      %swap3A_143 = arith.index_cast %scan3A_55 : i32 to index
      %swap3A_144 = arith.constant 96 : index
      %swap3A_145 = tpu.vector_load %arg28[%swap3A_143, %swap3A_144] {strides = array<i32>} : memref<80x128xf32, #tpu.memory_space<vmem>>, vector<16xf32>,
      tpu.vector_store %arg28[%swap3A_143, %swap3A_144], %broadcast_in_dim3A_142 {strides = array<i32>} : memref<80x128xf32, #tpu.memory_space<vmem>>, vector<16xf32>,
      %broadcast_in_dim3A_146 = arith.constant 0.000000e+00 : f32
      %broadcast_in_dim3A_147 = vector.broadcast %broadcast_in_dim3A_146 : f32 to vector<16xf32>
      %mul3A_148 = arith.constant 128 : i32
      %mul3A_149 = arith.muli %scan3A_55, %mul3A_148 : i32
      %add3A_150 = arith.constant 112 : i32
      %add3A_151 = arith.addi %mul3A_149, %add3A_150 : i32
      %swap3A_152 = arith.index_cast %add3A_151 : i32 to index
      %swap3A_153 = tpu.vector_load %arg27[%swap3A_152] {strides = array<i32>} : memref<10240xf32, #tpu.memory_space<vmem>>, vector<16xf32>,
      tpu.vector_store %arg27[%swap3A_152], %broadcast_in_dim3A_147 {strides = array<i32>} : memref<10240xf32, #tpu.memory_space<vmem>>, vector<16xf32>,
      %broadcast_in_dim3A_154 = arith.constant 0.000000e+00 : f32
      %broadcast_in_dim3A_155 = vector.broadcast %broadcast_in_dim3A_154 : f32 to vector<16xf32>
      %swap3A_156 = arith.index_cast %scan3A_55 : i32 to index
      %swap3A_157 = arith.constant 112 : index
      %swap3A_158 = tpu.vector_load %arg28[%swap3A_156, %swap3A_157] {strides = array<i32>} : memref<80x128xf32, #tpu.memory_space<vmem>>, vector<16xf32>,
      tpu.vector_store %arg28[%swap3A_156, %swap3A_157], %broadcast_in_dim3A_155 {strides = array<i32>} : memref<80x128xf32, #tpu.memory_space<vmem>>, vector<16xf32>,
    }
    %scan3A_7 = arith.constant 80 : i32
    %eq3A = arith.constant 0 : i32
    %eq3A_8 = arith.cmpi eq, %arg1, %eq3A : i32
    %convert_element_type3A = arith.extui %eq3A_8 : i1 to i32
    %cond3A = arith.constant 0 : i32
    %cond3A_9 = arith.cmpi ne, %convert_element_type3A, %cond3A : i32
    scf.if %cond3A_9 {
      "tpu.region"() ({
        %run_scoped3A = tpu.sem_alloc : memref<!tpu.dma_semaphore, #tpu.memory_space<semaphore_mem>>
        tpu.enqueue_dma source(%arg28 : memref<80x128xf32, #tpu.memory_space<vmem>>) target(%arg30 : memref<80x128xf32, #tpu.memory_space<vmem_shared>>) target_semaphore(%run_scoped3A : memref<!tpu.dma_semaphore, #tpu.memory_space<semaphore_mem>>)
        tpu.wait_dma2 semaphore(%run_scoped3A : memref<!tpu.dma_semaphore, #tpu.memory_space<semaphore_mem>>) src(%arg28 : memref<80x128xf32, #tpu.memory_space<vmem>>) dst(%arg30 : memref<80x128xf32, #tpu.memory_space<vmem_shared>>)
        tpu.yield
      }) : () -> ()
    } else {
    }
    %iota3A = tpu.iota {dimensions = array<i32: 0>} : vector<16xi32>
    %add3A_10 = arith.constant 0 : i32
    %add3A_11 = vector.broadcast %add3A_10 : i32 to vector<16xi32>
    %add3A_12 = arith.addi %iota3A, %add3A_11 : vector<16xi32>
    %swap3A = arith.constant 0 : index
    %swap3A_13 = tpu.vector_load %arg29[%swap3A] {strides = array<i32>} : memref<80xi32, #tpu.memory_space<vmem>>, vector<16xi32>,
    tpu.vector_store %arg29[%swap3A], %add3A_12 {strides = array<i32>} : memref<80xi32, #tpu.memory_space<vmem>>, vector<16xi32>,
    %iota3A_14 = tpu.iota {dimensions = array<i32: 0>} : vector<16xi32>
    %add3A_15 = arith.constant 16 : i32
    %add3A_16 = vector.broadcast %add3A_15 : i32 to vector<16xi32>
    %add3A_17 = arith.addi %iota3A_14, %add3A_16 : vector<16xi32>
    %swap3A_18 = arith.constant 16 : index
    %swap3A_19 = tpu.vector_load %arg29[%swap3A_18] {strides = array<i32>} : memref<80xi32, #tpu.memory_space<vmem>>, vector<16xi32>,
    tpu.vector_store %arg29[%swap3A_18], %add3A_17 {strides = array<i32>} : memref<80xi32, #tpu.memory_space<vmem>>, vector<16xi32>,
    %iota3A_20 = tpu.iota {dimensions = array<i32: 0>} : vector<16xi32>
    %add3A_21 = arith.constant 32 : i32
    %add3A_22 = vector.broadcast %add3A_21 : i32 to vector<16xi32>
    %add3A_23 = arith.addi %iota3A_20, %add3A_22 : vector<16xi32>
    %swap3A_24 = arith.constant 32 : index
    %swap3A_25 = tpu.vector_load %arg29[%swap3A_24] {strides = array<i32>} : memref<80xi32, #tpu.memory_space<vmem>>, vector<16xi32>,
    tpu.vector_store %arg29[%swap3A_24], %add3A_23 {strides = array<i32>} : memref<80xi32, #tpu.memory_space<vmem>>, vector<16xi32>,
    %iota3A_26 = tpu.iota {dimensions = array<i32: 0>} : vector<16xi32>
    %add3A_27 = arith.constant 48 : i32
    %add3A_28 = vector.broadcast %add3A_27 : i32 to vector<16xi32>
    %add3A_29 = arith.addi %iota3A_26, %add3A_28 : vector<16xi32>
    %swap3A_30 = arith.constant 48 : index
    %swap3A_31 = tpu.vector_load %arg29[%swap3A_30] {strides = array<i32>} : memref<80xi32, #tpu.memory_space<vmem>>, vector<16xi32>,
    tpu.vector_store %arg29[%swap3A_30], %add3A_29 {strides = array<i32>} : memref<80xi32, #tpu.memory_space<vmem>>, vector<16xi32>,
    %iota3A_32 = tpu.iota {dimensions = array<i32: 0>} : vector<16xi32>
    %add3A_33 = arith.constant 64 : i32
    %add3A_34 = vector.broadcast %add3A_33 : i32 to vector<16xi32>
    %add3A_35 = arith.addi %iota3A_32, %add3A_34 : vector<16xi32>
    %swap3A_36 = arith.constant 64 : index
    %swap3A_37 = tpu.vector_load %arg29[%swap3A_36] {strides = array<i32>} : memref<80xi32, #tpu.memory_space<vmem>>, vector<16xi32>,
    tpu.vector_store %arg29[%swap3A_36], %add3A_35 {strides = array<i32>} : memref<80xi32, #tpu.memory_space<vmem>>, vector<16xi32>,
    %scan3A_38 = arith.constant 0 : i32
    %scan3A_39 = arith.constant 0 : i32
    %scan3A_40 = arith.constant 313 : i32
    %scan3A_41 = arith.addi %scan3A_39, %scan3A_40 : i32
    %scan3A_42 = arith.constant 1 : i32
    scf.for %scan3A_55 = %scan3A_39 to %scan3A_41 step %scan3A_42  : i32 {
      %mul3A_56 = arith.constant 16 : i32
      %mul3A_57 = arith.muli %scan3A_55, %mul3A_56 : i32
      %iota3A_58 = tpu.iota {dimensions = array<i32: 0>} : vector<16xi32>
      %mul3A_59 = arith.constant 16 : i32
      %mul3A_60 = arith.muli %scan3A_55, %mul3A_59 : i32
      %add3A_61 = vector.broadcast %mul3A_60 : i32 to vector<16xi32>
      %add3A_62 = arith.addi %iota3A_58, %add3A_61 : vector<16xi32>
      %lt3A_63 = arith.constant 5000 : i32
      %lt3A_64 = vector.broadcast %lt3A_63 : i32 to vector<16xi32>
      %lt3A_65 = arith.cmpi slt, %add3A_62, %lt3A_64 : vector<16xi32>
      %broadcast_in_dim3A = arith.constant 0 : i32
      %broadcast_in_dim3A_66 = vector.broadcast %broadcast_in_dim3A : i32 to vector<16xi32>
      %get3A = arith.index_cast %mul3A_57 : i32 to index
      %get3A_67 = tpu.vector_load %arg20[%get3A] {strides = array<i32>} : memref<5120xi32, #tpu.memory_space<vmem>>, vector<16xi32>,
      %select_n3A = arith.select %lt3A_65, %get3A_67, %broadcast_in_dim3A_66 : vector<16xi1>, vector<16xi32>
      %get3A_68 = arith.index_cast %mul3A_57 : i32 to index
      %get3A_69 = tpu.vector_load %arg21[%get3A_68] {strides = array<i32>} : memref<5120xi32, #tpu.memory_space<vmem>>, vector<16xi32>,
      %select_n3A_70 = arith.select %lt3A_65, %get3A_69, %broadcast_in_dim3A_66 : vector<16xi1>, vector<16xi32>
      %get3A_71 = arith.index_cast %mul3A_57 : i32 to index
      %get3A_72 = tpu.vector_load %arg22[%get3A_71] {strides = array<i32>} : memref<5120xi32, #tpu.memory_space<vmem>>, vector<16xi32>,
      %select_n3A_73 = arith.select %lt3A_65, %get3A_72, %broadcast_in_dim3A_66 : vector<16xi1>, vector<16xi32>
      %gather3A = tpu.vector_load_idx %arg15[%select_n3A] : memref<10240xf32, #tpu.memory_space<vmem>>[vector<16xi32>], vector<16xf32>,
      %gather3A_74 = tpu.vector_load_idx %arg16[%select_n3A_70] : memref<10240xf32, #tpu.memory_space<vmem>>[vector<16xi32>], vector<16xf32>,
      %gather3A_75 = tpu.vector_load_idx %arg17[%select_n3A] : memref<10240xf32, #tpu.memory_space<vmem>>[vector<16xi32>], vector<16xf32>,
      %gather3A_76 = tpu.vector_load_idx %arg18[%select_n3A_70] : memref<10240xf32, #tpu.memory_space<vmem>>[vector<16xi32>], vector<16xf32>,
      %gather3A_77 = tpu.vector_load_idx %arg19[%select_n3A_73] : memref<128xf32, #tpu.memory_space<vmem>>[vector<16xi32>], vector<16xf32>,
      %get3A_78 = arith.index_cast %mul3A_57 : i32 to index
      %get3A_79 = tpu.vector_load %arg23[%get3A_78] {strides = array<i32>} : memref<5120xf32, #tpu.memory_space<vmem>>, vector<16xf32>,
      %get3A_80 = arith.index_cast %mul3A_57 : i32 to index
      %get3A_81 = tpu.vector_load %arg24[%get3A_80] {strides = array<i32>} : memref<5120xf32, #tpu.memory_space<vmem>>, vector<16xf32>,
      %add3A_82 = arith.addf %gather3A, %gather3A_74 : vector<16xf32>
      %add3A_83 = arith.addf %add3A_82, %gather3A_77 : vector<16xf32>
      %gt3A = arith.constant 0.000000e+00 : f32
      %gt3A_84 = vector.broadcast %gt3A : f32 to vector<16xf32>
      %gt3A_85 = arith.cmpf ogt, %add3A_83, %gt3A_84 : vector<16xf32>
      %mul3A_86 = arith.constant 2.000000e-01 : f32
      %mul3A_87 = vector.broadcast %mul3A_86 : f32 to vector<16xf32>
      %mul3A_88 = arith.mulf %mul3A_87, %add3A_83 : vector<16xf32>
      %select_n3A_89 = arith.select %gt3A_85, %add3A_83, %mul3A_88 : vector<16xi1>, vector<16xf32>
      %add3A_90 = arith.addf %get3A_79, %gather3A_75 : vector<16xf32>
      %add3A_91 = arith.addf %add3A_90, %gather3A_76 : vector<16xf32>
      %neg3A = arith.constant 0.000000e+00 : f32
      %neg3A_92 = vector.broadcast %neg3A : f32 to vector<16xf32>
      %neg3A_93 = arith.subf %neg3A_92, %add3A_91 : vector<16xf32>
      %exp3A = math.exp %neg3A_93 : vector<16xf32>
      %add3A_94 = arith.constant 1.000000e+00 : f32
      %add3A_95 = vector.broadcast %add3A_94 : f32 to vector<16xf32>
      %add3A_96 = arith.addf %add3A_95, %exp3A : vector<16xf32>
      %div3A = arith.constant 1.000000e+00 : f32
      %div3A_97 = vector.broadcast %div3A : f32 to vector<16xf32>
      %div3A_98 = arith.divf %div3A_97, %add3A_96 : vector<16xf32>
      %mul3A_99 = arith.mulf %div3A_98, %get3A_81 : vector<16xf32>
      %add3A_100 = arith.addf %select_n3A_89, %mul3A_99 : vector<16xf32>
      %exp3A_101 = math.exp %add3A_100 : vector<16xf32>
      %swap3A_102 = arith.index_cast %mul3A_57 : i32 to index
      %swap3A_103 = tpu.vector_load %arg25[%swap3A_102] {strides = array<i32>} : memref<5120xf32, #tpu.memory_space<vmem>>, vector<16xf32>,
      tpu.vector_store %arg25[%swap3A_102], %div3A_98 {strides = array<i32>} : memref<5120xf32, #tpu.memory_space<vmem>>, vector<16xf32>,
      %swap3A_104 = arith.index_cast %mul3A_57 : i32 to index
      %swap3A_105 = tpu.vector_load %arg26[%swap3A_104] {strides = array<i32>} : memref<5120xf32, #tpu.memory_space<vmem>>, vector<16xf32>,
      tpu.vector_store %arg26[%swap3A_104], %exp3A_101 {strides = array<i32>} : memref<5120xf32, #tpu.memory_space<vmem>>, vector<16xf32>,
      tpu.vector_store_idx %arg27[%select_n3A_70], %exp3A_101 masked %lt3A_65 {add = true} : memref<10240xf32, #tpu.memory_space<vmem>>[vector<16xi32>], vector<16xf32>, vector<16xi1>
    }
    %scan3A_43 = arith.constant 313 : i32
    "tpu.region"() ({
      %run_scoped3A = tpu.sem_alloc : memref<!tpu.dma_semaphore, #tpu.memory_space<semaphore_mem>>
      %dma_start3A = arith.constant 0 : i32
      %dma_start3A_55 = tpu.memref_slice %arg25[%dma_start3A] : memref<5120xf32, #tpu.memory_space<vmem>> -> memref<5000xf32, #tpu.memory_space<vmem>>
      %dma_start3A_56 = tpu.memref_slice %arg12[%mul3A_2] : memref<160000xf32, #tpu.memory_space<hbm>> -> memref<5000xf32, #tpu.memory_space<hbm>>
      %dma_start3A_57 = tpu.memref_slice %arg12[%mul3A_2] : memref<160000xf32, #tpu.memory_space<hbm>> -> memref<5000xf32, #tpu.memory_space<hbm>>
      %dma_start3A_58 = arith.constant 0 : i32
      %dma_start3A_59 = tpu.memref_slice %arg25[%dma_start3A_58] : memref<5120xf32, #tpu.memory_space<vmem>> -> memref<5000xf32, #tpu.memory_space<vmem>>
      tpu.enqueue_dma source(%dma_start3A_59 : memref<5000xf32, #tpu.memory_space<vmem>>) target(%dma_start3A_57 : memref<5000xf32, #tpu.memory_space<hbm>>) target_semaphore(%run_scoped3A : memref<!tpu.dma_semaphore, #tpu.memory_space<semaphore_mem>>)
      %dma_wait3A = arith.constant 0 : i32
      %dma_wait3A_60 = tpu.memref_slice %arg25[%dma_wait3A] : memref<5120xf32, #tpu.memory_space<vmem>> -> memref<5000xf32, #tpu.memory_space<vmem>>
      %dma_wait3A_61 = tpu.memref_slice %arg12[%mul3A_2] : memref<160000xf32, #tpu.memory_space<hbm>> -> memref<5000xf32, #tpu.memory_space<hbm>>
      %dma_wait3A_62 = tpu.memref_slice %arg12[%mul3A_2] : memref<160000xf32, #tpu.memory_space<hbm>> -> memref<5000xf32, #tpu.memory_space<hbm>>
      %dma_wait3A_63 = arith.constant 0 : i32
      %dma_wait3A_64 = tpu.memref_slice %arg25[%dma_wait3A_63] : memref<5120xf32, #tpu.memory_space<vmem>> -> memref<5000xf32, #tpu.memory_space<vmem>>
      tpu.wait_dma2 semaphore(%run_scoped3A : memref<!tpu.dma_semaphore, #tpu.memory_space<semaphore_mem>>) src(%dma_wait3A_64 : memref<5000xf32, #tpu.memory_space<vmem>>) dst(%dma_wait3A_62 : memref<5000xf32, #tpu.memory_space<hbm>>)
      tpu.yield
    }) : () -> ()
    "tpu.region"() ({
      %run_scoped3A = tpu.sem_alloc : memref<!tpu.dma_semaphore, #tpu.memory_space<semaphore_mem>>
      %dma_start3A = arith.constant 0 : i32
      %dma_start3A_55 = tpu.memref_slice %arg26[%dma_start3A] : memref<5120xf32, #tpu.memory_space<vmem>> -> memref<5000xf32, #tpu.memory_space<vmem>>
      %dma_start3A_56 = tpu.memref_slice %arg13[%mul3A_2] : memref<160000xf32, #tpu.memory_space<hbm>> -> memref<5000xf32, #tpu.memory_space<hbm>>
      %dma_start3A_57 = tpu.memref_slice %arg13[%mul3A_2] : memref<160000xf32, #tpu.memory_space<hbm>> -> memref<5000xf32, #tpu.memory_space<hbm>>
      %dma_start3A_58 = arith.constant 0 : i32
      %dma_start3A_59 = tpu.memref_slice %arg26[%dma_start3A_58] : memref<5120xf32, #tpu.memory_space<vmem>> -> memref<5000xf32, #tpu.memory_space<vmem>>
      tpu.enqueue_dma source(%dma_start3A_59 : memref<5000xf32, #tpu.memory_space<vmem>>) target(%dma_start3A_57 : memref<5000xf32, #tpu.memory_space<hbm>>) target_semaphore(%run_scoped3A : memref<!tpu.dma_semaphore, #tpu.memory_space<semaphore_mem>>)
      %dma_wait3A = arith.constant 0 : i32
      %dma_wait3A_60 = tpu.memref_slice %arg26[%dma_wait3A] : memref<5120xf32, #tpu.memory_space<vmem>> -> memref<5000xf32, #tpu.memory_space<vmem>>
      %dma_wait3A_61 = tpu.memref_slice %arg13[%mul3A_2] : memref<160000xf32, #tpu.memory_space<hbm>> -> memref<5000xf32, #tpu.memory_space<hbm>>
      %dma_wait3A_62 = tpu.memref_slice %arg13[%mul3A_2] : memref<160000xf32, #tpu.memory_space<hbm>> -> memref<5000xf32, #tpu.memory_space<hbm>>
      %dma_wait3A_63 = arith.constant 0 : i32
      %dma_wait3A_64 = tpu.memref_slice %arg26[%dma_wait3A_63] : memref<5120xf32, #tpu.memory_space<vmem>> -> memref<5000xf32, #tpu.memory_space<vmem>>
      tpu.wait_dma2 semaphore(%run_scoped3A : memref<!tpu.dma_semaphore, #tpu.memory_space<semaphore_mem>>) src(%dma_wait3A_64 : memref<5000xf32, #tpu.memory_space<vmem>>) dst(%dma_wait3A_62 : memref<5000xf32, #tpu.memory_space<hbm>>)
      tpu.yield
    }) : () -> ()
    %scan3A_44 = arith.constant 0 : i32
    %scan3A_45 = arith.constant 0 : i32
    %scan3A_46 = arith.constant 80 : i32
    %scan3A_47 = arith.addi %scan3A_45, %scan3A_46 : i32
    %scan3A_48 = arith.constant 1 : i32
    scf.for %scan3A_55 = %scan3A_45 to %scan3A_47 step %scan3A_48  : i32 {
      %mul3A_56 = arith.constant 128 : i32
      %mul3A_57 = arith.muli %scan3A_55, %mul3A_56 : i32
      %add3A_58 = arith.constant 0 : i32
      %add3A_59 = arith.addi %mul3A_57, %add3A_58 : i32
      %get3A = arith.index_cast %add3A_59 : i32 to index
      %get3A_60 = tpu.vector_load %arg27[%get3A] {strides = array<i32>} : memref<10240xf32, #tpu.memory_space<vmem>>, vector<16xf32>,
      %swap3A_61 = arith.index_cast %scan3A_55 : i32 to index
      %swap3A_62 = arith.constant 0 : index
      %swap3A_63 = tpu.vector_load %arg28[%swap3A_61, %swap3A_62] {strides = array<i32>} : memref<80x128xf32, #tpu.memory_space<vmem>>, vector<16xf32>,
      tpu.vector_store %arg28[%swap3A_61, %swap3A_62], %get3A_60 {strides = array<i32>} : memref<80x128xf32, #tpu.memory_space<vmem>>, vector<16xf32>,
      %mul3A_64 = arith.constant 128 : i32
      %mul3A_65 = arith.muli %scan3A_55, %mul3A_64 : i32
      %add3A_66 = arith.constant 16 : i32
      %add3A_67 = arith.addi %mul3A_65, %add3A_66 : i32
      %get3A_68 = arith.index_cast %add3A_67 : i32 to index
      %get3A_69 = tpu.vector_load %arg27[%get3A_68] {strides = array<i32>} : memref<10240xf32, #tpu.memory_space<vmem>>, vector<16xf32>,
      %swap3A_70 = arith.index_cast %scan3A_55 : i32 to index
      %swap3A_71 = arith.constant 16 : index
      %swap3A_72 = tpu.vector_load %arg28[%swap3A_70, %swap3A_71] {strides = array<i32>} : memref<80x128xf32, #tpu.memory_space<vmem>>, vector<16xf32>,
      tpu.vector_store %arg28[%swap3A_70, %swap3A_71], %get3A_69 {strides = array<i32>} : memref<80x128xf32, #tpu.memory_space<vmem>>, vector<16xf32>,
      %mul3A_73 = arith.constant 128 : i32
      %mul3A_74 = arith.muli %scan3A_55, %mul3A_73 : i32
      %add3A_75 = arith.constant 32 : i32
      %add3A_76 = arith.addi %mul3A_74, %add3A_75 : i32
      %get3A_77 = arith.index_cast %add3A_76 : i32 to index
      %get3A_78 = tpu.vector_load %arg27[%get3A_77] {strides = array<i32>} : memref<10240xf32, #tpu.memory_space<vmem>>, vector<16xf32>,
      %swap3A_79 = arith.index_cast %scan3A_55 : i32 to index
      %swap3A_80 = arith.constant 32 : index
      %swap3A_81 = tpu.vector_load %arg28[%swap3A_79, %swap3A_80] {strides = array<i32>} : memref<80x128xf32, #tpu.memory_space<vmem>>, vector<16xf32>,
      tpu.vector_store %arg28[%swap3A_79, %swap3A_80], %get3A_78 {strides = array<i32>} : memref<80x128xf32, #tpu.memory_space<vmem>>, vector<16xf32>,
      %mul3A_82 = arith.constant 128 : i32
      %mul3A_83 = arith.muli %scan3A_55, %mul3A_82 : i32
      %add3A_84 = arith.constant 48 : i32
      %add3A_85 = arith.addi %mul3A_83, %add3A_84 : i32
      %get3A_86 = arith.index_cast %add3A_85 : i32 to index
      %get3A_87 = tpu.vector_load %arg27[%get3A_86] {strides = array<i32>} : memref<10240xf32, #tpu.memory_space<vmem>>, vector<16xf32>,
      %swap3A_88 = arith.index_cast %scan3A_55 : i32 to index
      %swap3A_89 = arith.constant 48 : index
      %swap3A_90 = tpu.vector_load %arg28[%swap3A_88, %swap3A_89] {strides = array<i32>} : memref<80x128xf32, #tpu.memory_space<vmem>>, vector<16xf32>,
      tpu.vector_store %arg28[%swap3A_88, %swap3A_89], %get3A_87 {strides = array<i32>} : memref<80x128xf32, #tpu.memory_space<vmem>>, vector<16xf32>,
      %mul3A_91 = arith.constant 128 : i32
      %mul3A_92 = arith.muli %scan3A_55, %mul3A_91 : i32
      %add3A_93 = arith.constant 64 : i32
      %add3A_94 = arith.addi %mul3A_92, %add3A_93 : i32
      %get3A_95 = arith.index_cast %add3A_94 : i32 to index
      %get3A_96 = tpu.vector_load %arg27[%get3A_95] {strides = array<i32>} : memref<10240xf32, #tpu.memory_space<vmem>>, vector<16xf32>,
      %swap3A_97 = arith.index_cast %scan3A_55 : i32 to index
      %swap3A_98 = arith.constant 64 : index
      %swap3A_99 = tpu.vector_load %arg28[%swap3A_97, %swap3A_98] {strides = array<i32>} : memref<80x128xf32, #tpu.memory_space<vmem>>, vector<16xf32>,
      tpu.vector_store %arg28[%swap3A_97, %swap3A_98], %get3A_96 {strides = array<i32>} : memref<80x128xf32, #tpu.memory_space<vmem>>, vector<16xf32>,
      %mul3A_100 = arith.constant 128 : i32
      %mul3A_101 = arith.muli %scan3A_55, %mul3A_100 : i32
      %add3A_102 = arith.constant 80 : i32
      %add3A_103 = arith.addi %mul3A_101, %add3A_102 : i32
      %get3A_104 = arith.index_cast %add3A_103 : i32 to index
      %get3A_105 = tpu.vector_load %arg27[%get3A_104] {strides = array<i32>} : memref<10240xf32, #tpu.memory_space<vmem>>, vector<16xf32>,
      %swap3A_106 = arith.index_cast %scan3A_55 : i32 to index
      %swap3A_107 = arith.constant 80 : index
      %swap3A_108 = tpu.vector_load %arg28[%swap3A_106, %swap3A_107] {strides = array<i32>} : memref<80x128xf32, #tpu.memory_space<vmem>>, vector<16xf32>,
      tpu.vector_store %arg28[%swap3A_106, %swap3A_107], %get3A_105 {strides = array<i32>} : memref<80x128xf32, #tpu.memory_space<vmem>>, vector<16xf32>,
      %mul3A_109 = arith.constant 128 : i32
      %mul3A_110 = arith.muli %scan3A_55, %mul3A_109 : i32
      %add3A_111 = arith.constant 96 : i32
      %add3A_112 = arith.addi %mul3A_110, %add3A_111 : i32
      %get3A_113 = arith.index_cast %add3A_112 : i32 to index
      %get3A_114 = tpu.vector_load %arg27[%get3A_113] {strides = array<i32>} : memref<10240xf32, #tpu.memory_space<vmem>>, vector<16xf32>,
      %swap3A_115 = arith.index_cast %scan3A_55 : i32 to index
      %swap3A_116 = arith.constant 96 : index
      %swap3A_117 = tpu.vector_load %arg28[%swap3A_115, %swap3A_116] {strides = array<i32>} : memref<80x128xf32, #tpu.memory_space<vmem>>, vector<16xf32>,
      tpu.vector_store %arg28[%swap3A_115, %swap3A_116], %get3A_114 {strides = array<i32>} : memref<80x128xf32, #tpu.memory_space<vmem>>, vector<16xf32>,
      %mul3A_118 = arith.constant 128 : i32
      %mul3A_119 = arith.muli %scan3A_55, %mul3A_118 : i32
      %add3A_120 = arith.constant 112 : i32
      %add3A_121 = arith.addi %mul3A_119, %add3A_120 : i32
      %get3A_122 = arith.index_cast %add3A_121 : i32 to index
      %get3A_123 = tpu.vector_load %arg27[%get3A_122] {strides = array<i32>} : memref<10240xf32, #tpu.memory_space<vmem>>, vector<16xf32>,
      %swap3A_124 = arith.index_cast %scan3A_55 : i32 to index
      %swap3A_125 = arith.constant 112 : index
      %swap3A_126 = tpu.vector_load %arg28[%swap3A_124, %swap3A_125] {strides = array<i32>} : memref<80x128xf32, #tpu.memory_space<vmem>>, vector<16xf32>,
      tpu.vector_store %arg28[%swap3A_124, %swap3A_125], %get3A_123 {strides = array<i32>} : memref<80x128xf32, #tpu.memory_space<vmem>>, vector<16xf32>,
    }
    %scan3A_49 = arith.constant 80 : i32
    %barrier3A = arith.constant 0 : index
    tpu.barrier barrier_id(%barrier3A)
    "tpu.region"() ({
      %run_scoped3A = tpu.sem_alloc : memref<!tpu.dma_semaphore, #tpu.memory_space<semaphore_mem>>
      %dma_start3A = arith.constant 0 : i32
      %dma_start3A_55 = arith.constant 0 : i32
      %dma_start3A_56 = tpu.memref_slice %arg30[%dma_start3A, %dma_start3A_55] : memref<80x128xf32, #tpu.memory_space<vmem_shared>> -> memref<80x128xf32, #tpu.memory_space<vmem_shared>>
      tpu.enqueue_indirect_dma source(%arg28 : memref<80x128xf32, #tpu.memory_space<vmem>>) target(%dma_start3A_56 : memref<80x128xf32, #tpu.memory_space<vmem_shared>>) offsets(%arg29 : memref<80xi32, #tpu.memory_space<vmem>>) semaphore(%run_scoped3A : memref<!tpu.dma_semaphore, #tpu.memory_space<semaphore_mem>>) {add = true}
      %dma_wait3A = arith.constant 0 : i32
      %dma_wait3A_57 = arith.constant 0 : i32
      %dma_wait3A_58 = tpu.memref_slice %arg30[%dma_wait3A, %dma_wait3A_57] : memref<80x128xf32, #tpu.memory_space<vmem_shared>> -> memref<80x128xf32, #tpu.memory_space<vmem_shared>>
      tpu.wait_indirect_dma semaphore(%run_scoped3A : memref<!tpu.dma_semaphore, #tpu.memory_space<semaphore_mem>>) src(%arg28 : memref<80x128xf32, #tpu.memory_space<vmem>>) dst(%dma_wait3A_58 : memref<80x128xf32, #tpu.memory_space<vmem_shared>>)
      tpu.yield
    }) : () -> ()
    %barrier3A_50 = arith.constant 0 : index
    tpu.barrier barrier_id(%barrier3A_50)
    %lt3A = arith.constant 10 : i32
    %lt3A_51 = arith.cmpi slt, %arg1, %lt3A : i32
    %convert_element_type3A_52 = arith.extui %lt3A_51 : i1 to i32
    %cond3A_53 = arith.constant 0 : i32
    %cond3A_54 = arith.cmpi ne, %convert_element_type3A_52, %cond3A_53 : i32
    scf.if %cond3A_54 {
      %mul3A_55 = arith.constant 8 : i32
      %mul3A_56 = arith.muli %arg1, %mul3A_55 : i32
      "tpu.region"() ({
        %run_scoped3A = tpu.sem_alloc : memref<!tpu.dma_semaphore, #tpu.memory_space<semaphore_mem>>
        %dma_start3A = arith.constant 0 : i32
        %dma_start3A_57 = tpu.memref_slice %arg14[%arg0, %mul3A_56, %dma_start3A] : memref<2x80x128xf32, #tpu.memory_space<hbm>> -> memref<1x8x128xf32, #tpu.memory_space<hbm>>
        %dma_start3A_58 = tpu.memref_squeeze %dma_start3A_57 : memref<1x8x128xf32, #tpu.memory_space<hbm>> -> memref<8x128xf32, #tpu.memory_space<hbm>>
        %dma_start3A_59 = arith.constant 0 : i32
        %dma_start3A_60 = tpu.memref_slice %arg30[%mul3A_56, %dma_start3A_59] : memref<80x128xf32, #tpu.memory_space<vmem_shared>> -> memref<8x128xf32, #tpu.memory_space<vmem_shared>>
        tpu.enqueue_dma source(%dma_start3A_60 : memref<8x128xf32, #tpu.memory_space<vmem_shared>>) target(%dma_start3A_58 : memref<8x128xf32, #tpu.memory_space<hbm>>) target_semaphore(%run_scoped3A : memref<!tpu.dma_semaphore, #tpu.memory_space<semaphore_mem>>)
        %dma_wait3A = arith.constant 0 : i32
        %dma_wait3A_61 = tpu.memref_slice %arg14[%arg0, %mul3A_56, %dma_wait3A] : memref<2x80x128xf32, #tpu.memory_space<hbm>> -> memref<1x8x128xf32, #tpu.memory_space<hbm>>
        %dma_wait3A_62 = tpu.memref_squeeze %dma_wait3A_61 : memref<1x8x128xf32, #tpu.memory_space<hbm>> -> memref<8x128xf32, #tpu.memory_space<hbm>>
        %dma_wait3A_63 = arith.constant 0 : i32
        %dma_wait3A_64 = tpu.memref_slice %arg30[%mul3A_56, %dma_wait3A_63] : memref<80x128xf32, #tpu.memory_space<vmem_shared>> -> memref<8x128xf32, #tpu.memory_space<vmem_shared>>
        tpu.wait_dma2 semaphore(%run_scoped3A : memref<!tpu.dma_semaphore, #tpu.memory_space<semaphore_mem>>) src(%dma_wait3A_64 : memref<8x128xf32, #tpu.memory_space<vmem_shared>>) dst(%dma_wait3A_62 : memref<8x128xf32, #tpu.memory_space<hbm>>)
        tpu.yield
      }) : () -> ()
    } else {
    }
    return
  }
}

#map = affine_map<(d0, d1) -> (0)>
#map1 = affine_map<(d0, d1) -> (0, 0, 0)>
module attributes {stable_mosaic.version = 14 : i64} {
  func.func @_sc_a_body(%arg0: i32, %arg1: i32, %arg2: memref<10000xf32, #tpu.memory_space<hbm>>, %arg3: memref<10000xf32, #tpu.memory_space<hbm>>, %arg4: memref<10000xf32, #tpu.memory_space<hbm>>, %arg5: memref<10000xf32, #tpu.memory_space<hbm>>, %arg6: memref<16xf32, #tpu.memory_space<hbm>>, %arg7: memref<160000xi32, #tpu.memory_space<hbm>>, %arg8: memref<160000xi32, #tpu.memory_space<hbm>>, %arg9: memref<160000xi32, #tpu.memory_space<hbm>>, %arg10: memref<160000xf32, #tpu.memory_space<hbm>>, %arg11: memref<160000xf32, #tpu.memory_space<hbm>>, %arg12: memref<160000xf32, #tpu.memory_space<hbm>>, %arg13: memref<160000xf32, #tpu.memory_space<hbm>>, %arg14: memref<2x80x128xf32, #tpu.memory_space<hbm>>, %arg15: memref<10240xf32, #tpu.memory_space<vmem>>, %arg16: memref<10240xf32, #tpu.memory_space<vmem>>, %arg17: memref<10240xf32, #tpu.memory_space<vmem>>, %arg18: memref<10240xf32, #tpu.memory_space<vmem>>, %arg19: memref<128xf32, #tpu.memory_space<vmem>>, %arg20: memref<5120xi32, #tpu.memory_space<vmem>>, %arg21: memref<5120xi32, #tpu.memory_space<vmem>>, %arg22: memref<5120xi32, #tpu.memory_space<vmem>>, %arg23: memref<5120xf32, #tpu.memory_space<vmem>>, %arg24: memref<5120xf32, #tpu.memory_space<vmem>>, %arg25: memref<5120xf32, #tpu.memory_space<vmem>>, %arg26: memref<5120xf32, #tpu.memory_space<vmem>>, %arg27: memref<10240xf32, #tpu.memory_space<vmem>>, %arg28: memref<80x128xf32, #tpu.memory_space<vmem>>, %arg29: memref<80xi32, #tpu.memory_space<vmem>>, %arg30: memref<80x128xf32, #tpu.memory_space<vmem_shared>>) attributes {dimension_semantics = [#tpu.dimension_semantics<core_parallel>, #tpu.dimension_semantics<subcore_parallel>], iteration_bounds = array<i64: 2, 16>, scalar_prefetch = 0 : i64, scratch_operands = 16 : i64, tpu.core_type = #tpu.core_type<sc_vector_subcore>, window_params = [{transform_indices = #map}, {transform_indices = #map}, {transform_indices = #map}, {transform_indices = #map}, {transform_indices = #map}, {transform_indices = #map}, {transform_indices = #map}, {transform_indices = #map}, {transform_indices = #map}, {transform_indices = #map}, {transform_indices = #map}, {transform_indices = #map}, {transform_indices = #map1}]} {
    %mul3A = arith.constant 2 : i32
    %mul3A_0 = arith.muli %arg1, %mul3A : i32
    %add3A = arith.addi %mul3A_0, %arg0 : i32
    %mul3A_1 = arith.constant 5000 : i32
    %mul3A_2 = arith.muli %add3A, %mul3A_1 : i32
    "tpu.region"() ({
      %run_scoped3A = tpu.sem_alloc : memref<!tpu.dma_semaphore, #tpu.memory_space<semaphore_mem>>
      %dma_start3A = arith.constant 0 : i32
      %dma_start3A_55 = tpu.memref_slice %arg15[%dma_start3A] : memref<10240xf32, #tpu.memory_space<vmem>> -> memref<10000xf32, #tpu.memory_space<vmem>>
      %dma_start3A_56 = arith.constant 0 : i32
      %dma_start3A_57 = tpu.memref_slice %arg15[%dma_start3A_56] : memref<10240xf32, #tpu.memory_space<vmem>> -> memref<10000xf32, #tpu.memory_space<vmem>>
      tpu.enqueue_dma source(%arg2 : memref<10000xf32, #tpu.memory_space<hbm>>) target(%dma_start3A_57 : memref<10000xf32, #tpu.memory_space<vmem>>) target_semaphore(%run_scoped3A : memref<!tpu.dma_semaphore, #tpu.memory_space<semaphore_mem>>)
      %dma_wait3A = arith.constant 0 : i32
      %dma_wait3A_58 = tpu.memref_slice %arg15[%dma_wait3A] : memref<10240xf32, #tpu.memory_space<vmem>> -> memref<10000xf32, #tpu.memory_space<vmem>>
      %dma_wait3A_59 = arith.constant 0 : i32
      %dma_wait3A_60 = tpu.memref_slice %arg15[%dma_wait3A_59] : memref<10240xf32, #tpu.memory_space<vmem>> -> memref<10000xf32, #tpu.memory_space<vmem>>
      tpu.wait_dma2 semaphore(%run_scoped3A : memref<!tpu.dma_semaphore, #tpu.memory_space<semaphore_mem>>) src(%arg2 : memref<10000xf32, #tpu.memory_space<hbm>>) dst(%dma_wait3A_60 : memref<10000xf32, #tpu.memory_space<vmem>>)
      tpu.yield
    }) : () -> ()
    "tpu.region"() ({
      %run_scoped3A = tpu.sem_alloc : memref<!tpu.dma_semaphore, #tpu.memory_space<semaphore_mem>>
      %dma_start3A = arith.constant 0 : i32
      %dma_start3A_55 = tpu.memref_slice %arg16[%dma_start3A] : memref<10240xf32, #tpu.memory_space<vmem>> -> memref<10000xf32, #tpu.memory_space<vmem>>
      %dma_start3A_56 = arith.constant 0 : i32
      %dma_start3A_57 = tpu.memref_slice %arg16[%dma_start3A_56] : memref<10240xf32, #tpu.memory_space<vmem>> -> memref<10000xf32, #tpu.memory_space<vmem>>
      tpu.enqueue_dma source(%arg3 : memref<10000xf32, #tpu.memory_space<hbm>>) target(%dma_start3A_57 : memref<10000xf32, #tpu.memory_space<vmem>>) target_semaphore(%run_scoped3A : memref<!tpu.dma_semaphore, #tpu.memory_space<semaphore_mem>>)
      %dma_wait3A = arith.constant 0 : i32
      %dma_wait3A_58 = tpu.memref_slice %arg16[%dma_wait3A] : memref<10240xf32, #tpu.memory_space<vmem>> -> memref<10000xf32, #tpu.memory_space<vmem>>
      %dma_wait3A_59 = arith.constant 0 : i32
      %dma_wait3A_60 = tpu.memref_slice %arg16[%dma_wait3A_59] : memref<10240xf32, #tpu.memory_space<vmem>> -> memref<10000xf32, #tpu.memory_space<vmem>>
      tpu.wait_dma2 semaphore(%run_scoped3A : memref<!tpu.dma_semaphore, #tpu.memory_space<semaphore_mem>>) src(%arg3 : memref<10000xf32, #tpu.memory_space<hbm>>) dst(%dma_wait3A_60 : memref<10000xf32, #tpu.memory_space<vmem>>)
      tpu.yield
    }) : () -> ()
    "tpu.region"() ({
      %run_scoped3A = tpu.sem_alloc : memref<!tpu.dma_semaphore, #tpu.memory_space<semaphore_mem>>
      %dma_start3A = arith.constant 0 : i32
      %dma_start3A_55 = tpu.memref_slice %arg17[%dma_start3A] : memref<10240xf32, #tpu.memory_space<vmem>> -> memref<10000xf32, #tpu.memory_space<vmem>>
      %dma_start3A_56 = arith.constant 0 : i32
      %dma_start3A_57 = tpu.memref_slice %arg17[%dma_start3A_56] : memref<10240xf32, #tpu.memory_space<vmem>> -> memref<10000xf32, #tpu.memory_space<vmem>>
      tpu.enqueue_dma source(%arg4 : memref<10000xf32, #tpu.memory_space<hbm>>) target(%dma_start3A_57 : memref<10000xf32, #tpu.memory_space<vmem>>) target_semaphore(%run_scoped3A : memref<!tpu.dma_semaphore, #tpu.memory_space<semaphore_mem>>)
      %dma_wait3A = arith.constant 0 : i32
      %dma_wait3A_58 = tpu.memref_slice %arg17[%dma_wait3A] : memref<10240xf32, #tpu.memory_space<vmem>> -> memref<10000xf32, #tpu.memory_space<vmem>>
      %dma_wait3A_59 = arith.constant 0 : i32
      %dma_wait3A_60 = tpu.memref_slice %arg17[%dma_wait3A_59] : memref<10240xf32, #tpu.memory_space<vmem>> -> memref<10000xf32, #tpu.memory_space<vmem>>
      tpu.wait_dma2 semaphore(%run_scoped3A : memref<!tpu.dma_semaphore, #tpu.memory_space<semaphore_mem>>) src(%arg4 : memref<10000xf32, #tpu.memory_space<hbm>>) dst(%dma_wait3A_60 : memref<10000xf32, #tpu.memory_space<vmem>>)
      tpu.yield
    }) : () -> ()
    "tpu.region"() ({
      %run_scoped3A = tpu.sem_alloc : memref<!tpu.dma_semaphore, #tpu.memory_space<semaphore_mem>>
      %dma_start3A = arith.constant 0 : i32
      %dma_start3A_55 = tpu.memref_slice %arg18[%dma_start3A] : memref<10240xf32, #tpu.memory_space<vmem>> -> memref<10000xf32, #tpu.memory_space<vmem>>
      %dma_start3A_56 = arith.constant 0 : i32
      %dma_start3A_57 = tpu.memref_slice %arg18[%dma_start3A_56] : memref<10240xf32, #tpu.memory_space<vmem>> -> memref<10000xf32, #tpu.memory_space<vmem>>
      tpu.enqueue_dma source(%arg5 : memref<10000xf32, #tpu.memory_space<hbm>>) target(%dma_start3A_57 : memref<10000xf32, #tpu.memory_space<vmem>>) target_semaphore(%run_scoped3A : memref<!tpu.dma_semaphore, #tpu.memory_space<semaphore_mem>>)
      %dma_wait3A = arith.constant 0 : i32
      %dma_wait3A_58 = tpu.memref_slice %arg18[%dma_wait3A] : memref<10240xf32, #tpu.memory_space<vmem>> -> memref<10000xf32, #tpu.memory_space<vmem>>
      %dma_wait3A_59 = arith.constant 0 : i32
      %dma_wait3A_60 = tpu.memref_slice %arg18[%dma_wait3A_59] : memref<10240xf32, #tpu.memory_space<vmem>> -> memref<10000xf32, #tpu.memory_space<vmem>>
      tpu.wait_dma2 semaphore(%run_scoped3A : memref<!tpu.dma_semaphore, #tpu.memory_space<semaphore_mem>>) src(%arg5 : memref<10000xf32, #tpu.memory_space<hbm>>) dst(%dma_wait3A_60 : memref<10000xf32, #tpu.memory_space<vmem>>)
      tpu.yield
    }) : () -> ()
    "tpu.region"() ({
      %run_scoped3A = tpu.sem_alloc : memref<!tpu.dma_semaphore, #tpu.memory_space<semaphore_mem>>
      %dma_start3A = arith.constant 0 : i32
      %dma_start3A_55 = tpu.memref_slice %arg19[%dma_start3A] : memref<128xf32, #tpu.memory_space<vmem>> -> memref<16xf32, #tpu.memory_space<vmem>>
      %dma_start3A_56 = arith.constant 0 : i32
      %dma_start3A_57 = tpu.memref_slice %arg19[%dma_start3A_56] : memref<128xf32, #tpu.memory_space<vmem>> -> memref<16xf32, #tpu.memory_space<vmem>>
      tpu.enqueue_dma source(%arg6 : memref<16xf32, #tpu.memory_space<hbm>>) target(%dma_start3A_57 : memref<16xf32, #tpu.memory_space<vmem>>) target_semaphore(%run_scoped3A : memref<!tpu.dma_semaphore, #tpu.memory_space<semaphore_mem>>)
      %dma_wait3A = arith.constant 0 : i32
      %dma_wait3A_58 = tpu.memref_slice %arg19[%dma_wait3A] : memref<128xf32, #tpu.memory_space<vmem>> -> memref<16xf32, #tpu.memory_space<vmem>>
      %dma_wait3A_59 = arith.constant 0 : i32
      %dma_wait3A_60 = tpu.memref_slice %arg19[%dma_wait3A_59] : memref<128xf32, #tpu.memory_space<vmem>> -> memref<16xf32, #tpu.memory_space<vmem>>
      tpu.wait_dma2 semaphore(%run_scoped3A : memref<!tpu.dma_semaphore, #tpu.memory_space<semaphore_mem>>) src(%arg6 : memref<16xf32, #tpu.memory_space<hbm>>) dst(%dma_wait3A_60 : memref<16xf32, #tpu.memory_space<vmem>>)
      tpu.yield
    }) : () -> ()
    "tpu.region"() ({
      %run_scoped3A = tpu.sem_alloc : memref<!tpu.dma_semaphore, #tpu.memory_space<semaphore_mem>>
      %dma_start3A = arith.constant 0 : i32
      %dma_start3A_55 = tpu.memref_slice %arg20[%dma_start3A] : memref<5120xi32, #tpu.memory_space<vmem>> -> memref<5000xi32, #tpu.memory_space<vmem>>
      %dma_start3A_56 = tpu.memref_slice %arg7[%mul3A_2] : memref<160000xi32, #tpu.memory_space<hbm>> -> memref<5000xi32, #tpu.memory_space<hbm>>
      %dma_start3A_57 = arith.constant 0 : i32
      %dma_start3A_58 = tpu.memref_slice %arg20[%dma_start3A_57] : memref<5120xi32, #tpu.memory_space<vmem>> -> memref<5000xi32, #tpu.memory_space<vmem>>
      %dma_start3A_59 = tpu.memref_slice %arg7[%mul3A_2] : memref<160000xi32, #tpu.memory_space<hbm>> -> memref<5000xi32, #tpu.memory_space<hbm>>
      tpu.enqueue_dma source(%dma_start3A_59 : memref<5000xi32, #tpu.memory_space<hbm>>) target(%dma_start3A_58 : memref<5000xi32, #tpu.memory_space<vmem>>) target_semaphore(%run_scoped3A : memref<!tpu.dma_semaphore, #tpu.memory_space<semaphore_mem>>)
      %dma_wait3A = arith.constant 0 : i32
      %dma_wait3A_60 = tpu.memref_slice %arg20[%dma_wait3A] : memref<5120xi32, #tpu.memory_space<vmem>> -> memref<5000xi32, #tpu.memory_space<vmem>>
      %dma_wait3A_61 = tpu.memref_slice %arg7[%mul3A_2] : memref<160000xi32, #tpu.memory_space<hbm>> -> memref<5000xi32, #tpu.memory_space<hbm>>
      %dma_wait3A_62 = arith.constant 0 : i32
      %dma_wait3A_63 = tpu.memref_slice %arg20[%dma_wait3A_62] : memref<5120xi32, #tpu.memory_space<vmem>> -> memref<5000xi32, #tpu.memory_space<vmem>>
      %dma_wait3A_64 = tpu.memref_slice %arg7[%mul3A_2] : memref<160000xi32, #tpu.memory_space<hbm>> -> memref<5000xi32, #tpu.memory_space<hbm>>
      tpu.wait_dma2 semaphore(%run_scoped3A : memref<!tpu.dma_semaphore, #tpu.memory_space<semaphore_mem>>) src(%dma_wait3A_64 : memref<5000xi32, #tpu.memory_space<hbm>>) dst(%dma_wait3A_63 : memref<5000xi32, #tpu.memory_space<vmem>>)
      tpu.yield
    }) : () -> ()
    "tpu.region"() ({
      %run_scoped3A = tpu.sem_alloc : memref<!tpu.dma_semaphore, #tpu.memory_space<semaphore_mem>>
      %dma_start3A = arith.constant 0 : i32
      %dma_start3A_55 = tpu.memref_slice %arg21[%dma_start3A] : memref<5120xi32, #tpu.memory_space<vmem>> -> memref<5000xi32, #tpu.memory_space<vmem>>
      %dma_start3A_56 = tpu.memref_slice %arg8[%mul3A_2] : memref<160000xi32, #tpu.memory_space<hbm>> -> memref<5000xi32, #tpu.memory_space<hbm>>
      %dma_start3A_57 = arith.constant 0 : i32
      %dma_start3A_58 = tpu.memref_slice %arg21[%dma_start3A_57] : memref<5120xi32, #tpu.memory_space<vmem>> -> memref<5000xi32, #tpu.memory_space<vmem>>
      %dma_start3A_59 = tpu.memref_slice %arg8[%mul3A_2] : memref<160000xi32, #tpu.memory_space<hbm>> -> memref<5000xi32, #tpu.memory_space<hbm>>
      tpu.enqueue_dma source(%dma_start3A_59 : memref<5000xi32, #tpu.memory_space<hbm>>) target(%dma_start3A_58 : memref<5000xi32, #tpu.memory_space<vmem>>) target_semaphore(%run_scoped3A : memref<!tpu.dma_semaphore, #tpu.memory_space<semaphore_mem>>)
      %dma_wait3A = arith.constant 0 : i32
      %dma_wait3A_60 = tpu.memref_slice %arg21[%dma_wait3A] : memref<5120xi32, #tpu.memory_space<vmem>> -> memref<5000xi32, #tpu.memory_space<vmem>>
      %dma_wait3A_61 = tpu.memref_slice %arg8[%mul3A_2] : memref<160000xi32, #tpu.memory_space<hbm>> -> memref<5000xi32, #tpu.memory_space<hbm>>
      %dma_wait3A_62 = arith.constant 0 : i32
      %dma_wait3A_63 = tpu.memref_slice %arg21[%dma_wait3A_62] : memref<5120xi32, #tpu.memory_space<vmem>> -> memref<5000xi32, #tpu.memory_space<vmem>>
      %dma_wait3A_64 = tpu.memref_slice %arg8[%mul3A_2] : memref<160000xi32, #tpu.memory_space<hbm>> -> memref<5000xi32, #tpu.memory_space<hbm>>
      tpu.wait_dma2 semaphore(%run_scoped3A : memref<!tpu.dma_semaphore, #tpu.memory_space<semaphore_mem>>) src(%dma_wait3A_64 : memref<5000xi32, #tpu.memory_space<hbm>>) dst(%dma_wait3A_63 : memref<5000xi32, #tpu.memory_space<vmem>>)
      tpu.yield
    }) : () -> ()
    "tpu.region"() ({
      %run_scoped3A = tpu.sem_alloc : memref<!tpu.dma_semaphore, #tpu.memory_space<semaphore_mem>>
      %dma_start3A = arith.constant 0 : i32
      %dma_start3A_55 = tpu.memref_slice %arg22[%dma_start3A] : memref<5120xi32, #tpu.memory_space<vmem>> -> memref<5000xi32, #tpu.memory_space<vmem>>
      %dma_start3A_56 = tpu.memref_slice %arg9[%mul3A_2] : memref<160000xi32, #tpu.memory_space<hbm>> -> memref<5000xi32, #tpu.memory_space<hbm>>
      %dma_start3A_57 = arith.constant 0 : i32
      %dma_start3A_58 = tpu.memref_slice %arg22[%dma_start3A_57] : memref<5120xi32, #tpu.memory_space<vmem>> -> memref<5000xi32, #tpu.memory_space<vmem>>
      %dma_start3A_59 = tpu.memref_slice %arg9[%mul3A_2] : memref<160000xi32, #tpu.memory_space<hbm>> -> memref<5000xi32, #tpu.memory_space<hbm>>
      tpu.enqueue_dma source(%dma_start3A_59 : memref<5000xi32, #tpu.memory_space<hbm>>) target(%dma_start3A_58 : memref<5000xi32, #tpu.memory_space<vmem>>) target_semaphore(%run_scoped3A : memref<!tpu.dma_semaphore, #tpu.memory_space<semaphore_mem>>)
      %dma_wait3A = arith.constant 0 : i32
      %dma_wait3A_60 = tpu.memref_slice %arg22[%dma_wait3A] : memref<5120xi32, #tpu.memory_space<vmem>> -> memref<5000xi32, #tpu.memory_space<vmem>>
      %dma_wait3A_61 = tpu.memref_slice %arg9[%mul3A_2] : memref<160000xi32, #tpu.memory_space<hbm>> -> memref<5000xi32, #tpu.memory_space<hbm>>
      %dma_wait3A_62 = arith.constant 0 : i32
      %dma_wait3A_63 = tpu.memref_slice %arg22[%dma_wait3A_62] : memref<5120xi32, #tpu.memory_space<vmem>> -> memref<5000xi32, #tpu.memory_space<vmem>>
      %dma_wait3A_64 = tpu.memref_slice %arg9[%mul3A_2] : memref<160000xi32, #tpu.memory_space<hbm>> -> memref<5000xi32, #tpu.memory_space<hbm>>
      tpu.wait_dma2 semaphore(%run_scoped3A : memref<!tpu.dma_semaphore, #tpu.memory_space<semaphore_mem>>) src(%dma_wait3A_64 : memref<5000xi32, #tpu.memory_space<hbm>>) dst(%dma_wait3A_63 : memref<5000xi32, #tpu.memory_space<vmem>>)
      tpu.yield
    }) : () -> ()
    "tpu.region"() ({
      %run_scoped3A = tpu.sem_alloc : memref<!tpu.dma_semaphore, #tpu.memory_space<semaphore_mem>>
      %dma_start3A = arith.constant 0 : i32
      %dma_start3A_55 = tpu.memref_slice %arg23[%dma_start3A] : memref<5120xf32, #tpu.memory_space<vmem>> -> memref<5000xf32, #tpu.memory_space<vmem>>
      %dma_start3A_56 = tpu.memref_slice %arg10[%mul3A_2] : memref<160000xf32, #tpu.memory_space<hbm>> -> memref<5000xf32, #tpu.memory_space<hbm>>
      %dma_start3A_57 = arith.constant 0 : i32
      %dma_start3A_58 = tpu.memref_slice %arg23[%dma_start3A_57] : memref<5120xf32, #tpu.memory_space<vmem>> -> memref<5000xf32, #tpu.memory_space<vmem>>
      %dma_start3A_59 = tpu.memref_slice %arg10[%mul3A_2] : memref<160000xf32, #tpu.memory_space<hbm>> -> memref<5000xf32, #tpu.memory_space<hbm>>
      tpu.enqueue_dma source(%dma_start3A_59 : memref<5000xf32, #tpu.memory_space<hbm>>) target(%dma_start3A_58 : memref<5000xf32, #tpu.memory_space<vmem>>) target_semaphore(%run_scoped3A : memref<!tpu.dma_semaphore, #tpu.memory_space<semaphore_mem>>)
      %dma_wait3A = arith.constant 0 : i32
      %dma_wait3A_60 = tpu.memref_slice %arg23[%dma_wait3A] : memref<5120xf32, #tpu.memory_space<vmem>> -> memref<5000xf32, #tpu.memory_space<vmem>>
      %dma_wait3A_61 = tpu.memref_slice %arg10[%mul3A_2] : memref<160000xf32, #tpu.memory_space<hbm>> -> memref<5000xf32, #tpu.memory_space<hbm>>
      %dma_wait3A_62 = arith.constant 0 : i32
      %dma_wait3A_63 = tpu.memref_slice %arg23[%dma_wait3A_62] : memref<5120xf32, #tpu.memory_space<vmem>> -> memref<5000xf32, #tpu.memory_space<vmem>>
      %dma_wait3A_64 = tpu.memref_slice %arg10[%mul3A_2] : memref<160000xf32, #tpu.memory_space<hbm>> -> memref<5000xf32, #tpu.memory_space<hbm>>
      tpu.wait_dma2 semaphore(%run_scoped3A : memref<!tpu.dma_semaphore, #tpu.memory_space<semaphore_mem>>) src(%dma_wait3A_64 : memref<5000xf32, #tpu.memory_space<hbm>>) dst(%dma_wait3A_63 : memref<5000xf32, #tpu.memory_space<vmem>>)
      tpu.yield
    }) : () -> ()
    "tpu.region"() ({
      %run_scoped3A = tpu.sem_alloc : memref<!tpu.dma_semaphore, #tpu.memory_space<semaphore_mem>>
      %dma_start3A = arith.constant 0 : i32
      %dma_start3A_55 = tpu.memref_slice %arg24[%dma_start3A] : memref<5120xf32, #tpu.memory_space<vmem>> -> memref<5000xf32, #tpu.memory_space<vmem>>
      %dma_start3A_56 = tpu.memref_slice %arg11[%mul3A_2] : memref<160000xf32, #tpu.memory_space<hbm>> -> memref<5000xf32, #tpu.memory_space<hbm>>
      %dma_start3A_57 = arith.constant 0 : i32
      %dma_start3A_58 = tpu.memref_slice %arg24[%dma_start3A_57] : memref<5120xf32, #tpu.memory_space<vmem>> -> memref<5000xf32, #tpu.memory_space<vmem>>
      %dma_start3A_59 = tpu.memref_slice %arg11[%mul3A_2] : memref<160000xf32, #tpu.memory_space<hbm>> -> memref<5000xf32, #tpu.memory_space<hbm>>
      tpu.enqueue_dma source(%dma_start3A_59 : memref<5000xf32, #tpu.memory_space<hbm>>) target(%dma_start3A_58 : memref<5000xf32, #tpu.memory_space<vmem>>) target_semaphore(%run_scoped3A : memref<!tpu.dma_semaphore, #tpu.memory_space<semaphore_mem>>)
      %dma_wait3A = arith.constant 0 : i32
      %dma_wait3A_60 = tpu.memref_slice %arg24[%dma_wait3A] : memref<5120xf32, #tpu.memory_space<vmem>> -> memref<5000xf32, #tpu.memory_space<vmem>>
      %dma_wait3A_61 = tpu.memref_slice %arg11[%mul3A_2] : memref<160000xf32, #tpu.memory_space<hbm>> -> memref<5000xf32, #tpu.memory_space<hbm>>
      %dma_wait3A_62 = arith.constant 0 : i32
      %dma_wait3A_63 = tpu.memref_slice %arg24[%dma_wait3A_62] : memref<5120xf32, #tpu.memory_space<vmem>> -> memref<5000xf32, #tpu.memory_space<vmem>>
      %dma_wait3A_64 = tpu.memref_slice %arg11[%mul3A_2] : memref<160000xf32, #tpu.memory_space<hbm>> -> memref<5000xf32, #tpu.memory_space<hbm>>
      tpu.wait_dma2 semaphore(%run_scoped3A : memref<!tpu.dma_semaphore, #tpu.memory_space<semaphore_mem>>) src(%dma_wait3A_64 : memref<5000xf32, #tpu.memory_space<hbm>>) dst(%dma_wait3A_63 : memref<5000xf32, #tpu.memory_space<vmem>>)
      tpu.yield
    }) : () -> ()
    %scan3A = arith.constant 0 : i32
    %scan3A_3 = arith.constant 0 : i32
    %scan3A_4 = arith.constant 80 : i32
    %scan3A_5 = arith.addi %scan3A_3, %scan3A_4 : i32
    %scan3A_6 = arith.constant 1 : i32
    scf.for %scan3A_55 = %scan3A_3 to %scan3A_5 step %scan3A_6  : i32 {
      %broadcast_in_dim3A = arith.constant 0.000000e+00 : f32
      %broadcast_in_dim3A_56 = vector.broadcast %broadcast_in_dim3A : f32 to vector<16xf32>
      %mul3A_57 = arith.constant 128 : i32
      %mul3A_58 = arith.muli %scan3A_55, %mul3A_57 : i32
      %add3A_59 = arith.constant 0 : i32
      %add3A_60 = arith.addi %mul3A_58, %add3A_59 : i32
      %swap3A_61 = arith.index_cast %add3A_60 : i32 to index
      %swap3A_62 = tpu.vector_load %arg27[%swap3A_61] {strides = array<i32>} : memref<10240xf32, #tpu.memory_space<vmem>>, vector<16xf32>,
      tpu.vector_store %arg27[%swap3A_61], %broadcast_in_dim3A_56 {strides = array<i32>} : memref<10240xf32, #tpu.memory_space<vmem>>, vector<16xf32>,
      %broadcast_in_dim3A_63 = arith.constant 0.000000e+00 : f32
      %broadcast_in_dim3A_64 = vector.broadcast %broadcast_in_dim3A_63 : f32 to vector<16xf32>
      %swap3A_65 = arith.index_cast %scan3A_55 : i32 to index
      %swap3A_66 = arith.constant 0 : index
      %swap3A_67 = tpu.vector_load %arg28[%swap3A_65, %swap3A_66] {strides = array<i32>} : memref<80x128xf32, #tpu.memory_space<vmem>>, vector<16xf32>,
      tpu.vector_store %arg28[%swap3A_65, %swap3A_66], %broadcast_in_dim3A_64 {strides = array<i32>} : memref<80x128xf32, #tpu.memory_space<vmem>>, vector<16xf32>,
      %broadcast_in_dim3A_68 = arith.constant 0.000000e+00 : f32
      %broadcast_in_dim3A_69 = vector.broadcast %broadcast_in_dim3A_68 : f32 to vector<16xf32>
      %mul3A_70 = arith.constant 128 : i32
      %mul3A_71 = arith.muli %scan3A_55, %mul3A_70 : i32
      %add3A_72 = arith.constant 16 : i32
      %add3A_73 = arith.addi %mul3A_71, %add3A_72 : i32
      %swap3A_74 = arith.index_cast %add3A_73 : i32 to index
      %swap3A_75 = tpu.vector_load %arg27[%swap3A_74] {strides = array<i32>} : memref<10240xf32, #tpu.memory_space<vmem>>, vector<16xf32>,
      tpu.vector_store %arg27[%swap3A_74], %broadcast_in_dim3A_69 {strides = array<i32>} : memref<10240xf32, #tpu.memory_space<vmem>>, vector<16xf32>,
      %broadcast_in_dim3A_76 = arith.constant 0.000000e+00 : f32
      %broadcast_in_dim3A_77 = vector.broadcast %broadcast_in_dim3A_76 : f32 to vector<16xf32>
      %swap3A_78 = arith.index_cast %scan3A_55 : i32 to index
      %swap3A_79 = arith.constant 16 : index
      %swap3A_80 = tpu.vector_load %arg28[%swap3A_78, %swap3A_79] {strides = array<i32>} : memref<80x128xf32, #tpu.memory_space<vmem>>, vector<16xf32>,
      tpu.vector_store %arg28[%swap3A_78, %swap3A_79], %broadcast_in_dim3A_77 {strides = array<i32>} : memref<80x128xf32, #tpu.memory_space<vmem>>, vector<16xf32>,
      %broadcast_in_dim3A_81 = arith.constant 0.000000e+00 : f32
      %broadcast_in_dim3A_82 = vector.broadcast %broadcast_in_dim3A_81 : f32 to vector<16xf32>
      %mul3A_83 = arith.constant 128 : i32
      %mul3A_84 = arith.muli %scan3A_55, %mul3A_83 : i32
      %add3A_85 = arith.constant 32 : i32
      %add3A_86 = arith.addi %mul3A_84, %add3A_85 : i32
      %swap3A_87 = arith.index_cast %add3A_86 : i32 to index
      %swap3A_88 = tpu.vector_load %arg27[%swap3A_87] {strides = array<i32>} : memref<10240xf32, #tpu.memory_space<vmem>>, vector<16xf32>,
      tpu.vector_store %arg27[%swap3A_87], %broadcast_in_dim3A_82 {strides = array<i32>} : memref<10240xf32, #tpu.memory_space<vmem>>, vector<16xf32>,
      %broadcast_in_dim3A_89 = arith.constant 0.000000e+00 : f32
      %broadcast_in_dim3A_90 = vector.broadcast %broadcast_in_dim3A_89 : f32 to vector<16xf32>
      %swap3A_91 = arith.index_cast %scan3A_55 : i32 to index
      %swap3A_92 = arith.constant 32 : index
      %swap3A_93 = tpu.vector_load %arg28[%swap3A_91, %swap3A_92] {strides = array<i32>} : memref<80x128xf32, #tpu.memory_space<vmem>>, vector<16xf32>,
      tpu.vector_store %arg28[%swap3A_91, %swap3A_92], %broadcast_in_dim3A_90 {strides = array<i32>} : memref<80x128xf32, #tpu.memory_space<vmem>>, vector<16xf32>,
      %broadcast_in_dim3A_94 = arith.constant 0.000000e+00 : f32
      %broadcast_in_dim3A_95 = vector.broadcast %broadcast_in_dim3A_94 : f32 to vector<16xf32>
      %mul3A_96 = arith.constant 128 : i32
      %mul3A_97 = arith.muli %scan3A_55, %mul3A_96 : i32
      %add3A_98 = arith.constant 48 : i32
      %add3A_99 = arith.addi %mul3A_97, %add3A_98 : i32
      %swap3A_100 = arith.index_cast %add3A_99 : i32 to index
      %swap3A_101 = tpu.vector_load %arg27[%swap3A_100] {strides = array<i32>} : memref<10240xf32, #tpu.memory_space<vmem>>, vector<16xf32>,
      tpu.vector_store %arg27[%swap3A_100], %broadcast_in_dim3A_95 {strides = array<i32>} : memref<10240xf32, #tpu.memory_space<vmem>>, vector<16xf32>,
      %broadcast_in_dim3A_102 = arith.constant 0.000000e+00 : f32
      %broadcast_in_dim3A_103 = vector.broadcast %broadcast_in_dim3A_102 : f32 to vector<16xf32>
      %swap3A_104 = arith.index_cast %scan3A_55 : i32 to index
      %swap3A_105 = arith.constant 48 : index
      %swap3A_106 = tpu.vector_load %arg28[%swap3A_104, %swap3A_105] {strides = array<i32>} : memref<80x128xf32, #tpu.memory_space<vmem>>, vector<16xf32>,
      tpu.vector_store %arg28[%swap3A_104, %swap3A_105], %broadcast_in_dim3A_103 {strides = array<i32>} : memref<80x128xf32, #tpu.memory_space<vmem>>, vector<16xf32>,
      %broadcast_in_dim3A_107 = arith.constant 0.000000e+00 : f32
      %broadcast_in_dim3A_108 = vector.broadcast %broadcast_in_dim3A_107 : f32 to vector<16xf32>
      %mul3A_109 = arith.constant 128 : i32
      %mul3A_110 = arith.muli %scan3A_55, %mul3A_109 : i32
      %add3A_111 = arith.constant 64 : i32
      %add3A_112 = arith.addi %mul3A_110, %add3A_111 : i32
      %swap3A_113 = arith.index_cast %add3A_112 : i32 to index
      %swap3A_114 = tpu.vector_load %arg27[%swap3A_113] {strides = array<i32>} : memref<10240xf32, #tpu.memory_space<vmem>>, vector<16xf32>,
      tpu.vector_store %arg27[%swap3A_113], %broadcast_in_dim3A_108 {strides = array<i32>} : memref<10240xf32, #tpu.memory_space<vmem>>, vector<16xf32>,
      %broadcast_in_dim3A_115 = arith.constant 0.000000e+00 : f32
      %broadcast_in_dim3A_116 = vector.broadcast %broadcast_in_dim3A_115 : f32 to vector<16xf32>
      %swap3A_117 = arith.index_cast %scan3A_55 : i32 to index
      %swap3A_118 = arith.constant 64 : index
      %swap3A_119 = tpu.vector_load %arg28[%swap3A_117, %swap3A_118] {strides = array<i32>} : memref<80x128xf32, #tpu.memory_space<vmem>>, vector<16xf32>,
      tpu.vector_store %arg28[%swap3A_117, %swap3A_118], %broadcast_in_dim3A_116 {strides = array<i32>} : memref<80x128xf32, #tpu.memory_space<vmem>>, vector<16xf32>,
      %broadcast_in_dim3A_120 = arith.constant 0.000000e+00 : f32
      %broadcast_in_dim3A_121 = vector.broadcast %broadcast_in_dim3A_120 : f32 to vector<16xf32>
      %mul3A_122 = arith.constant 128 : i32
      %mul3A_123 = arith.muli %scan3A_55, %mul3A_122 : i32
      %add3A_124 = arith.constant 80 : i32
      %add3A_125 = arith.addi %mul3A_123, %add3A_124 : i32
      %swap3A_126 = arith.index_cast %add3A_125 : i32 to index
      %swap3A_127 = tpu.vector_load %arg27[%swap3A_126] {strides = array<i32>} : memref<10240xf32, #tpu.memory_space<vmem>>, vector<16xf32>,
      tpu.vector_store %arg27[%swap3A_126], %broadcast_in_dim3A_121 {strides = array<i32>} : memref<10240xf32, #tpu.memory_space<vmem>>, vector<16xf32>,
      %broadcast_in_dim3A_128 = arith.constant 0.000000e+00 : f32
      %broadcast_in_dim3A_129 = vector.broadcast %broadcast_in_dim3A_128 : f32 to vector<16xf32>
      %swap3A_130 = arith.index_cast %scan3A_55 : i32 to index
      %swap3A_131 = arith.constant 80 : index
      %swap3A_132 = tpu.vector_load %arg28[%swap3A_130, %swap3A_131] {strides = array<i32>} : memref<80x128xf32, #tpu.memory_space<vmem>>, vector<16xf32>,
      tpu.vector_store %arg28[%swap3A_130, %swap3A_131], %broadcast_in_dim3A_129 {strides = array<i32>} : memref<80x128xf32, #tpu.memory_space<vmem>>, vector<16xf32>,
      %broadcast_in_dim3A_133 = arith.constant 0.000000e+00 : f32
      %broadcast_in_dim3A_134 = vector.broadcast %broadcast_in_dim3A_133 : f32 to vector<16xf32>
      %mul3A_135 = arith.constant 128 : i32
      %mul3A_136 = arith.muli %scan3A_55, %mul3A_135 : i32
      %add3A_137 = arith.constant 96 : i32
      %add3A_138 = arith.addi %mul3A_136, %add3A_137 : i32
      %swap3A_139 = arith.index_cast %add3A_138 : i32 to index
      %swap3A_140 = tpu.vector_load %arg27[%swap3A_139] {strides = array<i32>} : memref<10240xf32, #tpu.memory_space<vmem>>, vector<16xf32>,
      tpu.vector_store %arg27[%swap3A_139], %broadcast_in_dim3A_134 {strides = array<i32>} : memref<10240xf32, #tpu.memory_space<vmem>>, vector<16xf32>,
      %broadcast_in_dim3A_141 = arith.constant 0.000000e+00 : f32
      %broadcast_in_dim3A_142 = vector.broadcast %broadcast_in_dim3A_141 : f32 to vector<16xf32>
      %swap3A_143 = arith.index_cast %scan3A_55 : i32 to index
      %swap3A_144 = arith.constant 96 : index
      %swap3A_145 = tpu.vector_load %arg28[%swap3A_143, %swap3A_144] {strides = array<i32>} : memref<80x128xf32, #tpu.memory_space<vmem>>, vector<16xf32>,
      tpu.vector_store %arg28[%swap3A_143, %swap3A_144], %broadcast_in_dim3A_142 {strides = array<i32>} : memref<80x128xf32, #tpu.memory_space<vmem>>, vector<16xf32>,
      %broadcast_in_dim3A_146 = arith.constant 0.000000e+00 : f32
      %broadcast_in_dim3A_147 = vector.broadcast %broadcast_in_dim3A_146 : f32 to vector<16xf32>
      %mul3A_148 = arith.constant 128 : i32
      %mul3A_149 = arith.muli %scan3A_55, %mul3A_148 : i32
      %add3A_150 = arith.constant 112 : i32
      %add3A_151 = arith.addi %mul3A_149, %add3A_150 : i32
      %swap3A_152 = arith.index_cast %add3A_151 : i32 to index
      %swap3A_153 = tpu.vector_load %arg27[%swap3A_152] {strides = array<i32>} : memref<10240xf32, #tpu.memory_space<vmem>>, vector<16xf32>,
      tpu.vector_store %arg27[%swap3A_152], %broadcast_in_dim3A_147 {strides = array<i32>} : memref<10240xf32, #tpu.memory_space<vmem>>, vector<16xf32>,
      %broadcast_in_dim3A_154 = arith.constant 0.000000e+00 : f32
      %broadcast_in_dim3A_155 = vector.broadcast %broadcast_in_dim3A_154 : f32 to vector<16xf32>
      %swap3A_156 = arith.index_cast %scan3A_55 : i32 to index
      %swap3A_157 = arith.constant 112 : index
      %swap3A_158 = tpu.vector_load %arg28[%swap3A_156, %swap3A_157] {strides = array<i32>} : memref<80x128xf32, #tpu.memory_space<vmem>>, vector<16xf32>,
      tpu.vector_store %arg28[%swap3A_156, %swap3A_157], %broadcast_in_dim3A_155 {strides = array<i32>} : memref<80x128xf32, #tpu.memory_space<vmem>>, vector<16xf32>,
    }
    %scan3A_7 = arith.constant 80 : i32
    %eq3A = arith.constant 0 : i32
    %eq3A_8 = arith.cmpi eq, %arg1, %eq3A : i32
    %convert_element_type3A = arith.extui %eq3A_8 : i1 to i32
    %cond3A = arith.constant 0 : i32
    %cond3A_9 = arith.cmpi ne, %convert_element_type3A, %cond3A : i32
    scf.if %cond3A_9 {
      "tpu.region"() ({
        %run_scoped3A = tpu.sem_alloc : memref<!tpu.dma_semaphore, #tpu.memory_space<semaphore_mem>>
        tpu.enqueue_dma source(%arg28 : memref<80x128xf32, #tpu.memory_space<vmem>>) target(%arg30 : memref<80x128xf32, #tpu.memory_space<vmem_shared>>) target_semaphore(%run_scoped3A : memref<!tpu.dma_semaphore, #tpu.memory_space<semaphore_mem>>)
        tpu.wait_dma2 semaphore(%run_scoped3A : memref<!tpu.dma_semaphore, #tpu.memory_space<semaphore_mem>>) src(%arg28 : memref<80x128xf32, #tpu.memory_space<vmem>>) dst(%arg30 : memref<80x128xf32, #tpu.memory_space<vmem_shared>>)
        tpu.yield
      }) : () -> ()
    } else {
    }
    %iota3A = tpu.iota {dimensions = array<i32: 0>} : vector<16xi32>
    %add3A_10 = arith.constant 0 : i32
    %add3A_11 = vector.broadcast %add3A_10 : i32 to vector<16xi32>
    %add3A_12 = arith.addi %iota3A, %add3A_11 : vector<16xi32>
    %swap3A = arith.constant 0 : index
    %swap3A_13 = tpu.vector_load %arg29[%swap3A] {strides = array<i32>} : memref<80xi32, #tpu.memory_space<vmem>>, vector<16xi32>,
    tpu.vector_store %arg29[%swap3A], %add3A_12 {strides = array<i32>} : memref<80xi32, #tpu.memory_space<vmem>>, vector<16xi32>,
    %iota3A_14 = tpu.iota {dimensions = array<i32: 0>} : vector<16xi32>
    %add3A_15 = arith.constant 16 : i32
    %add3A_16 = vector.broadcast %add3A_15 : i32 to vector<16xi32>
    %add3A_17 = arith.addi %iota3A_14, %add3A_16 : vector<16xi32>
    %swap3A_18 = arith.constant 16 : index
    %swap3A_19 = tpu.vector_load %arg29[%swap3A_18] {strides = array<i32>} : memref<80xi32, #tpu.memory_space<vmem>>, vector<16xi32>,
    tpu.vector_store %arg29[%swap3A_18], %add3A_17 {strides = array<i32>} : memref<80xi32, #tpu.memory_space<vmem>>, vector<16xi32>,
    %iota3A_20 = tpu.iota {dimensions = array<i32: 0>} : vector<16xi32>
    %add3A_21 = arith.constant 32 : i32
    %add3A_22 = vector.broadcast %add3A_21 : i32 to vector<16xi32>
    %add3A_23 = arith.addi %iota3A_20, %add3A_22 : vector<16xi32>
    %swap3A_24 = arith.constant 32 : index
    %swap3A_25 = tpu.vector_load %arg29[%swap3A_24] {strides = array<i32>} : memref<80xi32, #tpu.memory_space<vmem>>, vector<16xi32>,
    tpu.vector_store %arg29[%swap3A_24], %add3A_23 {strides = array<i32>} : memref<80xi32, #tpu.memory_space<vmem>>, vector<16xi32>,
    %iota3A_26 = tpu.iota {dimensions = array<i32: 0>} : vector<16xi32>
    %add3A_27 = arith.constant 48 : i32
    %add3A_28 = vector.broadcast %add3A_27 : i32 to vector<16xi32>
    %add3A_29 = arith.addi %iota3A_26, %add3A_28 : vector<16xi32>
    %swap3A_30 = arith.constant 48 : index
    %swap3A_31 = tpu.vector_load %arg29[%swap3A_30] {strides = array<i32>} : memref<80xi32, #tpu.memory_space<vmem>>, vector<16xi32>,
    tpu.vector_store %arg29[%swap3A_30], %add3A_29 {strides = array<i32>} : memref<80xi32, #tpu.memory_space<vmem>>, vector<16xi32>,
    %iota3A_32 = tpu.iota {dimensions = array<i32: 0>} : vector<16xi32>
    %add3A_33 = arith.constant 64 : i32
    %add3A_34 = vector.broadcast %add3A_33 : i32 to vector<16xi32>
    %add3A_35 = arith.addi %iota3A_32, %add3A_34 : vector<16xi32>
    %swap3A_36 = arith.constant 64 : index
    %swap3A_37 = tpu.vector_load %arg29[%swap3A_36] {strides = array<i32>} : memref<80xi32, #tpu.memory_space<vmem>>, vector<16xi32>,
    tpu.vector_store %arg29[%swap3A_36], %add3A_35 {strides = array<i32>} : memref<80xi32, #tpu.memory_space<vmem>>, vector<16xi32>,
    %scan3A_38 = arith.constant 0 : i32
    %scan3A_39 = arith.constant 0 : i32
    %scan3A_40 = arith.constant 313 : i32
    %scan3A_41 = arith.addi %scan3A_39, %scan3A_40 : i32
    %scan3A_42 = arith.constant 1 : i32
    scf.for %scan3A_55 = %scan3A_39 to %scan3A_41 step %scan3A_42  : i32 {
      %mul3A_56 = arith.constant 16 : i32
      %mul3A_57 = arith.muli %scan3A_55, %mul3A_56 : i32
      %iota3A_58 = tpu.iota {dimensions = array<i32: 0>} : vector<16xi32>
      %mul3A_59 = arith.constant 16 : i32
      %mul3A_60 = arith.muli %scan3A_55, %mul3A_59 : i32
      %add3A_61 = vector.broadcast %mul3A_60 : i32 to vector<16xi32>
      %add3A_62 = arith.addi %iota3A_58, %add3A_61 : vector<16xi32>
      %lt3A_63 = arith.constant 5000 : i32
      %lt3A_64 = vector.broadcast %lt3A_63 : i32 to vector<16xi32>
      %lt3A_65 = arith.cmpi slt, %add3A_62, %lt3A_64 : vector<16xi32>
      %broadcast_in_dim3A = arith.constant 0 : i32
      %broadcast_in_dim3A_66 = vector.broadcast %broadcast_in_dim3A : i32 to vector<16xi32>
      %get3A = arith.index_cast %mul3A_57 : i32 to index
      %get3A_67 = tpu.vector_load %arg20[%get3A] {strides = array<i32>} : memref<5120xi32, #tpu.memory_space<vmem>>, vector<16xi32>,
      %select_n3A = arith.select %lt3A_65, %get3A_67, %broadcast_in_dim3A_66 : vector<16xi1>, vector<16xi32>
      %get3A_68 = arith.index_cast %mul3A_57 : i32 to index
      %get3A_69 = tpu.vector_load %arg21[%get3A_68] {strides = array<i32>} : memref<5120xi32, #tpu.memory_space<vmem>>, vector<16xi32>,
      %select_n3A_70 = arith.select %lt3A_65, %get3A_69, %broadcast_in_dim3A_66 : vector<16xi1>, vector<16xi32>
      %get3A_71 = arith.index_cast %mul3A_57 : i32 to index
      %get3A_72 = tpu.vector_load %arg22[%get3A_71] {strides = array<i32>} : memref<5120xi32, #tpu.memory_space<vmem>>, vector<16xi32>,
      %select_n3A_73 = arith.select %lt3A_65, %get3A_72, %broadcast_in_dim3A_66 : vector<16xi1>, vector<16xi32>
      %gather3A = tpu.vector_load_idx %arg15[%select_n3A] : memref<10240xf32, #tpu.memory_space<vmem>>[vector<16xi32>], vector<16xf32>,
      %gather3A_74 = tpu.vector_load_idx %arg16[%select_n3A_70] : memref<10240xf32, #tpu.memory_space<vmem>>[vector<16xi32>], vector<16xf32>,
      %gather3A_75 = tpu.vector_load_idx %arg17[%select_n3A] : memref<10240xf32, #tpu.memory_space<vmem>>[vector<16xi32>], vector<16xf32>,
      %gather3A_76 = tpu.vector_load_idx %arg18[%select_n3A_70] : memref<10240xf32, #tpu.memory_space<vmem>>[vector<16xi32>], vector<16xf32>,
      %gather3A_77 = tpu.vector_load_idx %arg19[%select_n3A_73] : memref<128xf32, #tpu.memory_space<vmem>>[vector<16xi32>], vector<16xf32>,
      %get3A_78 = arith.index_cast %mul3A_57 : i32 to index
      %get3A_79 = tpu.vector_load %arg23[%get3A_78] {strides = array<i32>} : memref<5120xf32, #tpu.memory_space<vmem>>, vector<16xf32>,
      %get3A_80 = arith.index_cast %mul3A_57 : i32 to index
      %get3A_81 = tpu.vector_load %arg24[%get3A_80] {strides = array<i32>} : memref<5120xf32, #tpu.memory_space<vmem>>, vector<16xf32>,
      %add3A_82 = arith.addf %gather3A, %gather3A_74 : vector<16xf32>
      %add3A_83 = arith.addf %add3A_82, %gather3A_77 : vector<16xf32>
      %gt3A = arith.constant 0.000000e+00 : f32
      %gt3A_84 = vector.broadcast %gt3A : f32 to vector<16xf32>
      %gt3A_85 = arith.cmpf ogt, %add3A_83, %gt3A_84 : vector<16xf32>
      %mul3A_86 = arith.constant 2.000000e-01 : f32
      %mul3A_87 = vector.broadcast %mul3A_86 : f32 to vector<16xf32>
      %mul3A_88 = arith.mulf %mul3A_87, %add3A_83 : vector<16xf32>
      %select_n3A_89 = arith.select %gt3A_85, %add3A_83, %mul3A_88 : vector<16xi1>, vector<16xf32>
      %add3A_90 = arith.addf %get3A_79, %gather3A_75 : vector<16xf32>
      %add3A_91 = arith.addf %add3A_90, %gather3A_76 : vector<16xf32>
      %neg3A = arith.constant 0.000000e+00 : f32
      %neg3A_92 = vector.broadcast %neg3A : f32 to vector<16xf32>
      %neg3A_93 = arith.subf %neg3A_92, %add3A_91 : vector<16xf32>
      %exp3A = math.exp %neg3A_93 : vector<16xf32>
      %add3A_94 = arith.constant 1.000000e+00 : f32
      %add3A_95 = vector.broadcast %add3A_94 : f32 to vector<16xf32>
      %add3A_96 = arith.addf %add3A_95, %exp3A : vector<16xf32>
      %div3A = arith.constant 1.000000e+00 : f32
      %div3A_97 = vector.broadcast %div3A : f32 to vector<16xf32>
      %div3A_98 = arith.divf %div3A_97, %add3A_96 : vector<16xf32>
      %mul3A_99 = arith.mulf %div3A_98, %get3A_81 : vector<16xf32>
      %add3A_100 = arith.addf %select_n3A_89, %mul3A_99 : vector<16xf32>
      %exp3A_101 = math.exp %add3A_100 : vector<16xf32>
      %swap3A_102 = arith.index_cast %mul3A_57 : i32 to index
      %swap3A_103 = tpu.vector_load %arg25[%swap3A_102] {strides = array<i32>} : memref<5120xf32, #tpu.memory_space<vmem>>, vector<16xf32>,
      tpu.vector_store %arg25[%swap3A_102], %div3A_98 {strides = array<i32>} : memref<5120xf32, #tpu.memory_space<vmem>>, vector<16xf32>,
      %swap3A_104 = arith.index_cast %mul3A_57 : i32 to index
      %swap3A_105 = tpu.vector_load %arg26[%swap3A_104] {strides = array<i32>} : memref<5120xf32, #tpu.memory_space<vmem>>, vector<16xf32>,
      tpu.vector_store %arg26[%swap3A_104], %exp3A_101 {strides = array<i32>} : memref<5120xf32, #tpu.memory_space<vmem>>, vector<16xf32>,
      tpu.vector_store_idx %arg27[%select_n3A_70], %exp3A_101 masked %lt3A_65 {add = true} : memref<10240xf32, #tpu.memory_space<vmem>>[vector<16xi32>], vector<16xf32>, vector<16xi1>
    }
    %scan3A_43 = arith.constant 313 : i32
    "tpu.region"() ({
      %run_scoped3A = tpu.sem_alloc : memref<!tpu.dma_semaphore, #tpu.memory_space<semaphore_mem>>
      %dma_start3A = arith.constant 0 : i32
      %dma_start3A_55 = tpu.memref_slice %arg25[%dma_start3A] : memref<5120xf32, #tpu.memory_space<vmem>> -> memref<5000xf32, #tpu.memory_space<vmem>>
      %dma_start3A_56 = tpu.memref_slice %arg12[%mul3A_2] : memref<160000xf32, #tpu.memory_space<hbm>> -> memref<5000xf32, #tpu.memory_space<hbm>>
      %dma_start3A_57 = tpu.memref_slice %arg12[%mul3A_2] : memref<160000xf32, #tpu.memory_space<hbm>> -> memref<5000xf32, #tpu.memory_space<hbm>>
      %dma_start3A_58 = arith.constant 0 : i32
      %dma_start3A_59 = tpu.memref_slice %arg25[%dma_start3A_58] : memref<5120xf32, #tpu.memory_space<vmem>> -> memref<5000xf32, #tpu.memory_space<vmem>>
      tpu.enqueue_dma source(%dma_start3A_59 : memref<5000xf32, #tpu.memory_space<vmem>>) target(%dma_start3A_57 : memref<5000xf32, #tpu.memory_space<hbm>>) target_semaphore(%run_scoped3A : memref<!tpu.dma_semaphore, #tpu.memory_space<semaphore_mem>>)
      %dma_wait3A = arith.constant 0 : i32
      %dma_wait3A_60 = tpu.memref_slice %arg25[%dma_wait3A] : memref<5120xf32, #tpu.memory_space<vmem>> -> memref<5000xf32, #tpu.memory_space<vmem>>
      %dma_wait3A_61 = tpu.memref_slice %arg12[%mul3A_2] : memref<160000xf32, #tpu.memory_space<hbm>> -> memref<5000xf32, #tpu.memory_space<hbm>>
      %dma_wait3A_62 = tpu.memref_slice %arg12[%mul3A_2] : memref<160000xf32, #tpu.memory_space<hbm>> -> memref<5000xf32, #tpu.memory_space<hbm>>
      %dma_wait3A_63 = arith.constant 0 : i32
      %dma_wait3A_64 = tpu.memref_slice %arg25[%dma_wait3A_63] : memref<5120xf32, #tpu.memory_space<vmem>> -> memref<5000xf32, #tpu.memory_space<vmem>>
      tpu.wait_dma2 semaphore(%run_scoped3A : memref<!tpu.dma_semaphore, #tpu.memory_space<semaphore_mem>>) src(%dma_wait3A_64 : memref<5000xf32, #tpu.memory_space<vmem>>) dst(%dma_wait3A_62 : memref<5000xf32, #tpu.memory_space<hbm>>)
      tpu.yield
    }) : () -> ()
    "tpu.region"() ({
      %run_scoped3A = tpu.sem_alloc : memref<!tpu.dma_semaphore, #tpu.memory_space<semaphore_mem>>
      %dma_start3A = arith.constant 0 : i32
      %dma_start3A_55 = tpu.memref_slice %arg26[%dma_start3A] : memref<5120xf32, #tpu.memory_space<vmem>> -> memref<5000xf32, #tpu.memory_space<vmem>>
      %dma_start3A_56 = tpu.memref_slice %arg13[%mul3A_2] : memref<160000xf32, #tpu.memory_space<hbm>> -> memref<5000xf32, #tpu.memory_space<hbm>>
      %dma_start3A_57 = tpu.memref_slice %arg13[%mul3A_2] : memref<160000xf32, #tpu.memory_space<hbm>> -> memref<5000xf32, #tpu.memory_space<hbm>>
      %dma_start3A_58 = arith.constant 0 : i32
      %dma_start3A_59 = tpu.memref_slice %arg26[%dma_start3A_58] : memref<5120xf32, #tpu.memory_space<vmem>> -> memref<5000xf32, #tpu.memory_space<vmem>>
      tpu.enqueue_dma source(%dma_start3A_59 : memref<5000xf32, #tpu.memory_space<vmem>>) target(%dma_start3A_57 : memref<5000xf32, #tpu.memory_space<hbm>>) target_semaphore(%run_scoped3A : memref<!tpu.dma_semaphore, #tpu.memory_space<semaphore_mem>>)
      %dma_wait3A = arith.constant 0 : i32
      %dma_wait3A_60 = tpu.memref_slice %arg26[%dma_wait3A] : memref<5120xf32, #tpu.memory_space<vmem>> -> memref<5000xf32, #tpu.memory_space<vmem>>
      %dma_wait3A_61 = tpu.memref_slice %arg13[%mul3A_2] : memref<160000xf32, #tpu.memory_space<hbm>> -> memref<5000xf32, #tpu.memory_space<hbm>>
      %dma_wait3A_62 = tpu.memref_slice %arg13[%mul3A_2] : memref<160000xf32, #tpu.memory_space<hbm>> -> memref<5000xf32, #tpu.memory_space<hbm>>
      %dma_wait3A_63 = arith.constant 0 : i32
      %dma_wait3A_64 = tpu.memref_slice %arg26[%dma_wait3A_63] : memref<5120xf32, #tpu.memory_space<vmem>> -> memref<5000xf32, #tpu.memory_space<vmem>>
      tpu.wait_dma2 semaphore(%run_scoped3A : memref<!tpu.dma_semaphore, #tpu.memory_space<semaphore_mem>>) src(%dma_wait3A_64 : memref<5000xf32, #tpu.memory_space<vmem>>) dst(%dma_wait3A_62 : memref<5000xf32, #tpu.memory_space<hbm>>)
      tpu.yield
    }) : () -> ()
    %scan3A_44 = arith.constant 0 : i32
    %scan3A_45 = arith.constant 0 : i32
    %scan3A_46 = arith.constant 80 : i32
    %scan3A_47 = arith.addi %scan3A_45, %scan3A_46 : i32
    %scan3A_48 = arith.constant 1 : i32
    scf.for %scan3A_55 = %scan3A_45 to %scan3A_47 step %scan3A_48  : i32 {
      %mul3A_56 = arith.constant 128 : i32
      %mul3A_57 = arith.muli %scan3A_55, %mul3A_56 : i32
      %add3A_58 = arith.constant 0 : i32
      %add3A_59 = arith.addi %mul3A_57, %add3A_58 : i32
      %get3A = arith.index_cast %add3A_59 : i32 to index
      %get3A_60 = tpu.vector_load %arg27[%get3A] {strides = array<i32>} : memref<10240xf32, #tpu.memory_space<vmem>>, vector<16xf32>,
      %swap3A_61 = arith.index_cast %scan3A_55 : i32 to index
      %swap3A_62 = arith.constant 0 : index
      %swap3A_63 = tpu.vector_load %arg28[%swap3A_61, %swap3A_62] {strides = array<i32>} : memref<80x128xf32, #tpu.memory_space<vmem>>, vector<16xf32>,
      tpu.vector_store %arg28[%swap3A_61, %swap3A_62], %get3A_60 {strides = array<i32>} : memref<80x128xf32, #tpu.memory_space<vmem>>, vector<16xf32>,
      %mul3A_64 = arith.constant 128 : i32
      %mul3A_65 = arith.muli %scan3A_55, %mul3A_64 : i32
      %add3A_66 = arith.constant 16 : i32
      %add3A_67 = arith.addi %mul3A_65, %add3A_66 : i32
      %get3A_68 = arith.index_cast %add3A_67 : i32 to index
      %get3A_69 = tpu.vector_load %arg27[%get3A_68] {strides = array<i32>} : memref<10240xf32, #tpu.memory_space<vmem>>, vector<16xf32>,
      %swap3A_70 = arith.index_cast %scan3A_55 : i32 to index
      %swap3A_71 = arith.constant 16 : index
      %swap3A_72 = tpu.vector_load %arg28[%swap3A_70, %swap3A_71] {strides = array<i32>} : memref<80x128xf32, #tpu.memory_space<vmem>>, vector<16xf32>,
      tpu.vector_store %arg28[%swap3A_70, %swap3A_71], %get3A_69 {strides = array<i32>} : memref<80x128xf32, #tpu.memory_space<vmem>>, vector<16xf32>,
      %mul3A_73 = arith.constant 128 : i32
      %mul3A_74 = arith.muli %scan3A_55, %mul3A_73 : i32
      %add3A_75 = arith.constant 32 : i32
      %add3A_76 = arith.addi %mul3A_74, %add3A_75 : i32
      %get3A_77 = arith.index_cast %add3A_76 : i32 to index
      %get3A_78 = tpu.vector_load %arg27[%get3A_77] {strides = array<i32>} : memref<10240xf32, #tpu.memory_space<vmem>>, vector<16xf32>,
      %swap3A_79 = arith.index_cast %scan3A_55 : i32 to index
      %swap3A_80 = arith.constant 32 : index
      %swap3A_81 = tpu.vector_load %arg28[%swap3A_79, %swap3A_80] {strides = array<i32>} : memref<80x128xf32, #tpu.memory_space<vmem>>, vector<16xf32>,
      tpu.vector_store %arg28[%swap3A_79, %swap3A_80], %get3A_78 {strides = array<i32>} : memref<80x128xf32, #tpu.memory_space<vmem>>, vector<16xf32>,
      %mul3A_82 = arith.constant 128 : i32
      %mul3A_83 = arith.muli %scan3A_55, %mul3A_82 : i32
      %add3A_84 = arith.constant 48 : i32
      %add3A_85 = arith.addi %mul3A_83, %add3A_84 : i32
      %get3A_86 = arith.index_cast %add3A_85 : i32 to index
      %get3A_87 = tpu.vector_load %arg27[%get3A_86] {strides = array<i32>} : memref<10240xf32, #tpu.memory_space<vmem>>, vector<16xf32>,
      %swap3A_88 = arith.index_cast %scan3A_55 : i32 to index
      %swap3A_89 = arith.constant 48 : index
      %swap3A_90 = tpu.vector_load %arg28[%swap3A_88, %swap3A_89] {strides = array<i32>} : memref<80x128xf32, #tpu.memory_space<vmem>>, vector<16xf32>,
      tpu.vector_store %arg28[%swap3A_88, %swap3A_89], %get3A_87 {strides = array<i32>} : memref<80x128xf32, #tpu.memory_space<vmem>>, vector<16xf32>,
      %mul3A_91 = arith.constant 128 : i32
      %mul3A_92 = arith.muli %scan3A_55, %mul3A_91 : i32
      %add3A_93 = arith.constant 64 : i32
      %add3A_94 = arith.addi %mul3A_92, %add3A_93 : i32
      %get3A_95 = arith.index_cast %add3A_94 : i32 to index
      %get3A_96 = tpu.vector_load %arg27[%get3A_95] {strides = array<i32>} : memref<10240xf32, #tpu.memory_space<vmem>>, vector<16xf32>,
      %swap3A_97 = arith.index_cast %scan3A_55 : i32 to index
      %swap3A_98 = arith.constant 64 : index
      %swap3A_99 = tpu.vector_load %arg28[%swap3A_97, %swap3A_98] {strides = array<i32>} : memref<80x128xf32, #tpu.memory_space<vmem>>, vector<16xf32>,
      tpu.vector_store %arg28[%swap3A_97, %swap3A_98], %get3A_96 {strides = array<i32>} : memref<80x128xf32, #tpu.memory_space<vmem>>, vector<16xf32>,
      %mul3A_100 = arith.constant 128 : i32
      %mul3A_101 = arith.muli %scan3A_55, %mul3A_100 : i32
      %add3A_102 = arith.constant 80 : i32
      %add3A_103 = arith.addi %mul3A_101, %add3A_102 : i32
      %get3A_104 = arith.index_cast %add3A_103 : i32 to index
      %get3A_105 = tpu.vector_load %arg27[%get3A_104] {strides = array<i32>} : memref<10240xf32, #tpu.memory_space<vmem>>, vector<16xf32>,
      %swap3A_106 = arith.index_cast %scan3A_55 : i32 to index
      %swap3A_107 = arith.constant 80 : index
      %swap3A_108 = tpu.vector_load %arg28[%swap3A_106, %swap3A_107] {strides = array<i32>} : memref<80x128xf32, #tpu.memory_space<vmem>>, vector<16xf32>,
      tpu.vector_store %arg28[%swap3A_106, %swap3A_107], %get3A_105 {strides = array<i32>} : memref<80x128xf32, #tpu.memory_space<vmem>>, vector<16xf32>,
      %mul3A_109 = arith.constant 128 : i32
      %mul3A_110 = arith.muli %scan3A_55, %mul3A_109 : i32
      %add3A_111 = arith.constant 96 : i32
      %add3A_112 = arith.addi %mul3A_110, %add3A_111 : i32
      %get3A_113 = arith.index_cast %add3A_112 : i32 to index
      %get3A_114 = tpu.vector_load %arg27[%get3A_113] {strides = array<i32>} : memref<10240xf32, #tpu.memory_space<vmem>>, vector<16xf32>,
      %swap3A_115 = arith.index_cast %scan3A_55 : i32 to index
      %swap3A_116 = arith.constant 96 : index
      %swap3A_117 = tpu.vector_load %arg28[%swap3A_115, %swap3A_116] {strides = array<i32>} : memref<80x128xf32, #tpu.memory_space<vmem>>, vector<16xf32>,
      tpu.vector_store %arg28[%swap3A_115, %swap3A_116], %get3A_114 {strides = array<i32>} : memref<80x128xf32, #tpu.memory_space<vmem>>, vector<16xf32>,
      %mul3A_118 = arith.constant 128 : i32
      %mul3A_119 = arith.muli %scan3A_55, %mul3A_118 : i32
      %add3A_120 = arith.constant 112 : i32
      %add3A_121 = arith.addi %mul3A_119, %add3A_120 : i32
      %get3A_122 = arith.index_cast %add3A_121 : i32 to index
      %get3A_123 = tpu.vector_load %arg27[%get3A_122] {strides = array<i32>} : memref<10240xf32, #tpu.memory_space<vmem>>, vector<16xf32>,
      %swap3A_124 = arith.index_cast %scan3A_55 : i32 to index
      %swap3A_125 = arith.constant 112 : index
      %swap3A_126 = tpu.vector_load %arg28[%swap3A_124, %swap3A_125] {strides = array<i32>} : memref<80x128xf32, #tpu.memory_space<vmem>>, vector<16xf32>,
      tpu.vector_store %arg28[%swap3A_124, %swap3A_125], %get3A_123 {strides = array<i32>} : memref<80x128xf32, #tpu.memory_space<vmem>>, vector<16xf32>,
    }
    %scan3A_49 = arith.constant 80 : i32
    %barrier3A = arith.constant 0 : index
    tpu.barrier barrier_id(%barrier3A)
    "tpu.region"() ({
      %run_scoped3A = tpu.sem_alloc : memref<!tpu.dma_semaphore, #tpu.memory_space<semaphore_mem>>
      %dma_start3A = arith.constant 0 : i32
      %dma_start3A_55 = arith.constant 0 : i32
      %dma_start3A_56 = tpu.memref_slice %arg30[%dma_start3A, %dma_start3A_55] : memref<80x128xf32, #tpu.memory_space<vmem_shared>> -> memref<80x128xf32, #tpu.memory_space<vmem_shared>>
      tpu.enqueue_indirect_dma source(%arg28 : memref<80x128xf32, #tpu.memory_space<vmem>>) target(%dma_start3A_56 : memref<80x128xf32, #tpu.memory_space<vmem_shared>>) offsets(%arg29 : memref<80xi32, #tpu.memory_space<vmem>>) semaphore(%run_scoped3A : memref<!tpu.dma_semaphore, #tpu.memory_space<semaphore_mem>>) {add = true}
      %dma_wait3A = arith.constant 0 : i32
      %dma_wait3A_57 = arith.constant 0 : i32
      %dma_wait3A_58 = tpu.memref_slice %arg30[%dma_wait3A, %dma_wait3A_57] : memref<80x128xf32, #tpu.memory_space<vmem_shared>> -> memref<80x128xf32, #tpu.memory_space<vmem_shared>>
      tpu.wait_indirect_dma semaphore(%run_scoped3A : memref<!tpu.dma_semaphore, #tpu.memory_space<semaphore_mem>>) src(%arg28 : memref<80x128xf32, #tpu.memory_space<vmem>>) dst(%dma_wait3A_58 : memref<80x128xf32, #tpu.memory_space<vmem_shared>>)
      tpu.yield
    }) : () -> ()
    %barrier3A_50 = arith.constant 0 : index
    tpu.barrier barrier_id(%barrier3A_50)
    %lt3A = arith.constant 10 : i32
    %lt3A_51 = arith.cmpi slt, %arg1, %lt3A : i32
    %convert_element_type3A_52 = arith.extui %lt3A_51 : i1 to i32
    %cond3A_53 = arith.constant 0 : i32
    %cond3A_54 = arith.cmpi ne, %convert_element_type3A_52, %cond3A_53 : i32
    scf.if %cond3A_54 {
      %mul3A_55 = arith.constant 8 : i32
      %mul3A_56 = arith.muli %arg1, %mul3A_55 : i32
      "tpu.region"() ({
        %run_scoped3A = tpu.sem_alloc : memref<!tpu.dma_semaphore, #tpu.memory_space<semaphore_mem>>
        %dma_start3A = arith.constant 0 : i32
        %dma_start3A_57 = tpu.memref_slice %arg14[%arg0, %mul3A_56, %dma_start3A] : memref<2x80x128xf32, #tpu.memory_space<hbm>> -> memref<1x8x128xf32, #tpu.memory_space<hbm>>
        %dma_start3A_58 = tpu.memref_squeeze %dma_start3A_57 : memref<1x8x128xf32, #tpu.memory_space<hbm>> -> memref<8x128xf32, #tpu.memory_space<hbm>>
        %dma_start3A_59 = arith.constant 0 : i32
        %dma_start3A_60 = tpu.memref_slice %arg30[%mul3A_56, %dma_start3A_59] : memref<80x128xf32, #tpu.memory_space<vmem_shared>> -> memref<8x128xf32, #tpu.memory_space<vmem_shared>>
        tpu.enqueue_dma source(%dma_start3A_60 : memref<8x128xf32, #tpu.memory_space<vmem_shared>>) target(%dma_start3A_58 : memref<8x128xf32, #tpu.memory_space<hbm>>) target_semaphore(%run_scoped3A : memref<!tpu.dma_semaphore, #tpu.memory_space<semaphore_mem>>)
        %dma_wait3A = arith.constant 0 : i32
        %dma_wait3A_61 = tpu.memref_slice %arg14[%arg0, %mul3A_56, %dma_wait3A] : memref<2x80x128xf32, #tpu.memory_space<hbm>> -> memref<1x8x128xf32, #tpu.memory_space<hbm>>
        %dma_wait3A_62 = tpu.memref_squeeze %dma_wait3A_61 : memref<1x8x128xf32, #tpu.memory_space<hbm>> -> memref<8x128xf32, #tpu.memory_space<hbm>>
        %dma_wait3A_63 = arith.constant 0 : i32
        %dma_wait3A_64 = tpu.memref_slice %arg30[%mul3A_56, %dma_wait3A_63] : memref<80x128xf32, #tpu.memory_space<vmem_shared>> -> memref<8x128xf32, #tpu.memory_space<vmem_shared>>
        tpu.wait_dma2 semaphore(%run_scoped3A : memref<!tpu.dma_semaphore, #tpu.memory_space<semaphore_mem>>) src(%dma_wait3A_64 : memref<8x128xf32, #tpu.memory_space<vmem_shared>>) dst(%dma_wait3A_62 : memref<8x128xf32, #tpu.memory_space<hbm>>)
        tpu.yield
      }) : () -> ()
    } else {
    }
    return
  }
}

#map = affine_map<(d0, d1) -> (0, 0)>
#map1 = affine_map<(d0, d1) -> (0)>
#map2 = affine_map<(d0, d1) -> (0, 0, 0)>
module attributes {stable_mosaic.version = 14 : i64} {
  func.func @_sc_c_body(%arg0: i32, %arg1: i32, %arg2: memref<10000x128xf32, #tpu.memory_space<hbm>>, %arg3: memref<2048xf32, #tpu.memory_space<hbm>>, %arg4: memref<163840xi32, #tpu.memory_space<hbm>>, %arg5: memref<163840xi32, #tpu.memory_space<hbm>>, %arg6: memref<163840xi32, #tpu.memory_space<hbm>>, %arg7: memref<163840xf32, #tpu.memory_space<hbm>>, %arg8: memref<2x10240xf32, #tpu.memory_space<hbm>>, %arg9: memref<2x10000x128xf32, #tpu.memory_space<hbm>>, %arg10: memref<5120xi32, #tpu.memory_space<vmem>>, %arg11: memref<5120xf32, #tpu.memory_space<vmem>>, %arg12: memref<10240xf32, #tpu.memory_space<vmem>>, %arg13: memref<1280xf32, #tpu.memory_space<vmem>>, %arg14: memref<2048xf32, #tpu.memory_space<vmem>>, %arg15: memref<128x128xf32, #tpu.memory_space<vmem>>, %arg16: memref<40x128xf32, #tpu.memory_space<vmem>>, %arg17: memref<128xi32, #tpu.memory_space<vmem>>, %arg18: memref<128xi32, #tpu.memory_space<vmem>>, %arg19: memref<128xi32, #tpu.memory_space<vmem>>, %arg20: memref<10000x128xf32, #tpu.memory_space<vmem_shared>>, %arg21: memref<!tpu.dma_semaphore, #tpu.memory_space<semaphore_mem>>) attributes {dimension_semantics = [#tpu.dimension_semantics<core_parallel>, #tpu.dimension_semantics<subcore_parallel>], iteration_bounds = array<i64: 2, 16>, scalar_prefetch = 0 : i64, scratch_operands = 12 : i64, tpu.core_type = #tpu.core_type<sc_vector_subcore>, window_params = [{transform_indices = #map}, {transform_indices = #map1}, {transform_indices = #map1}, {transform_indices = #map1}, {transform_indices = #map1}, {transform_indices = #map1}, {transform_indices = #map}, {transform_indices = #map2}]} {
    %mul3A = arith.constant 2 : i32
    %mul3A_0 = arith.muli %arg1, %mul3A : i32
    %add3A = arith.addi %mul3A_0, %arg0 : i32
    %mul3A_1 = arith.constant 5120 : i32
    %mul3A_2 = arith.muli %add3A, %mul3A_1 : i32
    "tpu.region"() ({
      %run_scoped3A_113 = tpu.sem_alloc : memref<!tpu.dma_semaphore, #tpu.memory_space<semaphore_mem>>
      %dma_start3A = tpu.memref_slice %arg5[%mul3A_2] : memref<163840xi32, #tpu.memory_space<hbm>> -> memref<5120xi32, #tpu.memory_space<hbm>>
      %dma_start3A_114 = tpu.memref_slice %arg5[%mul3A_2] : memref<163840xi32, #tpu.memory_space<hbm>> -> memref<5120xi32, #tpu.memory_space<hbm>>
      tpu.enqueue_dma source(%dma_start3A_114 : memref<5120xi32, #tpu.memory_space<hbm>>) target(%arg10 : memref<5120xi32, #tpu.memory_space<vmem>>) target_semaphore(%run_scoped3A_113 : memref<!tpu.dma_semaphore, #tpu.memory_space<semaphore_mem>>)
      %dma_wait3A = tpu.memref_slice %arg5[%mul3A_2] : memref<163840xi32, #tpu.memory_space<hbm>> -> memref<5120xi32, #tpu.memory_space<hbm>>
      %dma_wait3A_115 = tpu.memref_slice %arg5[%mul3A_2] : memref<163840xi32, #tpu.memory_space<hbm>> -> memref<5120xi32, #tpu.memory_space<hbm>>
      tpu.wait_dma2 semaphore(%run_scoped3A_113 : memref<!tpu.dma_semaphore, #tpu.memory_space<semaphore_mem>>) src(%dma_wait3A_115 : memref<5120xi32, #tpu.memory_space<hbm>>) dst(%arg10 : memref<5120xi32, #tpu.memory_space<vmem>>)
      tpu.yield
    }) : () -> ()
    "tpu.region"() ({
      %run_scoped3A_113 = tpu.sem_alloc : memref<!tpu.dma_semaphore, #tpu.memory_space<semaphore_mem>>
      %dma_start3A = tpu.memref_slice %arg7[%mul3A_2] : memref<163840xf32, #tpu.memory_space<hbm>> -> memref<5120xf32, #tpu.memory_space<hbm>>
      %dma_start3A_114 = tpu.memref_slice %arg7[%mul3A_2] : memref<163840xf32, #tpu.memory_space<hbm>> -> memref<5120xf32, #tpu.memory_space<hbm>>
      tpu.enqueue_dma source(%dma_start3A_114 : memref<5120xf32, #tpu.memory_space<hbm>>) target(%arg11 : memref<5120xf32, #tpu.memory_space<vmem>>) target_semaphore(%run_scoped3A_113 : memref<!tpu.dma_semaphore, #tpu.memory_space<semaphore_mem>>)
      %dma_wait3A = tpu.memref_slice %arg7[%mul3A_2] : memref<163840xf32, #tpu.memory_space<hbm>> -> memref<5120xf32, #tpu.memory_space<hbm>>
      %dma_wait3A_115 = tpu.memref_slice %arg7[%mul3A_2] : memref<163840xf32, #tpu.memory_space<hbm>> -> memref<5120xf32, #tpu.memory_space<hbm>>
      tpu.wait_dma2 semaphore(%run_scoped3A_113 : memref<!tpu.dma_semaphore, #tpu.memory_space<semaphore_mem>>) src(%dma_wait3A_115 : memref<5120xf32, #tpu.memory_space<hbm>>) dst(%arg11 : memref<5120xf32, #tpu.memory_space<vmem>>)
      tpu.yield
    }) : () -> ()
    "tpu.region"() ({
      %run_scoped3A_113 = tpu.sem_alloc : memref<!tpu.dma_semaphore, #tpu.memory_space<semaphore_mem>>
      tpu.enqueue_dma source(%arg3 : memref<2048xf32, #tpu.memory_space<hbm>>) target(%arg14 : memref<2048xf32, #tpu.memory_space<vmem>>) target_semaphore(%run_scoped3A_113 : memref<!tpu.dma_semaphore, #tpu.memory_space<semaphore_mem>>)
      tpu.wait_dma2 semaphore(%run_scoped3A_113 : memref<!tpu.dma_semaphore, #tpu.memory_space<semaphore_mem>>) src(%arg3 : memref<2048xf32, #tpu.memory_space<hbm>>) dst(%arg14 : memref<2048xf32, #tpu.memory_space<vmem>>)
      tpu.yield
    }) : () -> ()
    %run_scoped3A = arith.constant 0 : i32
    "tpu.region"() ({
      %run_scoped3A_113 = tpu.sem_alloc : memref<!tpu.dma_semaphore, #tpu.memory_space<semaphore_mem>>
      %dma_start3A = arith.constant 0 : i32
      %dma_start3A_114 = tpu.memref_slice %arg8[%run_scoped3A, %dma_start3A] : memref<2x10240xf32, #tpu.memory_space<hbm>> -> memref<1x10240xf32, #tpu.memory_space<hbm>>
      %dma_start3A_115 = tpu.memref_squeeze %dma_start3A_114 : memref<1x10240xf32, #tpu.memory_space<hbm>> -> memref<10240xf32, #tpu.memory_space<hbm>>
      %dma_start3A_116 = arith.constant 0 : i32
      %dma_start3A_117 = tpu.memref_slice %arg8[%run_scoped3A, %dma_start3A_116] : memref<2x10240xf32, #tpu.memory_space<hbm>> -> memref<1x10240xf32, #tpu.memory_space<hbm>>
      %dma_start3A_118 = tpu.memref_squeeze %dma_start3A_117 : memref<1x10240xf32, #tpu.memory_space<hbm>> -> memref<10240xf32, #tpu.memory_space<hbm>>
      tpu.enqueue_dma source(%dma_start3A_118 : memref<10240xf32, #tpu.memory_space<hbm>>) target(%arg12 : memref<10240xf32, #tpu.memory_space<vmem>>) target_semaphore(%run_scoped3A_113 : memref<!tpu.dma_semaphore, #tpu.memory_space<semaphore_mem>>)
      %dma_wait3A = arith.constant 0 : i32
      %dma_wait3A_119 = tpu.memref_slice %arg8[%run_scoped3A, %dma_wait3A] : memref<2x10240xf32, #tpu.memory_space<hbm>> -> memref<1x10240xf32, #tpu.memory_space<hbm>>
      %dma_wait3A_120 = tpu.memref_squeeze %dma_wait3A_119 : memref<1x10240xf32, #tpu.memory_space<hbm>> -> memref<10240xf32, #tpu.memory_space<hbm>>
      %dma_wait3A_121 = arith.constant 0 : i32
      %dma_wait3A_122 = tpu.memref_slice %arg8[%run_scoped3A, %dma_wait3A_121] : memref<2x10240xf32, #tpu.memory_space<hbm>> -> memref<1x10240xf32, #tpu.memory_space<hbm>>
      %dma_wait3A_123 = tpu.memref_squeeze %dma_wait3A_122 : memref<1x10240xf32, #tpu.memory_space<hbm>> -> memref<10240xf32, #tpu.memory_space<hbm>>
      tpu.wait_dma2 semaphore(%run_scoped3A_113 : memref<!tpu.dma_semaphore, #tpu.memory_space<semaphore_mem>>) src(%dma_wait3A_123 : memref<10240xf32, #tpu.memory_space<hbm>>) dst(%arg12 : memref<10240xf32, #tpu.memory_space<vmem>>)
      tpu.yield
    }) : () -> ()
    %run_scoped3A_3 = arith.constant 1 : i32
    "tpu.region"() ({
      %run_scoped3A_113 = tpu.sem_alloc : memref<!tpu.dma_semaphore, #tpu.memory_space<semaphore_mem>>
      %dma_start3A = arith.constant 0 : i32
      %dma_start3A_114 = tpu.memref_slice %arg8[%run_scoped3A_3, %dma_start3A] : memref<2x10240xf32, #tpu.memory_space<hbm>> -> memref<1x1280xf32, #tpu.memory_space<hbm>>
      %dma_start3A_115 = tpu.memref_squeeze %dma_start3A_114 : memref<1x1280xf32, #tpu.memory_space<hbm>> -> memref<1280xf32, #tpu.memory_space<hbm>>
      %dma_start3A_116 = arith.constant 0 : i32
      %dma_start3A_117 = tpu.memref_slice %arg8[%run_scoped3A_3, %dma_start3A_116] : memref<2x10240xf32, #tpu.memory_space<hbm>> -> memref<1x1280xf32, #tpu.memory_space<hbm>>
      %dma_start3A_118 = tpu.memref_squeeze %dma_start3A_117 : memref<1x1280xf32, #tpu.memory_space<hbm>> -> memref<1280xf32, #tpu.memory_space<hbm>>
      tpu.enqueue_dma source(%dma_start3A_118 : memref<1280xf32, #tpu.memory_space<hbm>>) target(%arg13 : memref<1280xf32, #tpu.memory_space<vmem>>) target_semaphore(%run_scoped3A_113 : memref<!tpu.dma_semaphore, #tpu.memory_space<semaphore_mem>>)
      %dma_wait3A = arith.constant 0 : i32
      %dma_wait3A_119 = tpu.memref_slice %arg8[%run_scoped3A_3, %dma_wait3A] : memref<2x10240xf32, #tpu.memory_space<hbm>> -> memref<1x1280xf32, #tpu.memory_space<hbm>>
      %dma_wait3A_120 = tpu.memref_squeeze %dma_wait3A_119 : memref<1x1280xf32, #tpu.memory_space<hbm>> -> memref<1280xf32, #tpu.memory_space<hbm>>
      %dma_wait3A_121 = arith.constant 0 : i32
      %dma_wait3A_122 = tpu.memref_slice %arg8[%run_scoped3A_3, %dma_wait3A_121] : memref<2x10240xf32, #tpu.memory_space<hbm>> -> memref<1x1280xf32, #tpu.memory_space<hbm>>
      %dma_wait3A_123 = tpu.memref_squeeze %dma_wait3A_122 : memref<1x1280xf32, #tpu.memory_space<hbm>> -> memref<1280xf32, #tpu.memory_space<hbm>>
      tpu.wait_dma2 semaphore(%run_scoped3A_113 : memref<!tpu.dma_semaphore, #tpu.memory_space<semaphore_mem>>) src(%dma_wait3A_123 : memref<1280xf32, #tpu.memory_space<hbm>>) dst(%arg13 : memref<1280xf32, #tpu.memory_space<vmem>>)
      tpu.yield
    }) : () -> ()
    %scan3A = arith.constant 0 : i32
    %scan3A_4 = arith.constant 0 : i32
    %scan3A_5 = arith.constant 80 : i32
    %scan3A_6 = arith.addi %scan3A_4, %scan3A_5 : i32
    %scan3A_7 = arith.constant 1 : i32
    scf.for %scan3A_113 = %scan3A_4 to %scan3A_6 step %scan3A_7  : i32 {
      %mul3A_114 = arith.constant 16 : i32
      %mul3A_115 = arith.muli %scan3A_113, %mul3A_114 : i32
      %add3A_116 = arith.constant 0 : i32
      %add3A_117 = arith.addi %add3A_116, %mul3A_115 : i32
      %get3A = arith.index_cast %add3A_117 : i32 to index
      %get3A_118 = tpu.vector_load %arg12[%get3A] {strides = array<i32>} : memref<10240xf32, #tpu.memory_space<vmem>>, vector<16xf32>,
      %mul3A_119 = arith.constant 16 : i32
      %mul3A_120 = arith.muli %scan3A_113, %mul3A_119 : i32
      %get3A_121 = arith.index_cast %mul3A_120 : i32 to index
      %get3A_122 = tpu.vector_load %arg13[%get3A_121] {strides = array<i32>} : memref<1280xf32, #tpu.memory_space<vmem>>, vector<16xf32>,
      %add3A_123 = arith.addf %get3A_118, %get3A_122 : vector<16xf32>
      %swap3A = arith.index_cast %add3A_117 : i32 to index
      %swap3A_124 = tpu.vector_load %arg12[%swap3A] {strides = array<i32>} : memref<10240xf32, #tpu.memory_space<vmem>>, vector<16xf32>,
      tpu.vector_store %arg12[%swap3A], %add3A_123 {strides = array<i32>} : memref<10240xf32, #tpu.memory_space<vmem>>, vector<16xf32>,
    }
    %scan3A_8 = arith.constant 80 : i32
    %run_scoped3A_9 = arith.constant 1 : i32
    "tpu.region"() ({
      %run_scoped3A_113 = tpu.sem_alloc : memref<!tpu.dma_semaphore, #tpu.memory_space<semaphore_mem>>
      %dma_start3A = arith.constant 1280 : i32
      %dma_start3A_114 = tpu.memref_slice %arg8[%run_scoped3A_9, %dma_start3A] : memref<2x10240xf32, #tpu.memory_space<hbm>> -> memref<1x1280xf32, #tpu.memory_space<hbm>>
      %dma_start3A_115 = tpu.memref_squeeze %dma_start3A_114 : memref<1x1280xf32, #tpu.memory_space<hbm>> -> memref<1280xf32, #tpu.memory_space<hbm>>
      %dma_start3A_116 = arith.constant 1280 : i32
      %dma_start3A_117 = tpu.memref_slice %arg8[%run_scoped3A_9, %dma_start3A_116] : memref<2x10240xf32, #tpu.memory_space<hbm>> -> memref<1x1280xf32, #tpu.memory_space<hbm>>
      %dma_start3A_118 = tpu.memref_squeeze %dma_start3A_117 : memref<1x1280xf32, #tpu.memory_space<hbm>> -> memref<1280xf32, #tpu.memory_space<hbm>>
      tpu.enqueue_dma source(%dma_start3A_118 : memref<1280xf32, #tpu.memory_space<hbm>>) target(%arg13 : memref<1280xf32, #tpu.memory_space<vmem>>) target_semaphore(%run_scoped3A_113 : memref<!tpu.dma_semaphore, #tpu.memory_space<semaphore_mem>>)
      %dma_wait3A = arith.constant 1280 : i32
      %dma_wait3A_119 = tpu.memref_slice %arg8[%run_scoped3A_9, %dma_wait3A] : memref<2x10240xf32, #tpu.memory_space<hbm>> -> memref<1x1280xf32, #tpu.memory_space<hbm>>
      %dma_wait3A_120 = tpu.memref_squeeze %dma_wait3A_119 : memref<1x1280xf32, #tpu.memory_space<hbm>> -> memref<1280xf32, #tpu.memory_space<hbm>>
      %dma_wait3A_121 = arith.constant 1280 : i32
      %dma_wait3A_122 = tpu.memref_slice %arg8[%run_scoped3A_9, %dma_wait3A_121] : memref<2x10240xf32, #tpu.memory_space<hbm>> -> memref<1x1280xf32, #tpu.memory_space<hbm>>
      %dma_wait3A_123 = tpu.memref_squeeze %dma_wait3A_122 : memref<1x1280xf32, #tpu.memory_space<hbm>> -> memref<1280xf32, #tpu.memory_space<hbm>>
      tpu.wait_dma2 semaphore(%run_scoped3A_113 : memref<!tpu.dma_semaphore, #tpu.memory_space<semaphore_mem>>) src(%dma_wait3A_123 : memref<1280xf32, #tpu.memory_space<hbm>>) dst(%arg13 : memref<1280xf32, #tpu.memory_space<vmem>>)
      tpu.yield
    }) : () -> ()
    %scan3A_10 = arith.constant 0 : i32
    %scan3A_11 = arith.constant 0 : i32
    %scan3A_12 = arith.constant 80 : i32
    %scan3A_13 = arith.addi %scan3A_11, %scan3A_12 : i32
    %scan3A_14 = arith.constant 1 : i32
    scf.for %scan3A_113 = %scan3A_11 to %scan3A_13 step %scan3A_14  : i32 {
      %mul3A_114 = arith.constant 16 : i32
      %mul3A_115 = arith.muli %scan3A_113, %mul3A_114 : i32
      %add3A_116 = arith.constant 1280 : i32
      %add3A_117 = arith.addi %add3A_116, %mul3A_115 : i32
      %get3A = arith.index_cast %add3A_117 : i32 to index
      %get3A_118 = tpu.vector_load %arg12[%get3A] {strides = array<i32>} : memref<10240xf32, #tpu.memory_space<vmem>>, vector<16xf32>,
      %mul3A_119 = arith.constant 16 : i32
      %mul3A_120 = arith.muli %scan3A_113, %mul3A_119 : i32
      %get3A_121 = arith.index_cast %mul3A_120 : i32 to index
      %get3A_122 = tpu.vector_load %arg13[%get3A_121] {strides = array<i32>} : memref<1280xf32, #tpu.memory_space<vmem>>, vector<16xf32>,
      %add3A_123 = arith.addf %get3A_118, %get3A_122 : vector<16xf32>
      %swap3A = arith.index_cast %add3A_117 : i32 to index
      %swap3A_124 = tpu.vector_load %arg12[%swap3A] {strides = array<i32>} : memref<10240xf32, #tpu.memory_space<vmem>>, vector<16xf32>,
      tpu.vector_store %arg12[%swap3A], %add3A_123 {strides = array<i32>} : memref<10240xf32, #tpu.memory_space<vmem>>, vector<16xf32>,
    }
    %scan3A_15 = arith.constant 80 : i32
    %run_scoped3A_16 = arith.constant 1 : i32
    "tpu.region"() ({
      %run_scoped3A_113 = tpu.sem_alloc : memref<!tpu.dma_semaphore, #tpu.memory_space<semaphore_mem>>
      %dma_start3A = arith.constant 2560 : i32
      %dma_start3A_114 = tpu.memref_slice %arg8[%run_scoped3A_16, %dma_start3A] : memref<2x10240xf32, #tpu.memory_space<hbm>> -> memref<1x1280xf32, #tpu.memory_space<hbm>>
      %dma_start3A_115 = tpu.memref_squeeze %dma_start3A_114 : memref<1x1280xf32, #tpu.memory_space<hbm>> -> memref<1280xf32, #tpu.memory_space<hbm>>
      %dma_start3A_116 = arith.constant 2560 : i32
      %dma_start3A_117 = tpu.memref_slice %arg8[%run_scoped3A_16, %dma_start3A_116] : memref<2x10240xf32, #tpu.memory_space<hbm>> -> memref<1x1280xf32, #tpu.memory_space<hbm>>
      %dma_start3A_118 = tpu.memref_squeeze %dma_start3A_117 : memref<1x1280xf32, #tpu.memory_space<hbm>> -> memref<1280xf32, #tpu.memory_space<hbm>>
      tpu.enqueue_dma source(%dma_start3A_118 : memref<1280xf32, #tpu.memory_space<hbm>>) target(%arg13 : memref<1280xf32, #tpu.memory_space<vmem>>) target_semaphore(%run_scoped3A_113 : memref<!tpu.dma_semaphore, #tpu.memory_space<semaphore_mem>>)
      %dma_wait3A = arith.constant 2560 : i32
      %dma_wait3A_119 = tpu.memref_slice %arg8[%run_scoped3A_16, %dma_wait3A] : memref<2x10240xf32, #tpu.memory_space<hbm>> -> memref<1x1280xf32, #tpu.memory_space<hbm>>
      %dma_wait3A_120 = tpu.memref_squeeze %dma_wait3A_119 : memref<1x1280xf32, #tpu.memory_space<hbm>> -> memref<1280xf32, #tpu.memory_space<hbm>>
      %dma_wait3A_121 = arith.constant 2560 : i32
      %dma_wait3A_122 = tpu.memref_slice %arg8[%run_scoped3A_16, %dma_wait3A_121] : memref<2x10240xf32, #tpu.memory_space<hbm>> -> memref<1x1280xf32, #tpu.memory_space<hbm>>
      %dma_wait3A_123 = tpu.memref_squeeze %dma_wait3A_122 : memref<1x1280xf32, #tpu.memory_space<hbm>> -> memref<1280xf32, #tpu.memory_space<hbm>>
      tpu.wait_dma2 semaphore(%run_scoped3A_113 : memref<!tpu.dma_semaphore, #tpu.memory_space<semaphore_mem>>) src(%dma_wait3A_123 : memref<1280xf32, #tpu.memory_space<hbm>>) dst(%arg13 : memref<1280xf32, #tpu.memory_space<vmem>>)
      tpu.yield
    }) : () -> ()
    %scan3A_17 = arith.constant 0 : i32
    %scan3A_18 = arith.constant 0 : i32
    %scan3A_19 = arith.constant 80 : i32
    %scan3A_20 = arith.addi %scan3A_18, %scan3A_19 : i32
    %scan3A_21 = arith.constant 1 : i32
    scf.for %scan3A_113 = %scan3A_18 to %scan3A_20 step %scan3A_21  : i32 {
      %mul3A_114 = arith.constant 16 : i32
      %mul3A_115 = arith.muli %scan3A_113, %mul3A_114 : i32
      %add3A_116 = arith.constant 2560 : i32
      %add3A_117 = arith.addi %add3A_116, %mul3A_115 : i32
      %get3A = arith.index_cast %add3A_117 : i32 to index
      %get3A_118 = tpu.vector_load %arg12[%get3A] {strides = array<i32>} : memref<10240xf32, #tpu.memory_space<vmem>>, vector<16xf32>,
      %mul3A_119 = arith.constant 16 : i32
      %mul3A_120 = arith.muli %scan3A_113, %mul3A_119 : i32
      %get3A_121 = arith.index_cast %mul3A_120 : i32 to index
      %get3A_122 = tpu.vector_load %arg13[%get3A_121] {strides = array<i32>} : memref<1280xf32, #tpu.memory_space<vmem>>, vector<16xf32>,
      %add3A_123 = arith.addf %get3A_118, %get3A_122 : vector<16xf32>
      %swap3A = arith.index_cast %add3A_117 : i32 to index
      %swap3A_124 = tpu.vector_load %arg12[%swap3A] {strides = array<i32>} : memref<10240xf32, #tpu.memory_space<vmem>>, vector<16xf32>,
      tpu.vector_store %arg12[%swap3A], %add3A_123 {strides = array<i32>} : memref<10240xf32, #tpu.memory_space<vmem>>, vector<16xf32>,
    }
    %scan3A_22 = arith.constant 80 : i32
    %run_scoped3A_23 = arith.constant 1 : i32
    "tpu.region"() ({
      %run_scoped3A_113 = tpu.sem_alloc : memref<!tpu.dma_semaphore, #tpu.memory_space<semaphore_mem>>
      %dma_start3A = arith.constant 3840 : i32
      %dma_start3A_114 = tpu.memref_slice %arg8[%run_scoped3A_23, %dma_start3A] : memref<2x10240xf32, #tpu.memory_space<hbm>> -> memref<1x1280xf32, #tpu.memory_space<hbm>>
      %dma_start3A_115 = tpu.memref_squeeze %dma_start3A_114 : memref<1x1280xf32, #tpu.memory_space<hbm>> -> memref<1280xf32, #tpu.memory_space<hbm>>
      %dma_start3A_116 = arith.constant 3840 : i32
      %dma_start3A_117 = tpu.memref_slice %arg8[%run_scoped3A_23, %dma_start3A_116] : memref<2x10240xf32, #tpu.memory_space<hbm>> -> memref<1x1280xf32, #tpu.memory_space<hbm>>
      %dma_start3A_118 = tpu.memref_squeeze %dma_start3A_117 : memref<1x1280xf32, #tpu.memory_space<hbm>> -> memref<1280xf32, #tpu.memory_space<hbm>>
      tpu.enqueue_dma source(%dma_start3A_118 : memref<1280xf32, #tpu.memory_space<hbm>>) target(%arg13 : memref<1280xf32, #tpu.memory_space<vmem>>) target_semaphore(%run_scoped3A_113 : memref<!tpu.dma_semaphore, #tpu.memory_space<semaphore_mem>>)
      %dma_wait3A = arith.constant 3840 : i32
      %dma_wait3A_119 = tpu.memref_slice %arg8[%run_scoped3A_23, %dma_wait3A] : memref<2x10240xf32, #tpu.memory_space<hbm>> -> memref<1x1280xf32, #tpu.memory_space<hbm>>
      %dma_wait3A_120 = tpu.memref_squeeze %dma_wait3A_119 : memref<1x1280xf32, #tpu.memory_space<hbm>> -> memref<1280xf32, #tpu.memory_space<hbm>>
      %dma_wait3A_121 = arith.constant 3840 : i32
      %dma_wait3A_122 = tpu.memref_slice %arg8[%run_scoped3A_23, %dma_wait3A_121] : memref<2x10240xf32, #tpu.memory_space<hbm>> -> memref<1x1280xf32, #tpu.memory_space<hbm>>
      %dma_wait3A_123 = tpu.memref_squeeze %dma_wait3A_122 : memref<1x1280xf32, #tpu.memory_space<hbm>> -> memref<1280xf32, #tpu.memory_space<hbm>>
      tpu.wait_dma2 semaphore(%run_scoped3A_113 : memref<!tpu.dma_semaphore, #tpu.memory_space<semaphore_mem>>) src(%dma_wait3A_123 : memref<1280xf32, #tpu.memory_space<hbm>>) dst(%arg13 : memref<1280xf32, #tpu.memory_space<vmem>>)
      tpu.yield
    }) : () -> ()
    %scan3A_24 = arith.constant 0 : i32
    %scan3A_25 = arith.constant 0 : i32
    %scan3A_26 = arith.constant 80 : i32
    %scan3A_27 = arith.addi %scan3A_25, %scan3A_26 : i32
    %scan3A_28 = arith.constant 1 : i32
    scf.for %scan3A_113 = %scan3A_25 to %scan3A_27 step %scan3A_28  : i32 {
      %mul3A_114 = arith.constant 16 : i32
      %mul3A_115 = arith.muli %scan3A_113, %mul3A_114 : i32
      %add3A_116 = arith.constant 3840 : i32
      %add3A_117 = arith.addi %add3A_116, %mul3A_115 : i32
      %get3A = arith.index_cast %add3A_117 : i32 to index
      %get3A_118 = tpu.vector_load %arg12[%get3A] {strides = array<i32>} : memref<10240xf32, #tpu.memory_space<vmem>>, vector<16xf32>,
      %mul3A_119 = arith.constant 16 : i32
      %mul3A_120 = arith.muli %scan3A_113, %mul3A_119 : i32
      %get3A_121 = arith.index_cast %mul3A_120 : i32 to index
      %get3A_122 = tpu.vector_load %arg13[%get3A_121] {strides = array<i32>} : memref<1280xf32, #tpu.memory_space<vmem>>, vector<16xf32>,
      %add3A_123 = arith.addf %get3A_118, %get3A_122 : vector<16xf32>
      %swap3A = arith.index_cast %add3A_117 : i32 to index
      %swap3A_124 = tpu.vector_load %arg12[%swap3A] {strides = array<i32>} : memref<10240xf32, #tpu.memory_space<vmem>>, vector<16xf32>,
      tpu.vector_store %arg12[%swap3A], %add3A_123 {strides = array<i32>} : memref<10240xf32, #tpu.memory_space<vmem>>, vector<16xf32>,
    }
    %scan3A_29 = arith.constant 80 : i32
    %run_scoped3A_30 = arith.constant 1 : i32
    "tpu.region"() ({
      %run_scoped3A_113 = tpu.sem_alloc : memref<!tpu.dma_semaphore, #tpu.memory_space<semaphore_mem>>
      %dma_start3A = arith.constant 5120 : i32
      %dma_start3A_114 = tpu.memref_slice %arg8[%run_scoped3A_30, %dma_start3A] : memref<2x10240xf32, #tpu.memory_space<hbm>> -> memref<1x1280xf32, #tpu.memory_space<hbm>>
      %dma_start3A_115 = tpu.memref_squeeze %dma_start3A_114 : memref<1x1280xf32, #tpu.memory_space<hbm>> -> memref<1280xf32, #tpu.memory_space<hbm>>
      %dma_start3A_116 = arith.constant 5120 : i32
      %dma_start3A_117 = tpu.memref_slice %arg8[%run_scoped3A_30, %dma_start3A_116] : memref<2x10240xf32, #tpu.memory_space<hbm>> -> memref<1x1280xf32, #tpu.memory_space<hbm>>
      %dma_start3A_118 = tpu.memref_squeeze %dma_start3A_117 : memref<1x1280xf32, #tpu.memory_space<hbm>> -> memref<1280xf32, #tpu.memory_space<hbm>>
      tpu.enqueue_dma source(%dma_start3A_118 : memref<1280xf32, #tpu.memory_space<hbm>>) target(%arg13 : memref<1280xf32, #tpu.memory_space<vmem>>) target_semaphore(%run_scoped3A_113 : memref<!tpu.dma_semaphore, #tpu.memory_space<semaphore_mem>>)
      %dma_wait3A = arith.constant 5120 : i32
      %dma_wait3A_119 = tpu.memref_slice %arg8[%run_scoped3A_30, %dma_wait3A] : memref<2x10240xf32, #tpu.memory_space<hbm>> -> memref<1x1280xf32, #tpu.memory_space<hbm>>
      %dma_wait3A_120 = tpu.memref_squeeze %dma_wait3A_119 : memref<1x1280xf32, #tpu.memory_space<hbm>> -> memref<1280xf32, #tpu.memory_space<hbm>>
      %dma_wait3A_121 = arith.constant 5120 : i32
      %dma_wait3A_122 = tpu.memref_slice %arg8[%run_scoped3A_30, %dma_wait3A_121] : memref<2x10240xf32, #tpu.memory_space<hbm>> -> memref<1x1280xf32, #tpu.memory_space<hbm>>
      %dma_wait3A_123 = tpu.memref_squeeze %dma_wait3A_122 : memref<1x1280xf32, #tpu.memory_space<hbm>> -> memref<1280xf32, #tpu.memory_space<hbm>>
      tpu.wait_dma2 semaphore(%run_scoped3A_113 : memref<!tpu.dma_semaphore, #tpu.memory_space<semaphore_mem>>) src(%dma_wait3A_123 : memref<1280xf32, #tpu.memory_space<hbm>>) dst(%arg13 : memref<1280xf32, #tpu.memory_space<vmem>>)
      tpu.yield
    }) : () -> ()
    %scan3A_31 = arith.constant 0 : i32
    %scan3A_32 = arith.constant 0 : i32
    %scan3A_33 = arith.constant 80 : i32
    %scan3A_34 = arith.addi %scan3A_32, %scan3A_33 : i32
    %scan3A_35 = arith.constant 1 : i32
    scf.for %scan3A_113 = %scan3A_32 to %scan3A_34 step %scan3A_35  : i32 {
      %mul3A_114 = arith.constant 16 : i32
      %mul3A_115 = arith.muli %scan3A_113, %mul3A_114 : i32
      %add3A_116 = arith.constant 5120 : i32
      %add3A_117 = arith.addi %add3A_116, %mul3A_115 : i32
      %get3A = arith.index_cast %add3A_117 : i32 to index
      %get3A_118 = tpu.vector_load %arg12[%get3A] {strides = array<i32>} : memref<10240xf32, #tpu.memory_space<vmem>>, vector<16xf32>,
      %mul3A_119 = arith.constant 16 : i32
      %mul3A_120 = arith.muli %scan3A_113, %mul3A_119 : i32
      %get3A_121 = arith.index_cast %mul3A_120 : i32 to index
      %get3A_122 = tpu.vector_load %arg13[%get3A_121] {strides = array<i32>} : memref<1280xf32, #tpu.memory_space<vmem>>, vector<16xf32>,
      %add3A_123 = arith.addf %get3A_118, %get3A_122 : vector<16xf32>
      %swap3A = arith.index_cast %add3A_117 : i32 to index
      %swap3A_124 = tpu.vector_load %arg12[%swap3A] {strides = array<i32>} : memref<10240xf32, #tpu.memory_space<vmem>>, vector<16xf32>,
      tpu.vector_store %arg12[%swap3A], %add3A_123 {strides = array<i32>} : memref<10240xf32, #tpu.memory_space<vmem>>, vector<16xf32>,
    }
    %scan3A_36 = arith.constant 80 : i32
    %run_scoped3A_37 = arith.constant 1 : i32
    "tpu.region"() ({
      %run_scoped3A_113 = tpu.sem_alloc : memref<!tpu.dma_semaphore, #tpu.memory_space<semaphore_mem>>
      %dma_start3A = arith.constant 6400 : i32
      %dma_start3A_114 = tpu.memref_slice %arg8[%run_scoped3A_37, %dma_start3A] : memref<2x10240xf32, #tpu.memory_space<hbm>> -> memref<1x1280xf32, #tpu.memory_space<hbm>>
      %dma_start3A_115 = tpu.memref_squeeze %dma_start3A_114 : memref<1x1280xf32, #tpu.memory_space<hbm>> -> memref<1280xf32, #tpu.memory_space<hbm>>
      %dma_start3A_116 = arith.constant 6400 : i32
      %dma_start3A_117 = tpu.memref_slice %arg8[%run_scoped3A_37, %dma_start3A_116] : memref<2x10240xf32, #tpu.memory_space<hbm>> -> memref<1x1280xf32, #tpu.memory_space<hbm>>
      %dma_start3A_118 = tpu.memref_squeeze %dma_start3A_117 : memref<1x1280xf32, #tpu.memory_space<hbm>> -> memref<1280xf32, #tpu.memory_space<hbm>>
      tpu.enqueue_dma source(%dma_start3A_118 : memref<1280xf32, #tpu.memory_space<hbm>>) target(%arg13 : memref<1280xf32, #tpu.memory_space<vmem>>) target_semaphore(%run_scoped3A_113 : memref<!tpu.dma_semaphore, #tpu.memory_space<semaphore_mem>>)
      %dma_wait3A = arith.constant 6400 : i32
      %dma_wait3A_119 = tpu.memref_slice %arg8[%run_scoped3A_37, %dma_wait3A] : memref<2x10240xf32, #tpu.memory_space<hbm>> -> memref<1x1280xf32, #tpu.memory_space<hbm>>
      %dma_wait3A_120 = tpu.memref_squeeze %dma_wait3A_119 : memref<1x1280xf32, #tpu.memory_space<hbm>> -> memref<1280xf32, #tpu.memory_space<hbm>>
      %dma_wait3A_121 = arith.constant 6400 : i32
      %dma_wait3A_122 = tpu.memref_slice %arg8[%run_scoped3A_37, %dma_wait3A_121] : memref<2x10240xf32, #tpu.memory_space<hbm>> -> memref<1x1280xf32, #tpu.memory_space<hbm>>
      %dma_wait3A_123 = tpu.memref_squeeze %dma_wait3A_122 : memref<1x1280xf32, #tpu.memory_space<hbm>> -> memref<1280xf32, #tpu.memory_space<hbm>>
      tpu.wait_dma2 semaphore(%run_scoped3A_113 : memref<!tpu.dma_semaphore, #tpu.memory_space<semaphore_mem>>) src(%dma_wait3A_123 : memref<1280xf32, #tpu.memory_space<hbm>>) dst(%arg13 : memref<1280xf32, #tpu.memory_space<vmem>>)
      tpu.yield
    }) : () -> ()
    %scan3A_38 = arith.constant 0 : i32
    %scan3A_39 = arith.constant 0 : i32
    %scan3A_40 = arith.constant 80 : i32
    %scan3A_41 = arith.addi %scan3A_39, %scan3A_40 : i32
    %scan3A_42 = arith.constant 1 : i32
    scf.for %scan3A_113 = %scan3A_39 to %scan3A_41 step %scan3A_42  : i32 {
      %mul3A_114 = arith.constant 16 : i32
      %mul3A_115 = arith.muli %scan3A_113, %mul3A_114 : i32
      %add3A_116 = arith.constant 6400 : i32
      %add3A_117 = arith.addi %add3A_116, %mul3A_115 : i32
      %get3A = arith.index_cast %add3A_117 : i32 to index
      %get3A_118 = tpu.vector_load %arg12[%get3A] {strides = array<i32>} : memref<10240xf32, #tpu.memory_space<vmem>>, vector<16xf32>,
      %mul3A_119 = arith.constant 16 : i32
      %mul3A_120 = arith.muli %scan3A_113, %mul3A_119 : i32
      %get3A_121 = arith.index_cast %mul3A_120 : i32 to index
      %get3A_122 = tpu.vector_load %arg13[%get3A_121] {strides = array<i32>} : memref<1280xf32, #tpu.memory_space<vmem>>, vector<16xf32>,
      %add3A_123 = arith.addf %get3A_118, %get3A_122 : vector<16xf32>
      %swap3A = arith.index_cast %add3A_117 : i32 to index
      %swap3A_124 = tpu.vector_load %arg12[%swap3A] {strides = array<i32>} : memref<10240xf32, #tpu.memory_space<vmem>>, vector<16xf32>,
      tpu.vector_store %arg12[%swap3A], %add3A_123 {strides = array<i32>} : memref<10240xf32, #tpu.memory_space<vmem>>, vector<16xf32>,
    }
    %scan3A_43 = arith.constant 80 : i32
    %run_scoped3A_44 = arith.constant 1 : i32
    "tpu.region"() ({
      %run_scoped3A_113 = tpu.sem_alloc : memref<!tpu.dma_semaphore, #tpu.memory_space<semaphore_mem>>
      %dma_start3A = arith.constant 7680 : i32
      %dma_start3A_114 = tpu.memref_slice %arg8[%run_scoped3A_44, %dma_start3A] : memref<2x10240xf32, #tpu.memory_space<hbm>> -> memref<1x1280xf32, #tpu.memory_space<hbm>>
      %dma_start3A_115 = tpu.memref_squeeze %dma_start3A_114 : memref<1x1280xf32, #tpu.memory_space<hbm>> -> memref<1280xf32, #tpu.memory_space<hbm>>
      %dma_start3A_116 = arith.constant 7680 : i32
      %dma_start3A_117 = tpu.memref_slice %arg8[%run_scoped3A_44, %dma_start3A_116] : memref<2x10240xf32, #tpu.memory_space<hbm>> -> memref<1x1280xf32, #tpu.memory_space<hbm>>
      %dma_start3A_118 = tpu.memref_squeeze %dma_start3A_117 : memref<1x1280xf32, #tpu.memory_space<hbm>> -> memref<1280xf32, #tpu.memory_space<hbm>>
      tpu.enqueue_dma source(%dma_start3A_118 : memref<1280xf32, #tpu.memory_space<hbm>>) target(%arg13 : memref<1280xf32, #tpu.memory_space<vmem>>) target_semaphore(%run_scoped3A_113 : memref<!tpu.dma_semaphore, #tpu.memory_space<semaphore_mem>>)
      %dma_wait3A = arith.constant 7680 : i32
      %dma_wait3A_119 = tpu.memref_slice %arg8[%run_scoped3A_44, %dma_wait3A] : memref<2x10240xf32, #tpu.memory_space<hbm>> -> memref<1x1280xf32, #tpu.memory_space<hbm>>
      %dma_wait3A_120 = tpu.memref_squeeze %dma_wait3A_119 : memref<1x1280xf32, #tpu.memory_space<hbm>> -> memref<1280xf32, #tpu.memory_space<hbm>>
      %dma_wait3A_121 = arith.constant 7680 : i32
      %dma_wait3A_122 = tpu.memref_slice %arg8[%run_scoped3A_44, %dma_wait3A_121] : memref<2x10240xf32, #tpu.memory_space<hbm>> -> memref<1x1280xf32, #tpu.memory_space<hbm>>
      %dma_wait3A_123 = tpu.memref_squeeze %dma_wait3A_122 : memref<1x1280xf32, #tpu.memory_space<hbm>> -> memref<1280xf32, #tpu.memory_space<hbm>>
      tpu.wait_dma2 semaphore(%run_scoped3A_113 : memref<!tpu.dma_semaphore, #tpu.memory_space<semaphore_mem>>) src(%dma_wait3A_123 : memref<1280xf32, #tpu.memory_space<hbm>>) dst(%arg13 : memref<1280xf32, #tpu.memory_space<vmem>>)
      tpu.yield
    }) : () -> ()
    %scan3A_45 = arith.constant 0 : i32
    %scan3A_46 = arith.constant 0 : i32
    %scan3A_47 = arith.constant 80 : i32
    %scan3A_48 = arith.addi %scan3A_46, %scan3A_47 : i32
    %scan3A_49 = arith.constant 1 : i32
    scf.for %scan3A_113 = %scan3A_46 to %scan3A_48 step %scan3A_49  : i32 {
      %mul3A_114 = arith.constant 16 : i32
      %mul3A_115 = arith.muli %scan3A_113, %mul3A_114 : i32
      %add3A_116 = arith.constant 7680 : i32
      %add3A_117 = arith.addi %add3A_116, %mul3A_115 : i32
      %get3A = arith.index_cast %add3A_117 : i32 to index
      %get3A_118 = tpu.vector_load %arg12[%get3A] {strides = array<i32>} : memref<10240xf32, #tpu.memory_space<vmem>>, vector<16xf32>,
      %mul3A_119 = arith.constant 16 : i32
      %mul3A_120 = arith.muli %scan3A_113, %mul3A_119 : i32
      %get3A_121 = arith.index_cast %mul3A_120 : i32 to index
      %get3A_122 = tpu.vector_load %arg13[%get3A_121] {strides = array<i32>} : memref<1280xf32, #tpu.memory_space<vmem>>, vector<16xf32>,
      %add3A_123 = arith.addf %get3A_118, %get3A_122 : vector<16xf32>
      %swap3A = arith.index_cast %add3A_117 : i32 to index
      %swap3A_124 = tpu.vector_load %arg12[%swap3A] {strides = array<i32>} : memref<10240xf32, #tpu.memory_space<vmem>>, vector<16xf32>,
      tpu.vector_store %arg12[%swap3A], %add3A_123 {strides = array<i32>} : memref<10240xf32, #tpu.memory_space<vmem>>, vector<16xf32>,
    }
    %scan3A_50 = arith.constant 80 : i32
    %run_scoped3A_51 = arith.constant 1 : i32
    "tpu.region"() ({
      %run_scoped3A_113 = tpu.sem_alloc : memref<!tpu.dma_semaphore, #tpu.memory_space<semaphore_mem>>
      %dma_start3A = arith.constant 8960 : i32
      %dma_start3A_114 = tpu.memref_slice %arg8[%run_scoped3A_51, %dma_start3A] : memref<2x10240xf32, #tpu.memory_space<hbm>> -> memref<1x1280xf32, #tpu.memory_space<hbm>>
      %dma_start3A_115 = tpu.memref_squeeze %dma_start3A_114 : memref<1x1280xf32, #tpu.memory_space<hbm>> -> memref<1280xf32, #tpu.memory_space<hbm>>
      %dma_start3A_116 = arith.constant 8960 : i32
      %dma_start3A_117 = tpu.memref_slice %arg8[%run_scoped3A_51, %dma_start3A_116] : memref<2x10240xf32, #tpu.memory_space<hbm>> -> memref<1x1280xf32, #tpu.memory_space<hbm>>
      %dma_start3A_118 = tpu.memref_squeeze %dma_start3A_117 : memref<1x1280xf32, #tpu.memory_space<hbm>> -> memref<1280xf32, #tpu.memory_space<hbm>>
      tpu.enqueue_dma source(%dma_start3A_118 : memref<1280xf32, #tpu.memory_space<hbm>>) target(%arg13 : memref<1280xf32, #tpu.memory_space<vmem>>) target_semaphore(%run_scoped3A_113 : memref<!tpu.dma_semaphore, #tpu.memory_space<semaphore_mem>>)
      %dma_wait3A = arith.constant 8960 : i32
      %dma_wait3A_119 = tpu.memref_slice %arg8[%run_scoped3A_51, %dma_wait3A] : memref<2x10240xf32, #tpu.memory_space<hbm>> -> memref<1x1280xf32, #tpu.memory_space<hbm>>
      %dma_wait3A_120 = tpu.memref_squeeze %dma_wait3A_119 : memref<1x1280xf32, #tpu.memory_space<hbm>> -> memref<1280xf32, #tpu.memory_space<hbm>>
      %dma_wait3A_121 = arith.constant 8960 : i32
      %dma_wait3A_122 = tpu.memref_slice %arg8[%run_scoped3A_51, %dma_wait3A_121] : memref<2x10240xf32, #tpu.memory_space<hbm>> -> memref<1x1280xf32, #tpu.memory_space<hbm>>
      %dma_wait3A_123 = tpu.memref_squeeze %dma_wait3A_122 : memref<1x1280xf32, #tpu.memory_space<hbm>> -> memref<1280xf32, #tpu.memory_space<hbm>>
      tpu.wait_dma2 semaphore(%run_scoped3A_113 : memref<!tpu.dma_semaphore, #tpu.memory_space<semaphore_mem>>) src(%dma_wait3A_123 : memref<1280xf32, #tpu.memory_space<hbm>>) dst(%arg13 : memref<1280xf32, #tpu.memory_space<vmem>>)
      tpu.yield
    }) : () -> ()
    %scan3A_52 = arith.constant 0 : i32
    %scan3A_53 = arith.constant 0 : i32
    %scan3A_54 = arith.constant 80 : i32
    %scan3A_55 = arith.addi %scan3A_53, %scan3A_54 : i32
    %scan3A_56 = arith.constant 1 : i32
    scf.for %scan3A_113 = %scan3A_53 to %scan3A_55 step %scan3A_56  : i32 {
      %mul3A_114 = arith.constant 16 : i32
      %mul3A_115 = arith.muli %scan3A_113, %mul3A_114 : i32
      %add3A_116 = arith.constant 8960 : i32
      %add3A_117 = arith.addi %add3A_116, %mul3A_115 : i32
      %get3A = arith.index_cast %add3A_117 : i32 to index
      %get3A_118 = tpu.vector_load %arg12[%get3A] {strides = array<i32>} : memref<10240xf32, #tpu.memory_space<vmem>>, vector<16xf32>,
      %mul3A_119 = arith.constant 16 : i32
      %mul3A_120 = arith.muli %scan3A_113, %mul3A_119 : i32
      %get3A_121 = arith.index_cast %mul3A_120 : i32 to index
      %get3A_122 = tpu.vector_load %arg13[%get3A_121] {strides = array<i32>} : memref<1280xf32, #tpu.memory_space<vmem>>, vector<16xf32>,
      %add3A_123 = arith.addf %get3A_118, %get3A_122 : vector<16xf32>
      %swap3A = arith.index_cast %add3A_117 : i32 to index
      %swap3A_124 = tpu.vector_load %arg12[%swap3A] {strides = array<i32>} : memref<10240xf32, #tpu.memory_space<vmem>>, vector<16xf32>,
      tpu.vector_store %arg12[%swap3A], %add3A_123 {strides = array<i32>} : memref<10240xf32, #tpu.memory_space<vmem>>, vector<16xf32>,
    }
    %scan3A_57 = arith.constant 80 : i32
    %scan3A_58 = arith.constant 0 : i32
    %scan3A_59 = arith.constant 0 : i32
    %scan3A_60 = arith.constant 320 : i32
    %scan3A_61 = arith.addi %scan3A_59, %scan3A_60 : i32
    %scan3A_62 = arith.constant 1 : i32
    scf.for %scan3A_113 = %scan3A_59 to %scan3A_61 step %scan3A_62  : i32 {
      %mul3A_114 = arith.constant 16 : i32
      %mul3A_115 = arith.muli %scan3A_113, %mul3A_114 : i32
      %get3A = arith.index_cast %mul3A_115 : i32 to index
      %get3A_116 = tpu.vector_load %arg10[%get3A] {strides = array<i32>} : memref<5120xi32, #tpu.memory_space<vmem>>, vector<16xi32>,
      %gather3A = tpu.vector_load_idx %arg12[%get3A_116] : memref<10240xf32, #tpu.memory_space<vmem>>[vector<16xi32>], vector<16xf32>,
      %get3A_117 = arith.index_cast %mul3A_115 : i32 to index
      %get3A_118 = tpu.vector_load %arg11[%get3A_117] {strides = array<i32>} : memref<5120xf32, #tpu.memory_space<vmem>>, vector<16xf32>,
      %add3A_119 = arith.constant 1.000000e-16 : f32
      %add3A_120 = vector.broadcast %add3A_119 : f32 to vector<16xf32>
      %add3A_121 = arith.addf %gather3A, %add3A_120 : vector<16xf32>
      %div3A_122 = arith.divf %get3A_118, %add3A_121 : vector<16xf32>
      %swap3A = arith.index_cast %mul3A_115 : i32 to index
      %swap3A_123 = tpu.vector_load %arg11[%swap3A] {strides = array<i32>} : memref<5120xf32, #tpu.memory_space<vmem>>, vector<16xf32>,
      tpu.vector_store %arg11[%swap3A], %div3A_122 {strides = array<i32>} : memref<5120xf32, #tpu.memory_space<vmem>>, vector<16xf32>,
    }
    %scan3A_63 = arith.constant 320 : i32
    %scan3A_64 = arith.constant 0 : i32
    %scan3A_65 = arith.constant 0 : i32
    %scan3A_66 = arith.constant 40 : i32
    %scan3A_67 = arith.addi %scan3A_65, %scan3A_66 : i32
    %scan3A_68 = arith.constant 1 : i32
    scf.for %scan3A_113 = %scan3A_65 to %scan3A_67 step %scan3A_68  : i32 {
      %broadcast_in_dim3A = arith.constant 0.000000e+00 : f32
      %broadcast_in_dim3A_114 = vector.broadcast %broadcast_in_dim3A : f32 to vector<16xf32>
      %swap3A = arith.index_cast %scan3A_113 : i32 to index
      %swap3A_115 = arith.constant 0 : index
      %swap3A_116 = tpu.vector_load %arg16[%swap3A, %swap3A_115] {strides = array<i32>} : memref<40x128xf32, #tpu.memory_space<vmem>>, vector<16xf32>,
      tpu.vector_store %arg16[%swap3A, %swap3A_115], %broadcast_in_dim3A_114 {strides = array<i32>} : memref<40x128xf32, #tpu.memory_space<vmem>>, vector<16xf32>,
      %broadcast_in_dim3A_117 = arith.constant 0.000000e+00 : f32
      %broadcast_in_dim3A_118 = vector.broadcast %broadcast_in_dim3A_117 : f32 to vector<16xf32>
      %swap3A_119 = arith.index_cast %scan3A_113 : i32 to index
      %swap3A_120 = arith.constant 16 : index
      %swap3A_121 = tpu.vector_load %arg16[%swap3A_119, %swap3A_120] {strides = array<i32>} : memref<40x128xf32, #tpu.memory_space<vmem>>, vector<16xf32>,
      tpu.vector_store %arg16[%swap3A_119, %swap3A_120], %broadcast_in_dim3A_118 {strides = array<i32>} : memref<40x128xf32, #tpu.memory_space<vmem>>, vector<16xf32>,
      %broadcast_in_dim3A_122 = arith.constant 0.000000e+00 : f32
      %broadcast_in_dim3A_123 = vector.broadcast %broadcast_in_dim3A_122 : f32 to vector<16xf32>
      %swap3A_124 = arith.index_cast %scan3A_113 : i32 to index
      %swap3A_125 = arith.constant 32 : index
      %swap3A_126 = tpu.vector_load %arg16[%swap3A_124, %swap3A_125] {strides = array<i32>} : memref<40x128xf32, #tpu.memory_space<vmem>>, vector<16xf32>,
      tpu.vector_store %arg16[%swap3A_124, %swap3A_125], %broadcast_in_dim3A_123 {strides = array<i32>} : memref<40x128xf32, #tpu.memory_space<vmem>>, vector<16xf32>,
      %broadcast_in_dim3A_127 = arith.constant 0.000000e+00 : f32
      %broadcast_in_dim3A_128 = vector.broadcast %broadcast_in_dim3A_127 : f32 to vector<16xf32>
      %swap3A_129 = arith.index_cast %scan3A_113 : i32 to index
      %swap3A_130 = arith.constant 48 : index
      %swap3A_131 = tpu.vector_load %arg16[%swap3A_129, %swap3A_130] {strides = array<i32>} : memref<40x128xf32, #tpu.memory_space<vmem>>, vector<16xf32>,
      tpu.vector_store %arg16[%swap3A_129, %swap3A_130], %broadcast_in_dim3A_128 {strides = array<i32>} : memref<40x128xf32, #tpu.memory_space<vmem>>, vector<16xf32>,
      %broadcast_in_dim3A_132 = arith.constant 0.000000e+00 : f32
      %broadcast_in_dim3A_133 = vector.broadcast %broadcast_in_dim3A_132 : f32 to vector<16xf32>
      %swap3A_134 = arith.index_cast %scan3A_113 : i32 to index
      %swap3A_135 = arith.constant 64 : index
      %swap3A_136 = tpu.vector_load %arg16[%swap3A_134, %swap3A_135] {strides = array<i32>} : memref<40x128xf32, #tpu.memory_space<vmem>>, vector<16xf32>,
      tpu.vector_store %arg16[%swap3A_134, %swap3A_135], %broadcast_in_dim3A_133 {strides = array<i32>} : memref<40x128xf32, #tpu.memory_space<vmem>>, vector<16xf32>,
      %broadcast_in_dim3A_137 = arith.constant 0.000000e+00 : f32
      %broadcast_in_dim3A_138 = vector.broadcast %broadcast_in_dim3A_137 : f32 to vector<16xf32>
      %swap3A_139 = arith.index_cast %scan3A_113 : i32 to index
      %swap3A_140 = arith.constant 80 : index
      %swap3A_141 = tpu.vector_load %arg16[%swap3A_139, %swap3A_140] {strides = array<i32>} : memref<40x128xf32, #tpu.memory_space<vmem>>, vector<16xf32>,
      tpu.vector_store %arg16[%swap3A_139, %swap3A_140], %broadcast_in_dim3A_138 {strides = array<i32>} : memref<40x128xf32, #tpu.memory_space<vmem>>, vector<16xf32>,
      %broadcast_in_dim3A_142 = arith.constant 0.000000e+00 : f32
      %broadcast_in_dim3A_143 = vector.broadcast %broadcast_in_dim3A_142 : f32 to vector<16xf32>
      %swap3A_144 = arith.index_cast %scan3A_113 : i32 to index
      %swap3A_145 = arith.constant 96 : index
      %swap3A_146 = tpu.vector_load %arg16[%swap3A_144, %swap3A_145] {strides = array<i32>} : memref<40x128xf32, #tpu.memory_space<vmem>>, vector<16xf32>,
      tpu.vector_store %arg16[%swap3A_144, %swap3A_145], %broadcast_in_dim3A_143 {strides = array<i32>} : memref<40x128xf32, #tpu.memory_space<vmem>>, vector<16xf32>,
      %broadcast_in_dim3A_147 = arith.constant 0.000000e+00 : f32
      %broadcast_in_dim3A_148 = vector.broadcast %broadcast_in_dim3A_147 : f32 to vector<16xf32>
      %swap3A_149 = arith.index_cast %scan3A_113 : i32 to index
      %swap3A_150 = arith.constant 112 : index
      %swap3A_151 = tpu.vector_load %arg16[%swap3A_149, %swap3A_150] {strides = array<i32>} : memref<40x128xf32, #tpu.memory_space<vmem>>, vector<16xf32>,
      tpu.vector_store %arg16[%swap3A_149, %swap3A_150], %broadcast_in_dim3A_148 {strides = array<i32>} : memref<40x128xf32, #tpu.memory_space<vmem>>, vector<16xf32>,
    }
    %scan3A_69 = arith.constant 40 : i32
    %lt3A = arith.constant 15 : i32
    %lt3A_70 = arith.cmpi slt, %arg1, %lt3A : i32
    %jit3A = arith.constant 640 : i32
    %jit3A_71 = arith.constant 400 : i32
    %select_n3A = arith.select %lt3A_70, %jit3A, %jit3A_71 : i32
    %jit3A_72 = arith.constant 40 : i32
    %div3A = arith.divsi %select_n3A, %jit3A_72 : i32
    %sign3A = arith.constant 0 : i32
    %sign3A_73 = arith.cmpi sgt, %select_n3A, %sign3A : i32
    %sign3A_74 = arith.extui %sign3A_73 : i1 to i32
    %sign3A_75 = arith.constant 0 : i32
    %sign3A_76 = arith.cmpi slt, %select_n3A, %sign3A_75 : i32
    %sign3A_77 = arith.extui %sign3A_76 : i1 to i32
    %sign3A_78 = arith.subi %sign3A_74, %sign3A_77 : i32
    %sign3A_79 = arith.constant 0 : i32
    %sign3A_80 = arith.cmpi sgt, %jit3A_72, %sign3A_79 : i32
    %sign3A_81 = arith.extui %sign3A_80 : i1 to i32
    %sign3A_82 = arith.constant 0 : i32
    %sign3A_83 = arith.cmpi slt, %jit3A_72, %sign3A_82 : i32
    %sign3A_84 = arith.extui %sign3A_83 : i1 to i32
    %sign3A_85 = arith.subi %sign3A_81, %sign3A_84 : i32
    %ne3A = arith.cmpi ne, %sign3A_78, %sign3A_85 : i32
    %rem3A = arith.remsi %select_n3A, %jit3A_72 : i32
    %ne3A_86 = arith.constant 0 : i32
    %ne3A_87 = arith.cmpi ne, %rem3A, %ne3A_86 : i32
    %and3A = arith.andi %ne3A, %ne3A_87 : i1
    %sub3A = arith.constant 1 : i32
    %sub3A_88 = arith.subi %div3A, %sub3A : i32
    %select_n3A_89 = arith.select %and3A, %sub3A_88, %div3A : i32
    %while3A = arith.constant 0 : i32
    %while3A_90 = arith.constant 0 : i32
    %while3A_91 = arith.subi %select_n3A_89, %while3A_90 : i32
    %while3A_92 = arith.addi %while3A_90, %while3A_91 : i32
    %while3A_93 = arith.constant 1 : i32
    %while3A_94 = arith.divsi %while3A_91, %while3A_93 : i32
    %while3A_95 = arith.muli %while3A_94, %while3A_93 : i32
    %while3A_96 = arith.addi %while3A_90, %while3A_95 : i32
    %while3A_97 = arith.constant 1 : i32
    scf.for %while3A_113 = %while3A_90 to %while3A_96 step %while3A_97  : i32 {
      %mul3A_114 = arith.constant 640 : i32
      %mul3A_115 = arith.muli %arg1, %mul3A_114 : i32
      %mul3A_116 = arith.constant 40 : i32
      %mul3A_117 = arith.muli %while3A_113, %mul3A_116 : i32
      %add3A_118 = arith.addi %mul3A_115, %mul3A_117 : i32
      "tpu.region"() ({
        %run_scoped3A_119 = tpu.sem_alloc : memref<!tpu.dma_semaphore, #tpu.memory_space<semaphore_mem>>
        %dma_start3A = arith.constant 0 : i32
        %dma_start3A_120 = tpu.memref_slice %arg20[%add3A_118, %dma_start3A] : memref<10000x128xf32, #tpu.memory_space<vmem_shared>> -> memref<40x128xf32, #tpu.memory_space<vmem_shared>>
        %dma_start3A_121 = arith.constant 0 : i32
        %dma_start3A_122 = tpu.memref_slice %arg20[%add3A_118, %dma_start3A_121] : memref<10000x128xf32, #tpu.memory_space<vmem_shared>> -> memref<40x128xf32, #tpu.memory_space<vmem_shared>>
        tpu.enqueue_dma source(%arg16 : memref<40x128xf32, #tpu.memory_space<vmem>>) target(%dma_start3A_122 : memref<40x128xf32, #tpu.memory_space<vmem_shared>>) target_semaphore(%run_scoped3A_119 : memref<!tpu.dma_semaphore, #tpu.memory_space<semaphore_mem>>)
        %dma_wait3A = arith.constant 0 : i32
        %dma_wait3A_123 = tpu.memref_slice %arg20[%add3A_118, %dma_wait3A] : memref<10000x128xf32, #tpu.memory_space<vmem_shared>> -> memref<40x128xf32, #tpu.memory_space<vmem_shared>>
        %dma_wait3A_124 = arith.constant 0 : i32
        %dma_wait3A_125 = tpu.memref_slice %arg20[%add3A_118, %dma_wait3A_124] : memref<10000x128xf32, #tpu.memory_space<vmem_shared>> -> memref<40x128xf32, #tpu.memory_space<vmem_shared>>
        tpu.wait_dma2 semaphore(%run_scoped3A_119 : memref<!tpu.dma_semaphore, #tpu.memory_space<semaphore_mem>>) src(%arg16 : memref<40x128xf32, #tpu.memory_space<vmem>>) dst(%dma_wait3A_125 : memref<40x128xf32, #tpu.memory_space<vmem_shared>>)
        tpu.yield
      }) : () -> ()
    }
    %while3A_98 = arith.constant 1 : i32
    scf.for %while3A_113 = %while3A_96 to %while3A_92 step %while3A_98  : i32 {
      %mul3A_114 = arith.constant 640 : i32
      %mul3A_115 = arith.muli %arg1, %mul3A_114 : i32
      %mul3A_116 = arith.constant 40 : i32
      %mul3A_117 = arith.muli %while3A_113, %mul3A_116 : i32
      %add3A_118 = arith.addi %mul3A_115, %mul3A_117 : i32
      "tpu.region"() ({
        %run_scoped3A_119 = tpu.sem_alloc : memref<!tpu.dma_semaphore, #tpu.memory_space<semaphore_mem>>
        %dma_start3A = arith.constant 0 : i32
        %dma_start3A_120 = tpu.memref_slice %arg20[%add3A_118, %dma_start3A] : memref<10000x128xf32, #tpu.memory_space<vmem_shared>> -> memref<40x128xf32, #tpu.memory_space<vmem_shared>>
        %dma_start3A_121 = arith.constant 0 : i32
        %dma_start3A_122 = tpu.memref_slice %arg20[%add3A_118, %dma_start3A_121] : memref<10000x128xf32, #tpu.memory_space<vmem_shared>> -> memref<40x128xf32, #tpu.memory_space<vmem_shared>>
        tpu.enqueue_dma source(%arg16 : memref<40x128xf32, #tpu.memory_space<vmem>>) target(%dma_start3A_122 : memref<40x128xf32, #tpu.memory_space<vmem_shared>>) target_semaphore(%run_scoped3A_119 : memref<!tpu.dma_semaphore, #tpu.memory_space<semaphore_mem>>)
        %dma_wait3A = arith.constant 0 : i32
        %dma_wait3A_123 = tpu.memref_slice %arg20[%add3A_118, %dma_wait3A] : memref<10000x128xf32, #tpu.memory_space<vmem_shared>> -> memref<40x128xf32, #tpu.memory_space<vmem_shared>>
        %dma_wait3A_124 = arith.constant 0 : i32
        %dma_wait3A_125 = tpu.memref_slice %arg20[%add3A_118, %dma_wait3A_124] : memref<10000x128xf32, #tpu.memory_space<vmem_shared>> -> memref<40x128xf32, #tpu.memory_space<vmem_shared>>
        tpu.wait_dma2 semaphore(%run_scoped3A_119 : memref<!tpu.dma_semaphore, #tpu.memory_space<semaphore_mem>>) src(%arg16 : memref<40x128xf32, #tpu.memory_space<vmem>>) dst(%dma_wait3A_125 : memref<40x128xf32, #tpu.memory_space<vmem_shared>>)
        tpu.yield
      }) : () -> ()
    }
    %barrier3A = arith.constant 0 : index
    tpu.barrier barrier_id(%barrier3A)
    %iota3A = tpu.iota {dimensions = array<i32: 0>} : vector<16xi32>
    %scan3A_99 = arith.constant 0 : i32
    %scan3A_100 = arith.constant 0 : i32
    %scan3A_101 = arith.constant 40 : i32
    %scan3A_102 = arith.addi %scan3A_100, %scan3A_101 : i32
    %scan3A_103 = arith.constant 1 : i32
    scf.for %scan3A_113 = %scan3A_100 to %scan3A_102 step %scan3A_103  : i32 {
      %mul3A_114 = arith.constant 128 : i32
      %mul3A_115 = arith.muli %scan3A_113, %mul3A_114 : i32
      %add3A_116 = arith.addi %mul3A_2, %mul3A_115 : i32
      "tpu.region"() ({
        %run_scoped3A_133 = tpu.sem_alloc : memref<!tpu.dma_semaphore, #tpu.memory_space<semaphore_mem>>
        %dma_start3A_134 = tpu.memref_slice %arg4[%add3A_116] : memref<163840xi32, #tpu.memory_space<hbm>> -> memref<128xi32, #tpu.memory_space<hbm>>
        %dma_start3A_135 = tpu.memref_slice %arg4[%add3A_116] : memref<163840xi32, #tpu.memory_space<hbm>> -> memref<128xi32, #tpu.memory_space<hbm>>
        tpu.enqueue_dma source(%dma_start3A_135 : memref<128xi32, #tpu.memory_space<hbm>>) target(%arg17 : memref<128xi32, #tpu.memory_space<vmem>>) target_semaphore(%run_scoped3A_133 : memref<!tpu.dma_semaphore, #tpu.memory_space<semaphore_mem>>)
        %dma_wait3A_136 = tpu.memref_slice %arg4[%add3A_116] : memref<163840xi32, #tpu.memory_space<hbm>> -> memref<128xi32, #tpu.memory_space<hbm>>
        %dma_wait3A_137 = tpu.memref_slice %arg4[%add3A_116] : memref<163840xi32, #tpu.memory_space<hbm>> -> memref<128xi32, #tpu.memory_space<hbm>>
        tpu.wait_dma2 semaphore(%run_scoped3A_133 : memref<!tpu.dma_semaphore, #tpu.memory_space<semaphore_mem>>) src(%dma_wait3A_137 : memref<128xi32, #tpu.memory_space<hbm>>) dst(%arg17 : memref<128xi32, #tpu.memory_space<vmem>>)
        tpu.yield
      }) : () -> ()
      %mul3A_117 = arith.constant 128 : i32
      %mul3A_118 = arith.muli %scan3A_113, %mul3A_117 : i32
      %add3A_119 = arith.addi %mul3A_2, %mul3A_118 : i32
      "tpu.region"() ({
        %run_scoped3A_133 = tpu.sem_alloc : memref<!tpu.dma_semaphore, #tpu.memory_space<semaphore_mem>>
        %dma_start3A_134 = tpu.memref_slice %arg5[%add3A_119] : memref<163840xi32, #tpu.memory_space<hbm>> -> memref<128xi32, #tpu.memory_space<hbm>>
        %dma_start3A_135 = tpu.memref_slice %arg5[%add3A_119] : memref<163840xi32, #tpu.memory_space<hbm>> -> memref<128xi32, #tpu.memory_space<hbm>>
        tpu.enqueue_dma source(%dma_start3A_135 : memref<128xi32, #tpu.memory_space<hbm>>) target(%arg18 : memref<128xi32, #tpu.memory_space<vmem>>) target_semaphore(%run_scoped3A_133 : memref<!tpu.dma_semaphore, #tpu.memory_space<semaphore_mem>>)
        %dma_wait3A_136 = tpu.memref_slice %arg5[%add3A_119] : memref<163840xi32, #tpu.memory_space<hbm>> -> memref<128xi32, #tpu.memory_space<hbm>>
        %dma_wait3A_137 = tpu.memref_slice %arg5[%add3A_119] : memref<163840xi32, #tpu.memory_space<hbm>> -> memref<128xi32, #tpu.memory_space<hbm>>
        tpu.wait_dma2 semaphore(%run_scoped3A_133 : memref<!tpu.dma_semaphore, #tpu.memory_space<semaphore_mem>>) src(%dma_wait3A_137 : memref<128xi32, #tpu.memory_space<hbm>>) dst(%arg18 : memref<128xi32, #tpu.memory_space<vmem>>)
        tpu.yield
      }) : () -> ()
      %mul3A_120 = arith.constant 128 : i32
      %mul3A_121 = arith.muli %scan3A_113, %mul3A_120 : i32
      %add3A_122 = arith.addi %mul3A_2, %mul3A_121 : i32
      "tpu.region"() ({
        %run_scoped3A_133 = tpu.sem_alloc : memref<!tpu.dma_semaphore, #tpu.memory_space<semaphore_mem>>
        %dma_start3A_134 = tpu.memref_slice %arg6[%add3A_122] : memref<163840xi32, #tpu.memory_space<hbm>> -> memref<128xi32, #tpu.memory_space<hbm>>
        %dma_start3A_135 = tpu.memref_slice %arg6[%add3A_122] : memref<163840xi32, #tpu.memory_space<hbm>> -> memref<128xi32, #tpu.memory_space<hbm>>
        tpu.enqueue_dma source(%dma_start3A_135 : memref<128xi32, #tpu.memory_space<hbm>>) target(%arg19 : memref<128xi32, #tpu.memory_space<vmem>>) target_semaphore(%run_scoped3A_133 : memref<!tpu.dma_semaphore, #tpu.memory_space<semaphore_mem>>)
        %dma_wait3A_136 = tpu.memref_slice %arg6[%add3A_122] : memref<163840xi32, #tpu.memory_space<hbm>> -> memref<128xi32, #tpu.memory_space<hbm>>
        %dma_wait3A_137 = tpu.memref_slice %arg6[%add3A_122] : memref<163840xi32, #tpu.memory_space<hbm>> -> memref<128xi32, #tpu.memory_space<hbm>>
        tpu.wait_dma2 semaphore(%run_scoped3A_133 : memref<!tpu.dma_semaphore, #tpu.memory_space<semaphore_mem>>) src(%dma_wait3A_137 : memref<128xi32, #tpu.memory_space<hbm>>) dst(%arg19 : memref<128xi32, #tpu.memory_space<vmem>>)
        tpu.yield
      }) : () -> ()
      %dma_start3A = arith.constant 0 : i32
      %dma_start3A_123 = arith.constant 0 : i32
      %dma_start3A_124 = tpu.memref_slice %arg2[%dma_start3A, %dma_start3A_123] : memref<10000x128xf32, #tpu.memory_space<hbm>> -> memref<10000x128xf32, #tpu.memory_space<hbm>>
      tpu.enqueue_indirect_dma source(%dma_start3A_124 : memref<10000x128xf32, #tpu.memory_space<hbm>>) target(%arg15 : memref<128x128xf32, #tpu.memory_space<vmem>>) offsets(%arg17 : memref<128xi32, #tpu.memory_space<vmem>>) semaphore(%arg21 : memref<!tpu.dma_semaphore, #tpu.memory_space<semaphore_mem>>)
      %dma_wait3A = arith.constant 0 : i32
      %dma_wait3A_125 = arith.constant 0 : i32
      %dma_wait3A_126 = tpu.memref_slice %arg2[%dma_wait3A, %dma_wait3A_125] : memref<10000x128xf32, #tpu.memory_space<hbm>> -> memref<10000x128xf32, #tpu.memory_space<hbm>>
      tpu.wait_indirect_dma semaphore(%arg21 : memref<!tpu.dma_semaphore, #tpu.memory_space<semaphore_mem>>) src(%dma_wait3A_126 : memref<10000x128xf32, #tpu.memory_space<hbm>>) dst(%arg15 : memref<128x128xf32, #tpu.memory_space<vmem>>)
      %scan3A_127 = arith.constant 0 : i32
      %scan3A_128 = arith.constant 0 : i32
      %scan3A_129 = arith.constant 128 : i32
      %scan3A_130 = arith.addi %scan3A_128, %scan3A_129 : i32
      %scan3A_131 = arith.constant 1 : i32
      scf.for %scan3A_133 = %scan3A_128 to %scan3A_130 step %scan3A_131  : i32 {
        %mul3A_134 = arith.constant 128 : i32
        %mul3A_135 = arith.muli %scan3A_113, %mul3A_134 : i32
        %add3A_136 = arith.addi %mul3A_135, %scan3A_133 : i32
        %broadcast_in_dim3A = vector.broadcast %add3A_136 : i32 to vector<16xi32>
        %gather3A = tpu.vector_load_idx %arg11[%broadcast_in_dim3A] : memref<5120xf32, #tpu.memory_space<vmem>>[vector<16xi32>], vector<16xf32>,
        %broadcast_in_dim3A_137 = vector.broadcast %scan3A_133 : i32 to vector<16xi32>
        %gather3A_138 = tpu.vector_load_idx %arg19[%broadcast_in_dim3A_137] : memref<128xi32, #tpu.memory_space<vmem>>[vector<16xi32>], vector<16xi32>,
        %mul3A_139 = arith.constant 128 : i32
        %mul3A_140 = vector.broadcast %mul3A_139 : i32 to vector<16xi32>
        %mul3A_141 = arith.muli %gather3A_138, %mul3A_140 : vector<16xi32>
        %add3A_142 = arith.addi %mul3A_141, %iota3A : vector<16xi32>
        %add3A_143 = arith.constant 0 : i32
        %add3A_144 = vector.broadcast %add3A_143 : i32 to vector<16xi32>
        %add3A_145 = arith.addi %add3A_142, %add3A_144 : vector<16xi32>
        %gather3A_146 = tpu.vector_load_idx %arg14[%add3A_145] : memref<2048xf32, #tpu.memory_space<vmem>>[vector<16xi32>], vector<16xf32>,
        %get3A = arith.index_cast %scan3A_133 : i32 to index
        %get3A_147 = arith.constant 0 : index
        %get3A_148 = tpu.vector_load %arg15[%get3A, %get3A_147] {strides = array<i32>} : memref<128x128xf32, #tpu.memory_space<vmem>>, vector<16xf32>,
        %add3A_149 = arith.addf %get3A_148, %gather3A_146 : vector<16xf32>
        %mul3A_150 = arith.mulf %add3A_149, %gather3A : vector<16xf32>
        %swap3A = arith.index_cast %scan3A_133 : i32 to index
        %swap3A_151 = arith.constant 0 : index
        %swap3A_152 = tpu.vector_load %arg15[%swap3A, %swap3A_151] {strides = array<i32>} : memref<128x128xf32, #tpu.memory_space<vmem>>, vector<16xf32>,
        tpu.vector_store %arg15[%swap3A, %swap3A_151], %mul3A_150 {strides = array<i32>} : memref<128x128xf32, #tpu.memory_space<vmem>>, vector<16xf32>,
        %add3A_153 = arith.constant 16 : i32
        %add3A_154 = vector.broadcast %add3A_153 : i32 to vector<16xi32>
        %add3A_155 = arith.addi %add3A_142, %add3A_154 : vector<16xi32>
        %gather3A_156 = tpu.vector_load_idx %arg14[%add3A_155] : memref<2048xf32, #tpu.memory_space<vmem>>[vector<16xi32>], vector<16xf32>,
        %get3A_157 = arith.index_cast %scan3A_133 : i32 to index
        %get3A_158 = arith.constant 16 : index
        %get3A_159 = tpu.vector_load %arg15[%get3A_157, %get3A_158] {strides = array<i32>} : memref<128x128xf32, #tpu.memory_space<vmem>>, vector<16xf32>,
        %add3A_160 = arith.addf %get3A_159, %gather3A_156 : vector<16xf32>
        %mul3A_161 = arith.mulf %add3A_160, %gather3A : vector<16xf32>
        %swap3A_162 = arith.index_cast %scan3A_133 : i32 to index
        %swap3A_163 = arith.constant 16 : index
        %swap3A_164 = tpu.vector_load %arg15[%swap3A_162, %swap3A_163] {strides = array<i32>} : memref<128x128xf32, #tpu.memory_space<vmem>>, vector<16xf32>,
        tpu.vector_store %arg15[%swap3A_162, %swap3A_163], %mul3A_161 {strides = array<i32>} : memref<128x128xf32, #tpu.memory_space<vmem>>, vector<16xf32>,
        %add3A_165 = arith.constant 32 : i32
        %add3A_166 = vector.broadcast %add3A_165 : i32 to vector<16xi32>
        %add3A_167 = arith.addi %add3A_142, %add3A_166 : vector<16xi32>
        %gather3A_168 = tpu.vector_load_idx %arg14[%add3A_167] : memref<2048xf32, #tpu.memory_space<vmem>>[vector<16xi32>], vector<16xf32>,
        %get3A_169 = arith.index_cast %scan3A_133 : i32 to index
        %get3A_170 = arith.constant 32 : index
        %get3A_171 = tpu.vector_load %arg15[%get3A_169, %get3A_170] {strides = array<i32>} : memref<128x128xf32, #tpu.memory_space<vmem>>, vector<16xf32>,
        %add3A_172 = arith.addf %get3A_171, %gather3A_168 : vector<16xf32>
        %mul3A_173 = arith.mulf %add3A_172, %gather3A : vector<16xf32>
        %swap3A_174 = arith.index_cast %scan3A_133 : i32 to index
        %swap3A_175 = arith.constant 32 : index
        %swap3A_176 = tpu.vector_load %arg15[%swap3A_174, %swap3A_175] {strides = array<i32>} : memref<128x128xf32, #tpu.memory_space<vmem>>, vector<16xf32>,
        tpu.vector_store %arg15[%swap3A_174, %swap3A_175], %mul3A_173 {strides = array<i32>} : memref<128x128xf32, #tpu.memory_space<vmem>>, vector<16xf32>,
        %add3A_177 = arith.constant 48 : i32
        %add3A_178 = vector.broadcast %add3A_177 : i32 to vector<16xi32>
        %add3A_179 = arith.addi %add3A_142, %add3A_178 : vector<16xi32>
        %gather3A_180 = tpu.vector_load_idx %arg14[%add3A_179] : memref<2048xf32, #tpu.memory_space<vmem>>[vector<16xi32>], vector<16xf32>,
        %get3A_181 = arith.index_cast %scan3A_133 : i32 to index
        %get3A_182 = arith.constant 48 : index
        %get3A_183 = tpu.vector_load %arg15[%get3A_181, %get3A_182] {strides = array<i32>} : memref<128x128xf32, #tpu.memory_space<vmem>>, vector<16xf32>,
        %add3A_184 = arith.addf %get3A_183, %gather3A_180 : vector<16xf32>
        %mul3A_185 = arith.mulf %add3A_184, %gather3A : vector<16xf32>
        %swap3A_186 = arith.index_cast %scan3A_133 : i32 to index
        %swap3A_187 = arith.constant 48 : index
        %swap3A_188 = tpu.vector_load %arg15[%swap3A_186, %swap3A_187] {strides = array<i32>} : memref<128x128xf32, #tpu.memory_space<vmem>>, vector<16xf32>,
        tpu.vector_store %arg15[%swap3A_186, %swap3A_187], %mul3A_185 {strides = array<i32>} : memref<128x128xf32, #tpu.memory_space<vmem>>, vector<16xf32>,
        %add3A_189 = arith.constant 64 : i32
        %add3A_190 = vector.broadcast %add3A_189 : i32 to vector<16xi32>
        %add3A_191 = arith.addi %add3A_142, %add3A_190 : vector<16xi32>
        %gather3A_192 = tpu.vector_load_idx %arg14[%add3A_191] : memref<2048xf32, #tpu.memory_space<vmem>>[vector<16xi32>], vector<16xf32>,
        %get3A_193 = arith.index_cast %scan3A_133 : i32 to index
        %get3A_194 = arith.constant 64 : index
        %get3A_195 = tpu.vector_load %arg15[%get3A_193, %get3A_194] {strides = array<i32>} : memref<128x128xf32, #tpu.memory_space<vmem>>, vector<16xf32>,
        %add3A_196 = arith.addf %get3A_195, %gather3A_192 : vector<16xf32>
        %mul3A_197 = arith.mulf %add3A_196, %gather3A : vector<16xf32>
        %swap3A_198 = arith.index_cast %scan3A_133 : i32 to index
        %swap3A_199 = arith.constant 64 : index
        %swap3A_200 = tpu.vector_load %arg15[%swap3A_198, %swap3A_199] {strides = array<i32>} : memref<128x128xf32, #tpu.memory_space<vmem>>, vector<16xf32>,
        tpu.vector_store %arg15[%swap3A_198, %swap3A_199], %mul3A_197 {strides = array<i32>} : memref<128x128xf32, #tpu.memory_space<vmem>>, vector<16xf32>,
        %add3A_201 = arith.constant 80 : i32
        %add3A_202 = vector.broadcast %add3A_201 : i32 to vector<16xi32>
        %add3A_203 = arith.addi %add3A_142, %add3A_202 : vector<16xi32>
        %gather3A_204 = tpu.vector_load_idx %arg14[%add3A_203] : memref<2048xf32, #tpu.memory_space<vmem>>[vector<16xi32>], vector<16xf32>,
        %get3A_205 = arith.index_cast %scan3A_133 : i32 to index
        %get3A_206 = arith.constant 80 : index
        %get3A_207 = tpu.vector_load %arg15[%get3A_205, %get3A_206] {strides = array<i32>} : memref<128x128xf32, #tpu.memory_space<vmem>>, vector<16xf32>,
        %add3A_208 = arith.addf %get3A_207, %gather3A_204 : vector<16xf32>
        %mul3A_209 = arith.mulf %add3A_208, %gather3A : vector<16xf32>
        %swap3A_210 = arith.index_cast %scan3A_133 : i32 to index
        %swap3A_211 = arith.constant 80 : index
        %swap3A_212 = tpu.vector_load %arg15[%swap3A_210, %swap3A_211] {strides = array<i32>} : memref<128x128xf32, #tpu.memory_space<vmem>>, vector<16xf32>,
        tpu.vector_store %arg15[%swap3A_210, %swap3A_211], %mul3A_209 {strides = array<i32>} : memref<128x128xf32, #tpu.memory_space<vmem>>, vector<16xf32>,
        %add3A_213 = arith.constant 96 : i32
        %add3A_214 = vector.broadcast %add3A_213 : i32 to vector<16xi32>
        %add3A_215 = arith.addi %add3A_142, %add3A_214 : vector<16xi32>
        %gather3A_216 = tpu.vector_load_idx %arg14[%add3A_215] : memref<2048xf32, #tpu.memory_space<vmem>>[vector<16xi32>], vector<16xf32>,
        %get3A_217 = arith.index_cast %scan3A_133 : i32 to index
        %get3A_218 = arith.constant 96 : index
        %get3A_219 = tpu.vector_load %arg15[%get3A_217, %get3A_218] {strides = array<i32>} : memref<128x128xf32, #tpu.memory_space<vmem>>, vector<16xf32>,
        %add3A_220 = arith.addf %get3A_219, %gather3A_216 : vector<16xf32>
        %mul3A_221 = arith.mulf %add3A_220, %gather3A : vector<16xf32>
        %swap3A_222 = arith.index_cast %scan3A_133 : i32 to index
        %swap3A_223 = arith.constant 96 : index
        %swap3A_224 = tpu.vector_load %arg15[%swap3A_222, %swap3A_223] {strides = array<i32>} : memref<128x128xf32, #tpu.memory_space<vmem>>, vector<16xf32>,
        tpu.vector_store %arg15[%swap3A_222, %swap3A_223], %mul3A_221 {strides = array<i32>} : memref<128x128xf32, #tpu.memory_space<vmem>>, vector<16xf32>,
        %add3A_225 = arith.constant 112 : i32
        %add3A_226 = vector.broadcast %add3A_225 : i32 to vector<16xi32>
        %add3A_227 = arith.addi %add3A_142, %add3A_226 : vector<16xi32>
        %gather3A_228 = tpu.vector_load_idx %arg14[%add3A_227] : memref<2048xf32, #tpu.memory_space<vmem>>[vector<16xi32>], vector<16xf32>,
        %get3A_229 = arith.index_cast %scan3A_133 : i32 to index
        %get3A_230 = arith.constant 112 : index
        %get3A_231 = tpu.vector_load %arg15[%get3A_229, %get3A_230] {strides = array<i32>} : memref<128x128xf32, #tpu.memory_space<vmem>>, vector<16xf32>,
        %add3A_232 = arith.addf %get3A_231, %gather3A_228 : vector<16xf32>
        %mul3A_233 = arith.mulf %add3A_232, %gather3A : vector<16xf32>
        %swap3A_234 = arith.index_cast %scan3A_133 : i32 to index
        %swap3A_235 = arith.constant 112 : index
        %swap3A_236 = tpu.vector_load %arg15[%swap3A_234, %swap3A_235] {strides = array<i32>} : memref<128x128xf32, #tpu.memory_space<vmem>>, vector<16xf32>,
        tpu.vector_store %arg15[%swap3A_234, %swap3A_235], %mul3A_233 {strides = array<i32>} : memref<128x128xf32, #tpu.memory_space<vmem>>, vector<16xf32>,
      }
      %scan3A_132 = arith.constant 128 : i32
      "tpu.region"() ({
        %run_scoped3A_133 = tpu.sem_alloc : memref<!tpu.dma_semaphore, #tpu.memory_space<semaphore_mem>>
        %dma_start3A_134 = arith.constant 0 : i32
        %dma_start3A_135 = arith.constant 0 : i32
        %dma_start3A_136 = tpu.memref_slice %arg20[%dma_start3A_134, %dma_start3A_135] : memref<10000x128xf32, #tpu.memory_space<vmem_shared>> -> memref<10000x128xf32, #tpu.memory_space<vmem_shared>>
        tpu.enqueue_indirect_dma source(%arg15 : memref<128x128xf32, #tpu.memory_space<vmem>>) target(%dma_start3A_136 : memref<10000x128xf32, #tpu.memory_space<vmem_shared>>) offsets(%arg18 : memref<128xi32, #tpu.memory_space<vmem>>) semaphore(%run_scoped3A_133 : memref<!tpu.dma_semaphore, #tpu.memory_space<semaphore_mem>>) {add = true}
        %dma_wait3A_137 = arith.constant 0 : i32
        %dma_wait3A_138 = arith.constant 0 : i32
        %dma_wait3A_139 = tpu.memref_slice %arg20[%dma_wait3A_137, %dma_wait3A_138] : memref<10000x128xf32, #tpu.memory_space<vmem_shared>> -> memref<10000x128xf32, #tpu.memory_space<vmem_shared>>
        tpu.wait_indirect_dma semaphore(%run_scoped3A_133 : memref<!tpu.dma_semaphore, #tpu.memory_space<semaphore_mem>>) src(%arg15 : memref<128x128xf32, #tpu.memory_space<vmem>>) dst(%dma_wait3A_139 : memref<10000x128xf32, #tpu.memory_space<vmem_shared>>)
        tpu.yield
      }) : () -> ()
    }
    %scan3A_104 = arith.constant 40 : i32
    %barrier3A_105 = arith.constant 0 : index
    tpu.barrier barrier_id(%barrier3A_105)
    %lt3A_106 = arith.constant 15 : i32
    %lt3A_107 = arith.cmpi slt, %arg1, %lt3A_106 : i32
    %convert_element_type3A = arith.extui %lt3A_107 : i1 to i32
    %cond3A = arith.constant 0 : i32
    %cond3A_108 = arith.cmpi ne, %convert_element_type3A, %cond3A : i32
    scf.if %cond3A_108 {
      %mul3A_113 = arith.constant 640 : i32
      %mul3A_114 = arith.muli %arg1, %mul3A_113 : i32
      "tpu.region"() ({
        %run_scoped3A_115 = tpu.sem_alloc : memref<!tpu.dma_semaphore, #tpu.memory_space<semaphore_mem>>
        %dma_start3A = arith.constant 0 : i32
        %dma_start3A_116 = tpu.memref_slice %arg9[%arg0, %mul3A_114, %dma_start3A] : memref<2x10000x128xf32, #tpu.memory_space<hbm>> -> memref<1x640x128xf32, #tpu.memory_space<hbm>>
        %dma_start3A_117 = tpu.memref_squeeze %dma_start3A_116 : memref<1x640x128xf32, #tpu.memory_space<hbm>> -> memref<640x128xf32, #tpu.memory_space<hbm>>
        %dma_start3A_118 = arith.constant 0 : i32
        %dma_start3A_119 = tpu.memref_slice %arg20[%mul3A_114, %dma_start3A_118] : memref<10000x128xf32, #tpu.memory_space<vmem_shared>> -> memref<640x128xf32, #tpu.memory_space<vmem_shared>>
        tpu.enqueue_dma source(%dma_start3A_119 : memref<640x128xf32, #tpu.memory_space<vmem_shared>>) target(%dma_start3A_117 : memref<640x128xf32, #tpu.memory_space<hbm>>) target_semaphore(%run_scoped3A_115 : memref<!tpu.dma_semaphore, #tpu.memory_space<semaphore_mem>>)
        %dma_wait3A = arith.constant 0 : i32
        %dma_wait3A_120 = tpu.memref_slice %arg9[%arg0, %mul3A_114, %dma_wait3A] : memref<2x10000x128xf32, #tpu.memory_space<hbm>> -> memref<1x640x128xf32, #tpu.memory_space<hbm>>
        %dma_wait3A_121 = tpu.memref_squeeze %dma_wait3A_120 : memref<1x640x128xf32, #tpu.memory_space<hbm>> -> memref<640x128xf32, #tpu.memory_space<hbm>>
        %dma_wait3A_122 = arith.constant 0 : i32
        %dma_wait3A_123 = tpu.memref_slice %arg20[%mul3A_114, %dma_wait3A_122] : memref<10000x128xf32, #tpu.memory_space<vmem_shared>> -> memref<640x128xf32, #tpu.memory_space<vmem_shared>>
        tpu.wait_dma2 semaphore(%run_scoped3A_115 : memref<!tpu.dma_semaphore, #tpu.memory_space<semaphore_mem>>) src(%dma_wait3A_123 : memref<640x128xf32, #tpu.memory_space<vmem_shared>>) dst(%dma_wait3A_121 : memref<640x128xf32, #tpu.memory_space<hbm>>)
        tpu.yield
      }) : () -> ()
    } else {
    }
    %eq3A = arith.constant 15 : i32
    %eq3A_109 = arith.cmpi eq, %arg1, %eq3A : i32
    %convert_element_type3A_110 = arith.extui %eq3A_109 : i1 to i32
    %cond3A_111 = arith.constant 0 : i32
    %cond3A_112 = arith.cmpi ne, %convert_element_type3A_110, %cond3A_111 : i32
    scf.if %cond3A_112 {
      "tpu.region"() ({
        %run_scoped3A_113 = tpu.sem_alloc : memref<!tpu.dma_semaphore, #tpu.memory_space<semaphore_mem>>
        %dma_start3A = arith.constant 9600 : i32
        %dma_start3A_114 = arith.constant 0 : i32
        %dma_start3A_115 = tpu.memref_slice %arg9[%arg0, %dma_start3A, %dma_start3A_114] : memref<2x10000x128xf32, #tpu.memory_space<hbm>> -> memref<1x400x128xf32, #tpu.memory_space<hbm>>
        %dma_start3A_116 = tpu.memref_squeeze %dma_start3A_115 : memref<1x400x128xf32, #tpu.memory_space<hbm>> -> memref<400x128xf32, #tpu.memory_space<hbm>>
        %dma_start3A_117 = arith.constant 9600 : i32
        %dma_start3A_118 = arith.constant 0 : i32
        %dma_start3A_119 = tpu.memref_slice %arg20[%dma_start3A_117, %dma_start3A_118] : memref<10000x128xf32, #tpu.memory_space<vmem_shared>> -> memref<400x128xf32, #tpu.memory_space<vmem_shared>>
        tpu.enqueue_dma source(%dma_start3A_119 : memref<400x128xf32, #tpu.memory_space<vmem_shared>>) target(%dma_start3A_116 : memref<400x128xf32, #tpu.memory_space<hbm>>) target_semaphore(%run_scoped3A_113 : memref<!tpu.dma_semaphore, #tpu.memory_space<semaphore_mem>>)
        %dma_wait3A = arith.constant 9600 : i32
        %dma_wait3A_120 = arith.constant 0 : i32
        %dma_wait3A_121 = tpu.memref_slice %arg9[%arg0, %dma_wait3A, %dma_wait3A_120] : memref<2x10000x128xf32, #tpu.memory_space<hbm>> -> memref<1x400x128xf32, #tpu.memory_space<hbm>>
        %dma_wait3A_122 = tpu.memref_squeeze %dma_wait3A_121 : memref<1x400x128xf32, #tpu.memory_space<hbm>> -> memref<400x128xf32, #tpu.memory_space<hbm>>
        %dma_wait3A_123 = arith.constant 9600 : i32
        %dma_wait3A_124 = arith.constant 0 : i32
        %dma_wait3A_125 = tpu.memref_slice %arg20[%dma_wait3A_123, %dma_wait3A_124] : memref<10000x128xf32, #tpu.memory_space<vmem_shared>> -> memref<400x128xf32, #tpu.memory_space<vmem_shared>>
        tpu.wait_dma2 semaphore(%run_scoped3A_113 : memref<!tpu.dma_semaphore, #tpu.memory_space<semaphore_mem>>) src(%dma_wait3A_125 : memref<400x128xf32, #tpu.memory_space<vmem_shared>>) dst(%dma_wait3A_122 : memref<400x128xf32, #tpu.memory_space<hbm>>)
        tpu.yield
      }) : () -> ()
    } else {
    }
    return
  }
}

module attributes {stable_mosaic.version = 14 : i64} {
  func.func @_tc0_body(%arg0: i32, %arg1: memref<1000x128xf32, #tpu.memory_space<vmem>>, %arg2: memref<1x128x128xf32, #tpu.memory_space<vmem>>, %arg3: memref<1x1x128xf32, #tpu.memory_space<vmem>>, %arg4: memref<128x4xf32, #tpu.memory_space<vmem>>, %arg5: memref<4xf32, #tpu.memory_space<vmem>>, %arg6: memref<128x128xf32, #tpu.memory_space<vmem>>, %arg7: memref<128xf32, #tpu.memory_space<vmem>>, %arg8: memref<1000x4xf32, #tpu.memory_space<vmem>>, %arg9: memref<1000x128xf32, #tpu.memory_space<vmem>>) attributes {dimension_semantics = [#tpu.dimension_semantics<arbitrary>], iteration_bounds = array<i64: 10>, scalar_prefetch = 0 : i64, scratch_operands = 0 : i64, tpu.core_type = #tpu.core_type<tc>, window_params = [{transform_indices = @transform_0, window_bounds = array<i64: 1000, 128>}, {transform_indices = @transform_1, window_bounds = array<i64: 1, 128, 128>}, {transform_indices = @transform_2, window_bounds = array<i64: 1, 1, 128>}, {pipeline_mode = #tpu.pipeline_mode<synchronous>, transform_indices = @transform_3, window_bounds = array<i64: 128, 4>}, {pipeline_mode = #tpu.pipeline_mode<synchronous>, transform_indices = @transform_4, window_bounds = array<i64: 4>}, {pipeline_mode = #tpu.pipeline_mode<synchronous>, transform_indices = @transform_5, window_bounds = array<i64: 128, 128>}, {pipeline_mode = #tpu.pipeline_mode<synchronous>, transform_indices = @transform_6, window_bounds = array<i64: 128>}, {transform_indices = @transform_7, window_bounds = array<i64: 1000, 4>}, {transform_indices = @transform_8, window_bounds = array<i64: 1000, 128>}]} {
    %get3A = arith.constant 0 : index
    %get3A_0 = arith.constant 0 : index
    %get3A_1 = vector.load %arg1[%get3A, %get3A_0] : memref<1000x128xf32, #tpu.memory_space<vmem>>, vector<1000x128xf32>
    %get3A_2 = arith.constant 0 : index
    %get3A_3 = arith.constant 0 : index
    %get3A_4 = arith.constant 0 : index
    %get3A_5 = vector.load %arg2[%get3A_2, %get3A_3, %get3A_4] : memref<1x128x128xf32, #tpu.memory_space<vmem>>, vector<1x128x128xf32>
    %get3A_6 = vector.shape_cast %get3A_5 : vector<1x128x128xf32> to vector<128x128xf32>
    %dot_general3A = arith.constant dense<0.000000e+00> : vector<1000x128xf32>
    %dot_general3A_7 = tpu.matmul %get3A_1, %get3A_6, %dot_general3A {dimension_numbers = #tpu.dot_dimension_numbers<[1], [0], [0], [1], [0, 0, 1, 1], [], []>, transpose_lhs_hint = false} : vector<1000x128xf32>, vector<128x128xf32>, vector<1000x128xf32> -> vector<1000x128xf32>
    %get3A_8 = arith.constant 0 : index
    %get3A_9 = arith.constant 0 : index
    %get3A_10 = arith.constant 0 : index
    %get3A_11 = vector.load %arg3[%get3A_8, %get3A_9, %get3A_10] : memref<1x1x128xf32, #tpu.memory_space<vmem>>, vector<1x1x128xf32>
    %get3A_12 = vector.shape_cast %get3A_11 : vector<1x1x128xf32> to vector<128xf32>
    %broadcast_in_dim3A = vector.shape_cast %get3A_12 : vector<128xf32> to vector<1x128xf32>
    %add3A = vector.broadcast %broadcast_in_dim3A : vector<1x128xf32> to vector<1000x128xf32>
    %add3A_13 = arith.addf %dot_general3A_7, %add3A : vector<1000x128xf32>
    %get3A_14 = arith.constant 0 : index
    %get3A_15 = arith.constant 0 : index
    %get3A_16 = vector.load %arg4[%get3A_14, %get3A_15] : memref<128x4xf32, #tpu.memory_space<vmem>>, vector<128x4xf32>
    %dot_general3A_17 = arith.constant dense<0.000000e+00> : vector<1000x4xf32>
    %dot_general3A_18 = tpu.matmul %add3A_13, %get3A_16, %dot_general3A_17 {dimension_numbers = #tpu.dot_dimension_numbers<[1], [0], [0], [1], [0, 0, 1, 1], [], []>, transpose_lhs_hint = false} : vector<1000x128xf32>, vector<128x4xf32>, vector<1000x4xf32> -> vector<1000x4xf32>
    %get3A_19 = arith.constant 0 : index
    %get3A_20 = vector.load %arg5[%get3A_19] : memref<4xf32, #tpu.memory_space<vmem>>, vector<4xf32>
    %broadcast_in_dim3A_21 = vector.shape_cast %get3A_20 : vector<4xf32> to vector<1x4xf32>
    %add3A_22 = vector.broadcast %broadcast_in_dim3A_21 : vector<1x4xf32> to vector<1000x4xf32>
    %add3A_23 = arith.addf %dot_general3A_18, %add3A_22 : vector<1000x4xf32>
    %swap3A = arith.constant 0 : index
    %swap3A_24 = arith.constant 0 : index
    %swap3A_25 = vector.load %arg8[%swap3A, %swap3A_24] : memref<1000x4xf32, #tpu.memory_space<vmem>>, vector<1000x4xf32>
    tpu.vector_store %arg8[%swap3A, %swap3A_24], %add3A_23 {strides = array<i32>} : memref<1000x4xf32, #tpu.memory_space<vmem>>, vector<1000x4xf32>,
    %get3A_26 = arith.constant 0 : index
    %get3A_27 = arith.constant 0 : index
    %get3A_28 = vector.load %arg6[%get3A_26, %get3A_27] : memref<128x128xf32, #tpu.memory_space<vmem>>, vector<128x128xf32>
    %dot_general3A_29 = arith.constant dense<0.000000e+00> : vector<1000x128xf32>
    %dot_general3A_30 = tpu.matmul %add3A_13, %get3A_28, %dot_general3A_29 {dimension_numbers = #tpu.dot_dimension_numbers<[1], [0], [0], [1], [0, 0, 1, 1], [], []>, transpose_lhs_hint = false} : vector<1000x128xf32>, vector<128x128xf32>, vector<1000x128xf32> -> vector<1000x128xf32>
    %get3A_31 = arith.constant 0 : index
    %get3A_32 = vector.load %arg7[%get3A_31] : memref<128xf32, #tpu.memory_space<vmem>>, vector<128xf32>
    %broadcast_in_dim3A_33 = vector.shape_cast %get3A_32 : vector<128xf32> to vector<1x128xf32>
    %add3A_34 = vector.broadcast %broadcast_in_dim3A_33 : vector<1x128xf32> to vector<1000x128xf32>
    %add3A_35 = arith.addf %dot_general3A_30, %add3A_34 : vector<1000x128xf32>
    %swap3A_36 = arith.constant 0 : index
    %swap3A_37 = arith.constant 0 : index
    %swap3A_38 = vector.load %arg9[%swap3A_36, %swap3A_37] : memref<1000x128xf32, #tpu.memory_space<vmem>>, vector<1000x128xf32>
    tpu.vector_store %arg9[%swap3A_36, %swap3A_37], %add3A_35 {strides = array<i32>} : memref<1000x128xf32, #tpu.memory_space<vmem>>, vector<1000x128xf32>,
    return
  }
  func.func @transform_0(%arg0: i32) -> (i32, i32) {
    %c0_i32 = arith.constant 0 : i32
    %c0_i32_0 = arith.constant 0 : i32
    return %arg0, %c0_i32 : i32, i32
  }
  func.func @transform_1(%arg0: i32) -> (i32, i32, i32) {
    %lt3A = arith.constant 4 : i32
    %lt3A_0 = arith.cmpi slt, %arg0, %lt3A : i32
    %sub3A = arith.constant 4 : i32
    %sub3A_1 = arith.subi %arg0, %sub3A : i32
    %jit3A = arith.constant 2 : i32
    %div3A = arith.divsi %sub3A_1, %jit3A : i32
    %sign3A = arith.constant 0 : i32
    %sign3A_2 = arith.cmpi sgt, %sub3A_1, %sign3A : i32
    %sign3A_3 = arith.extui %sign3A_2 : i1 to i32
    %sign3A_4 = arith.constant 0 : i32
    %sign3A_5 = arith.cmpi slt, %sub3A_1, %sign3A_4 : i32
    %sign3A_6 = arith.extui %sign3A_5 : i1 to i32
    %sign3A_7 = arith.subi %sign3A_3, %sign3A_6 : i32
    %sign3A_8 = arith.constant 0 : i32
    %sign3A_9 = arith.cmpi sgt, %jit3A, %sign3A_8 : i32
    %sign3A_10 = arith.extui %sign3A_9 : i1 to i32
    %sign3A_11 = arith.constant 0 : i32
    %sign3A_12 = arith.cmpi slt, %jit3A, %sign3A_11 : i32
    %sign3A_13 = arith.extui %sign3A_12 : i1 to i32
    %sign3A_14 = arith.subi %sign3A_10, %sign3A_13 : i32
    %ne3A = arith.cmpi ne, %sign3A_7, %sign3A_14 : i32
    %rem3A = arith.remsi %sub3A_1, %jit3A : i32
    %ne3A_15 = arith.constant 0 : i32
    %ne3A_16 = arith.cmpi ne, %rem3A, %ne3A_15 : i32
    %and3A = arith.andi %ne3A, %ne3A_16 : i1
    %sub3A_17 = arith.constant 1 : i32
    %sub3A_18 = arith.subi %div3A, %sub3A_17 : i32
    %select_n3A = arith.select %and3A, %sub3A_18, %div3A : i32
    %add3A = arith.constant 1 : i32
    %add3A_19 = arith.addi %select_n3A, %add3A : i32
    %jit3A_20 = arith.constant 0 : i32
    %select_n3A_21 = arith.select %lt3A_0, %jit3A_20, %add3A_19 : i32
    %c0_i32 = arith.constant 0 : i32
    %c0_i32_22 = arith.constant 0 : i32
    %c0_i32_23 = arith.constant 0 : i32
    return %select_n3A_21, %c0_i32, %c0_i32_22 : i32, i32, i32
  }
  func.func @transform_2(%arg0: i32) -> (i32, i32, i32) {
    %lt3A = arith.constant 4 : i32
    %lt3A_0 = arith.cmpi slt, %arg0, %lt3A : i32
    %sub3A = arith.constant 4 : i32
    %sub3A_1 = arith.subi %arg0, %sub3A : i32
    %jit3A = arith.constant 2 : i32
    %div3A = arith.divsi %sub3A_1, %jit3A : i32
    %sign3A = arith.constant 0 : i32
    %sign3A_2 = arith.cmpi sgt, %sub3A_1, %sign3A : i32
    %sign3A_3 = arith.extui %sign3A_2 : i1 to i32
    %sign3A_4 = arith.constant 0 : i32
    %sign3A_5 = arith.cmpi slt, %sub3A_1, %sign3A_4 : i32
    %sign3A_6 = arith.extui %sign3A_5 : i1 to i32
    %sign3A_7 = arith.subi %sign3A_3, %sign3A_6 : i32
    %sign3A_8 = arith.constant 0 : i32
    %sign3A_9 = arith.cmpi sgt, %jit3A, %sign3A_8 : i32
    %sign3A_10 = arith.extui %sign3A_9 : i1 to i32
    %sign3A_11 = arith.constant 0 : i32
    %sign3A_12 = arith.cmpi slt, %jit3A, %sign3A_11 : i32
    %sign3A_13 = arith.extui %sign3A_12 : i1 to i32
    %sign3A_14 = arith.subi %sign3A_10, %sign3A_13 : i32
    %ne3A = arith.cmpi ne, %sign3A_7, %sign3A_14 : i32
    %rem3A = arith.remsi %sub3A_1, %jit3A : i32
    %ne3A_15 = arith.constant 0 : i32
    %ne3A_16 = arith.cmpi ne, %rem3A, %ne3A_15 : i32
    %and3A = arith.andi %ne3A, %ne3A_16 : i1
    %sub3A_17 = arith.constant 1 : i32
    %sub3A_18 = arith.subi %div3A, %sub3A_17 : i32
    %select_n3A = arith.select %and3A, %sub3A_18, %div3A : i32
    %add3A = arith.constant 1 : i32
    %add3A_19 = arith.addi %select_n3A, %add3A : i32
    %jit3A_20 = arith.constant 0 : i32
    %select_n3A_21 = arith.select %lt3A_0, %jit3A_20, %add3A_19 : i32
    %c0_i32 = arith.constant 0 : i32
    %c0_i32_22 = arith.constant 0 : i32
    %c0_i32_23 = arith.constant 0 : i32
    return %select_n3A_21, %c0_i32, %c0_i32_22 : i32, i32, i32
  }
  func.func @transform_3(%arg0: i32) -> (i32, i32) {
    %c0_i32 = arith.constant 0 : i32
    %c0_i32_0 = arith.constant 0 : i32
    %c0_i32_1 = arith.constant 0 : i32
    return %c0_i32, %c0_i32_0 : i32, i32
  }
  func.func @transform_4(%arg0: i32) -> i32 {
    %c0_i32 = arith.constant 0 : i32
    %c0_i32_0 = arith.constant 0 : i32
    return %c0_i32 : i32
  }
  func.func @transform_5(%arg0: i32) -> (i32, i32) {
    %c0_i32 = arith.constant 0 : i32
    %c0_i32_0 = arith.constant 0 : i32
    %c0_i32_1 = arith.constant 0 : i32
    return %c0_i32, %c0_i32_0 : i32, i32
  }
  func.func @transform_6(%arg0: i32) -> i32 {
    %c0_i32 = arith.constant 0 : i32
    %c0_i32_0 = arith.constant 0 : i32
    return %c0_i32 : i32
  }
  func.func @transform_7(%arg0: i32) -> (i32, i32) {
    %c0_i32 = arith.constant 0 : i32
    %c0_i32_0 = arith.constant 0 : i32
    return %arg0, %c0_i32 : i32, i32
  }
  func.func @transform_8(%arg0: i32) -> (i32, i32) {
    %c0_i32 = arith.constant 0 : i32
    %c0_i32_0 = arith.constant 0 : i32
    return %arg0, %c0_i32 : i32, i32
  }
}

module attributes {stable_mosaic.version = 14 : i64} {
  func.func @_edge_body(%arg0: i32, %arg1: memref<8000x4xf32, #tpu.memory_space<vmem>>, %arg2: memref<2x4x1xf32, #tpu.memory_space<vmem>>, %arg3: memref<2xf32, #tpu.memory_space<vmem>>, %arg4: memref<2x4x128xf32, #tpu.memory_space<vmem>>, %arg5: memref<2x128xf32, #tpu.memory_space<vmem>>, %arg6: memref<2x128x1xf32, #tpu.memory_space<vmem>>, %arg7: memref<2xf32, #tpu.memory_space<vmem>>, %arg8: memref<1x1x8000xf32, #tpu.memory_space<vmem>>, %arg9: memref<1x1x8000xf32, #tpu.memory_space<vmem>>, %arg10: memref<1x1x8000xf32, #tpu.memory_space<vmem>>, %arg11: memref<1x1x8000xf32, #tpu.memory_space<vmem>>) attributes {dimension_semantics = [#tpu.dimension_semantics<arbitrary>], iteration_bounds = array<i64: 20>, scalar_prefetch = 0 : i64, scratch_operands = 0 : i64, tpu.core_type = #tpu.core_type<tc>, window_params = [{transform_indices = @transform_0, window_bounds = array<i64: 8000, 4>}, {pipeline_mode = #tpu.pipeline_mode<synchronous>, transform_indices = @transform_1, window_bounds = array<i64: 2, 4, 1>}, {pipeline_mode = #tpu.pipeline_mode<synchronous>, transform_indices = @transform_2, window_bounds = array<i64: 2>}, {pipeline_mode = #tpu.pipeline_mode<synchronous>, transform_indices = @transform_3, window_bounds = array<i64: 2, 4, 128>}, {pipeline_mode = #tpu.pipeline_mode<synchronous>, transform_indices = @transform_4, window_bounds = array<i64: 2, 128>}, {pipeline_mode = #tpu.pipeline_mode<synchronous>, transform_indices = @transform_5, window_bounds = array<i64: 2, 128, 1>}, {pipeline_mode = #tpu.pipeline_mode<synchronous>, transform_indices = @transform_6, window_bounds = array<i64: 2>}, {transform_indices = @transform_7, window_bounds = array<i64: 1, 1, 8000>}, {transform_indices = @transform_8, window_bounds = array<i64: 1, 1, 8000>}, {transform_indices = @transform_9, window_bounds = array<i64: 1, 1, 8000>}, {transform_indices = @transform_10, window_bounds = array<i64: 1, 1, 8000>}]} {
    %get3A = arith.constant 0 : index
    %get3A_0 = arith.constant 0 : index
    %get3A_1 = vector.load %arg1[%get3A, %get3A_0] : memref<8000x4xf32, #tpu.memory_space<vmem>>, vector<8000x4xf32>
    %get3A_2 = arith.constant 0 : index
    %get3A_3 = arith.constant 0 : index
    %get3A_4 = arith.constant 0 : index
    %get3A_5 = vector.load %arg2[%get3A_2, %get3A_3, %get3A_4] : memref<2x4x1xf32, #tpu.memory_space<vmem>>, vector<1x4x1xf32>
    %get3A_6 = vector.shape_cast %get3A_5 : vector<1x4x1xf32> to vector<4x1xf32>
    %dot_general3A = arith.constant dense<0.000000e+00> : vector<8000x1xf32>
    %dot_general3A_7 = tpu.matmul %get3A_1, %get3A_6, %dot_general3A {dimension_numbers = #tpu.dot_dimension_numbers<[1], [0], [0], [1], [0, 0, 1, 1], [], []>, transpose_lhs_hint = false} : vector<8000x4xf32>, vector<4x1xf32>, vector<8000x1xf32> -> vector<8000x1xf32>
    %squeeze3A = vector.shape_cast %dot_general3A_7 : vector<8000x1xf32> to vector<8000xf32>
    %get3A_8 = arith.constant 0 : index
    %get3A_9 = vector.load %arg3[%get3A_8] : memref<2xf32, #tpu.memory_space<vmem>>, vector<1xf32>
    %get3A_10 = vector.extract %get3A_9[0] : f32 from vector<1xf32>
    %add3A = vector.broadcast %get3A_10 : f32 to vector<8000xf32>
    %add3A_11 = arith.addf %squeeze3A, %add3A : vector<8000xf32>
    %swap3A = arith.constant 0 : index
    %swap3A_12 = arith.constant 0 : index
    %swap3A_13 = arith.constant 0 : index
    %swap3A_14 = vector.load %arg8[%swap3A, %swap3A_12, %swap3A_13] : memref<1x1x8000xf32, #tpu.memory_space<vmem>>, vector<1x1x8000xf32>
    %swap3A_15 = vector.shape_cast %swap3A_14 : vector<1x1x8000xf32> to vector<8000xf32>
    %swap3A_16 = vector.shape_cast %add3A_11 : vector<8000xf32> to vector<1x1x8000xf32>
    tpu.vector_store %arg8[%swap3A, %swap3A_12, %swap3A_13], %swap3A_16 {strides = array<i32>} : memref<1x1x8000xf32, #tpu.memory_space<vmem>>, vector<1x1x8000xf32>,
    %get3A_17 = arith.constant 0 : index
    %get3A_18 = arith.constant 0 : index
    %get3A_19 = arith.constant 0 : index
    %get3A_20 = vector.load %arg4[%get3A_17, %get3A_18, %get3A_19] : memref<2x4x128xf32, #tpu.memory_space<vmem>>, vector<1x4x128xf32>
    %get3A_21 = vector.shape_cast %get3A_20 : vector<1x4x128xf32> to vector<4x128xf32>
    %dot_general3A_22 = arith.constant dense<0.000000e+00> : vector<8000x128xf32>
    %dot_general3A_23 = tpu.matmul %get3A_1, %get3A_21, %dot_general3A_22 {dimension_numbers = #tpu.dot_dimension_numbers<[1], [0], [0], [1], [0, 0, 1, 1], [], []>, transpose_lhs_hint = false} : vector<8000x4xf32>, vector<4x128xf32>, vector<8000x128xf32> -> vector<8000x128xf32>
    %get3A_24 = arith.constant 0 : index
    %get3A_25 = arith.constant 0 : index
    %get3A_26 = vector.load %arg5[%get3A_24, %get3A_25] : memref<2x128xf32, #tpu.memory_space<vmem>>, vector<1x128xf32>
    %get3A_27 = vector.shape_cast %get3A_26 : vector<1x128xf32> to vector<128xf32>
    %broadcast_in_dim3A = vector.shape_cast %get3A_27 : vector<128xf32> to vector<1x128xf32>
    %add3A_28 = vector.broadcast %broadcast_in_dim3A : vector<1x128xf32> to vector<8000x128xf32>
    %add3A_29 = arith.addf %dot_general3A_23, %add3A_28 : vector<8000x128xf32>
    %max3A = arith.constant 0.000000e+00 : f32
    %max3A_30 = vector.broadcast %max3A : f32 to vector<8000x128xf32>
    %max3A_31 = arith.maximumf %add3A_29, %max3A_30 : vector<8000x128xf32>
    %get3A_32 = arith.constant 0 : index
    %get3A_33 = arith.constant 0 : index
    %get3A_34 = arith.constant 0 : index
    %get3A_35 = vector.load %arg6[%get3A_32, %get3A_33, %get3A_34] : memref<2x128x1xf32, #tpu.memory_space<vmem>>, vector<1x128x1xf32>
    %get3A_36 = vector.shape_cast %get3A_35 : vector<1x128x1xf32> to vector<128x1xf32>
    %dot_general3A_37 = arith.constant dense<0.000000e+00> : vector<8000x1xf32>
    %dot_general3A_38 = tpu.matmul %max3A_31, %get3A_36, %dot_general3A_37 {dimension_numbers = #tpu.dot_dimension_numbers<[1], [0], [0], [1], [0, 0, 1, 1], [], []>, transpose_lhs_hint = false} : vector<8000x128xf32>, vector<128x1xf32>, vector<8000x1xf32> -> vector<8000x1xf32>
    %squeeze3A_39 = vector.shape_cast %dot_general3A_38 : vector<8000x1xf32> to vector<8000xf32>
    %get3A_40 = arith.constant 0 : index
    %get3A_41 = vector.load %arg7[%get3A_40] : memref<2xf32, #tpu.memory_space<vmem>>, vector<1xf32>
    %get3A_42 = vector.extract %get3A_41[0] : f32 from vector<1xf32>
    %add3A_43 = vector.broadcast %get3A_42 : f32 to vector<8000xf32>
    %add3A_44 = arith.addf %squeeze3A_39, %add3A_43 : vector<8000xf32>
    %swap3A_45 = arith.constant 0 : index
    %swap3A_46 = arith.constant 0 : index
    %swap3A_47 = arith.constant 0 : index
    %swap3A_48 = vector.load %arg10[%swap3A_45, %swap3A_46, %swap3A_47] : memref<1x1x8000xf32, #tpu.memory_space<vmem>>, vector<1x1x8000xf32>
    %swap3A_49 = vector.shape_cast %swap3A_48 : vector<1x1x8000xf32> to vector<8000xf32>
    %swap3A_50 = vector.shape_cast %add3A_44 : vector<8000xf32> to vector<1x1x8000xf32>
    tpu.vector_store %arg10[%swap3A_45, %swap3A_46, %swap3A_47], %swap3A_50 {strides = array<i32>} : memref<1x1x8000xf32, #tpu.memory_space<vmem>>, vector<1x1x8000xf32>,
    %get3A_51 = arith.constant 1 : index
    %get3A_52 = arith.constant 0 : index
    %get3A_53 = arith.constant 0 : index
    %get3A_54 = vector.load %arg2[%get3A_51, %get3A_52, %get3A_53] : memref<2x4x1xf32, #tpu.memory_space<vmem>>, vector<1x4x1xf32>
    %get3A_55 = vector.shape_cast %get3A_54 : vector<1x4x1xf32> to vector<4x1xf32>
    %dot_general3A_56 = arith.constant dense<0.000000e+00> : vector<8000x1xf32>
    %dot_general3A_57 = tpu.matmul %get3A_1, %get3A_55, %dot_general3A_56 {dimension_numbers = #tpu.dot_dimension_numbers<[1], [0], [0], [1], [0, 0, 1, 1], [], []>, transpose_lhs_hint = false} : vector<8000x4xf32>, vector<4x1xf32>, vector<8000x1xf32> -> vector<8000x1xf32>
    %squeeze3A_58 = vector.shape_cast %dot_general3A_57 : vector<8000x1xf32> to vector<8000xf32>
    %get3A_59 = arith.constant 1 : index
    %get3A_60 = vector.load %arg3[%get3A_59] : memref<2xf32, #tpu.memory_space<vmem>>, vector<1xf32>
    %get3A_61 = vector.extract %get3A_60[0] : f32 from vector<1xf32>
    %add3A_62 = vector.broadcast %get3A_61 : f32 to vector<8000xf32>
    %add3A_63 = arith.addf %squeeze3A_58, %add3A_62 : vector<8000xf32>
    %swap3A_64 = arith.constant 0 : index
    %swap3A_65 = arith.constant 0 : index
    %swap3A_66 = arith.constant 0 : index
    %swap3A_67 = vector.load %arg9[%swap3A_64, %swap3A_65, %swap3A_66] : memref<1x1x8000xf32, #tpu.memory_space<vmem>>, vector<1x1x8000xf32>
    %swap3A_68 = vector.shape_cast %swap3A_67 : vector<1x1x8000xf32> to vector<8000xf32>
    %swap3A_69 = vector.shape_cast %add3A_63 : vector<8000xf32> to vector<1x1x8000xf32>
    tpu.vector_store %arg9[%swap3A_64, %swap3A_65, %swap3A_66], %swap3A_69 {strides = array<i32>} : memref<1x1x8000xf32, #tpu.memory_space<vmem>>, vector<1x1x8000xf32>,
    %get3A_70 = arith.constant 1 : index
    %get3A_71 = arith.constant 0 : index
    %get3A_72 = arith.constant 0 : index
    %get3A_73 = vector.load %arg4[%get3A_70, %get3A_71, %get3A_72] : memref<2x4x128xf32, #tpu.memory_space<vmem>>, vector<1x4x128xf32>
    %get3A_74 = vector.shape_cast %get3A_73 : vector<1x4x128xf32> to vector<4x128xf32>
    %dot_general3A_75 = arith.constant dense<0.000000e+00> : vector<8000x128xf32>
    %dot_general3A_76 = tpu.matmul %get3A_1, %get3A_74, %dot_general3A_75 {dimension_numbers = #tpu.dot_dimension_numbers<[1], [0], [0], [1], [0, 0, 1, 1], [], []>, transpose_lhs_hint = false} : vector<8000x4xf32>, vector<4x128xf32>, vector<8000x128xf32> -> vector<8000x128xf32>
    %get3A_77 = arith.constant 1 : index
    %get3A_78 = arith.constant 0 : index
    %get3A_79 = vector.load %arg5[%get3A_77, %get3A_78] : memref<2x128xf32, #tpu.memory_space<vmem>>, vector<1x128xf32>
    %get3A_80 = vector.shape_cast %get3A_79 : vector<1x128xf32> to vector<128xf32>
    %broadcast_in_dim3A_81 = vector.shape_cast %get3A_80 : vector<128xf32> to vector<1x128xf32>
    %add3A_82 = vector.broadcast %broadcast_in_dim3A_81 : vector<1x128xf32> to vector<8000x128xf32>
    %add3A_83 = arith.addf %dot_general3A_76, %add3A_82 : vector<8000x128xf32>
    %max3A_84 = arith.constant 0.000000e+00 : f32
    %max3A_85 = vector.broadcast %max3A_84 : f32 to vector<8000x128xf32>
    %max3A_86 = arith.maximumf %add3A_83, %max3A_85 : vector<8000x128xf32>
    %get3A_87 = arith.constant 1 : index
    %get3A_88 = arith.constant 0 : index
    %get3A_89 = arith.constant 0 : index
    %get3A_90 = vector.load %arg6[%get3A_87, %get3A_88, %get3A_89] : memref<2x128x1xf32, #tpu.memory_space<vmem>>, vector<1x128x1xf32>
    %get3A_91 = vector.shape_cast %get3A_90 : vector<1x128x1xf32> to vector<128x1xf32>
    %dot_general3A_92 = arith.constant dense<0.000000e+00> : vector<8000x1xf32>
    %dot_general3A_93 = tpu.matmul %max3A_86, %get3A_91, %dot_general3A_92 {dimension_numbers = #tpu.dot_dimension_numbers<[1], [0], [0], [1], [0, 0, 1, 1], [], []>, transpose_lhs_hint = false} : vector<8000x128xf32>, vector<128x1xf32>, vector<8000x1xf32> -> vector<8000x1xf32>
    %squeeze3A_94 = vector.shape_cast %dot_general3A_93 : vector<8000x1xf32> to vector<8000xf32>
    %get3A_95 = arith.constant 1 : index
    %get3A_96 = vector.load %arg7[%get3A_95] : memref<2xf32, #tpu.memory_space<vmem>>, vector<1xf32>
    %get3A_97 = vector.extract %get3A_96[0] : f32 from vector<1xf32>
    %add3A_98 = vector.broadcast %get3A_97 : f32 to vector<8000xf32>
    %add3A_99 = arith.addf %squeeze3A_94, %add3A_98 : vector<8000xf32>
    %swap3A_100 = arith.constant 0 : index
    %swap3A_101 = arith.constant 0 : index
    %swap3A_102 = arith.constant 0 : index
    %swap3A_103 = vector.load %arg11[%swap3A_100, %swap3A_101, %swap3A_102] : memref<1x1x8000xf32, #tpu.memory_space<vmem>>, vector<1x1x8000xf32>
    %swap3A_104 = vector.shape_cast %swap3A_103 : vector<1x1x8000xf32> to vector<8000xf32>
    %swap3A_105 = vector.shape_cast %add3A_99 : vector<8000xf32> to vector<1x1x8000xf32>
    tpu.vector_store %arg11[%swap3A_100, %swap3A_101, %swap3A_102], %swap3A_105 {strides = array<i32>} : memref<1x1x8000xf32, #tpu.memory_space<vmem>>, vector<1x1x8000xf32>,
    return
  }
  func.func @transform_0(%arg0: i32) -> (i32, i32) {
    %c0_i32 = arith.constant 0 : i32
    %c0_i32_0 = arith.constant 0 : i32
    return %arg0, %c0_i32 : i32, i32
  }
  func.func @transform_1(%arg0: i32) -> (i32, i32, i32) {
    %c0_i32 = arith.constant 0 : i32
    %c0_i32_0 = arith.constant 0 : i32
    %c0_i32_1 = arith.constant 0 : i32
    %c0_i32_2 = arith.constant 0 : i32
    return %c0_i32, %c0_i32_0, %c0_i32_1 : i32, i32, i32
  }
  func.func @transform_2(%arg0: i32) -> i32 {
    %c0_i32 = arith.constant 0 : i32
    %c0_i32_0 = arith.constant 0 : i32
    return %c0_i32 : i32
  }
  func.func @transform_3(%arg0: i32) -> (i32, i32, i32) {
    %c0_i32 = arith.constant 0 : i32
    %c0_i32_0 = arith.constant 0 : i32
    %c0_i32_1 = arith.constant 0 : i32
    %c0_i32_2 = arith.constant 0 : i32
    return %c0_i32, %c0_i32_0, %c0_i32_1 : i32, i32, i32
  }
  func.func @transform_4(%arg0: i32) -> (i32, i32) {
    %c0_i32 = arith.constant 0 : i32
    %c0_i32_0 = arith.constant 0 : i32
    %c0_i32_1 = arith.constant 0 : i32
    return %c0_i32, %c0_i32_0 : i32, i32
  }
  func.func @transform_5(%arg0: i32) -> (i32, i32, i32) {
    %c0_i32 = arith.constant 0 : i32
    %c0_i32_0 = arith.constant 0 : i32
    %c0_i32_1 = arith.constant 0 : i32
    %c0_i32_2 = arith.constant 0 : i32
    return %c0_i32, %c0_i32_0, %c0_i32_1 : i32, i32, i32
  }
  func.func @transform_6(%arg0: i32) -> i32 {
    %c0_i32 = arith.constant 0 : i32
    %c0_i32_0 = arith.constant 0 : i32
    return %c0_i32 : i32
  }
  func.func @transform_7(%arg0: i32) -> (i32, i32, i32) {
    %c0_i32 = arith.constant 0 : i32
    %c0_i32_0 = arith.constant 0 : i32
    %c0_i32_1 = arith.constant 0 : i32
    return %arg0, %c0_i32, %c0_i32_0 : i32, i32, i32
  }
  func.func @transform_8(%arg0: i32) -> (i32, i32, i32) {
    %c0_i32 = arith.constant 0 : i32
    %c0_i32_0 = arith.constant 0 : i32
    %c0_i32_1 = arith.constant 0 : i32
    return %arg0, %c0_i32, %c0_i32_0 : i32, i32, i32
  }
  func.func @transform_9(%arg0: i32) -> (i32, i32, i32) {
    %c0_i32 = arith.constant 0 : i32
    %c0_i32_0 = arith.constant 0 : i32
    %c0_i32_1 = arith.constant 0 : i32
    return %arg0, %c0_i32, %c0_i32_0 : i32, i32, i32
  }
  func.func @transform_10(%arg0: i32) -> (i32, i32, i32) {
    %c0_i32 = arith.constant 0 : i32
    %c0_i32_0 = arith.constant 0 : i32
    %c0_i32_1 = arith.constant 0 : i32
    return %arg0, %c0_i32, %c0_i32_0 : i32, i32, i32
  }
}

module attributes {stable_mosaic.version = 14 : i64} {
  func.func @_mid_body(%arg0: i32, %arg1: memref<2x1000x128xf32, #tpu.memory_space<vmem>>, %arg2: memref<128x4xf32, #tpu.memory_space<vmem>>, %arg3: memref<4xf32, #tpu.memory_space<vmem>>, %arg4: memref<128x128xf32, #tpu.memory_space<vmem>>, %arg5: memref<128xf32, #tpu.memory_space<vmem>>, %arg6: memref<1000x4xf32, #tpu.memory_space<vmem>>, %arg7: memref<1000x128xf32, #tpu.memory_space<vmem>>) attributes {dimension_semantics = [#tpu.dimension_semantics<arbitrary>], iteration_bounds = array<i64: 10>, scalar_prefetch = 0 : i64, scratch_operands = 0 : i64, tpu.core_type = #tpu.core_type<tc>, window_params = [{transform_indices = @transform_0, window_bounds = array<i64: 2, 1000, 128>}, {pipeline_mode = #tpu.pipeline_mode<synchronous>, transform_indices = @transform_1, window_bounds = array<i64: 128, 4>}, {pipeline_mode = #tpu.pipeline_mode<synchronous>, transform_indices = @transform_2, window_bounds = array<i64: 4>}, {pipeline_mode = #tpu.pipeline_mode<synchronous>, transform_indices = @transform_3, window_bounds = array<i64: 128, 128>}, {pipeline_mode = #tpu.pipeline_mode<synchronous>, transform_indices = @transform_4, window_bounds = array<i64: 128>}, {transform_indices = @transform_5, window_bounds = array<i64: 1000, 4>}, {transform_indices = @transform_6, window_bounds = array<i64: 1000, 128>}]} {
    %get3A = arith.constant 0 : index
    %get3A_0 = arith.constant 0 : index
    %get3A_1 = arith.constant 0 : index
    %get3A_2 = vector.load %arg1[%get3A, %get3A_0, %get3A_1] : memref<2x1000x128xf32, #tpu.memory_space<vmem>>, vector<1x1000x128xf32>
    %get3A_3 = vector.shape_cast %get3A_2 : vector<1x1000x128xf32> to vector<1000x128xf32>
    %get3A_4 = arith.constant 1 : index
    %get3A_5 = arith.constant 0 : index
    %get3A_6 = arith.constant 0 : index
    %get3A_7 = vector.load %arg1[%get3A_4, %get3A_5, %get3A_6] : memref<2x1000x128xf32, #tpu.memory_space<vmem>>, vector<1x1000x128xf32>
    %get3A_8 = vector.shape_cast %get3A_7 : vector<1x1000x128xf32> to vector<1000x128xf32>
    %add3A = arith.addf %get3A_3, %get3A_8 : vector<1000x128xf32>
    %max3A = arith.constant 0.000000e+00 : f32
    %max3A_9 = vector.broadcast %max3A : f32 to vector<1000x128xf32>
    %max3A_10 = arith.maximumf %add3A, %max3A_9 : vector<1000x128xf32>
    %get3A_11 = arith.constant 0 : index
    %get3A_12 = arith.constant 0 : index
    %get3A_13 = vector.load %arg2[%get3A_11, %get3A_12] : memref<128x4xf32, #tpu.memory_space<vmem>>, vector<128x4xf32>
    %dot_general3A = arith.constant dense<0.000000e+00> : vector<1000x4xf32>
    %dot_general3A_14 = tpu.matmul %max3A_10, %get3A_13, %dot_general3A {dimension_numbers = #tpu.dot_dimension_numbers<[1], [0], [0], [1], [0, 0, 1, 1], [], []>, transpose_lhs_hint = false} : vector<1000x128xf32>, vector<128x4xf32>, vector<1000x4xf32> -> vector<1000x4xf32>
    %get3A_15 = arith.constant 0 : index
    %get3A_16 = vector.load %arg3[%get3A_15] : memref<4xf32, #tpu.memory_space<vmem>>, vector<4xf32>
    %broadcast_in_dim3A = vector.shape_cast %get3A_16 : vector<4xf32> to vector<1x4xf32>
    %add3A_17 = vector.broadcast %broadcast_in_dim3A : vector<1x4xf32> to vector<1000x4xf32>
    %add3A_18 = arith.addf %dot_general3A_14, %add3A_17 : vector<1000x4xf32>
    %swap3A = arith.constant 0 : index
    %swap3A_19 = arith.constant 0 : index
    %swap3A_20 = vector.load %arg6[%swap3A, %swap3A_19] : memref<1000x4xf32, #tpu.memory_space<vmem>>, vector<1000x4xf32>
    tpu.vector_store %arg6[%swap3A, %swap3A_19], %add3A_18 {strides = array<i32>} : memref<1000x4xf32, #tpu.memory_space<vmem>>, vector<1000x4xf32>,
    %get3A_21 = arith.constant 0 : index
    %get3A_22 = arith.constant 0 : index
    %get3A_23 = vector.load %arg4[%get3A_21, %get3A_22] : memref<128x128xf32, #tpu.memory_space<vmem>>, vector<128x128xf32>
    %dot_general3A_24 = arith.constant dense<0.000000e+00> : vector<1000x128xf32>
    %dot_general3A_25 = tpu.matmul %max3A_10, %get3A_23, %dot_general3A_24 {dimension_numbers = #tpu.dot_dimension_numbers<[1], [0], [0], [1], [0, 0, 1, 1], [], []>, transpose_lhs_hint = false} : vector<1000x128xf32>, vector<128x128xf32>, vector<1000x128xf32> -> vector<1000x128xf32>
    %get3A_26 = arith.constant 0 : index
    %get3A_27 = vector.load %arg5[%get3A_26] : memref<128xf32, #tpu.memory_space<vmem>>, vector<128xf32>
    %broadcast_in_dim3A_28 = vector.shape_cast %get3A_27 : vector<128xf32> to vector<1x128xf32>
    %add3A_29 = vector.broadcast %broadcast_in_dim3A_28 : vector<1x128xf32> to vector<1000x128xf32>
    %add3A_30 = arith.addf %dot_general3A_25, %add3A_29 : vector<1000x128xf32>
    %swap3A_31 = arith.constant 0 : index
    %swap3A_32 = arith.constant 0 : index
    %swap3A_33 = vector.load %arg7[%swap3A_31, %swap3A_32] : memref<1000x128xf32, #tpu.memory_space<vmem>>, vector<1000x128xf32>
    tpu.vector_store %arg7[%swap3A_31, %swap3A_32], %add3A_30 {strides = array<i32>} : memref<1000x128xf32, #tpu.memory_space<vmem>>, vector<1000x128xf32>,
    return
  }
  func.func @transform_0(%arg0: i32) -> (i32, i32, i32) {
    %c0_i32 = arith.constant 0 : i32
    %c0_i32_0 = arith.constant 0 : i32
    %c0_i32_1 = arith.constant 0 : i32
    return %c0_i32, %arg0, %c0_i32_0 : i32, i32, i32
  }
  func.func @transform_1(%arg0: i32) -> (i32, i32) {
    %c0_i32 = arith.constant 0 : i32
    %c0_i32_0 = arith.constant 0 : i32
    %c0_i32_1 = arith.constant 0 : i32
    return %c0_i32, %c0_i32_0 : i32, i32
  }
  func.func @transform_2(%arg0: i32) -> i32 {
    %c0_i32 = arith.constant 0 : i32
    %c0_i32_0 = arith.constant 0 : i32
    return %c0_i32 : i32
  }
  func.func @transform_3(%arg0: i32) -> (i32, i32) {
    %c0_i32 = arith.constant 0 : i32
    %c0_i32_0 = arith.constant 0 : i32
    %c0_i32_1 = arith.constant 0 : i32
    return %c0_i32, %c0_i32_0 : i32, i32
  }
  func.func @transform_4(%arg0: i32) -> i32 {
    %c0_i32 = arith.constant 0 : i32
    %c0_i32_0 = arith.constant 0 : i32
    return %c0_i32 : i32
  }
  func.func @transform_5(%arg0: i32) -> (i32, i32) {
    %c0_i32 = arith.constant 0 : i32
    %c0_i32_0 = arith.constant 0 : i32
    return %arg0, %c0_i32 : i32, i32
  }
  func.func @transform_6(%arg0: i32) -> (i32, i32) {
    %c0_i32 = arith.constant 0 : i32
    %c0_i32_0 = arith.constant 0 : i32
    return %arg0, %c0_i32 : i32, i32
  }
}

module attributes {stable_mosaic.version = 14 : i64} {
  func.func @_relu_body(%arg0: i32, %arg1: memref<2x1000x128xf32, #tpu.memory_space<vmem>>, %arg2: memref<1000x128xf32, #tpu.memory_space<vmem>>) attributes {dimension_semantics = [#tpu.dimension_semantics<arbitrary>], iteration_bounds = array<i64: 10>, scalar_prefetch = 0 : i64, scratch_operands = 0 : i64, tpu.core_type = #tpu.core_type<tc>, window_params = [{transform_indices = @transform_0, window_bounds = array<i64: 2, 1000, 128>}, {transform_indices = @transform_1, window_bounds = array<i64: 1000, 128>}]} {
    %get3A = arith.constant 0 : index
    %get3A_0 = arith.constant 0 : index
    %get3A_1 = arith.constant 0 : index
    %get3A_2 = vector.load %arg1[%get3A, %get3A_0, %get3A_1] : memref<2x1000x128xf32, #tpu.memory_space<vmem>>, vector<1x1000x128xf32>
    %get3A_3 = vector.shape_cast %get3A_2 : vector<1x1000x128xf32> to vector<1000x128xf32>
    %get3A_4 = arith.constant 1 : index
    %get3A_5 = arith.constant 0 : index
    %get3A_6 = arith.constant 0 : index
    %get3A_7 = vector.load %arg1[%get3A_4, %get3A_5, %get3A_6] : memref<2x1000x128xf32, #tpu.memory_space<vmem>>, vector<1x1000x128xf32>
    %get3A_8 = vector.shape_cast %get3A_7 : vector<1x1000x128xf32> to vector<1000x128xf32>
    %add3A = arith.addf %get3A_3, %get3A_8 : vector<1000x128xf32>
    %max3A = arith.constant 0.000000e+00 : f32
    %max3A_9 = vector.broadcast %max3A : f32 to vector<1000x128xf32>
    %max3A_10 = arith.maximumf %add3A, %max3A_9 : vector<1000x128xf32>
    %swap3A = arith.constant 0 : index
    %swap3A_11 = arith.constant 0 : index
    %swap3A_12 = vector.load %arg2[%swap3A, %swap3A_11] : memref<1000x128xf32, #tpu.memory_space<vmem>>, vector<1000x128xf32>
    tpu.vector_store %arg2[%swap3A, %swap3A_11], %max3A_10 {strides = array<i32>} : memref<1000x128xf32, #tpu.memory_space<vmem>>, vector<1000x128xf32>,
    return
  }
  func.func @transform_0(%arg0: i32) -> (i32, i32, i32) {
    %c0_i32 = arith.constant 0 : i32
    %c0_i32_0 = arith.constant 0 : i32
    %c0_i32_1 = arith.constant 0 : i32
    return %c0_i32, %arg0, %c0_i32_0 : i32, i32, i32
  }
  func.func @transform_1(%arg0: i32) -> (i32, i32) {
    %c0_i32 = arith.constant 0 : i32
    %c0_i32_0 = arith.constant 0 : i32
    return %arg0, %c0_i32 : i32, i32
  }
}

module attributes {stable_mosaic.version = 14 : i64} {
  func.func @_xhat_body(%arg0: i32, %arg1: memref<1000x128xf32, #tpu.memory_space<vmem>>, %arg2: memref<2000x128xf32, #tpu.memory_space<vmem>>, %arg3: memref<1000x2000xf32, #tpu.memory_space<vmem>>) attributes {dimension_semantics = [#tpu.dimension_semantics<arbitrary>], iteration_bounds = array<i64: 4>, scalar_prefetch = 0 : i64, scratch_operands = 0 : i64, tpu.core_type = #tpu.core_type<tc>, window_params = [{transform_indices = @transform_0, window_bounds = array<i64: 1000, 128>}, {transform_indices = @transform_1, window_bounds = array<i64: 2000, 128>}, {transform_indices = @transform_2, window_bounds = array<i64: 1000, 2000>}]} {
    %get3A = arith.constant 0 : index
    %get3A_0 = arith.constant 0 : index
    %get3A_1 = vector.load %arg1[%get3A, %get3A_0] : memref<1000x128xf32, #tpu.memory_space<vmem>>, vector<1000x128xf32>
    %get3A_2 = arith.constant 0 : index
    %get3A_3 = arith.constant 0 : index
    %get3A_4 = vector.load %arg2[%get3A_2, %get3A_3] : memref<2000x128xf32, #tpu.memory_space<vmem>>, vector<2000x128xf32>
    %dot_general3A = arith.constant dense<0.000000e+00> : vector<1000x2000xf32>
    %dot_general3A_5 = tpu.matmul %get3A_1, %get3A_4, %dot_general3A {dimension_numbers = #tpu.dot_dimension_numbers<[1], [1], [0], [0], [0, 0, 1, 0], [], []>, transpose_lhs_hint = false} : vector<1000x128xf32>, vector<2000x128xf32>, vector<1000x2000xf32> -> vector<1000x2000xf32>
    %logistic3A = arith.negf %dot_general3A_5 : vector<1000x2000xf32>
    %logistic3A_6 = math.exp %logistic3A : vector<1000x2000xf32>
    %logistic3A_7 = arith.constant 1.000000e+00 : f32
    %logistic3A_8 = vector.broadcast %logistic3A_7 : f32 to vector<1000x2000xf32>
    %logistic3A_9 = arith.addf %logistic3A_8, %logistic3A_6 : vector<1000x2000xf32>
    %logistic3A_10 = arith.divf %logistic3A_8, %logistic3A_9 : vector<1000x2000xf32>
    %swap3A = arith.constant 0 : index
    %swap3A_11 = arith.constant 0 : index
    %swap3A_12 = vector.load %arg3[%swap3A, %swap3A_11] : memref<1000x2000xf32, #tpu.memory_space<vmem>>, vector<1000x2000xf32>
    tpu.vector_store %arg3[%swap3A, %swap3A_11], %logistic3A_10 {strides = array<i32>} : memref<1000x2000xf32, #tpu.memory_space<vmem>>, vector<1000x2000xf32>,
    return
  }
  func.func @transform_0(%arg0: i32) -> (i32, i32) {
    %c0_i32 = arith.constant 0 : i32
    %c0_i32_0 = arith.constant 0 : i32
    return %arg0, %c0_i32 : i32, i32
  }
  func.func @transform_1(%arg0: i32) -> (i32, i32) {
    %c2_i32 = arith.constant 2 : i32
    %c0_i32 = arith.constant 0 : i32
    %c0_i32_0 = arith.constant 0 : i32
    return %c2_i32, %c0_i32 : i32, i32
  }
  func.func @transform_2(%arg0: i32) -> (i32, i32) {
    %c0_i32 = arith.constant 0 : i32
    %c0_i32_0 = arith.constant 0 : i32
    return %arg0, %c0_i32 : i32, i32
  }
}

</mosaic_0001>

<sc_bundles>
// kernel: kernel.11.cloned.1.call-start
scs
__scs_entry_jumppad:
0x0: {  	(pc) =	sbr.rel $0x88, $3  }
0x1: {  	(tag) =	ssettag $0x0;
	lr =	simm.s32 $0x1  }
0x2: {  	[smem:$0x3F6E] =	sst lr;
	_ =	strace $0xD0000000  }
0x3: {  	_ = 	snop  }
0x4: {  	_ = 	snop  }
0x5: {  	_ = 	snop  }
0x6: {  	_ = 	snop  }
0x7: {  	_ = 	snop  }
__scs_overlays_trampoline_lowered:
0x8: {  	[smem:$0x3F7D] =	sst s0  }
0x9: {  	[smem:$0x3F7E] =	sst s1  }
0xa: {  	[smem:$0x3F7F] =	sst s2  }
0xb: {  	[smem:$0x3F80] =	sst s3  }
0xc: {  	[smem:$0x3F81] =	sst s4  }
0xd: {  	[smem:$0x3F82] =	sst s5  }
0xe: {  	[smem:$0x3F83] =	sst s6  }
0xf: {  	[smem:$0x3F84] =	sst s7  }
0x10: {  	[smem:$0x3F85] =	sst s8  }
0x11: {  	[smem:$0x3F86] =	sst s9;
	s0 =	simm.s32 @!p0 $0x0  }
0x12: {  	s1 =	sld [smem:$0x3F6C];
	s0 =	simm.s32 @p0 $0x1  }
0x13: {  	[smem:$0x3F87] =	sst s0;
	s0 =	simm.s32 @!p1 $0x0  }
0x14: {  	s2 =	sld [smem:$0x3F6B];
	s0 =	simm.s32 @p1 $0x1  }
0x15: {  	[smem:$0x3F88] =	sst s0;
	s0 =	simm.s32 @!p2 $0x0  }
0x16: {  	s3 =	sld [smem:$0x3FDB];
	s0 =	simm.s32 @p2 $0x1  }
0x17: {  	s4 =	simm.s32 $0x1BF5;
	[smem:$0x3F8A] =	sst s0  }
0x18: {  	s0 =	sld [smem:$0x3F6D];
	_ =	swait.ge [sflag:s4], $0x0  }
0x19: {  	s7 =	sld [smem:$0x3F6E]  }
0x1a: {  	s8 =	sadd.s32 $0xFFFFE003, lr  }
0x1b: {  	s9 =	sadd.s32 $0xFFFFFEF7, lr;
	s5 =	simm.s32 $0xFFFFFFFF;
	p2 =	slt.u32 s8, $0xFFFFF086  }
0x1c: {  	p1 =	slt.u32 s9, $0xF7A;
	s5 =	simm.s32 @!p2 $0x0  }
0x1d: {  	s5 =	simm.s32 @p1 $0x1;
	p0 =	seq.s32 s7, s2  }
0x1e: {  	s7 =	smul.u32 @!p0 $0xF7A, s2;
	p2 =	seq.s32 @!p0 s5, $0x0  }
0x1f: {  	s9 =	smul.u32 $0xF7A, s1;
	s8 =	simm.s32 @!p0 $0x1BF5;
	p2 =	por !p2, p0  }
0x20: {  	[sflag:s8] =	ssyncset.s32 @!p0 $0xFFFFF086;
	s6 =	sadd.s32 @!p0 s3, s7;
	s7 =	simm.s32 @!p0 $0x108  }
0x21: {  	s3 =	sadd.s32 s3, s9;
	s6 =	sadd.s32 @!p0 $0x88, s6;
	s7 =	simm.s32 @p2 $0x1082  }
0x22: {  	[simem:s7], [sflag:s8] =	dma.local @!p0 [hbm:s6], $0xF7A  }
0x23: {  	s9 =	sor.u32 $0xD0000000, s2;
	s6 =	simm.s32 $0x108;
	_ =	swait.ge @!p0 [sflag:s8], $0x0  }
0x24: {  	s3 =	sadd.s32 $0x88, s3;
	s6 =	simm.s32 @!p1 $0x1082;
	[sflag:s4] =	ssyncset.s32 $0xFFFFF086  }
0x25: {  	[simem:s6], [sflag:s4] =	dma.local [hbm:s3], $0xF7A  }
0x26: {  	[smem:$0x3F6E] =	sst s1;
	(tag) =	ssettag s2;
	_ =	strace s9  }
0x27: {  	s1 =	sld [smem:$0x3F7E]  }
0x28: {  	s2 =	sld [smem:$0x3F7F]  }
0x29: {  	s4 =	sld [smem:$0x3F81]  }
0x2a: {  	p0 =	seq.s32 s5, $0x0;
	s5 =	sld [smem:$0x3F82]  }
0x2b: {  	s6 =	sld [smem:$0x3F83]  }
0x2c: {  	s7 =	sld [smem:$0x3F84]  }
0x2d: {  	s3 =	simm.s32 $0x108;
	s8 =	sld [smem:$0x3F85]  }
0x2e: {  	s3 =	simm.s32 @!p0 $0x1082;
	s9 =	sld [smem:$0x3F86]  }
0x2f: {  	lr =	sadd.s32 s0, s3;
	s0 =	sld [smem:$0x3F7D]  }
0x30: {  	s3 =	sld [smem:$0x3F80]  }
0x31: {  	[smem:$0x3F89] =	sst s10  }
0x32: {  	s10 =	sld [smem:$0x3F87];
	_ =	sdelay $0x3  }
0x33: {  	p0 =	seq.s32 s10, $0x1;
	s10 =	sld [smem:$0x3F89];
	_ =	sdelay $0x3  }
0x34: {  	[smem:$0x3F89] =	sst s10  }
0x35: {  	s10 =	sld [smem:$0x3F88];
	_ =	sdelay $0x3  }
0x36: {  	p1 =	seq.s32 s10, $0x1;
	s10 =	sld [smem:$0x3F89];
	_ =	sdelay $0x3  }
0x37: {  	[smem:$0x3F89] =	sst s10  }
0x38: {  	s10 =	sld [smem:$0x3F8A]  }
0x39: {  	_ = 	snop;
	(pc) =	sbr.ind lr, $3  }
0x3a: {  	_ = 	snop  }
0x3b: {  	_ = 	snop  }
0x3c: {  	p2 =	seq.s32 s10, $0x1;
	s10 =	sld [smem:$0x3F89]  }
0x3d: {  	_ =	shalt  }
0x3e: {  	_ =	shalt  }
0x3f: {  	_ =	shalt  }
0x40: {  	_ =	shalt  }
0x41: {  	_ =	shalt  }
0x42: {  	_ =	shalt  }
0x43: {  	_ =	shalt  }
0x44: {  	_ =	shalt  }
0x45: {  	_ =	shalt  }
0x46: {  	_ =	shalt  }
0x47: {  	_ =	shalt  }
0x48: {  	_ =	shalt  }
0x49: {  	_ =	shalt  }
0x4a: {  	_ =	shalt  }
0x4b: {  	_ =	shalt  }
0x4c: {  	_ =	shalt  }
0x4d: {  	_ =	shalt  }
0x4e: {  	_ =	shalt  }
0x4f: {  	_ =	shalt  }
0x50: {  	_ =	shalt  }
0x51: {  	_ =	shalt  }
0x52: {  	_ =	shalt  }
0x53: {  	_ =	shalt  }
0x54: {  	_ =	shalt  }
0x55: {  	_ =	shalt  }
0x56: {  	_ =	shalt  }
0x57: {  	_ =	shalt  }
0x58: {  	_ =	shalt  }
0x59: {  	_ =	shalt  }
0x5a: {  	_ =	shalt  }
0x5b: {  	_ =	shalt  }
0x5c: {  	_ =	shalt  }
0x5d: {  	_ =	shalt  }
0x5e: {  	_ =	shalt  }
0x5f: {  	_ =	shalt  }
0x60: {  	_ =	shalt  }
0x61: {  	_ =	shalt  }
0x62: {  	_ =	shalt  }
0x63: {  	_ =	shalt  }
0x64: {  	_ =	shalt  }
0x65: {  	_ =	shalt  }
0x66: {  	_ =	shalt  }
0x67: {  	_ =	shalt  }
0x68: {  	_ =	shalt  }
0x69: {  	_ =	shalt  }
0x6a: {  	_ =	shalt  }
0x6b: {  	_ =	shalt  }
0x6c: {  	_ =	shalt  }
0x6d: {  	_ =	shalt  }
0x6e: {  	_ =	shalt  }
0x6f: {  	_ =	shalt  }
0x70: {  	_ =	shalt  }
0x71: {  	_ =	shalt  }
0x72: {  	_ =	shalt  }
0x73: {  	_ =	shalt  }
0x74: {  	_ =	shalt  }
0x75: {  	_ =	shalt  }
0x76: {  	_ =	shalt  }
0x77: {  	_ =	shalt  }
0x78: {  	_ =	shalt  }
0x79: {  	_ =	shalt  }
0x7a: {  	_ =	shalt  }
0x7b: {  	_ =	shalt  }
0x7c: {  	_ =	shalt  }
0x7d: {  	_ =	shalt  }
0x7e: {  	_ =	shalt  }
0x7f: {  	_ =	shalt  }
0x80: {  	_ =	shalt  }
0x81: {  	_ =	shalt  }
0x82: {  	_ =	shalt  }
0x83: {  	_ =	shalt  }
0x84: {  	_ =	shalt  }
0x85: {  	_ =	shalt  }
0x86: {  	_ =	shalt  }
0x87: {  	_ =	shalt  }
.Lfunc_end0:
.L_simem_size_0:
called_computation_lowered:
.L_overlay_start_0:
0x88: {  	s2 =	sld [smem:$0x3FD9]  }
0x89: {  	s3 =	sld [smem:$0x3FFE];
	_ =	sdelay $0x1  }
0x8a: {  	s1 =	srdreg.scid  }
0x8b: {  	s0 =	sand.u32 $0x1, s1  }
0x8c: {  	s14 =	sshll.u32 s0, $0xA;
	s2 =	sadd.s32 s3, s2  }
0x8d: {  	s2 =	sadd.s32 s2, s14  }
0x8e: {  	[smem:$0x3F95] =	sst s2  }
0x8f: {  	_ = 	snop  }
0x90: {  	s2 =	sld [smem:$0x3FD0];
	_ =	sdelay $0x2  }
0x91: {  	s4 =	simm.s32 $0xA;
	s5 =	simm.s32 $0x10;
	s15 =	sld [smem:$0x3FC4]  }
0x92: {  	[smem:s5], [sflag:s4] =	dma.local [hbm:s2], $0x1  }
0x93: {  	_ =	swait.eq [sflag:s4], $0x1  }
0x94: {  	s16 =	sld [smem:$0x10]  }
0x95: {  	s17 =	sld [smem:$0x12]  }
0x96: {  	s6 =	sld [smem:$0x13];
	[sflag:s4] =	ssyncset.done $0x0  }
0x97: {  	s7 =	sld [smem:$0x14];
	[sflag:s4] =	ssyncadd.s32 $0xFFFFFFFF  }
0x98: {  	s18 =	sld [smem:$0x15];
	(tm) =	ssettm $0x1  }
0x99: {  	s8 =	sld [smem:$0x3FFB];
	_ =	sdelay $0x3  }
0x9a: {  	_ =	strace s8  }
0x9b: {  	s8 =	sld [smem:$0x3FFC];
	_ =	sdelay $0x3  }
0x9c: {  	_ =	strace s8  }
0x9d: {  	s8 =	sld [smem:$0x3FFD];
	_ =	sdelay $0x3  }
0x9e: {  	_ =	strace s8  }
0x9f: {  	_ =	strace $0x8FFFFFFF  }
0xa0: {  	s19 =	sld [smem:$0x3FDB];
	_ =	sdelay $0x1  }
0xa1: {  	s9 =	simm.s32 $_scs_section_size  }
0xa2: {  	s10 =	simm.s32 $_size__tile_overlayer_lowered;
	s11 =	simm.s32 $_tile_overlayer_lowered  }
0xa3: {  	s22 =	simm.s32 $0x1BFF;
	s21 =	sshll.u32 s11, $0x1;
	s8 =	sadd.s32 s9, s19  }
0xa4: {  	s12 =	simm.s32 $0x0;
	s20 =	sshll.u32 s10, $0x1;
	s10 =	sadd.s32 s21, s8  }
0xa5: {  	[timem:s12], [sflag:s22] =	dma.local [hbm:s10], s20  }
0xa6: {  	_ =	swait.ge [sflag:s22], s20  }
0xa7: {  	s9 =	ssub.s32 $0x0, s20;
	[sflag:s22] =	ssyncset.done $0x0  }
0xa8: {  	[sflag:s22] =	ssyncadd.s32 s9;
	_ =	sdelay $0x1  }
0xa9: {  	s23 =	simm.s32 $0x1B8B  }
0xaa: {  	_ =	swait.ge [sflag:s23], $0x1  }
0xab: {  	[sflag:s23] =	ssyncset.done $0x0  }
0xac: {  	s25 =	simm.s32 $0x1B8E;
	s24 =	sld [smem:$0x3FFE];
	[sflag:s23] =	ssyncadd.s32 $0xFFFFFFFF  }
0xad: {  	s26 =	simm.s32 $execute0_lowered;
	[smem:$0x3FD2] =	sst s25  }
0xae: {  	s10 =	sshll.u32 s26, $0x1;
	_ =	strace $0x80000046;
	[dreg:$0x1] =	wrdreg $0xFFFFFFFF  }
0xaf: {  	s28 =	simm.s32 $_size_execute0_lowered;
	s8 =	sadd.s32 s8, s10;
	[dreg:$0x0] =	wrdreg $0x0  }
0xb0: {  	s10 =	sshll.u32 s28, $0x1;
	[dreg:$0x2] =	wrdreg s8  }
0xb1: {  	[dreg:$0x3] =	wrdreg s10  }
0xb2: {  	[dreg:$0x4] =	wrdreg $0xC0  }
0xb3: {  	_ =	task [dreg:s12], $0x5FFFF  }
0xb4: {  	[dreg:$0x1] =	wrdreg $0xFFFFFFFF  }
0xb5: {  	[dreg:$0x0] =	wrdreg $0x60  }
0xb6: {  	[dreg:$0x2] =	wrdreg s24  }
0xb7: {  	[dreg:$0x3] =	wrdreg s15  }
0xb8: {  	[dreg:$0x4] =	wrdreg s6  }
0xb9: {  	[dreg:$0x5] =	wrdreg s7  }
0xba: {  	[dreg:$0x6] =	wrdreg s17  }
0xbb: {  	[dreg:$0x7] =	wrdreg s18  }
0xbc: {  	[dreg:$0x8] =	wrdreg s16  }
0xbd: {  	[dreg:$0x9] =	wrdreg $0x17D000  }
0xbe: {  	[dreg:$0xa] =	wrdreg $0x9  }
0xbf: {  	_ =	task.clear_ibuf [dreg:s12], $0xBFFFF;
	_ =	strace $0x90000046  }
0xc0: {  	s29 =	simm.s32 $0x9;
	_ =	strace $0x80000048  }
0xc1: {  	_ =	swait.ge [sflag:s29], $0x1  }
0xc2: {  	[sflag:s29] =	ssyncadd.s32 $0xFFFFFFFF  }
0xc3: {  	_ =	strace $0x90000048  }
0xc4: {  	_ =	sfence  }
0xc5: {  	s30 =	sld [smem:$0x0];
	_ =	sdelay $0x2  }
0xc6: {  	s31 =	sshll.u32 s1, $0xD;
	s1 =	sshrl.u32 s1, $0x2  }
0xc7: {  	s3 =	sand.u32 $0x4000, s31;
	s1 =	sadd.s32 s1, s30  }
0xc8: {  	s0 =	sor.u32 s3, s0;
	s1 =	sshll.u32 s1, $0x11  }
0xc9: {  	s0 =	sor.u32 s1, s0  }
0xca: {  	s0 =	sadd.s32 $0x8F2B, s0  }
0xcb: {  	[sflag:s0] =	ssyncadd.remote.s32 $0x1  }
0xcc: {  	_ =	sfence.sel $0xFFFF  }
0xcd: {  	[dreg:$0x0] =	wrdreg $0xFFFFFFFF;
	(pc) =	sbr.abs _section_cstart, $3  }
0xce: {  	[dreg:$0x1] =	wrdreg $0xFFFFFFFF  }
0xcf: {  	_ =	task.clear_ibuf [dreg:s12], $0x2FFFF;
	_ =	strace $0x9FFFFFFF  }
0xd0: {  	(tm) =	ssettm $0x7FFFFFFF  }
0xd1: {  	_ =	shalt  }
tec
execute0_lowered:
.L_overlay_start_1:
0x0: {  	(tag) =	ssettag $0x1  }
0x1: {  	s12 =	rddreg [dreg:$0x0]  }
0x2: {  	s0 =	rddreg [dreg:$0x1]  }
0x3: {  	s1 =	rddreg [dreg:$0x2]  }
0x4: {  	s2 =	rddreg [dreg:$0x3]  }
0x5: {  	s4 =	rddreg [dreg:$0x4]  }
0x6: {  	s15 =	rddreg [dreg:$0x5]  }
0x7: {  	s16 =	rddreg [dreg:$0x6]  }
0x8: {  	s23 =	rddreg [dreg:$0x7]  }
0x9: {  	s3 =	simm.s32 $0x0;
	s5 =	srdreg.scid;
	s24 =	stileid.u32  }
0xa: {  	s20 =	simm.s32 $0x5000;
	s21 =	simm.s32 $0x7800;
	s22 =	simm.s32 $0xA000  }
0xb: {  	s30 =	simm.s32 $0x12C80;
	s28 =	simm.s32 $0x0;
	[smem:$0x7FF] =	sst s3  }
0xc: {  	s9 =	sand.u32 $0x1, s5;
	s6 =	sshll.u32 s24, $0x1;
	s29 =	sadd.s32 $0x1200, s12  }
0xd: {  	s8 =	sadd.s32 $0xB800, s12;
	s19 =	sshll.u32 s24, $0xA;
	p1 =	sgt.u32 s24, $0x9  }
0xe: {  	p0 =	sne.s32 s24, $0x0;
	_ =	strace $0x80000047;
	[dreg:$0x9] =	wrdreg s29  }
0xf: {  	s7 =	sor.u32 s9, s6;
	s10 =	ssub.s32 $0x2, s9;
	s13 =	smul.u32 $0x2800, s9  }
0x10: {  	s6 =	sadd.s32 $0xC00, s12;
	s17 =	smul.u32 $0x271, s7;
	s11 =	sshrl.u32 s10, $0x1  }
0x11: {  	s7 =	sadd.s32 $0x600, s12;
	s18 =	ssub.s32 s10, s11;
	s31 =	sadd.s32 s19, s13  }
0x12: {  	s12 =	sadd.s32 s17, s12;
	s11 =	sadd.s32 s0, s17;
	s13 =	sadd.s32 s2, s17  }
0x13: {  	v0 =	vlaneseq.u32;
	s14 =	sadd.s32 s4, s17;
	s0 =	sshrl.u32 s31, $0x3;
	s15 =	sadd.s32 s15, s17  }
0x14: {  	v6 =	vmul.u32 $0xFFFFFFFF, v0;
	s9 =	sadd.s32 $0x6800, s12;
	s10 =	sadd.s32 $0x1800, s12;
	s12 =	sadd.s32 s1, s17  }
0x15: {  	v1 =	vimm.f32 $0.0e+00;
	v2 =	vor.u32 $0x10, v0;
	v3 =	vor.u32 $0x20, v0;
	s16 =	sadd.s32 s16, s0;
	s0 =	sadd.s32 s19, s23;
	s17 =	smax.u32 s18, $0x1  }
0x16: {  	v4 =	vor.u32 $0x30, v0;
	v5 =	vor.u32 $0x40, v0;
	v6 =	vadd.s32 $0x1388, v6;
	s18 =	simm.s32 $0x1;
	s19 =	simm.s32 $0x2800;
	s25 =	sshrl.u32 @!p1 s0, $0x3  }
.LBB2_1:
0x17: {  	s0 =	rddreg [dreg:$0x9]  }
0x18: {  	[tilespmem:s3], [sflag:$0x1] =	stream.linear.gather [hbm4b:s0+s3], $0x2710, $0x38;
	[tilespmem:$0x17F80] =	vst v63  }
0x19: {  	_ =	swait.ge [sflag:s18], $0x2710  }
0x1a: {  	[sflag:s18] =	ssyncset.done $0x0  }
0x1b: {  	[sflag:s18] =	ssyncadd.s32 $0xFFFFD8F0  }
0x1c: {  	[tilespmem:s19], [sflag:$0x1] =	stream.linear.gather [hbm4b:s6+s3], $0x2710, $0x38;
	[tilespmem:$0x17F80] =	vst v63  }
0x1d: {  	_ =	swait.ge [sflag:s18], $0x2710  }
0x1e: {  	[sflag:s18] =	ssyncset.done $0x0  }
0x1f: {  	[sflag:s18] =	ssyncadd.s32 $0xFFFFD8F0  }
0x20: {  	[tilespmem:s20], [sflag:$0x1] =	stream.linear.gather [hbm4b:s7+s3], $0x2710, $0x38;
	[tilespmem:$0x17F80] =	vst v63  }
0x21: {  	_ =	swait.ge [sflag:s18], $0x2710  }
0x22: {  	[sflag:s18] =	ssyncset.done $0x0  }
0x23: {  	[sflag:s18] =	ssyncadd.s32 $0xFFFFD8F0  }
0x24: {  	s4 =	rddreg [dreg:$0x0]  }
0x25: {  	[tilespmem:s21], [sflag:$0x1] =	stream.linear.gather [hbm4b:s4+s3], $0x2710, $0x38;
	[tilespmem:$0x17F80] =	vst v63  }
0x26: {  	_ =	swait.ge [sflag:s18], $0x2710  }
0x27: {  	[sflag:s18] =	ssyncset.done $0x0  }
0x28: {  	[sflag:s18] =	ssyncadd.s32 $0xFFFFD8F0  }
0x29: {  	[tilespmem:s22], [sflag:$0x1] =	stream.linear.gather [hbm4b:s8+s3], $0x10, $0x38;
	[tilespmem:$0x17F80] =	vst v63  }
0x2a: {  	_ =	swait.ge [sflag:s18], $0x10  }
0x2b: {  	[sflag:s18] =	ssyncset.done $0x0  }
0x2c: {  	s5 =	simm.s32 $0xA080;
	[sflag:s18] =	ssyncadd.s32 $0xFFFFFFF0  }
0x2d: {  	[tilespmem:s5], [sflag:$0x1] =	stream.linear.gather [hbm4b:s9+s3], $0x1388, $0x38;
	[tilespmem:$0x17F80] =	vst v63  }
0x2e: {  	_ =	swait.ge [sflag:s18], $0x1388  }
0x2f: {  	[sflag:s18] =	ssyncset.done $0x0  }
0x30: {  	s24 =	simm.s32 $0xB480;
	[sflag:s18] =	ssyncadd.s32 $0xFFFFEC78  }
0x31: {  	[tilespmem:s24], [sflag:$0x1] =	stream.linear.gather [hbm4b:s10+s3], $0x1388, $0x38;
	[tilespmem:$0x17F80] =	vst v63  }
0x32: {  	_ =	swait.ge [sflag:s18], $0x1388  }
0x33: {  	[sflag:s18] =	ssyncset.done $0x0  }
0x34: {  	s26 =	simm.s32 $0xC880;
	[sflag:s18] =	ssyncadd.s32 $0xFFFFEC78  }
0x35: {  	[tilespmem:s26], [sflag:$0x1] =	stream.linear.gather [hbm4b:s11+s3], $0x1388, $0x38;
	[tilespmem:$0x17F80] =	vst v63  }
0x36: {  	_ =	swait.ge [sflag:s18], $0x1388  }
0x37: {  	[sflag:s18] =	ssyncset.done $0x0  }
0x38: {  	s29 =	simm.s32 $0xDC80;
	[sflag:s18] =	ssyncadd.s32 $0xFFFFEC78  }
0x39: {  	[tilespmem:s29], [sflag:$0x1] =	stream.linear.gather [hbm4b:s12+s3], $0x1388, $0x38;
	[tilespmem:$0x17F80] =	vst v63  }
0x3a: {  	_ =	swait.ge [sflag:s18], $0x1388  }
0x3b: {  	[sflag:s18] =	ssyncset.done $0x0  }
0x3c: {  	s31 =	simm.s32 $0xF080;
	[sflag:s18] =	ssyncadd.s32 $0xFFFFEC78  }
0x3d: {  	[tilespmem:s31], [sflag:$0x1] =	stream.linear.gather [hbm4b:s13+s3], $0x1388, $0x38;
	[tilespmem:$0x17F80] =	vst v63  }
0x3e: {  	_ =	swait.ge [sflag:s18], $0x1388  }
0x3f: {  	[sflag:s18] =	ssyncset.done $0x0  }
0x40: {  	s1 =	simm.s32 $0x200;
	s0 =	simm.s32 $0x0;
	[sflag:s18] =	ssyncadd.s32 $0xFFFFEC78  }
.LBB2_2:
0x41: {  	p2 =	sne.s32 s1, $0x9E00;
	[tilespmem:s0+$0x154F0] =	vst v1  }
0x42: {  	[tilespmem:s0+$0x12C80] =	vst v1  }
0x43: {  	[tilespmem:s0+$0x15480] =	vst v1  }
0x44: {  	[tilespmem:s0+$0x12C90] =	vst v1  }
0x45: {  	[tilespmem:s0+$0x15490] =	vst v1  }
0x46: {  	[tilespmem:s0+$0x12CA0] =	vst v1  }
0x47: {  	[tilespmem:s0+$0x154A0] =	vst v1  }
0x48: {  	[tilespmem:s0+$0x12CB0] =	vst v1  }
0x49: {  	[tilespmem:s0+$0x154B0] =	vst v1  }
0x4a: {  	[tilespmem:s0+$0x12CC0] =	vst v1  }
0x4b: {  	[tilespmem:s0+$0x154C0] =	vst v1  }
.Ltmp0:
0x4c: {  	[tilespmem:s0+$0x12CD0] =	vst v1;
	(pc) =	sbr.rel @p2 .LBB2_2-.Ltmp0, $4  }
0x4d: {  	[tilespmem:s0+$0x154D0] =	vst v1  }
0x4e: {  	[tilespmem:s0+$0x12CE0] =	vst v1  }
0x4f: {  	[tilespmem:s0+$0x154E0] =	vst v1  }
0x50: {  	[tilespmem:s0+$0x12CF0] =	vst v1;
	s0 =	sshra.s32 s1, $0x2;
	s1 =	sadd.s32 $0x200, s1  }
0x51: {  	[tilespmem:s0+$0x154F0] =	vst v1  }
0x52: {  	[tilespmem:s0+$0x12C80] =	vst v1  }
0x53: {  	[tilespmem:s0+$0x15480] =	vst v1  }
0x54: {  	[tilespmem:s0+$0x12C90] =	vst v1  }
0x55: {  	[tilespmem:s0+$0x15490] =	vst v1  }
0x56: {  	[tilespmem:s0+$0x12CA0] =	vst v1  }
0x57: {  	[tilespmem:s0+$0x154A0] =	vst v1  }
0x58: {  	[tilespmem:s0+$0x12CB0] =	vst v1  }
0x59: {  	[tilespmem:s0+$0x154B0] =	vst v1  }
0x5a: {  	[tilespmem:s0+$0x12CC0] =	vst v1  }
0x5b: {  	[tilespmem:s0+$0x154C0] =	vst v1  }
0x5c: {  	[tilespmem:s0+$0x12CD0] =	vst v1  }
0x5d: {  	[tilespmem:s0+$0x154D0] =	vst v1  }
0x5e: {  	[tilespmem:s0+$0x12CE0] =	vst v1  }
0x5f: {  	[tilespmem:s0+$0x154E0] =	vst v1  }
0x60: {  	[tilespmem:s0+$0x12CF0] =	vst v1;
	s0 =	simm.s32 @!p0 $0x15480  }
0x61: {  	[spmem:s23] =	stream.linear.scatter @!p0 [tilespmem:s0], [sflag:$0x1], $0x2800, $0x38;
	[tilespmem:$0x17F80] =	vst v63  }
0x62: {  	s0 =	simm.s32 @!p0 $0x1  }
0x63: {  	_ =	swait.ge @!p0 [sflag:s0], $0x2800  }
0x64: {  	[sflag:s0] =	ssyncset.done @!p0 $0x0  }
0x65: {  	[sflag:s0] =	ssyncadd.s32 @!p0 $0xFFFFD800  }
0x66: {  	[tilespmem:$0x17C80] =	vst v0  }
0x67: {  	[tilespmem:$0x17C90] =	vst v2  }
0x68: {  	[tilespmem:$0x17CA0] =	vst v3  }
0x69: {  	[tilespmem:$0x17CB0] =	vst v4  }
0x6a: {  	s5 =	smov.u32 s23;
	s23 =	simm.s32 $0xA080;
	[tilespmem:$0x17CC0] =	vst v5  }
0x6b: {  	v7 =	vld [tilespmem:s23+$0x0]  }
0x6c: {  	s24 =	simm.s32 $0xB480  }
0x6d: {  	s1 =	simm.s32 $0x0;
	v8 =	vld [tilespmem:s24+$0x0]  }
0x6e: {  	v9 =	vmov s1  }
0x6f: {  	vm0 =	vlt.u32 v9, v6  }
0x70: {  	v7 =	vnsel vm0, $0x0, v7;
	_ =	sdelay $0x1  }
0x71: {  	v8 =	vnsel vm0, $0x0, v8  }
0x72: {  	s31 =	simm.s32 $0xDC80  }
0x73: {  	v9 =	vld [tilespmem:s31+$0x0]  }
0x74: {  	v10 =	vld.idx.msk [tilespmem:v7+s20+$0x0], $0xffff;
	_ =	sdelay $0x1  }
0x75: {  	v11 =	vld.idx.msk [tilespmem:v8+s21+$0x0], $0xffff;
	_ =	sdelay $0x2  }
0x76: {  	v9 =	vadd.f32 v9, v10;
	_ =	sdelay $0x1  }
0x77: {  	v9 =	vadd.f32 v9, v11;
	_ =	sdelay $0x1  }
0x78: {  	v9 =	vsub.f32 $0.0e+00, v9;
	_ =	sdelay $0x1  }
0x79: {  	v9 =	vmul.f32 $1.442695020e+00, v9;
	_ =	sdelay $0x1  }
0x7a: {  	(erf) = vpow2.f32 v9;
	_ =	sdelay $0x2  }
0x7b: {  	s26 =	simm.s32 $0xC880  }
0x7c: {  	v9 =	vld [tilespmem:s26+$0x0];
	_ =	sdelay $0x4  }
0x7d: {  	v9 =	vnsel vm0, $0x0, v9;
	v10 =	vpop (erf)  }
0x7e: {  	v10 =	vadd.f32 $1.000000000e+00, v10  }
0x7f: {  	v7 =	vld.idx.msk [tilespmem:v7+s3+$0x0], $0xffff  }
0x80: {  	v11 =	vld.idx.msk [tilespmem:v8+s19+$0x0], $0xffff;
	(erf) = vrcp.f32 v10;
	_ =	sdelay $0x1  }
0x81: {  	v9 =	vld.idx.msk [tilespmem:v9+s22+$0x0], $0xffff;
	_ =	sdelay $0x1  }
0x82: {  	s1 =	simm.s32 $0xF080  }
0x83: {  	v7 =	vadd.f32 v11, v7;
	v10 =	vld [tilespmem:s1+$0x0];
	_ =	sdelay $0x1  }
0x84: {  	v7 =	vadd.f32 v9, v7;
	_ =	sdelay $0x1  }
0x85: {  	v9 =	vmul.f32 $2.000000030e-01, v7;
	v11 =	vpop (erf)  }
0x86: {  	vm1 =	vgt.f32 v7, $0.0e+00;
	v10 =	vmul.f32 v11, v10  }
0x87: {  	v7 =	vsel vm1, v7, v9  }
0x88: {  	v7 =	vadd.f32 v10, v7;
	_ =	sdelay $0x1  }
0x89: {  	v7 =	vmul.f32 $1.442695020e+00, v7;
	_ =	sdelay $0x1  }
0x8a: {  	(erf) = vpow2.f32 v7;
	_ =	sdelay $0x7  }
0x8b: {  	s23 =	simm.s32 $0x10480  }
0x8c: {  	s29 =	simm.s32 $0x11880;
	[tilespmem:s23+$0x0] =	vst v11;
	v7 =	vpop (erf)  }
0x8d: {  	[tilespmem:s29+$0x0] =	vst v7  }
0x8e: {  	s24 =	simm.s32 $0xA090;
	[tilespmem:v8+s30+$0x0] =	vst.idx.add.f32.msk vm0, v7  }
0x8f: {  	s0 =	simm.s32 $0xB490;
	v7 =	vld [tilespmem:s24+$0x0]  }
0x90: {  	s2 =	simm.s32 $0x20;
	s4 =	simm.s32 $0xC890;
	s26 =	simm.s32 $0x10;
	v8 =	vld [tilespmem:s0+$0x0]  }
.LBB2_4:
0x91: {  	p2 =	sne.s32 s2, $0x1380;
	v9 =	vld [tilespmem:s4+$0x0];
	s1 =	sadd.s32 $0x10, s1  }
0x92: {  	v10 =	vmov s26;
	s31 =	sadd.s32 $0x10, s31;
	s26 =	smov.u32 s2;
	v11 =	vld [tilespmem:s1+$0x0]  }
0x93: {  	vm0 =	vlt.u32 v10, v6;
	v10 =	vld [tilespmem:s31+$0x0]  }
0x94: {  	v7 =	vnsel vm0, $0x0, v7;
	_ =	sdelay $0x1  }
0x95: {  	v8 =	vnsel vm0, $0x0, v8;
	_ =	sdelay $0x2  }
0x96: {  	v12 =	vld.idx.msk [tilespmem:v7+s20+$0x0], $0xffff;
	_ =	sdelay $0x1  }
0x97: {  	v13 =	vld.idx.msk [tilespmem:v8+s21+$0x0], $0xffff;
	_ =	sdelay $0x3  }
0x98: {  	v10 =	vadd.f32 v10, v12;
	_ =	sdelay $0x1  }
0x99: {  	v10 =	vadd.f32 v10, v13;
	_ =	sdelay $0x1  }
0x9a: {  	v10 =	vsub.f32 $0.0e+00, v10;
	_ =	sdelay $0x1  }
0x9b: {  	v10 =	vmul.f32 $1.442695020e+00, v10;
	_ =	sdelay $0x1  }
0x9c: {  	(erf) = vpow2.f32 v10;
	_ =	sdelay $0x7  }
0x9d: {  	v9 =	vnsel vm0, $0x0, v9  }
0x9e: {  	v10 =	vpop (erf)  }
0x9f: {  	v7 =	vld.idx.msk [tilespmem:v7+s3+$0x0], $0xffff;
	v10 =	vadd.f32 $1.000000000e+00, v10  }
0xa0: {  	v12 =	vld.idx.msk [tilespmem:v8+s19+$0x0], $0xffff  }
0xa1: {  	(erf) = vrcp.f32 v10  }
0xa2: {  	v9 =	vld.idx.msk [tilespmem:v9+s22+$0x0], $0xffff;
	_ =	sdelay $0x3  }
0xa3: {  	v7 =	vadd.f32 v12, v7;
	_ =	sdelay $0x1  }
0xa4: {  	v7 =	vadd.f32 v9, v7;
	_ =	sdelay $0x1  }
0xa5: {  	v9 =	vmul.f32 $2.000000030e-01, v7;
	v10 =	vpop (erf)  }
0xa6: {  	vm1 =	vgt.f32 v7, $0.0e+00;
	v11 =	vmul.f32 v10, v11  }
0xa7: {  	v7 =	vsel vm1, v7, v9  }
0xa8: {  	v7 =	vadd.f32 v11, v7;
	_ =	sdelay $0x1  }
0xa9: {  	v7 =	vmul.f32 $1.442695020e+00, v7;
	_ =	sdelay $0x1  }
0xaa: {  	(erf) = vpow2.f32 v7;
	_ =	sdelay $0x7  }
0xab: {  	s23 =	sadd.s32 $0x10, s23  }
.Ltmp1:
0xac: {  	s29 =	sadd.s32 $0x10, s29;
	[tilespmem:s23+$0x0] =	vst v10;
	v7 =	vpop (erf);
	(pc) =	sbr.rel @p2 .LBB2_4-.Ltmp1, $4  }
0xad: {  	[tilespmem:s29+$0x0] =	vst v7  }
0xae: {  	s24 =	sadd.s32 $0x10, s24;
	[tilespmem:v8+s30+$0x0] =	vst.idx.add.f32.msk vm0, v7  }
0xaf: {  	s0 =	sadd.s32 $0x10, s0;
	v7 =	vld [tilespmem:s24+$0x0]  }
0xb0: {  	s2 =	sadd.s32 $0x10, s2;
	s4 =	sadd.s32 $0x10, s4;
	v8 =	vld [tilespmem:s0+$0x0]  }
0xb1: {  	_ = 	snop  }
0xb2: {  	v9 =	vmov s26  }
0xb3: {  	vm0 =	vlt.u32 v9, v6  }
0xb4: {  	v7 =	vnsel vm0, $0x0, v7;
	_ =	sdelay $0x1  }
0xb5: {  	v8 =	vnsel vm0, $0x0, v8  }
0xb6: {  	s0 =	sadd.s32 $0x10, s31  }
0xb7: {  	v9 =	vld [tilespmem:s0+$0x0]  }
0xb8: {  	v10 =	vld.idx.msk [tilespmem:v7+s20+$0x0], $0xffff;
	_ =	sdelay $0x1  }
0xb9: {  	v11 =	vld.idx.msk [tilespmem:v8+s21+$0x0], $0xffff;
	_ =	sdelay $0x2  }
0xba: {  	v9 =	vadd.f32 v9, v10;
	_ =	sdelay $0x1  }
0xbb: {  	v9 =	vadd.f32 v9, v11;
	_ =	sdelay $0x1  }
0xbc: {  	v9 =	vsub.f32 $0.0e+00, v9;
	_ =	sdelay $0x1  }
0xbd: {  	v9 =	vmul.f32 $1.442695020e+00, v9;
	_ =	sdelay $0x1  }
0xbe: {  	(erf) = vpow2.f32 v9;
	_ =	sdelay $0x3  }
0xbf: {  	v9 =	vld [tilespmem:s4+$0x0];
	_ =	sdelay $0x4  }
0xc0: {  	v9 =	vnsel vm0, $0x0, v9;
	v10 =	vpop (erf)  }
0xc1: {  	v10 =	vadd.f32 $1.000000000e+00, v10  }
0xc2: {  	v7 =	vld.idx.msk [tilespmem:v7+s3+$0x0], $0xffff  }
0xc3: {  	v11 =	vld.idx.msk [tilespmem:v8+s19+$0x0], $0xffff;
	(erf) = vrcp.f32 v10;
	_ =	sdelay $0x1  }
0xc4: {  	v9 =	vld.idx.msk [tilespmem:v9+s22+$0x0], $0xffff;
	_ =	sdelay $0x1  }
0xc5: {  	s4 =	sadd.s32 $0x10, s1  }
0xc6: {  	v7 =	vadd.f32 v11, v7;
	v10 =	vld [tilespmem:s4+$0x0];
	_ =	sdelay $0x1  }
0xc7: {  	v7 =	vadd.f32 v9, v7;
	_ =	sdelay $0x1  }
0xc8: {  	v9 =	vmul.f32 $2.000000030e-01, v7;
	v11 =	vpop (erf)  }
0xc9: {  	vm1 =	vgt.f32 v7, $0.0e+00;
	v10 =	vmul.f32 v11, v10  }
0xca: {  	v7 =	vsel vm1, v7, v9  }
0xcb: {  	v7 =	vadd.f32 v10, v7;
	_ =	sdelay $0x1  }
0xcc: {  	v7 =	vmul.f32 $1.442695020e+00, v7;
	_ =	sdelay $0x1  }
0xcd: {  	(erf) = vpow2.f32 v7;
	_ =	sdelay $0x7  }
0xce: {  	s23 =	sadd.s32 $0x10, s23  }
0xcf: {  	s24 =	sadd.s32 $0x10, s29;
	[tilespmem:s23+$0x0] =	vst v11;
	v7 =	vpop (erf)  }
0xd0: {  	[tilespmem:s24+$0x0] =	vst v7  }
0xd1: {  	s26 =	simm.s32 $0x0;
	s29 =	simm.s32 $0x10480;
	[tilespmem:v8+s30+$0x0] =	vst.idx.add.f32.msk vm0, v7  }
0xd2: {  	[hbm4b:s14+s26] =	stream.linear.scatter [tilespmem:s29], [sflag:$0x1], $0x1388, $0x38;
	[tilespmem:$0x17F80] =	vst v63  }
0xd3: {  	_ =	swait.ge [sflag:s18], $0x1388  }
0xd4: {  	[sflag:s18] =	ssyncset.done $0x0  }
0xd5: {  	s31 =	simm.s32 $0x11880;
	[sflag:s18] =	ssyncadd.s32 $0xFFFFEC78  }
0xd6: {  	[hbm4b:s15+s26] =	stream.linear.scatter [tilespmem:s31], [sflag:$0x1], $0x1388, $0x38;
	[tilespmem:$0x17F80] =	vst v63  }
0xd7: {  	_ =	swait.ge [sflag:s18], $0x1388  }
0xd8: {  	[sflag:s18] =	ssyncset.done $0x0  }
0xd9: {  	s0 =	simm.s32 $0x0;
	[sflag:s18] =	ssyncadd.s32 $0xFFFFEC78  }
0xda: {  	v10 =	vld [tilespmem:s0+$0x12CF0]  }
0xdb: {  	v11 =	vld [tilespmem:s0+$0x12C80]  }
0xdc: {  	v12 =	vld [tilespmem:s0+$0x12C90]  }
0xdd: {  	v9 =	vld [tilespmem:s0+$0x12CA0]  }
0xde: {  	v7 =	vld [tilespmem:s0+$0x12CB0]  }
0xdf: {  	v8 =	vld [tilespmem:s0+$0x12CC0];
	[tilespmem:s0+$0x154F0] =	vst v10  }
0xe0: {  	[tilespmem:s0+$0x15480] =	vst v11;
	v10 =	vld [tilespmem:s0+$0x12CD0]  }
0xe1: {  	s2 =	simm.s32 $0x400;
	s1 =	simm.s32 $0x80;
	[tilespmem:s0+$0x15490] =	vst v12;
	v11 =	vld [tilespmem:s0+$0x12CE0]  }
.LBB2_6:
0xe2: {  	p2 =	sne.s32 s2, $0x9E00;
	v12 =	vld [tilespmem:s1+$0x12CF0];
	[tilespmem:s0+$0x154A0] =	vst v9  }
0xe3: {  	v13 =	vld [tilespmem:s1+$0x12C80];
	[tilespmem:s0+$0x154B0] =	vst v7  }
0xe4: {  	v14 =	vld [tilespmem:s1+$0x12C90];
	[tilespmem:s0+$0x154C0] =	vst v8  }
.Ltmp2:
0xe5: {  	v9 =	vld [tilespmem:s1+$0x12CA0];
	[tilespmem:s0+$0x154D0] =	vst v10;
	(pc) =	sbr.rel @p2 .LBB2_6-.Ltmp2, $4  }
0xe6: {  	v7 =	vld [tilespmem:s1+$0x12CB0];
	[tilespmem:s0+$0x154E0] =	vst v11;
	s0 =	smov.u32 s1  }
0xe7: {  	v8 =	vld [tilespmem:s0+$0x12CC0];
	[tilespmem:s0+$0x154F0] =	vst v12  }
0xe8: {  	[tilespmem:s0+$0x15480] =	vst v13;
	v10 =	vld [tilespmem:s0+$0x12CD0]  }
0xe9: {  	s1 =	sshra.s32 s2, $0x2;
	s2 =	sadd.s32 $0x200, s2;
	[tilespmem:s0+$0x15490] =	vst v14;
	v11 =	vld [tilespmem:s0+$0x12CE0]  }
0xea: {  	v12 =	vld [tilespmem:s1+$0x12CF0];
	[tilespmem:s0+$0x154A0] =	vst v9  }
0xeb: {  	v9 =	vld [tilespmem:s1+$0x12C80];
	[tilespmem:s0+$0x154B0] =	vst v7  }
0xec: {  	v7 =	vld [tilespmem:s1+$0x12C90];
	[tilespmem:s0+$0x154C0] =	vst v8  }
0xed: {  	v8 =	vld [tilespmem:s1+$0x12CA0];
	[tilespmem:s0+$0x154D0] =	vst v10  }
0xee: {  	v10 =	vld [tilespmem:s1+$0x12CB0];
	[tilespmem:s0+$0x154E0] =	vst v11  }
0xef: {  	v11 =	vld [tilespmem:s1+$0x12CC0];
	[tilespmem:s1+$0x154F0] =	vst v12  }
0xf0: {  	v63 =	vld [tilespmem:s1+$0x12CD0];
	[tilespmem:s1+$0x15480] =	vst v9  }
0xf1: {  	[tilespmem:s1+$0x15490] =	vst v7;
	v7 =	vld [tilespmem:s1+$0x12CE0]  }
0xf2: {  	[tilespmem:s1+$0x154A0] =	vst v8  }
0xf3: {  	[tilespmem:s1+$0x154B0] =	vst v10  }
0xf4: {  	[tilespmem:s1+$0x154C0] =	vst v11  }
0xf5: {  	[tilespmem:s1+$0x154D0] =	vst v63  }
0xf6: {  	s29 =	simm.s32 $0x50;
	[tilespmem:s1+$0x154E0] =	vst v7  }
0xf7: {  	s31 =	simm.s32 $0x17C80;
	s2 =	simm.s32 $0x15480;
	[bflag:$0x0] =	sbarrier.arrive $0xFFFF  }
0xf8: {  	[spmem:s5] =	stream.indirect.scatter.add.f32 [tilespmem:s2], [sflag:$0x1], $0x80, s31, s29, $0xb8;
	[tilespmem:$0x17F80] =	vst v63  }
0xf9: {  	_ =	swait.ge [sflag:s18], $0x2800  }
0xfa: {  	s0 =	stileid.u32;
	[sflag:s18] =	ssyncset.done $0x0  }
0xfb: {  	s28 =	sadd.s32 $0x1, s28;
	s0 =	sshll.u32 @!p1 s0, $0x6;
	[sflag:s18] =	ssyncadd.s32 $0xFFFFD800  }
0xfc: {  	p2 =	sne.s32 s28, s17;
	s0 =	sor.u32 @!p1 $0x1C01, s0;
	[bflag:$0x0] =	sbarrier.arrive $0xFFFF  }
0xfd: {  	[hbm:s16], [sflag:s0] =	dma.local @!p1 [spmem:s25], $0x80  }
.Ltmp3:
0xfe: {  	_ = 	snop;
	(pc) =	sbr.rel @p2 .LBB2_1-.Ltmp3, $4  }
0xff: {  	s0 =	simm.s32 @!p1 $0x1  }
0x100: {  	_ =	swait.ge @!p1 [sflag:s0], $0x80  }
0x101: {  	[sflag:s0] =	ssyncset.done @!p1 $0x0  }
0x102: {  	s23 =	smov.u32 s5;
	[sflag:s0] =	ssyncadd.s32 @!p1 $0xFFFFFF80  }
0x103: {  	_ =	sfence.sel $0x180000  }
0x104: {  	[bflag:$0x0] =	sbarrier.arrive $0xFFFF  }
0x105: {  	_ =	strace $0x90000047  }
0x106: {  	[bflag:$0x2] =	sbarrier.arrive $0xFFFF  }
0x107: {  	s0 =	rddreg [dreg:$0x8]  }
0x108: {  	s0 =	sadd.s32 @!p0 $0x100000, s0  }
0x109: {  	[sflag:s0] =	ssyncadd.tile.s32 @!p0 $0x1;
	_ =	shalt  }
.Lfunc_end2:
_tile_overlayer_lowered:
.L_overlay_start_2:
0x10a: {  	(tag) =	ssettag $0x2  }
0x10b: {  	s0 =	rddreg [dreg:$0x0];
	s2 =	stileid.u32  }
0x10c: {  	s1 =	rddreg [dreg:$0x1];
	p0 =	sne.s32 s2, $0x0  }
0x10d: {  	s3 =	rddreg [dreg:$0x2];
	[bflag:$0x3] =	sbarrier.arrive $0xFFFF;
	s2 =	simm.s32 @!p0 $0x1C01  }
0x10e: {  	[timem:s3], [sflag:s2] =	dma.local @!p0 [hbm:s0], s1  }
0x10f: {  	s0 =	simm.s32 @!p0 $0x1  }
0x110: {  	_ =	swait.ge @!p0 [sflag:s0], s1  }
0x111: {  	s1 =	ssub.s32 @!p0 $0x0, s1;
	[sflag:s0] =	ssyncset.done @!p0 $0x0  }
0x112: {  	[sflag:s0] =	ssyncadd.s32 @!p0 s1  }
0x113: {  	[bflag:$0x3] =	sbarrier.arrive $0xFFFF  }
0x114: {  	_ =	shalt  }

// kernel: kernel.14.cloned.1.call-start
scs
__scs_entry_jumppad:
0x0: {  	(pc) =	sbr.rel $0x88, $3  }
0x1: {  	(tag) =	ssettag $0x0;
	lr =	simm.s32 $0x1  }
0x2: {  	[smem:$0x3F6E] =	sst lr;
	_ =	strace $0xD0000000  }
0x3: {  	_ = 	snop  }
0x4: {  	_ = 	snop  }
0x5: {  	_ = 	snop  }
0x6: {  	_ = 	snop  }
0x7: {  	_ = 	snop  }
__scs_overlays_trampoline_lowered:
0x8: {  	[smem:$0x3F7D] =	sst s0  }
0x9: {  	[smem:$0x3F7E] =	sst s1  }
0xa: {  	[smem:$0x3F7F] =	sst s2  }
0xb: {  	[smem:$0x3F80] =	sst s3  }
0xc: {  	[smem:$0x3F81] =	sst s4  }
0xd: {  	[smem:$0x3F82] =	sst s5  }
0xe: {  	[smem:$0x3F83] =	sst s6  }
0xf: {  	[smem:$0x3F84] =	sst s7  }
0x10: {  	[smem:$0x3F85] =	sst s8  }
0x11: {  	[smem:$0x3F86] =	sst s9;
	s0 =	simm.s32 @!p0 $0x0  }
0x12: {  	s1 =	sld [smem:$0x3F6C];
	s0 =	simm.s32 @p0 $0x1  }
0x13: {  	[smem:$0x3F87] =	sst s0;
	s0 =	simm.s32 @!p1 $0x0  }
0x14: {  	s2 =	sld [smem:$0x3F6B];
	s0 =	simm.s32 @p1 $0x1  }
0x15: {  	[smem:$0x3F88] =	sst s0;
	s0 =	simm.s32 @!p2 $0x0  }
0x16: {  	s3 =	sld [smem:$0x3FDB];
	s0 =	simm.s32 @p2 $0x1  }
0x17: {  	s4 =	simm.s32 $0x1BF5;
	[smem:$0x3F8A] =	sst s0  }
0x18: {  	s0 =	sld [smem:$0x3F6D];
	_ =	swait.ge [sflag:s4], $0x0  }
0x19: {  	s7 =	sld [smem:$0x3F6E]  }
0x1a: {  	s8 =	sadd.s32 $0xFFFFE003, lr  }
0x1b: {  	s9 =	sadd.s32 $0xFFFFFEF7, lr;
	s5 =	simm.s32 $0xFFFFFFFF;
	p2 =	slt.u32 s8, $0xFFFFF086  }
0x1c: {  	p1 =	slt.u32 s9, $0xF7A;
	s5 =	simm.s32 @!p2 $0x0  }
0x1d: {  	s5 =	simm.s32 @p1 $0x1;
	p0 =	seq.s32 s7, s2  }
0x1e: {  	s7 =	smul.u32 @!p0 $0xF7A, s2;
	p2 =	seq.s32 @!p0 s5, $0x0  }
0x1f: {  	s9 =	smul.u32 $0xF7A, s1;
	s8 =	simm.s32 @!p0 $0x1BF5;
	p2 =	por !p2, p0  }
0x20: {  	[sflag:s8] =	ssyncset.s32 @!p0 $0xFFFFF086;
	s6 =	sadd.s32 @!p0 s3, s7;
	s7 =	simm.s32 @!p0 $0x108  }
0x21: {  	s3 =	sadd.s32 s3, s9;
	s6 =	sadd.s32 @!p0 $0x88, s6;
	s7 =	simm.s32 @p2 $0x1082  }
0x22: {  	[simem:s7], [sflag:s8] =	dma.local @!p0 [hbm:s6], $0xF7A  }
0x23: {  	s9 =	sor.u32 $0xD0000000, s2;
	s6 =	simm.s32 $0x108;
	_ =	swait.ge @!p0 [sflag:s8], $0x0  }
0x24: {  	s3 =	sadd.s32 $0x88, s3;
	s6 =	simm.s32 @!p1 $0x1082;
	[sflag:s4] =	ssyncset.s32 $0xFFFFF086  }
0x25: {  	[simem:s6], [sflag:s4] =	dma.local [hbm:s3], $0xF7A  }
0x26: {  	[smem:$0x3F6E] =	sst s1;
	(tag) =	ssettag s2;
	_ =	strace s9  }
0x27: {  	s1 =	sld [smem:$0x3F7E]  }
0x28: {  	s2 =	sld [smem:$0x3F7F]  }
0x29: {  	s4 =	sld [smem:$0x3F81]  }
0x2a: {  	p0 =	seq.s32 s5, $0x0;
	s5 =	sld [smem:$0x3F82]  }
0x2b: {  	s6 =	sld [smem:$0x3F83]  }
0x2c: {  	s7 =	sld [smem:$0x3F84]  }
0x2d: {  	s3 =	simm.s32 $0x108;
	s8 =	sld [smem:$0x3F85]  }
0x2e: {  	s3 =	simm.s32 @!p0 $0x1082;
	s9 =	sld [smem:$0x3F86]  }
0x2f: {  	lr =	sadd.s32 s0, s3;
	s0 =	sld [smem:$0x3F7D]  }
0x30: {  	s3 =	sld [smem:$0x3F80]  }
0x31: {  	[smem:$0x3F89] =	sst s10  }
0x32: {  	s10 =	sld [smem:$0x3F87];
	_ =	sdelay $0x3  }
0x33: {  	p0 =	seq.s32 s10, $0x1;
	s10 =	sld [smem:$0x3F89];
	_ =	sdelay $0x3  }
0x34: {  	[smem:$0x3F89] =	sst s10  }
0x35: {  	s10 =	sld [smem:$0x3F88];
	_ =	sdelay $0x3  }
0x36: {  	p1 =	seq.s32 s10, $0x1;
	s10 =	sld [smem:$0x3F89];
	_ =	sdelay $0x3  }
0x37: {  	[smem:$0x3F89] =	sst s10  }
0x38: {  	s10 =	sld [smem:$0x3F8A]  }
0x39: {  	_ = 	snop;
	(pc) =	sbr.ind lr, $3  }
0x3a: {  	_ = 	snop  }
0x3b: {  	_ = 	snop  }
0x3c: {  	p2 =	seq.s32 s10, $0x1;
	s10 =	sld [smem:$0x3F89]  }
0x3d: {  	_ =	shalt  }
0x3e: {  	_ =	shalt  }
0x3f: {  	_ =	shalt  }
0x40: {  	_ =	shalt  }
0x41: {  	_ =	shalt  }
0x42: {  	_ =	shalt  }
0x43: {  	_ =	shalt  }
0x44: {  	_ =	shalt  }
0x45: {  	_ =	shalt  }
0x46: {  	_ =	shalt  }
0x47: {  	_ =	shalt  }
0x48: {  	_ =	shalt  }
0x49: {  	_ =	shalt  }
0x4a: {  	_ =	shalt  }
0x4b: {  	_ =	shalt  }
0x4c: {  	_ =	shalt  }
0x4d: {  	_ =	shalt  }
0x4e: {  	_ =	shalt  }
0x4f: {  	_ =	shalt  }
0x50: {  	_ =	shalt  }
0x51: {  	_ =	shalt  }
0x52: {  	_ =	shalt  }
0x53: {  	_ =	shalt  }
0x54: {  	_ =	shalt  }
0x55: {  	_ =	shalt  }
0x56: {  	_ =	shalt  }
0x57: {  	_ =	shalt  }
0x58: {  	_ =	shalt  }
0x59: {  	_ =	shalt  }
0x5a: {  	_ =	shalt  }
0x5b: {  	_ =	shalt  }
0x5c: {  	_ =	shalt  }
0x5d: {  	_ =	shalt  }
0x5e: {  	_ =	shalt  }
0x5f: {  	_ =	shalt  }
0x60: {  	_ =	shalt  }
0x61: {  	_ =	shalt  }
0x62: {  	_ =	shalt  }
0x63: {  	_ =	shalt  }
0x64: {  	_ =	shalt  }
0x65: {  	_ =	shalt  }
0x66: {  	_ =	shalt  }
0x67: {  	_ =	shalt  }
0x68: {  	_ =	shalt  }
0x69: {  	_ =	shalt  }
0x6a: {  	_ =	shalt  }
0x6b: {  	_ =	shalt  }
0x6c: {  	_ =	shalt  }
0x6d: {  	_ =	shalt  }
0x6e: {  	_ =	shalt  }
0x6f: {  	_ =	shalt  }
0x70: {  	_ =	shalt  }
0x71: {  	_ =	shalt  }
0x72: {  	_ =	shalt  }
0x73: {  	_ =	shalt  }
0x74: {  	_ =	shalt  }
0x75: {  	_ =	shalt  }
0x76: {  	_ =	shalt  }
0x77: {  	_ =	shalt  }
0x78: {  	_ =	shalt  }
0x79: {  	_ =	shalt  }
0x7a: {  	_ =	shalt  }
0x7b: {  	_ =	shalt  }
0x7c: {  	_ =	shalt  }
0x7d: {  	_ =	shalt  }
0x7e: {  	_ =	shalt  }
0x7f: {  	_ =	shalt  }
0x80: {  	_ =	shalt  }
0x81: {  	_ =	shalt  }
0x82: {  	_ =	shalt  }
0x83: {  	_ =	shalt  }
0x84: {  	_ =	shalt  }
0x85: {  	_ =	shalt  }
0x86: {  	_ =	shalt  }
0x87: {  	_ =	shalt  }
.Lfunc_end0:
.L_simem_size_0:
called_computation.1_lowered:
.L_overlay_start_0:
0x88: {  	s2 =	sld [smem:$0x3FD9]  }
0x89: {  	s3 =	sld [smem:$0x3FFE];
	_ =	sdelay $0x1  }
0x8a: {  	s1 =	srdreg.scid  }
0x8b: {  	s0 =	sand.u32 $0x1, s1  }
0x8c: {  	s14 =	sshll.u32 s0, $0xA;
	s2 =	sadd.s32 s3, s2  }
0x8d: {  	s2 =	sadd.s32 s2, s14  }
0x8e: {  	[smem:$0x3F95] =	sst s2  }
0x8f: {  	_ = 	snop  }
0x90: {  	s2 =	sld [smem:$0x3FD0];
	_ =	sdelay $0x2  }
0x91: {  	s15 =	simm.s32 $0xA;
	s4 =	simm.s32 $0x10  }
0x92: {  	[smem:s4], [sflag:s15] =	dma.local [hbm:s2], $0x1  }
0x93: {  	_ =	swait.eq [sflag:s15], $0x1  }
0x94: {  	s16 =	sld [smem:$0x10];
	[sflag:s15] =	ssyncset.done $0x0  }
0x95: {  	s17 =	sld [smem:$0x11];
	[sflag:s15] =	ssyncadd.s32 $0xFFFFFFFF  }
0x96: {  	s18 =	sld [smem:$0x13];
	(tm) =	ssettm $0x1  }
0x97: {  	s5 =	sld [smem:$0x3FFB];
	_ =	sdelay $0x3  }
0x98: {  	_ =	strace s5  }
0x99: {  	s5 =	sld [smem:$0x3FFC];
	_ =	sdelay $0x3  }
0x9a: {  	_ =	strace s5  }
0x9b: {  	s5 =	sld [smem:$0x3FFD];
	_ =	sdelay $0x3  }
0x9c: {  	_ =	strace s5  }
0x9d: {  	_ =	strace $0x8FFFFFFF  }
0x9e: {  	s19 =	sld [smem:$0x3FDB];
	_ =	sdelay $0x1  }
0x9f: {  	s6 =	simm.s32 $_scs_section_size  }
0xa0: {  	s7 =	simm.s32 $_size__tile_overlayer_lowered;
	s8 =	simm.s32 $_tile_overlayer_lowered  }
0xa1: {  	s22 =	simm.s32 $0x1BFF;
	s21 =	sshll.u32 s8, $0x1;
	s5 =	sadd.s32 s6, s19  }
0xa2: {  	s9 =	simm.s32 $0x0;
	s20 =	sshll.u32 s7, $0x1;
	s7 =	sadd.s32 s21, s5  }
0xa3: {  	[timem:s9], [sflag:s22] =	dma.local [hbm:s7], s20  }
0xa4: {  	_ =	swait.ge [sflag:s22], s20  }
0xa5: {  	s6 =	ssub.s32 $0x0, s20;
	[sflag:s22] =	ssyncset.done $0x0  }
0xa6: {  	[sflag:s22] =	ssyncadd.s32 s6;
	_ =	sdelay $0x1  }
0xa7: {  	s23 =	simm.s32 $0x1B8B  }
0xa8: {  	_ =	swait.ge [sflag:s23], $0x1  }
0xa9: {  	[sflag:s23] =	ssyncset.done $0x0  }
0xaa: {  	s25 =	simm.s32 $0x1B8E;
	s24 =	sld [smem:$0x3FFE];
	[sflag:s23] =	ssyncadd.s32 $0xFFFFFFFF  }
0xab: {  	s26 =	simm.s32 $execute0_lowered;
	[smem:$0x3FD2] =	sst s25  }
0xac: {  	s7 =	sshll.u32 s26, $0x1;
	_ =	strace $0x80000049;
	[dreg:$0x1] =	wrdreg $0xFFFFFFFF  }
0xad: {  	s28 =	simm.s32 $_size_execute0_lowered;
	s5 =	sadd.s32 s5, s7;
	[dreg:$0x0] =	wrdreg $0x0  }
0xae: {  	s7 =	sshll.u32 s28, $0x1;
	[dreg:$0x2] =	wrdreg s5  }
0xaf: {  	[dreg:$0x3] =	wrdreg s7  }
0xb0: {  	[dreg:$0x4] =	wrdreg $0xC0  }
0xb1: {  	_ =	task [dreg:s9], $0x5FFFF  }
0xb2: {  	[dreg:$0x1] =	wrdreg $0xFFFFFFFF  }
0xb3: {  	[dreg:$0x0] =	wrdreg $0x60  }
0xb4: {  	[dreg:$0x2] =	wrdreg s17  }
0xb5: {  	[dreg:$0x3] =	wrdreg s24  }
0xb6: {  	[dreg:$0x4] =	wrdreg s18  }
0xb7: {  	[dreg:$0x5] =	wrdreg s16  }
0xb8: {  	[dreg:$0x6] =	wrdreg $0xB2800  }
0xb9: {  	[dreg:$0x7] =	wrdreg $0x9  }
0xba: {  	_ =	task.clear_ibuf [dreg:s9], $0x8FFFF;
	_ =	strace $0x90000049  }
0xbb: {  	s29 =	simm.s32 $0x9;
	_ =	strace $0x8000004B  }
0xbc: {  	_ =	swait.ge [sflag:s29], $0x1  }
0xbd: {  	[sflag:s29] =	ssyncadd.s32 $0xFFFFFFFF  }
0xbe: {  	_ =	strace $0x9000004B  }
0xbf: {  	_ =	sfence  }
0xc0: {  	s30 =	sld [smem:$0x0];
	_ =	sdelay $0x2  }
0xc1: {  	s31 =	sshll.u32 s1, $0xD;
	s1 =	sshrl.u32 s1, $0x2  }
0xc2: {  	s3 =	sand.u32 $0x4000, s31;
	s1 =	sadd.s32 s1, s30  }
0xc3: {  	s0 =	sor.u32 s3, s0;
	s1 =	sshll.u32 s1, $0x11  }
0xc4: {  	s0 =	sor.u32 s1, s0  }
0xc5: {  	s0 =	sadd.s32 $0x8F2B, s0  }
0xc6: {  	[sflag:s0] =	ssyncadd.remote.s32 $0x1  }
0xc7: {  	_ =	sfence.sel $0xFFFF  }
0xc8: {  	[dreg:$0x0] =	wrdreg $0xFFFFFFFF;
	(pc) =	sbr.abs _section_cstart, $3  }
0xc9: {  	[dreg:$0x1] =	wrdreg $0xFFFFFFFF  }
0xca: {  	_ =	task.clear_ibuf [dreg:s9], $0x2FFFF;
	_ =	strace $0x9FFFFFFF  }
0xcb: {  	(tm) =	ssettm $0x7FFFFFFF  }
tec
execute0_lowered:
.L_overlay_start_1:
0x0: {  	(tag) =	ssettag $0x1  }
0x1: {  	s0 =	rddreg [dreg:$0x0]  }
0x2: {  	s1 =	rddreg [dreg:$0x1]  }
0x3: {  	s14 =	rddreg [dreg:$0x2]  }
0x4: {  	s2 =	rddreg [dreg:$0x3];
	s3 =	srdreg.scid  }
0x5: {  	s13 =	stileid.u32;
	s4 =	rddreg [dreg:$0x4];
	s5 =	simm.s32 $0x0  }
0x6: {  	s28 =	simm.s32 $0x2;
	s29 =	simm.s32 $0x1400;
	s30 =	simm.s32 $0x5500  }
0x7: {  	s31 =	simm.s32 $0x80;
	s3 =	sand.u32 $0x1, s3;
	s6 =	sshll.u32 s13, $0x1  }
0x8: {  	[smem:$0x7FF] =	sst s5;
	s7 =	sadd.s32 $0x1AA00, s1;
	s8 =	sadd.s32 $0xBA00, s1  }
0x9: {  	s9 =	sadd.s32 $0x10A00, s1;
	s10 =	sadd.s32 $0x15A00, s1;
	s15 =	sadd.s32 $0x10, s14  }
0xa: {  	s16 =	sadd.s32 $0x150, s14;
	_ =	strace $0x8000004A;
	[dreg:$0x6] =	wrdreg s7  }
0xb: {  	s18 =	sadd.s32 $0x290, s14;
	s19 =	sadd.s32 $0x3D0, s14;
	[dreg:$0x9] =	wrdreg s15  }
0xc: {  	s20 =	smul.u32 $0x14000, s13;
	s21 =	sadd.s32 $0x510, s14;
	[dreg:$0xa] =	wrdreg s16  }
0xd: {  	s22 =	sadd.s32 $0x650, s14;
	p0 =	seq.s32 s13, $0xF;
	[dreg:$0xb] =	wrdreg s18  }
0xe: {  	s23 =	smul.u32 $0x50000, s13;
	s24 =	sadd.s32 $0x790, s14;
	[dreg:$0xc] =	wrdreg s19  }
0xf: {  	s13 =	simm.s32 $0x5D00;
	s6 =	sor.u32 s3, s6;
	[dreg:$0xd] =	wrdreg s21  }
0x10: {  	s11 =	ssub.s32 $0x2, s3;
	s17 =	smul.u32 $0x138800, s3;
	[dreg:$0xe] =	wrdreg s22  }
0x11: {  	s19 =	simm.s32 $0xA;
	[dreg:$0xf] =	wrdreg s24;
	s6 =	smul.u32 $0x1400, s6  }
0x12: {  	s15 =	simm.s32 $0x0;
	s12 =	sshrl.u32 s11, $0x1;
	s19 =	simm.s32 @!p0 $0x10  }
0x13: {  	s25 =	sshrl.u32 s23, $0x2;
	s3 =	sadd.s32 s20, s17;
	s26 =	sshrl.u32 s6, $0x3  }
0x14: {  	s11 =	ssub.s32 s11, s12;
	s3 =	sshrl.u32 s3, $0x3;
	s7 =	sadd.s32 s9, s26  }
0x15: {  	s22 =	sadd.s32 s25, s4;
	s3 =	sadd.s32 s2, s3;
	[dreg:$0x7] =	wrdreg s7  }
0x16: {  	s1 =	sadd.s32 s26, s1;
	s26 =	smax.u32 s11, $0x1;
	[dreg:$0x10] =	wrdreg s3  }
0x17: {  	s12 =	simm.s32 $0xB200;
	s1 =	sadd.s32 $0x1AC00, s1;
	[dreg:$0x12] =	wrdreg s26  }
0x18: {  	s11 =	simm.s32 $0xB180;
	[dreg:$0x8] =	wrdreg s1;
	s1 =	sshrl.u32 s17, $0x3  }
0x19: {  	v0 =	vlaneseq.u32;
	s26 =	sadd.s32 $0x8D0, s14;
	s3 =	simm.s32 $0x100;
	s1 =	sadd.s32 s2, s1  }
0x1a: {  	v1 =	vimm.f32 $0.0e+00;
	v2 =	vor.u32 $0x10, v0;
	s7 =	simm.s32 $0xB100;
	s2 =	sadd.s32 $0x12C000, s4;
	s1 =	sadd.s32 $0x25800, s1  }
0x1b: {  	v3 =	vor.u32 $0x20, v0;
	v4 =	vor.u32 $0x30, v0;
	v5 =	vor.u32 $0x40, v0;
	s14 =	simm.s32 $0x1;
	[dreg:$0x11] =	wrdreg s1;
	s1 =	sshrl.u32 @p0 s2, $0x3  }
0x1c: {  	v6 =	vor.u32 $0x50, v0;
	v7 =	vor.u32 $0x60, v0;
	v8 =	vor.u32 $0x70, v0;
	s2 =	simm.s32 $0x9D00;
	[dreg:$0x13] =	wrdreg s1;
	s1 =	simm.s32 $0x2800  }
.LBB2_1:
0x1d: {  	s16 =	rddreg [dreg:$0x7]  }
0x1e: {  	[tilespmem:s5], [sflag:$0x2] =	stream.linear.gather [hbm4b:s16+s5], $0x1400, $0x38;
	[tilespmem:$0x1EB00] =	vst v63  }
0x1f: {  	_ =	swait.ge [sflag:s28], $0x1400  }
0x20: {  	[sflag:s28] =	ssyncset.done $0x0  }
0x21: {  	s21 =	rddreg [dreg:$0x8];
	[sflag:s28] =	ssyncadd.s32 $0xFFFFEC00  }
0x22: {  	[tilespmem:s29], [sflag:$0x2] =	stream.linear.gather [hbm4b:s21+s5], $0x1400, $0x38;
	[tilespmem:$0x1EB00] =	vst v63  }
0x23: {  	_ =	swait.ge [sflag:s28], $0x1400  }
0x24: {  	[sflag:s28] =	ssyncset.done $0x0  }
0x25: {  	s23 =	rddreg [dreg:$0x6];
	[sflag:s28] =	ssyncadd.s32 $0xFFFFEC00  }
0x26: {  	[tilespmem:s30], [sflag:$0x2] =	stream.linear.gather [hbm4b:s23+s5], $0x800, $0x38;
	[tilespmem:$0x1EB00] =	vst v63  }
0x27: {  	_ =	swait.ge [sflag:s28], $0x800  }
0x28: {  	[sflag:s28] =	ssyncset.done $0x0  }
0x29: {  	[sflag:s28] =	ssyncadd.s32 $0xFFFFF800  }
0x2a: {  	s24 =	rddreg [dreg:$0x2]  }
0x2b: {  	[tilespmem:s1], [sflag:$0x2] =	stream.strided.gather [hbm4b:s24+s31], $0x2800, s3, s31, $0x38;
	[tilespmem:$0x1EB00] =	vst v63  }
0x2c: {  	_ =	swait.ge [sflag:s28], $0x2800  }
0x2d: {  	[sflag:s28] =	ssyncset.done $0x0  }
0x2e: {  	s17 =	simm.s32 $0x5000;
	s25 =	rddreg [dreg:$0x9];
	[sflag:s28] =	ssyncadd.s32 $0xFFFFD800  }
0x2f: {  	[tilespmem:s17], [sflag:$0x2] =	stream.strided.gather [hbm4b:s25+s31], $0x500, s3, s31, $0x38;
	[tilespmem:$0x1EB00] =	vst v63  }
0x30: {  	_ =	swait.ge [sflag:s28], $0x500  }
0x31: {  	[sflag:s28] =	ssyncset.done $0x0  }
0x32: {  	s16 =	simm.s32 $0x0;
	[sflag:s28] =	ssyncadd.s32 $0xFFFFFB00  }
0x33: {  	s17 =	simm.s32 $0x40;
	v9 =	vld [tilespmem:s16+$0x5000]  }
.LBB2_2:
0x34: {  	p1 =	sne.s32 s17, $0x13C0;
	v10 =	vld [tilespmem:s16+$0x2800];
	_ =	sdelay $0x2  }
.Ltmp0:
0x35: {  	(pc) =	sbr.rel @p1 .LBB2_2-.Ltmp0, $4  }
0x36: {  	_ = 	snop  }
0x37: {  	v10 =	vadd.f32 v9, v10  }
0x38: {  	s18 =	sshra.s32 s17, $0x2  }
0x39: {  	s17 =	sadd.s32 $0x40, s17;
	v9 =	vld [tilespmem:s18+$0x5000];
	[tilespmem:s16+$0x2800] =	vst v10;
	s16 =	smov.u32 s18  }
0x3a: {  	v10 =	vld [tilespmem:s16+$0x2800];
	_ =	sdelay $0x4  }
0x3b: {  	v9 =	vadd.f32 v9, v10;
	_ =	sdelay $0x1  }
0x3c: {  	s17 =	rddreg [dreg:$0xa];
	[tilespmem:s16+$0x2800] =	vst v9;
	s16 =	simm.s32 $0x5000  }
0x3d: {  	[tilespmem:s16], [sflag:$0x2] =	stream.strided.gather [hbm4b:s17+s31], $0x500, s3, s31, $0x38;
	[tilespmem:$0x1EB00] =	vst v63  }
0x3e: {  	_ =	swait.ge [sflag:s28], $0x500  }
0x3f: {  	[sflag:s28] =	ssyncset.done $0x0  }
0x40: {  	s25 =	simm.s32 $0x0;
	[sflag:s28] =	ssyncadd.s32 $0xFFFFFB00  }
0x41: {  	s18 =	simm.s32 $0x10;
	s17 =	sand.u32 $0x7F0, s25;
	v9 =	vld [tilespmem:s16+$0x0]  }
.LBB2_4:
0x42: {  	p1 =	sne.s32 s18, $0x4F0;
	v10 =	vld [tilespmem:s17+$0x2D00];
	_ =	sdelay $0x3  }
.Ltmp1:
0x43: {  	(pc) =	sbr.rel @p1 .LBB2_4-.Ltmp1, $3  }
0x44: {  	v9 =	vadd.f32 v9, v10;
	_ =	sdelay $0x1  }
0x45: {  	s16 =	sadd.s32 $0x10, s16;
	[tilespmem:s17+$0x2D00] =	vst v9  }
0x46: {  	s17 =	sand.u32 $0x7F0, s18;
	s18 =	sadd.s32 $0x10, s18;
	v9 =	vld [tilespmem:s16+$0x0]  }
0x47: {  	v10 =	vld [tilespmem:s17+$0x2D00];
	_ =	sdelay $0x4  }
0x48: {  	v9 =	vadd.f32 v9, v10;
	_ =	sdelay $0x1  }
0x49: {  	s16 =	simm.s32 $0x5000;
	s24 =	rddreg [dreg:$0xb];
	[tilespmem:s17+$0x2D00] =	vst v9  }
0x4a: {  	[tilespmem:s16], [sflag:$0x2] =	stream.strided.gather [hbm4b:s24+s31], $0x500, s3, s31, $0x38;
	[tilespmem:$0x1EB00] =	vst v63  }
0x4b: {  	_ =	swait.ge [sflag:s28], $0x500  }
0x4c: {  	[sflag:s28] =	ssyncset.done $0x0  }
0x4d: {  	s25 =	simm.s32 $0x0;
	[sflag:s28] =	ssyncadd.s32 $0xFFFFFB00  }
0x4e: {  	s18 =	simm.s32 $0x10;
	s17 =	sand.u32 $0x7F0, s25;
	v9 =	vld [tilespmem:s16+$0x0]  }
.LBB2_6:
0x4f: {  	p1 =	sne.s32 s18, $0x4F0;
	v10 =	vld [tilespmem:s17+$0x3200];
	_ =	sdelay $0x3  }
.Ltmp2:
0x50: {  	(pc) =	sbr.rel @p1 .LBB2_6-.Ltmp2, $3  }
0x51: {  	v9 =	vadd.f32 v9, v10;
	_ =	sdelay $0x1  }
0x52: {  	s16 =	sadd.s32 $0x10, s16;
	[tilespmem:s17+$0x3200] =	vst v9  }
0x53: {  	s17 =	sand.u32 $0x7F0, s18;
	s18 =	sadd.s32 $0x10, s18;
	v9 =	vld [tilespmem:s16+$0x0]  }
0x54: {  	v10 =	vld [tilespmem:s17+$0x3200];
	_ =	sdelay $0x4  }
0x55: {  	v9 =	vadd.f32 v9, v10;
	_ =	sdelay $0x1  }
0x56: {  	s16 =	simm.s32 $0x5000;
	s24 =	rddreg [dreg:$0xc];
	[tilespmem:s17+$0x3200] =	vst v9  }
0x57: {  	[tilespmem:s16], [sflag:$0x2] =	stream.strided.gather [hbm4b:s24+s31], $0x500, s3, s31, $0x38;
	[tilespmem:$0x1EB00] =	vst v63  }
0x58: {  	_ =	swait.ge [sflag:s28], $0x500  }
0x59: {  	[sflag:s28] =	ssyncset.done $0x0  }
0x5a: {  	s25 =	simm.s32 $0x0;
	[sflag:s28] =	ssyncadd.s32 $0xFFFFFB00  }
0x5b: {  	s18 =	simm.s32 $0x10;
	s17 =	sand.u32 $0x7F0, s25;
	v9 =	vld [tilespmem:s16+$0x0]  }
.LBB2_8:
0x5c: {  	p1 =	sne.s32 s18, $0x4F0;
	v10 =	vld [tilespmem:s17+$0x3700];
	_ =	sdelay $0x3  }
.Ltmp3:
0x5d: {  	(pc) =	sbr.rel @p1 .LBB2_8-.Ltmp3, $3  }
0x5e: {  	v9 =	vadd.f32 v9, v10;
	_ =	sdelay $0x1  }
0x5f: {  	s16 =	sadd.s32 $0x10, s16;
	[tilespmem:s17+$0x3700] =	vst v9  }
0x60: {  	s17 =	sand.u32 $0x7F0, s18;
	s18 =	sadd.s32 $0x10, s18;
	v9 =	vld [tilespmem:s16+$0x0]  }
0x61: {  	v10 =	vld [tilespmem:s17+$0x3700];
	_ =	sdelay $0x4  }
0x62: {  	v9 =	vadd.f32 v9, v10;
	_ =	sdelay $0x1  }
0x63: {  	s16 =	simm.s32 $0x5000;
	s24 =	rddreg [dreg:$0xd];
	[tilespmem:s17+$0x3700] =	vst v9  }
0x64: {  	[tilespmem:s16], [sflag:$0x2] =	stream.strided.gather [hbm4b:s24+s31], $0x500, s3, s31, $0x38;
	[tilespmem:$0x1EB00] =	vst v63  }
0x65: {  	_ =	swait.ge [sflag:s28], $0x500  }
0x66: {  	[sflag:s28] =	ssyncset.done $0x0  }
0x67: {  	s25 =	simm.s32 $0x0;
	[sflag:s28] =	ssyncadd.s32 $0xFFFFFB00  }
0x68: {  	s18 =	simm.s32 $0x10;
	s17 =	sand.u32 $0x7F0, s25;
	v9 =	vld [tilespmem:s16+$0x0]  }
.LBB2_10:
0x69: {  	p1 =	sne.s32 s18, $0x4F0;
	v10 =	vld [tilespmem:s17+$0x3C00];
	_ =	sdelay $0x3  }
.Ltmp4:
0x6a: {  	(pc) =	sbr.rel @p1 .LBB2_10-.Ltmp4, $3  }
0x6b: {  	v9 =	vadd.f32 v9, v10;
	_ =	sdelay $0x1  }
0x6c: {  	s16 =	sadd.s32 $0x10, s16;
	[tilespmem:s17+$0x3C00] =	vst v9  }
0x6d: {  	s17 =	sand.u32 $0x7F0, s18;
	s18 =	sadd.s32 $0x10, s18;
	v9 =	vld [tilespmem:s16+$0x0]  }
0x6e: {  	v10 =	vld [tilespmem:s17+$0x3C00];
	_ =	sdelay $0x4  }
0x6f: {  	v9 =	vadd.f32 v9, v10;
	_ =	sdelay $0x1  }
0x70: {  	s16 =	simm.s32 $0x5000;
	s24 =	rddreg [dreg:$0xe];
	[tilespmem:s17+$0x3C00] =	vst v9  }
0x71: {  	[tilespmem:s16], [sflag:$0x2] =	stream.strided.gather [hbm4b:s24+s31], $0x500, s3, s31, $0x38;
	[tilespmem:$0x1EB00] =	vst v63  }
0x72: {  	_ =	swait.ge [sflag:s28], $0x500  }
0x73: {  	[sflag:s28] =	ssyncset.done $0x0  }
0x74: {  	s25 =	simm.s32 $0x0;
	[sflag:s28] =	ssyncadd.s32 $0xFFFFFB00  }
0x75: {  	s18 =	simm.s32 $0x10;
	s17 =	sand.u32 $0x7F0, s25;
	v9 =	vld [tilespmem:s16+$0x0]  }
.LBB2_12:
0x76: {  	p1 =	sne.s32 s18, $0x4F0;
	v10 =	vld [tilespmem:s17+$0x4100];
	_ =	sdelay $0x3  }
.Ltmp5:
0x77: {  	(pc) =	sbr.rel @p1 .LBB2_12-.Ltmp5, $3  }
0x78: {  	v9 =	vadd.f32 v9, v10;
	_ =	sdelay $0x1  }
0x79: {  	s16 =	sadd.s32 $0x10, s16;
	[tilespmem:s17+$0x4100] =	vst v9  }
0x7a: {  	s17 =	sand.u32 $0x7F0, s18;
	s18 =	sadd.s32 $0x10, s18;
	v9 =	vld [tilespmem:s16+$0x0]  }
0x7b: {  	v10 =	vld [tilespmem:s17+$0x4100];
	_ =	sdelay $0x4  }
0x7c: {  	v9 =	vadd.f32 v9, v10;
	_ =	sdelay $0x1  }
0x7d: {  	s16 =	simm.s32 $0x5000;
	s24 =	rddreg [dreg:$0xf];
	[tilespmem:s17+$0x4100] =	vst v9  }
0x7e: {  	[tilespmem:s16], [sflag:$0x2] =	stream.strided.gather [hbm4b:s24+s31], $0x500, s3, s31, $0x38;
	[tilespmem:$0x1EB00] =	vst v63  }
0x7f: {  	_ =	swait.ge [sflag:s28], $0x500  }
0x80: {  	[sflag:s28] =	ssyncset.done $0x0  }
0x81: {  	s25 =	simm.s32 $0x0;
	[sflag:s28] =	ssyncadd.s32 $0xFFFFFB00  }
0x82: {  	s18 =	simm.s32 $0x10;
	s17 =	sand.u32 $0x7F0, s25;
	v9 =	vld [tilespmem:s16+$0x0]  }
.LBB2_14:
0x83: {  	p1 =	sne.s32 s18, $0x4F0;
	v10 =	vld [tilespmem:s17+$0x4600];
	_ =	sdelay $0x3  }
.Ltmp6:
0x84: {  	(pc) =	sbr.rel @p1 .LBB2_14-.Ltmp6, $3  }
0x85: {  	v9 =	vadd.f32 v9, v10;
	_ =	sdelay $0x1  }
0x86: {  	s16 =	sadd.s32 $0x10, s16;
	[tilespmem:s17+$0x4600] =	vst v9  }
0x87: {  	s17 =	sand.u32 $0x7F0, s18;
	s18 =	sadd.s32 $0x10, s18;
	v9 =	vld [tilespmem:s16+$0x0]  }
0x88: {  	v10 =	vld [tilespmem:s17+$0x4600];
	_ =	sdelay $0x4  }
0x89: {  	v9 =	vadd.f32 v9, v10;
	_ =	sdelay $0x1  }
0x8a: {  	s16 =	simm.s32 $0x5000;
	[tilespmem:s17+$0x4600] =	vst v9  }
0x8b: {  	[tilespmem:s16], [sflag:$0x2] =	stream.strided.gather [hbm4b:s26+s31], $0x500, s3, s31, $0x38;
	[tilespmem:$0x1EB00] =	vst v63  }
0x8c: {  	_ =	swait.ge [sflag:s28], $0x500  }
0x8d: {  	[sflag:s28] =	ssyncset.done $0x0  }
0x8e: {  	s25 =	simm.s32 $0x0;
	[sflag:s28] =	ssyncadd.s32 $0xFFFFFB00  }
0x8f: {  	s18 =	simm.s32 $0x10;
	s17 =	sand.u32 $0x7F0, s25;
	v9 =	vld [tilespmem:s16+$0x0]  }
.LBB2_16:
0x90: {  	p1 =	sne.s32 s18, $0x4F0;
	v10 =	vld [tilespmem:s17+$0x4B00];
	_ =	sdelay $0x3  }
.Ltmp7:
0x91: {  	(pc) =	sbr.rel @p1 .LBB2_16-.Ltmp7, $3  }
0x92: {  	v9 =	vadd.f32 v9, v10;
	_ =	sdelay $0x1  }
0x93: {  	s16 =	sadd.s32 $0x10, s16;
	[tilespmem:s17+$0x4B00] =	vst v9  }
0x94: {  	s17 =	sand.u32 $0x7F0, s18;
	s18 =	sadd.s32 $0x10, s18;
	v9 =	vld [tilespmem:s16+$0x0]  }
0x95: {  	v10 =	vld [tilespmem:s17+$0x4B00];
	_ =	sdelay $0x4  }
0x96: {  	v9 =	vadd.f32 v9, v10;
	_ =	sdelay $0x1  }
0x97: {  	s16 =	simm.s32 $0x0;
	[tilespmem:s17+$0x4B00] =	vst v9  }
0x98: {  	v9 =	vld [tilespmem:s16+$0x0];
	_ =	sdelay $0x7  }
0x99: {  	v9 =	vld.idx.msk [tilespmem:v9+s1+$0x0], $0xffff;
	_ =	sdelay $0x4  }
0x9a: {  	v9 =	vadd.f32 $1.000000020e-16, v9;
	_ =	sdelay $0x1  }
0x9b: {  	(erf) = vrcp.f32 v9;
	_ =	sdelay $0x2  }
0x9c: {  	s18 =	simm.s32 $0x10  }
0x9d: {  	s17 =	simm.s32 $0x80;
	v9 =	vld [tilespmem:s18+$0x0]  }
.LBB2_18:
0x9e: {  	p1 =	sne.s32 s17, $0x4FC0;
	v10 =	vld [tilespmem:s16+$0x1400];
	_ =	sdelay $0x3  }
0x9f: {  	v11 =	vpop (erf)  }
0xa0: {  	v10 =	vmul.f32 v11, v10;
	_ =	sdelay $0x1  }
0xa1: {  	[tilespmem:s16+$0x1400] =	vst v10;
	s16 =	smov.u32 s18  }
0xa2: {  	v9 =	vld.idx.msk [tilespmem:v9+s1+$0x0], $0xffff;
	_ =	sdelay $0x5  }
0xa3: {  	v9 =	vadd.f32 $1.000000020e-16, v9;
	_ =	sdelay $0x1  }
.Ltmp8:
0xa4: {  	(erf) = vrcp.f32 v9;
	(pc) =	sbr.rel @p1 .LBB2_18-.Ltmp8, $3  }
0xa5: {  	_ =	sdelay $0x1  }
0xa6: {  	s18 =	sshra.s32 s17, $0x2  }
0xa7: {  	s17 =	sadd.s32 $0x40, s17;
	v9 =	vld [tilespmem:s18+$0x0]  }
0xa8: {  	v10 =	vld [tilespmem:s16+$0x1400];
	_ =	sdelay $0x3  }
0xa9: {  	v11 =	vpop (erf)  }
0xaa: {  	v10 =	vmul.f32 v11, v10;
	_ =	sdelay $0x1  }
0xab: {  	[tilespmem:s16+$0x1400] =	vst v10  }
0xac: {  	v9 =	vld.idx.msk [tilespmem:v9+s1+$0x0], $0xffff;
	_ =	sdelay $0x4  }
0xad: {  	v9 =	vadd.f32 $1.000000020e-16, v9;
	_ =	sdelay $0x1  }
0xae: {  	(erf) = vrcp.f32 v9;
	_ =	sdelay $0x4  }
0xaf: {  	v9 =	vld [tilespmem:s18+$0x1400];
	_ =	sdelay $0x3  }
0xb0: {  	v10 =	vpop (erf)  }
0xb1: {  	v9 =	vmul.f32 v10, v9;
	_ =	sdelay $0x1  }
0xb2: {  	s17 =	simm.s32 $0x200;
	s16 =	simm.s32 $0x0;
	[tilespmem:s18+$0x1400] =	vst v9  }
.LBB2_20:
0xb3: {  	p1 =	sne.s32 s17, $0x4E00;
	[tilespmem:s16+$0x9D70] =	vst v1  }
0xb4: {  	[tilespmem:s16+$0x9D00] =	vst v1  }
0xb5: {  	[tilespmem:s16+$0x9D10] =	vst v1  }
.Ltmp9:
0xb6: {  	[tilespmem:s16+$0x9D20] =	vst v1;
	(pc) =	sbr.rel @p1 .LBB2_20-.Ltmp9, $4  }
0xb7: {  	[tilespmem:s16+$0x9D30] =	vst v1  }
0xb8: {  	[tilespmem:s16+$0x9D40] =	vst v1  }
0xb9: {  	[tilespmem:s16+$0x9D50] =	vst v1  }
0xba: {  	[tilespmem:s16+$0x9D60] =	vst v1;
	s16 =	sshra.s32 s17, $0x2;
	s17 =	sadd.s32 $0x200, s17  }
0xbb: {  	[tilespmem:s16+$0x9D70] =	vst v1  }
0xbc: {  	[tilespmem:s16+$0x9D00] =	vst v1  }
0xbd: {  	[tilespmem:s16+$0x9D10] =	vst v1  }
0xbe: {  	[tilespmem:s16+$0x9D20] =	vst v1  }
0xbf: {  	[tilespmem:s16+$0x9D30] =	vst v1  }
0xc0: {  	[tilespmem:s16+$0x9D40] =	vst v1;
	p1 =	sne.s32 s19, $0x1  }
.Ltmp10:
0xc1: {  	[tilespmem:s16+$0x9D50] =	vst v1;
	(pc) =	sbr.rel @!p1 .LBB2_23-.Ltmp10, $4  }
0xc2: {  	[tilespmem:s16+$0x9D60] =	vst v1  }
0xc3: {  	[spmem:s22] =	stream.linear.scatter [tilespmem:s2], [sflag:$0x2], $0x1400, $0x38;
	[tilespmem:$0x1EB00] =	vst v63  }
0xc4: {  	_ =	swait.ge [sflag:s28], $0x1400  }
0xc5: {  	s16 =	sadd.s32 $0xFFFFFFFF, s19;
	s17 =	smov.u32 s22;
	[sflag:s28] =	ssyncset.done $0x0  }
.LBB2_22:
0xc6: {  	p1 =	sne.s32 s16, $0x1;
	[sflag:s28] =	ssyncadd.s32 $0xFFFFEC00;
	s17 =	sadd.s32 $0x1400, s17  }
.Ltmp11:
0xc7: {  	s16 =	sadd.s32 $0xFFFFFFFF, s16;
	(pc) =	sbr.rel @p1 .LBB2_22-.Ltmp11, $4  }
0xc8: {  	_ = 	snop  }
0xc9: {  	[spmem:s17] =	stream.linear.scatter [tilespmem:s2], [sflag:$0x2], $0x1400, $0x38;
	[tilespmem:$0x1EB00] =	vst v63  }
0xca: {  	_ =	swait.ge [sflag:s28], $0x1400  }
0xcb: {  	[sflag:s28] =	ssyncset.done $0x0  }
.LBB2_23:
0xcc: {  	[sflag:s28] =	ssyncadd.s32 $0xFFFFEC00;
	s16 =	simm.s32 $0x0  }
0xcd: {  	s17 =	simm.s32 $0x0;
	s18 =	simm.s32 $0x0;
	[bflag:$0x0] =	sbarrier.arrive $0xFFFF  }
.LBB2_24:
0xce: {  	s20 =	sshll.u32 s18, $0x7  }
0xcf: {  	s20 =	sadd.s32 s6, s20  }
0xd0: {  	s20 =	sshrl.u32 s20, $0x3  }
0xd1: {  	s21 =	sadd.s32 s8, s20  }
0xd2: {  	[tilespmem:s7], [sflag:$0x2] =	stream.linear.gather [hbm4b:s21+s16], $0x80, $0x38;
	[tilespmem:$0x1EB00] =	vst v63  }
0xd3: {  	_ =	swait.ge [sflag:s28], $0x80  }
0xd4: {  	[sflag:s28] =	ssyncset.done $0x0  }
0xd5: {  	s24 =	sadd.s32 s9, s20;
	[sflag:s28] =	ssyncadd.s32 $0xFFFFFF80  }
0xd6: {  	[tilespmem:s11], [sflag:$0x2] =	stream.linear.gather [hbm4b:s24+s16], $0x80, $0x38;
	[tilespmem:$0x1EB00] =	vst v63  }
0xd7: {  	_ =	swait.ge [sflag:s28], $0x80  }
0xd8: {  	[sflag:s28] =	ssyncset.done $0x0  }
0xd9: {  	s20 =	sadd.s32 s10, s20;
	[sflag:s28] =	ssyncadd.s32 $0xFFFFFF80  }
0xda: {  	[tilespmem:s12], [sflag:$0x2] =	stream.linear.gather [hbm4b:s20+s16], $0x80, $0x38;
	[tilespmem:$0x1EB00] =	vst v63  }
0xdb: {  	_ =	swait.ge [sflag:s28], $0x80  }
0xdc: {  	[sflag:s28] =	ssyncset.done $0x0  }
0xdd: {  	v9 =	vmov s16;
	[sflag:s28] =	ssyncadd.s32 $0xFFFFFF80  }
0xde: {  	[tilespmem:s13], [sflag:$0x1] =	stream.indirect.gather [hbm4b:s0+s31], $0x80, s7, s31, $0xb8;
	[tilespmem:$0x1EB00] =	vst v63  }
0xdf: {  	_ =	swait.ge [sflag:s14], $0x4000  }
0xe0: {  	[sflag:s14] =	ssyncset.done $0x0  }
0xe1: {  	[sflag:s14] =	ssyncadd.s32 $0xFFFFC000  }
0xe2: {  	v9 =	vld.idx.msk [tilespmem:v9+s12+$0x0], $0xffff;
	_ =	sdelay $0x4  }
0xe3: {  	v9 =	vshll.u32 v9, $0x7  }
0xe4: {  	v10 =	vor.u32 v0, v9  }
0xe5: {  	s25 =	sadd.s32 $0x0, s17  }
0xe6: {  	v11 =	vmov s25  }
0xe7: {  	s20 =	simm.s32 $0x5D40  }
0xe8: {  	v12 =	vld [tilespmem:s20+$0xFFFFFFC0]  }
0xe9: {  	v10 =	vld.idx.msk [tilespmem:v10+s30+$0x0], $0xffff;
	_ =	sdelay $0x1  }
0xea: {  	v11 =	vld.idx.msk [tilespmem:v11+s29+$0x0], $0xffff;
	_ =	sdelay $0x2  }
0xeb: {  	v52 =	vor.u32 v2, v9;
	v10 =	vadd.f32 v12, v10;
	_ =	sdelay $0x1  }
0xec: {  	v10 =	vmul.f32 v10, v11;
	_ =	sdelay $0x1  }
0xed: {  	v53 =	vld [tilespmem:s20+$0xFFFFFFD0];
	[tilespmem:s20+$0xFFFFFFC0] =	vst v10  }
0xee: {  	v10 =	vld.idx.msk [tilespmem:v52+s30+$0x0], $0xffff;
	_ =	sdelay $0x4  }
0xef: {  	v54 =	vor.u32 v3, v9;
	v10 =	vadd.f32 v53, v10;
	_ =	sdelay $0x1  }
0xf0: {  	v10 =	vmul.f32 v10, v11;
	_ =	sdelay $0x1  }
0xf1: {  	v55 =	vld [tilespmem:s20+$0xFFFFFFE0];
	[tilespmem:s20+$0xFFFFFFD0] =	vst v10  }
0xf2: {  	v10 =	vld.idx.msk [tilespmem:v54+s30+$0x0], $0xffff;
	_ =	sdelay $0x4  }
0xf3: {  	v56 =	vor.u32 v4, v9;
	v10 =	vadd.f32 v55, v10;
	_ =	sdelay $0x1  }
0xf4: {  	v10 =	vmul.f32 v10, v11;
	_ =	sdelay $0x1  }
0xf5: {  	v57 =	vld [tilespmem:s20+$0xFFFFFFF0];
	[tilespmem:s20+$0xFFFFFFE0] =	vst v10  }
0xf6: {  	v10 =	vld.idx.msk [tilespmem:v56+s30+$0x0], $0xffff;
	_ =	sdelay $0x4  }
0xf7: {  	v58 =	vor.u32 v5, v9;
	v10 =	vadd.f32 v57, v10;
	_ =	sdelay $0x1  }
0xf8: {  	v10 =	vmul.f32 v10, v11;
	_ =	sdelay $0x1  }
0xf9: {  	v59 =	vld [tilespmem:s20+$0x0];
	[tilespmem:s20+$0xFFFFFFF0] =	vst v10  }
0xfa: {  	v10 =	vld.idx.msk [tilespmem:v58+s30+$0x0], $0xffff;
	_ =	sdelay $0x4  }
0xfb: {  	v60 =	vor.u32 v6, v9;
	v10 =	vadd.f32 v59, v10;
	_ =	sdelay $0x1  }
0xfc: {  	v10 =	vmul.f32 v10, v11;
	_ =	sdelay $0x1  }
0xfd: {  	v61 =	vld [tilespmem:s20+$0x10];
	[tilespmem:s20+$0x0] =	vst v10  }
0xfe: {  	v10 =	vld.idx.msk [tilespmem:v60+s30+$0x0], $0xffff;
	_ =	sdelay $0x4  }
0xff: {  	v62 =	vor.u32 v7, v9;
	v10 =	vadd.f32 v61, v10;
	_ =	sdelay $0x1  }
0x100: {  	v10 =	vmul.f32 v10, v11;
	_ =	sdelay $0x1  }
0x101: {  	v63 =	vld [tilespmem:s20+$0x20];
	[tilespmem:s20+$0x10] =	vst v10  }
0x102: {  	v10 =	vld.idx.msk [tilespmem:v62+s30+$0x0], $0xffff;
	_ =	sdelay $0x4  }
0x103: {  	v9 =	vor.u32 v8, v9;
	v10 =	vadd.f32 v63, v10;
	_ =	sdelay $0x1  }
0x104: {  	v10 =	vmul.f32 v10, v11;
	_ =	sdelay $0x1  }
0x105: {  	[tilespmem:s20+$0x20] =	vst v10;
	v10 =	vld [tilespmem:s20+$0x30]  }
0x106: {  	v9 =	vld.idx.msk [tilespmem:v9+s30+$0x0], $0xffff;
	_ =	sdelay $0x3  }
0x107: {  	s21 =	simm.s32 $0x1  }
0x108: {  	v10 =	vadd.f32 v10, v9;
	v9 =	vmov s21;
	_ =	sdelay $0x1  }
0x109: {  	s23 =	simm.s32 $0x2;
	v10 =	vmul.f32 v10, v11  }
.LBB2_25:
0x10a: {  	p1 =	sne.s32 s23, $0x7F  }
0x10b: {  	s24 =	smov.u32 s23;
	s23 =	sadd.s32 $0x1, s23;
	[tilespmem:s20+$0x30] =	vst v10;
	s20 =	sadd.s32 $0x80, s20  }
0x10c: {  	v9 =	vld.idx.msk [tilespmem:v9+s12+$0x0], $0xffff;
	_ =	sdelay $0x5  }
0x10d: {  	v9 =	vshll.u32 v9, $0x7  }
0x10e: {  	v10 =	vor.u32 v0, v9  }
0x10f: {  	s25 =	sadd.s32 s21, s17;
	s21 =	smov.u32 s24  }
0x110: {  	v11 =	vmov s25;
	_ =	sdelay $0x2  }
0x111: {  	v10 =	vld.idx.msk [tilespmem:v10+s30+$0x0], $0xffff  }
0x112: {  	v12 =	vld [tilespmem:s20+$0xFFFFFFC0]  }
0x113: {  	v11 =	vld.idx.msk [tilespmem:v11+s29+$0x0], $0xffff;
	_ =	sdelay $0x3  }
0x114: {  	v10 =	vadd.f32 v12, v10;
	v12 =	vor.u32 v2, v9;
	_ =	sdelay $0x1  }
0x115: {  	v10 =	vmul.f32 v10, v11;
	_ =	sdelay $0x1  }
0x116: {  	[tilespmem:s20+$0xFFFFFFC0] =	vst v10  }
0x117: {  	v10 =	vld.idx.msk [tilespmem:v12+s30+$0x0], $0xffff  }
0x118: {  	v12 =	vld [tilespmem:s20+$0xFFFFFFD0];
	_ =	sdelay $0x4  }
0x119: {  	v10 =	vadd.f32 v12, v10;
	v12 =	vor.u32 v3, v9;
	_ =	sdelay $0x1  }
0x11a: {  	v10 =	vmul.f32 v10, v11;
	_ =	sdelay $0x1  }
0x11b: {  	[tilespmem:s20+$0xFFFFFFD0] =	vst v10  }
0x11c: {  	v10 =	vld.idx.msk [tilespmem:v12+s30+$0x0], $0xffff  }
0x11d: {  	v12 =	vld [tilespmem:s20+$0xFFFFFFE0];
	_ =	sdelay $0x4  }
0x11e: {  	v10 =	vadd.f32 v12, v10;
	v12 =	vor.u32 v4, v9;
	_ =	sdelay $0x1  }
0x11f: {  	v10 =	vmul.f32 v10, v11;
	_ =	sdelay $0x1  }
0x120: {  	[tilespmem:s20+$0xFFFFFFE0] =	vst v10  }
0x121: {  	v10 =	vld.idx.msk [tilespmem:v12+s30+$0x0], $0xffff  }
0x122: {  	v12 =	vld [tilespmem:s20+$0xFFFFFFF0];
	_ =	sdelay $0x4  }
0x123: {  	v10 =	vadd.f32 v12, v10;
	v12 =	vor.u32 v5, v9;
	_ =	sdelay $0x1  }
0x124: {  	v10 =	vmul.f32 v10, v11;
	_ =	sdelay $0x1  }
0x125: {  	[tilespmem:s20+$0xFFFFFFF0] =	vst v10  }
0x126: {  	v10 =	vld.idx.msk [tilespmem:v12+s30+$0x0], $0xffff  }
0x127: {  	v12 =	vld [tilespmem:s20+$0x0];
	_ =	sdelay $0x4  }
0x128: {  	v10 =	vadd.f32 v12, v10;
	v12 =	vor.u32 v6, v9;
	_ =	sdelay $0x1  }
0x129: {  	v10 =	vmul.f32 v10, v11;
	_ =	sdelay $0x1  }
0x12a: {  	[tilespmem:s20+$0x0] =	vst v10  }
0x12b: {  	v10 =	vld.idx.msk [tilespmem:v12+s30+$0x0], $0xffff  }
0x12c: {  	v12 =	vld [tilespmem:s20+$0x10];
	_ =	sdelay $0x4  }
0x12d: {  	v10 =	vadd.f32 v12, v10;
	v12 =	vor.u32 v7, v9;
	_ =	sdelay $0x1  }
0x12e: {  	v10 =	vmul.f32 v10, v11;
	_ =	sdelay $0x1  }
0x12f: {  	[tilespmem:s20+$0x10] =	vst v10  }
0x130: {  	v10 =	vld.idx.msk [tilespmem:v12+s30+$0x0], $0xffff  }
0x131: {  	v12 =	vld [tilespmem:s20+$0x20];
	_ =	sdelay $0x4  }
0x132: {  	v9 =	vor.u32 v8, v9;
	v10 =	vadd.f32 v12, v10;
	_ =	sdelay $0x1  }
0x133: {  	v10 =	vmul.f32 v10, v11;
	_ =	sdelay $0x1  }
0x134: {  	[tilespmem:s20+$0x20] =	vst v10  }
0x135: {  	v10 =	vld.idx.msk [tilespmem:v9+s30+$0x0], $0xffff  }
0x136: {  	v12 =	vld [tilespmem:s20+$0x30];
	_ =	sdelay $0x2  }
.Ltmp12:
0x137: {  	(pc) =	sbr.rel @p1 .LBB2_25-.Ltmp12, $3  }
0x138: {  	_ = 	snop  }
0x139: {  	v9 =	vmov s21;
	v10 =	vadd.f32 v12, v10;
	_ =	sdelay $0x1  }
0x13a: {  	v10 =	vmul.f32 v10, v11  }
0x13b: {  	_ =	sdelay $0x2  }
0x13c: {  	[tilespmem:s20+$0x30] =	vst v10  }
0x13d: {  	v9 =	vld.idx.msk [tilespmem:v9+s12+$0x0], $0xffff;
	_ =	sdelay $0x4  }
0x13e: {  	v9 =	vshll.u32 v9, $0x7  }
0x13f: {  	v10 =	vor.u32 v0, v9  }
0x140: {  	s21 =	sadd.s32 s21, s17  }
0x141: {  	v11 =	vmov s21  }
0x142: {  	s25 =	sadd.s32 $0x80, s20  }
0x143: {  	v12 =	vld [tilespmem:s25+$0xFFFFFFC0]  }
0x144: {  	v10 =	vld.idx.msk [tilespmem:v10+s30+$0x0], $0xffff;
	_ =	sdelay $0x1  }
0x145: {  	v11 =	vld.idx.msk [tilespmem:v11+s29+$0x0], $0xffff;
	_ =	sdelay $0x2  }
0x146: {  	v52 =	vor.u32 v2, v9;
	v10 =	vadd.f32 v12, v10;
	_ =	sdelay $0x1  }
0x147: {  	v10 =	vmul.f32 v10, v11;
	_ =	sdelay $0x1  }
0x148: {  	v53 =	vld [tilespmem:s25+$0xFFFFFFD0];
	[tilespmem:s25+$0xFFFFFFC0] =	vst v10  }
0x149: {  	v10 =	vld.idx.msk [tilespmem:v52+s30+$0x0], $0xffff;
	_ =	sdelay $0x4  }
0x14a: {  	v54 =	vor.u32 v3, v9;
	v10 =	vadd.f32 v53, v10;
	_ =	sdelay $0x1  }
0x14b: {  	v10 =	vmul.f32 v10, v11;
	_ =	sdelay $0x1  }
0x14c: {  	v55 =	vld [tilespmem:s25+$0xFFFFFFE0];
	[tilespmem:s25+$0xFFFFFFD0] =	vst v10  }
0x14d: {  	v10 =	vld.idx.msk [tilespmem:v54+s30+$0x0], $0xffff;
	_ =	sdelay $0x4  }
0x14e: {  	v56 =	vor.u32 v4, v9;
	v10 =	vadd.f32 v55, v10;
	_ =	sdelay $0x1  }
0x14f: {  	v10 =	vmul.f32 v10, v11;
	_ =	sdelay $0x1  }
0x150: {  	v57 =	vld [tilespmem:s25+$0xFFFFFFF0];
	[tilespmem:s25+$0xFFFFFFE0] =	vst v10  }
0x151: {  	v10 =	vld.idx.msk [tilespmem:v56+s30+$0x0], $0xffff;
	_ =	sdelay $0x4  }
0x152: {  	v58 =	vor.u32 v5, v9;
	v10 =	vadd.f32 v57, v10;
	_ =	sdelay $0x1  }
0x153: {  	v10 =	vmul.f32 v10, v11;
	_ =	sdelay $0x1  }
0x154: {  	v59 =	vld [tilespmem:s25+$0x0];
	[tilespmem:s25+$0xFFFFFFF0] =	vst v10  }
0x155: {  	v10 =	vld.idx.msk [tilespmem:v58+s30+$0x0], $0xffff;
	_ =	sdelay $0x4  }
0x156: {  	v60 =	vor.u32 v6, v9;
	v10 =	vadd.f32 v59, v10;
	_ =	sdelay $0x1  }
0x157: {  	v10 =	vmul.f32 v10, v11;
	_ =	sdelay $0x1  }
0x158: {  	v61 =	vld [tilespmem:s25+$0x10];
	[tilespmem:s25+$0x0] =	vst v10  }
0x159: {  	v10 =	vld.idx.msk [tilespmem:v60+s30+$0x0], $0xffff;
	_ =	sdelay $0x4  }
0x15a: {  	v62 =	vor.u32 v7, v9;
	v10 =	vadd.f32 v61, v10;
	_ =	sdelay $0x1  }
0x15b: {  	v10 =	vmul.f32 v10, v11;
	_ =	sdelay $0x1  }
0x15c: {  	v63 =	vld [tilespmem:s25+$0x20];
	[tilespmem:s25+$0x10] =	vst v10  }
0x15d: {  	v10 =	vld.idx.msk [tilespmem:v62+s30+$0x0], $0xffff;
	_ =	sdelay $0x4  }
0x15e: {  	v9 =	vor.u32 v8, v9;
	v10 =	vadd.f32 v63, v10;
	_ =	sdelay $0x1  }
0x15f: {  	v10 =	vmul.f32 v10, v11;
	_ =	sdelay $0x1  }
0x160: {  	[tilespmem:s25+$0x20] =	vst v10;
	v10 =	vld [tilespmem:s25+$0x30]  }
0x161: {  	v9 =	vld.idx.msk [tilespmem:v9+s30+$0x0], $0xffff;
	_ =	sdelay $0x4  }
0x162: {  	v9 =	vadd.f32 v10, v9;
	_ =	sdelay $0x1  }
0x163: {  	s18 =	sadd.s32 $0x1, s18;
	v9 =	vmul.f32 v9, v11  }
0x164: {  	p1 =	sne.s32 s18, $0x28  }
.Ltmp13:
0x165: {  	[tilespmem:s25+$0x30] =	vst v9;
	(pc) =	sbr.rel @p1 .LBB2_24-.Ltmp13, $4  }
0x166: {  	[spmem:s4] =	stream.indirect.scatter.add.f32 [tilespmem:s13], [sflag:$0x2], $0x80, s11, s31, $0xb8;
	[tilespmem:$0x1EB00] =	vst v63  }
0x167: {  	_ =	swait.ge [sflag:s28], $0x4000  }
0x168: {  	[sflag:s28] =	ssyncset.done $0x0  }
0x169: {  	s17 =	sadd.s32 $0x80, s17;
	[sflag:s28] =	ssyncadd.s32 $0xFFFFC000  }
0x16a: {  	[bflag:$0x0] =	sbarrier.arrive $0xFFFF  }
0x16b: {  	s17 =	rddreg [dreg:$0x11]  }
0x16c: {  	s16 =	simm.s32 @p0 $0x1FC2;
	s18 =	rddreg [dreg:$0x13]  }
0x16d: {  	[hbm:s17], [sflag:s16] =	dma.local @p0 [spmem:s18], $0x1900  }
0x16e: {  	s16 =	simm.s32 @p0 $0x2  }
0x16f: {  	s17 =	stileid.u32;
	_ =	swait.ge @p0 [sflag:s16], $0x1900  }
0x170: {  	s17 =	sshll.u32 @!p0 s17, $0x6;
	[sflag:s16] =	ssyncset.done @p0 $0x0;
	s18 =	rddreg [dreg:$0x10]  }
0x171: {  	[sflag:s16] =	ssyncadd.s32 @p0 $0xFFFFE700;
	s16 =	sor.u32 @!p0 $0x1C02, s17;
	s17 =	sshrl.u32 @!p0 s22, $0x3  }
0x172: {  	[hbm:s18], [sflag:s16] =	dma.local @!p0 [spmem:s17], $0x2800  }
0x173: {  	s16 =	simm.s32 @!p0 $0x2  }
0x174: {  	_ =	swait.ge @!p0 [sflag:s16], $0x2800  }
0x175: {  	s15 =	sadd.s32 $0x1, s15;
	s25 =	rddreg [dreg:$0x12]  }
0x176: {  	p1 =	sne.s32 s15, s25  }
.Ltmp14:
0x177: {  	_ = 	snop;
	(pc) =	sbr.rel @p1 .LBB2_1-.Ltmp14, $3  }
0x178: {  	_ =	sdelay $0x1  }
0x179: {  	[sflag:s16] =	ssyncset.done @!p0 $0x0  }
0x17a: {  	[sflag:s16] =	ssyncadd.s32 @!p0 $0xFFFFD800  }
0x17b: {  	_ =	sfence.sel $0x180000  }
0x17c: {  	[bflag:$0x0] =	sbarrier.arrive $0xFFFF  }
0x17d: {  	_ =	strace $0x9000004A  }
0x17e: {  	s0 =	stileid.u32;
	[bflag:$0x2] =	sbarrier.arrive $0xFFFF  }
0x17f: {  	p0 =	sne.s32 s0, $0x0;
	s0 =	rddreg [dreg:$0x5]  }
0x180: {  	s0 =	sadd.s32 @!p0 $0x100000, s0  }
0x181: {  	[sflag:s0] =	ssyncadd.tile.s32 @!p0 $0x1;
	_ =	shalt  }
.Lfunc_end2:
_tile_overlayer_lowered:
.L_overlay_start_2:
0x182: {  	(tag) =	ssettag $0x2  }
0x183: {  	s0 =	rddreg [dreg:$0x0];
	s2 =	stileid.u32  }
0x184: {  	s1 =	rddreg [dreg:$0x1];
	p0 =	sne.s32 s2, $0x0  }
0x185: {  	s3 =	rddreg [dreg:$0x2];
	[bflag:$0x3] =	sbarrier.arrive $0xFFFF;
	s2 =	simm.s32 @!p0 $0x1C02  }
0x186: {  	[timem:s3], [sflag:s2] =	dma.local @!p0 [hbm:s0], s1  }
0x187: {  	s0 =	simm.s32 @!p0 $0x2  }
0x188: {  	_ =	swait.ge @!p0 [sflag:s0], s1  }
0x189: {  	s1 =	ssub.s32 @!p0 $0x0, s1;
	[sflag:s0] =	ssyncset.done @!p0 $0x0  }
0x18a: {  	[sflag:s0] =	ssyncadd.s32 @!p0 s1  }
0x18b: {  	[bflag:$0x3] =	sbarrier.arrive $0xFFFF  }
0x18c: {  	_ =	shalt  }

// kernel: kernel.17.cloned.1.call-start
scs
__scs_entry_jumppad:
0x0: {  	(pc) =	sbr.rel $0x88, $3  }
0x1: {  	(tag) =	ssettag $0x0;
	lr =	simm.s32 $0x1  }
0x2: {  	[smem:$0x3F6E] =	sst lr;
	_ =	strace $0xD0000000  }
0x3: {  	_ = 	snop  }
0x4: {  	_ = 	snop  }
0x5: {  	_ = 	snop  }
0x6: {  	_ = 	snop  }
0x7: {  	_ = 	snop  }
__scs_overlays_trampoline_lowered:
0x8: {  	[smem:$0x3F7D] =	sst s0  }
0x9: {  	[smem:$0x3F7E] =	sst s1  }
0xa: {  	[smem:$0x3F7F] =	sst s2  }
0xb: {  	[smem:$0x3F80] =	sst s3  }
0xc: {  	[smem:$0x3F81] =	sst s4  }
0xd: {  	[smem:$0x3F82] =	sst s5  }
0xe: {  	[smem:$0x3F83] =	sst s6  }
0xf: {  	[smem:$0x3F84] =	sst s7  }
0x10: {  	[smem:$0x3F85] =	sst s8  }
0x11: {  	[smem:$0x3F86] =	sst s9;
	s0 =	simm.s32 @!p0 $0x0  }
0x12: {  	s1 =	sld [smem:$0x3F6C];
	s0 =	simm.s32 @p0 $0x1  }
0x13: {  	[smem:$0x3F87] =	sst s0;
	s0 =	simm.s32 @!p1 $0x0  }
0x14: {  	s2 =	sld [smem:$0x3F6B];
	s0 =	simm.s32 @p1 $0x1  }
0x15: {  	[smem:$0x3F88] =	sst s0;
	s0 =	simm.s32 @!p2 $0x0  }
0x16: {  	s3 =	sld [smem:$0x3FDB];
	s0 =	simm.s32 @p2 $0x1  }
0x17: {  	s4 =	simm.s32 $0x1BF5;
	[smem:$0x3F8A] =	sst s0  }
0x18: {  	s0 =	sld [smem:$0x3F6D];
	_ =	swait.ge [sflag:s4], $0x0  }
0x19: {  	s7 =	sld [smem:$0x3F6E]  }
0x1a: {  	s8 =	sadd.s32 $0xFFFFE003, lr  }
0x1b: {  	s9 =	sadd.s32 $0xFFFFFEF7, lr;
	s5 =	simm.s32 $0xFFFFFFFF;
	p2 =	slt.u32 s8, $0xFFFFF086  }
0x1c: {  	p1 =	slt.u32 s9, $0xF7A;
	s5 =	simm.s32 @!p2 $0x0  }
0x1d: {  	s5 =	simm.s32 @p1 $0x1;
	p0 =	seq.s32 s7, s2  }
0x1e: {  	s7 =	smul.u32 @!p0 $0xF7A, s2;
	p2 =	seq.s32 @!p0 s5, $0x0  }
0x1f: {  	s9 =	smul.u32 $0xF7A, s1;
	s8 =	simm.s32 @!p0 $0x1BF5;
	p2 =	por !p2, p0  }
0x20: {  	[sflag:s8] =	ssyncset.s32 @!p0 $0xFFFFF086;
	s6 =	sadd.s32 @!p0 s3, s7;
	s7 =	simm.s32 @!p0 $0x108  }
0x21: {  	s3 =	sadd.s32 s3, s9;
	s6 =	sadd.s32 @!p0 $0x88, s6;
	s7 =	simm.s32 @p2 $0x1082  }
0x22: {  	[simem:s7], [sflag:s8] =	dma.local @!p0 [hbm:s6], $0xF7A  }
0x23: {  	s9 =	sor.u32 $0xD0000000, s2;
	s6 =	simm.s32 $0x108;
	_ =	swait.ge @!p0 [sflag:s8], $0x0  }
0x24: {  	s3 =	sadd.s32 $0x88, s3;
	s6 =	simm.s32 @!p1 $0x1082;
	[sflag:s4] =	ssyncset.s32 $0xFFFFF086  }
0x25: {  	[simem:s6], [sflag:s4] =	dma.local [hbm:s3], $0xF7A  }
0x26: {  	[smem:$0x3F6E] =	sst s1;
	(tag) =	ssettag s2;
	_ =	strace s9  }
0x27: {  	s1 =	sld [smem:$0x3F7E]  }
0x28: {  	s2 =	sld [smem:$0x3F7F]  }
0x29: {  	s4 =	sld [smem:$0x3F81]  }
0x2a: {  	p0 =	seq.s32 s5, $0x0;
	s5 =	sld [smem:$0x3F82]  }
0x2b: {  	s6 =	sld [smem:$0x3F83]  }
0x2c: {  	s7 =	sld [smem:$0x3F84]  }
0x2d: {  	s3 =	simm.s32 $0x108;
	s8 =	sld [smem:$0x3F85]  }
0x2e: {  	s3 =	simm.s32 @!p0 $0x1082;
	s9 =	sld [smem:$0x3F86]  }
0x2f: {  	lr =	sadd.s32 s0, s3;
	s0 =	sld [smem:$0x3F7D]  }
0x30: {  	s3 =	sld [smem:$0x3F80]  }
0x31: {  	[smem:$0x3F89] =	sst s10  }
0x32: {  	s10 =	sld [smem:$0x3F87];
	_ =	sdelay $0x3  }
0x33: {  	p0 =	seq.s32 s10, $0x1;
	s10 =	sld [smem:$0x3F89];
	_ =	sdelay $0x3  }
0x34: {  	[smem:$0x3F89] =	sst s10  }
0x35: {  	s10 =	sld [smem:$0x3F88];
	_ =	sdelay $0x3  }
0x36: {  	p1 =	seq.s32 s10, $0x1;
	s10 =	sld [smem:$0x3F89];
	_ =	sdelay $0x3  }
0x37: {  	[smem:$0x3F89] =	sst s10  }
0x38: {  	s10 =	sld [smem:$0x3F8A]  }
0x39: {  	_ = 	snop;
	(pc) =	sbr.ind lr, $3  }
0x3a: {  	_ = 	snop  }
0x3b: {  	_ = 	snop  }
0x3c: {  	p2 =	seq.s32 s10, $0x1;
	s10 =	sld [smem:$0x3F89]  }
0x3d: {  	_ =	shalt  }
0x3e: {  	_ =	shalt  }
0x3f: {  	_ =	shalt  }
0x40: {  	_ =	shalt  }
0x41: {  	_ =	shalt  }
0x42: {  	_ =	shalt  }
0x43: {  	_ =	shalt  }
0x44: {  	_ =	shalt  }
0x45: {  	_ =	shalt  }
0x46: {  	_ =	shalt  }
0x47: {  	_ =	shalt  }
0x48: {  	_ =	shalt  }
0x49: {  	_ =	shalt  }
0x4a: {  	_ =	shalt  }
0x4b: {  	_ =	shalt  }
0x4c: {  	_ =	shalt  }
0x4d: {  	_ =	shalt  }
0x4e: {  	_ =	shalt  }
0x4f: {  	_ =	shalt  }
0x50: {  	_ =	shalt  }
0x51: {  	_ =	shalt  }
0x52: {  	_ =	shalt  }
0x53: {  	_ =	shalt  }
0x54: {  	_ =	shalt  }
0x55: {  	_ =	shalt  }
0x56: {  	_ =	shalt  }
0x57: {  	_ =	shalt  }
0x58: {  	_ =	shalt  }
0x59: {  	_ =	shalt  }
0x5a: {  	_ =	shalt  }
0x5b: {  	_ =	shalt  }
0x5c: {  	_ =	shalt  }
0x5d: {  	_ =	shalt  }
0x5e: {  	_ =	shalt  }
0x5f: {  	_ =	shalt  }
0x60: {  	_ =	shalt  }
0x61: {  	_ =	shalt  }
0x62: {  	_ =	shalt  }
0x63: {  	_ =	shalt  }
0x64: {  	_ =	shalt  }
0x65: {  	_ =	shalt  }
0x66: {  	_ =	shalt  }
0x67: {  	_ =	shalt  }
0x68: {  	_ =	shalt  }
0x69: {  	_ =	shalt  }
0x6a: {  	_ =	shalt  }
0x6b: {  	_ =	shalt  }
0x6c: {  	_ =	shalt  }
0x6d: {  	_ =	shalt  }
0x6e: {  	_ =	shalt  }
0x6f: {  	_ =	shalt  }
0x70: {  	_ =	shalt  }
0x71: {  	_ =	shalt  }
0x72: {  	_ =	shalt  }
0x73: {  	_ =	shalt  }
0x74: {  	_ =	shalt  }
0x75: {  	_ =	shalt  }
0x76: {  	_ =	shalt  }
0x77: {  	_ =	shalt  }
0x78: {  	_ =	shalt  }
0x79: {  	_ =	shalt  }
0x7a: {  	_ =	shalt  }
0x7b: {  	_ =	shalt  }
0x7c: {  	_ =	shalt  }
0x7d: {  	_ =	shalt  }
0x7e: {  	_ =	shalt  }
0x7f: {  	_ =	shalt  }
0x80: {  	_ =	shalt  }
0x81: {  	_ =	shalt  }
0x82: {  	_ =	shalt  }
0x83: {  	_ =	shalt  }
0x84: {  	_ =	shalt  }
0x85: {  	_ =	shalt  }
0x86: {  	_ =	shalt  }
0x87: {  	_ =	shalt  }
.Lfunc_end0:
.L_simem_size_0:
called_computation.2_lowered:
.L_overlay_start_0:
0x88: {  	s2 =	sld [smem:$0x3FD9]  }
0x89: {  	s3 =	sld [smem:$0x3FFE];
	_ =	sdelay $0x1  }
0x8a: {  	s1 =	srdreg.scid  }
0x8b: {  	s0 =	sand.u32 $0x1, s1  }
0x8c: {  	s14 =	sshll.u32 s0, $0xA;
	s2 =	sadd.s32 s3, s2  }
0x8d: {  	s2 =	sadd.s32 s2, s14  }
0x8e: {  	[smem:$0x3F95] =	sst s2  }
0x8f: {  	_ = 	snop  }
0x90: {  	s2 =	sld [smem:$0x3FD0];
	_ =	sdelay $0x2  }
0x91: {  	s4 =	simm.s32 $0xA;
	s5 =	simm.s32 $0x10;
	s15 =	sld [smem:$0x3FC4]  }
0x92: {  	[smem:s5], [sflag:s4] =	dma.local [hbm:s2], $0x1  }
0x93: {  	_ =	swait.eq [sflag:s4], $0x1  }
0x94: {  	s16 =	sld [smem:$0x10];
	[sflag:s4] =	ssyncset.done $0x0  }
0x95: {  	s17 =	sld [smem:$0x13];
	[sflag:s4] =	ssyncadd.s32 $0xFFFFFFFF  }
0x96: {  	s18 =	sld [smem:$0x15];
	(tm) =	ssettm $0x1  }
0x97: {  	s6 =	sld [smem:$0x3FFB];
	_ =	sdelay $0x3  }
0x98: {  	_ =	strace s6  }
0x99: {  	s6 =	sld [smem:$0x3FFC];
	_ =	sdelay $0x3  }
0x9a: {  	_ =	strace s6  }
0x9b: {  	s6 =	sld [smem:$0x3FFD];
	_ =	sdelay $0x3  }
0x9c: {  	_ =	strace s6  }
0x9d: {  	_ =	strace $0x8FFFFFFF  }
0x9e: {  	s19 =	sld [smem:$0x3FDB];
	_ =	sdelay $0x1  }
0x9f: {  	s7 =	simm.s32 $_scs_section_size  }
0xa0: {  	s8 =	simm.s32 $_size__tile_overlayer_lowered;
	s9 =	simm.s32 $_tile_overlayer_lowered  }
0xa1: {  	s22 =	simm.s32 $0x1BFF;
	s21 =	sshll.u32 s9, $0x1;
	s6 =	sadd.s32 s7, s19  }
0xa2: {  	s10 =	simm.s32 $0x0;
	s20 =	sshll.u32 s8, $0x1;
	s8 =	sadd.s32 s21, s6  }
0xa3: {  	[timem:s10], [sflag:s22] =	dma.local [hbm:s8], s20  }
0xa4: {  	_ =	swait.ge [sflag:s22], s20  }
0xa5: {  	s7 =	ssub.s32 $0x0, s20;
	[sflag:s22] =	ssyncset.done $0x0  }
0xa6: {  	[sflag:s22] =	ssyncadd.s32 s7;
	_ =	sdelay $0x1  }
0xa7: {  	s23 =	simm.s32 $0x1B8B  }
0xa8: {  	_ =	swait.ge [sflag:s23], $0x1  }
0xa9: {  	[sflag:s23] =	ssyncset.done $0x0  }
0xaa: {  	s25 =	simm.s32 $0x1B8E;
	s24 =	sld [smem:$0x3FFE];
	[sflag:s23] =	ssyncadd.s32 $0xFFFFFFFF  }
0xab: {  	s26 =	simm.s32 $execute0_lowered;
	[smem:$0x3FD2] =	sst s25  }
0xac: {  	s8 =	sshll.u32 s26, $0x1;
	_ =	strace $0x8000004C;
	[dreg:$0x1] =	wrdreg $0xFFFFFFFF  }
0xad: {  	s28 =	simm.s32 $_size_execute0_lowered;
	s6 =	sadd.s32 s6, s8;
	[dreg:$0x0] =	wrdreg $0x0  }
0xae: {  	s8 =	sshll.u32 s28, $0x1;
	[dreg:$0x2] =	wrdreg s6  }
0xaf: {  	[dreg:$0x3] =	wrdreg s8  }
0xb0: {  	[dreg:$0x4] =	wrdreg $0xC0  }
0xb1: {  	_ =	task [dreg:s10], $0x5FFFF  }
0xb2: {  	[dreg:$0x1] =	wrdreg $0xFFFFFFFF  }
0xb3: {  	[dreg:$0x0] =	wrdreg $0x60  }
0xb4: {  	[dreg:$0x2] =	wrdreg s24  }
0xb5: {  	[dreg:$0x3] =	wrdreg s15  }
0xb6: {  	[dreg:$0x4] =	wrdreg s18  }
0xb7: {  	[dreg:$0x5] =	wrdreg s17  }
0xb8: {  	[dreg:$0x6] =	wrdreg s16  }
0xb9: {  	[dreg:$0x7] =	wrdreg $0x17D000  }
0xba: {  	[dreg:$0x8] =	wrdreg $0x9  }
0xbb: {  	_ =	task.clear_ibuf [dreg:s10], $0x9FFFF;
	_ =	strace $0x9000004C  }
0xbc: {  	s29 =	simm.s32 $0x9;
	_ =	strace $0x8000004E  }
0xbd: {  	_ =	swait.ge [sflag:s29], $0x1  }
0xbe: {  	[sflag:s29] =	ssyncadd.s32 $0xFFFFFFFF  }
0xbf: {  	_ =	strace $0x9000004E  }
0xc0: {  	_ =	sfence  }
0xc1: {  	s30 =	sld [smem:$0x0];
	_ =	sdelay $0x2  }
0xc2: {  	s31 =	sshll.u32 s1, $0xD;
	s1 =	sshrl.u32 s1, $0x2  }
0xc3: {  	s3 =	sand.u32 $0x4000, s31;
	s1 =	sadd.s32 s1, s30  }
0xc4: {  	s0 =	sor.u32 s3, s0;
	s1 =	sshll.u32 s1, $0x11  }
0xc5: {  	s0 =	sor.u32 s1, s0  }
0xc6: {  	s0 =	sadd.s32 $0x8F2B, s0  }
0xc7: {  	[sflag:s0] =	ssyncadd.remote.s32 $0x1  }
0xc8: {  	_ =	sfence.sel $0xFFFF  }
0xc9: {  	[dreg:$0x0] =	wrdreg $0xFFFFFFFF;
	(pc) =	sbr.abs _section_cstart, $3  }
0xca: {  	[dreg:$0x1] =	wrdreg $0xFFFFFFFF  }
0xcb: {  	_ =	task.clear_ibuf [dreg:s10], $0x2FFFF;
	_ =	strace $0x9FFFFFFF  }
0xcc: {  	(tm) =	ssettm $0x7FFFFFFF  }
0xcd: {  	_ =	shalt  }
tec
execute0_lowered:
.L_overlay_start_1:
0x0: {  	(tag) =	ssettag $0x1  }
0x1: {  	s13 =	rddreg [dreg:$0x0]  }
0x2: {  	s0 =	rddreg [dreg:$0x1]  }
0x3: {  	s1 =	rddreg [dreg:$0x2]  }
0x4: {  	s2 =	rddreg [dreg:$0x3]  }
0x5: {  	s5 =	rddreg [dreg:$0x4]  }
0x6: {  	s23 =	rddreg [dreg:$0x5];
	s3 =	simm.s32 $0x0  }
0x7: {  	s6 =	srdreg.scid;
	s26 =	stileid.u32;
	s19 =	simm.s32 $0x2800  }
0x8: {  	s20 =	simm.s32 $0x5000;
	s21 =	simm.s32 $0x7800;
	s22 =	simm.s32 $0xA000  }
0x9: {  	s30 =	simm.s32 $0x12C80;
	s28 =	simm.s32 $0x0;
	[smem:$0x7FF] =	sst s3  }
0xa: {  	s4 =	sadd.s32 $0x1AA00, s13;
	s8 =	sand.u32 $0x1, s6;
	s6 =	sadd.s32 $0xE00, s13  }
0xb: {  	s9 =	sshll.u32 s26, $0x1;
	s7 =	sadd.s32 $0x800, s13;
	s17 =	sshll.u32 s26, $0xA  }
0xc: {  	p1 =	sgt.u32 s26, $0x9;
	p0 =	sne.s32 s26, $0x0;
	_ =	strace $0x8000004D  }
0xd: {  	s10 =	smul.u32 $0x2800, s8;
	s9 =	sor.u32 s8, s9;
	s31 =	ssub.s32 $0x2, s8  }
0xe: {  	[dreg:$0x7] =	wrdreg s4;
	s15 =	smul.u32 $0x271, s9;
	s11 =	sshrl.u32 s31, $0x1  }
0xf: {  	s8 =	sadd.s32 $0x200, s13;
	s29 =	sadd.s32 s17, s10;
	s18 =	ssub.s32 s31, s11  }
0x10: {  	s9 =	sshrl.u32 s29, $0x3;
	s12 =	sadd.s32 s15, s13;
	s11 =	sadd.s32 s0, s15  }
0x11: {  	v0 =	vlaneseq.u32;
	s14 =	sadd.s32 s2, s15;
	s0 =	sadd.s32 s17, s23;
	s17 =	smax.u32 s18, $0x1  }
0x12: {  	v6 =	vmul.u32 $0xFFFFFFFF, v0;
	s18 =	simm.s32 $0x1;
	s16 =	sadd.s32 s9, s13;
	s9 =	sadd.s32 $0x6800, s12  }
0x13: {  	v1 =	vimm.f32 $0.0e+00;
	v2 =	vor.u32 $0x10, v0;
	v3 =	vor.u32 $0x20, v0;
	s10 =	sadd.s32 $0x1800, s12;
	s12 =	sadd.s32 $0x1FC00, s12;
	s13 =	sadd.s32 s1, s15  }
0x14: {  	v4 =	vor.u32 $0x30, v0;
	v5 =	vor.u32 $0x40, v0;
	v6 =	vadd.s32 $0x1388, v6;
	s15 =	sadd.s32 s5, s15;
	s25 =	sshrl.u32 @!p1 s0, $0x3;
	s16 =	sadd.s32 $0x1B000, s16  }
.LBB2_1:
0x15: {  	s0 =	rddreg [dreg:$0x7]  }
0x16: {  	[tilespmem:s3], [sflag:$0x1] =	stream.linear.gather [hbm4b:s0+s3], $0x2710, $0x38;
	[tilespmem:$0x17F80] =	vst v63  }
0x17: {  	_ =	swait.ge [sflag:s18], $0x2710  }
0x18: {  	[sflag:s18] =	ssyncset.done $0x0  }
0x19: {  	[sflag:s18] =	ssyncadd.s32 $0xFFFFD8F0  }
0x1a: {  	[tilespmem:s19], [sflag:$0x1] =	stream.linear.gather [hbm4b:s6+s3], $0x2710, $0x38;
	[tilespmem:$0x17F80] =	vst v63  }
0x1b: {  	_ =	swait.ge [sflag:s18], $0x2710  }
0x1c: {  	[sflag:s18] =	ssyncset.done $0x0  }
0x1d: {  	[sflag:s18] =	ssyncadd.s32 $0xFFFFD8F0  }
0x1e: {  	[tilespmem:s20], [sflag:$0x1] =	stream.linear.gather [hbm4b:s7+s3], $0x2710, $0x38;
	[tilespmem:$0x17F80] =	vst v63  }
0x1f: {  	_ =	swait.ge [sflag:s18], $0x2710  }
0x20: {  	[sflag:s18] =	ssyncset.done $0x0  }
0x21: {  	[sflag:s18] =	ssyncadd.s32 $0xFFFFD8F0  }
0x22: {  	[tilespmem:s21], [sflag:$0x1] =	stream.linear.gather [hbm4b:s8+s3], $0x2710, $0x38;
	[tilespmem:$0x17F80] =	vst v63  }
0x23: {  	_ =	swait.ge [sflag:s18], $0x2710  }
0x24: {  	[sflag:s18] =	ssyncset.done $0x0  }
0x25: {  	[sflag:s18] =	ssyncadd.s32 $0xFFFFD8F0  }
0x26: {  	s4 =	rddreg [dreg:$0x0]  }
0x27: {  	[tilespmem:s22], [sflag:$0x1] =	stream.linear.gather [hbm4b:s4+s3], $0x10, $0x38;
	[tilespmem:$0x17F80] =	vst v63  }
0x28: {  	_ =	swait.ge [sflag:s18], $0x10  }
0x29: {  	[sflag:s18] =	ssyncset.done $0x0  }
0x2a: {  	s5 =	simm.s32 $0xA080;
	[sflag:s18] =	ssyncadd.s32 $0xFFFFFFF0  }
0x2b: {  	[tilespmem:s5], [sflag:$0x1] =	stream.linear.gather [hbm4b:s9+s3], $0x1388, $0x38;
	[tilespmem:$0x17F80] =	vst v63  }
0x2c: {  	_ =	swait.ge [sflag:s18], $0x1388  }
0x2d: {  	[sflag:s18] =	ssyncset.done $0x0  }
0x2e: {  	s24 =	simm.s32 $0xB480;
	[sflag:s18] =	ssyncadd.s32 $0xFFFFEC78  }
0x2f: {  	[tilespmem:s24], [sflag:$0x1] =	stream.linear.gather [hbm4b:s10+s3], $0x1388, $0x38;
	[tilespmem:$0x17F80] =	vst v63  }
0x30: {  	_ =	swait.ge [sflag:s18], $0x1388  }
0x31: {  	[sflag:s18] =	ssyncset.done $0x0  }
0x32: {  	s26 =	simm.s32 $0xC880;
	[sflag:s18] =	ssyncadd.s32 $0xFFFFEC78  }
0x33: {  	[tilespmem:s26], [sflag:$0x1] =	stream.linear.gather [hbm4b:s11+s3], $0x1388, $0x38;
	[tilespmem:$0x17F80] =	vst v63  }
0x34: {  	_ =	swait.ge [sflag:s18], $0x1388  }
0x35: {  	[sflag:s18] =	ssyncset.done $0x0  }
0x36: {  	s29 =	simm.s32 $0xDC80;
	[sflag:s18] =	ssyncadd.s32 $0xFFFFEC78  }
0x37: {  	[tilespmem:s29], [sflag:$0x1] =	stream.linear.gather [hbm4b:s12+s3], $0x1388, $0x38;
	[tilespmem:$0x17F80] =	vst v63  }
0x38: {  	_ =	swait.ge [sflag:s18], $0x1388  }
0x39: {  	[sflag:s18] =	ssyncset.done $0x0  }
0x3a: {  	s31 =	simm.s32 $0xF080;
	[sflag:s18] =	ssyncadd.s32 $0xFFFFEC78  }
0x3b: {  	[tilespmem:s31], [sflag:$0x1] =	stream.linear.gather [hbm4b:s13+s3], $0x1388, $0x38;
	[tilespmem:$0x17F80] =	vst v63  }
0x3c: {  	_ =	swait.ge [sflag:s18], $0x1388  }
0x3d: {  	[sflag:s18] =	ssyncset.done $0x0  }
0x3e: {  	s1 =	simm.s32 $0x200;
	s0 =	simm.s32 $0x0;
	[sflag:s18] =	ssyncadd.s32 $0xFFFFEC78  }
.LBB2_2:
0x3f: {  	p2 =	sne.s32 s1, $0x9E00;
	[tilespmem:s0+$0x154F0] =	vst v1  }
0x40: {  	[tilespmem:s0+$0x12C80] =	vst v1  }
0x41: {  	[tilespmem:s0+$0x15480] =	vst v1  }
0x42: {  	[tilespmem:s0+$0x12C90] =	vst v1  }
0x43: {  	[tilespmem:s0+$0x15490] =	vst v1  }
0x44: {  	[tilespmem:s0+$0x12CA0] =	vst v1  }
0x45: {  	[tilespmem:s0+$0x154A0] =	vst v1  }
0x46: {  	[tilespmem:s0+$0x12CB0] =	vst v1  }
0x47: {  	[tilespmem:s0+$0x154B0] =	vst v1  }
0x48: {  	[tilespmem:s0+$0x12CC0] =	vst v1  }
0x49: {  	[tilespmem:s0+$0x154C0] =	vst v1  }
.Ltmp0:
0x4a: {  	[tilespmem:s0+$0x12CD0] =	vst v1;
	(pc) =	sbr.rel @p2 .LBB2_2-.Ltmp0, $4  }
0x4b: {  	[tilespmem:s0+$0x154D0] =	vst v1  }
0x4c: {  	[tilespmem:s0+$0x12CE0] =	vst v1  }
0x4d: {  	[tilespmem:s0+$0x154E0] =	vst v1  }
0x4e: {  	[tilespmem:s0+$0x12CF0] =	vst v1;
	s0 =	sshra.s32 s1, $0x2;
	s1 =	sadd.s32 $0x200, s1  }
0x4f: {  	[tilespmem:s0+$0x154F0] =	vst v1  }
0x50: {  	[tilespmem:s0+$0x12C80] =	vst v1  }
0x51: {  	[tilespmem:s0+$0x15480] =	vst v1  }
0x52: {  	[tilespmem:s0+$0x12C90] =	vst v1  }
0x53: {  	[tilespmem:s0+$0x15490] =	vst v1  }
0x54: {  	[tilespmem:s0+$0x12CA0] =	vst v1  }
0x55: {  	[tilespmem:s0+$0x154A0] =	vst v1  }
0x56: {  	[tilespmem:s0+$0x12CB0] =	vst v1  }
0x57: {  	[tilespmem:s0+$0x154B0] =	vst v1  }
0x58: {  	[tilespmem:s0+$0x12CC0] =	vst v1  }
0x59: {  	[tilespmem:s0+$0x154C0] =	vst v1  }
0x5a: {  	[tilespmem:s0+$0x12CD0] =	vst v1  }
0x5b: {  	[tilespmem:s0+$0x154D0] =	vst v1  }
0x5c: {  	[tilespmem:s0+$0x12CE0] =	vst v1  }
0x5d: {  	[tilespmem:s0+$0x154E0] =	vst v1  }
0x5e: {  	[tilespmem:s0+$0x12CF0] =	vst v1;
	s0 =	simm.s32 @!p0 $0x15480  }
0x5f: {  	[spmem:s23] =	stream.linear.scatter @!p0 [tilespmem:s0], [sflag:$0x1], $0x2800, $0x38;
	[tilespmem:$0x17F80] =	vst v63  }
0x60: {  	s0 =	simm.s32 @!p0 $0x1  }
0x61: {  	_ =	swait.ge @!p0 [sflag:s0], $0x2800  }
0x62: {  	[sflag:s0] =	ssyncset.done @!p0 $0x0  }
0x63: {  	[sflag:s0] =	ssyncadd.s32 @!p0 $0xFFFFD800  }
0x64: {  	[tilespmem:$0x17C80] =	vst v0  }
0x65: {  	[tilespmem:$0x17C90] =	vst v2  }
0x66: {  	[tilespmem:$0x17CA0] =	vst v3  }
0x67: {  	[tilespmem:$0x17CB0] =	vst v4  }
0x68: {  	s4 =	smov.u32 s23;
	s23 =	simm.s32 $0xA080;
	[tilespmem:$0x17CC0] =	vst v5  }
0x69: {  	v7 =	vld [tilespmem:s23+$0x0]  }
0x6a: {  	s24 =	simm.s32 $0xB480  }
0x6b: {  	s1 =	simm.s32 $0x0;
	v8 =	vld [tilespmem:s24+$0x0]  }
0x6c: {  	v9 =	vmov s1  }
0x6d: {  	vm0 =	vlt.u32 v9, v6  }
0x6e: {  	v7 =	vnsel vm0, $0x0, v7;
	_ =	sdelay $0x1  }
0x6f: {  	v8 =	vnsel vm0, $0x0, v8  }
0x70: {  	s31 =	simm.s32 $0xDC80  }
0x71: {  	v9 =	vld [tilespmem:s31+$0x0]  }
0x72: {  	v10 =	vld.idx.msk [tilespmem:v7+s20+$0x0], $0xffff;
	_ =	sdelay $0x1  }
0x73: {  	v11 =	vld.idx.msk [tilespmem:v8+s21+$0x0], $0xffff;
	_ =	sdelay $0x2  }
0x74: {  	v9 =	vadd.f32 v9, v10;
	_ =	sdelay $0x1  }
0x75: {  	v9 =	vadd.f32 v9, v11;
	_ =	sdelay $0x1  }
0x76: {  	v9 =	vsub.f32 $0.0e+00, v9;
	_ =	sdelay $0x1  }
0x77: {  	v9 =	vmul.f32 $1.442695020e+00, v9;
	_ =	sdelay $0x1  }
0x78: {  	(erf) = vpow2.f32 v9;
	_ =	sdelay $0x2  }
0x79: {  	s26 =	simm.s32 $0xC880  }
0x7a: {  	v9 =	vld [tilespmem:s26+$0x0];
	_ =	sdelay $0x4  }
0x7b: {  	v9 =	vnsel vm0, $0x0, v9;
	v10 =	vpop (erf)  }
0x7c: {  	v10 =	vadd.f32 $1.000000000e+00, v10  }
0x7d: {  	v7 =	vld.idx.msk [tilespmem:v7+s3+$0x0], $0xffff  }
0x7e: {  	v11 =	vld.idx.msk [tilespmem:v8+s19+$0x0], $0xffff;
	(erf) = vrcp.f32 v10;
	_ =	sdelay $0x1  }
0x7f: {  	v9 =	vld.idx.msk [tilespmem:v9+s22+$0x0], $0xffff;
	_ =	sdelay $0x1  }
0x80: {  	s1 =	simm.s32 $0xF080  }
0x81: {  	v7 =	vadd.f32 v11, v7;
	v10 =	vld [tilespmem:s1+$0x0];
	_ =	sdelay $0x1  }
0x82: {  	v7 =	vadd.f32 v9, v7;
	_ =	sdelay $0x1  }
0x83: {  	v9 =	vmul.f32 $2.000000030e-01, v7;
	v11 =	vpop (erf)  }
0x84: {  	vm1 =	vgt.f32 v7, $0.0e+00;
	v10 =	vmul.f32 v11, v10  }
0x85: {  	v7 =	vsel vm1, v7, v9  }
0x86: {  	v7 =	vadd.f32 v10, v7;
	_ =	sdelay $0x1  }
0x87: {  	v7 =	vmul.f32 $1.442695020e+00, v7;
	_ =	sdelay $0x1  }
0x88: {  	(erf) = vpow2.f32 v7;
	_ =	sdelay $0x7  }
0x89: {  	s23 =	simm.s32 $0x10480  }
0x8a: {  	s29 =	simm.s32 $0x11880;
	[tilespmem:s23+$0x0] =	vst v11;
	v7 =	vpop (erf)  }
0x8b: {  	[tilespmem:s29+$0x0] =	vst v7  }
0x8c: {  	s5 =	simm.s32 $0xA090;
	[tilespmem:v8+s30+$0x0] =	vst.idx.add.f32.msk vm0, v7  }
0x8d: {  	s26 =	simm.s32 $0xB490;
	v7 =	vld [tilespmem:s5+$0x0]  }
0x8e: {  	s2 =	simm.s32 $0x20;
	s0 =	simm.s32 $0x10;
	s24 =	simm.s32 $0xC890;
	v8 =	vld [tilespmem:s26+$0x0]  }
.LBB2_4:
0x8f: {  	p2 =	sne.s32 s2, $0x1380;
	v9 =	vld [tilespmem:s24+$0x0];
	s1 =	sadd.s32 $0x10, s1  }
0x90: {  	v10 =	vmov s0;
	s31 =	sadd.s32 $0x10, s31;
	s0 =	smov.u32 s2;
	v11 =	vld [tilespmem:s1+$0x0]  }
0x91: {  	vm0 =	vlt.u32 v10, v6;
	v10 =	vld [tilespmem:s31+$0x0]  }
0x92: {  	v7 =	vnsel vm0, $0x0, v7;
	_ =	sdelay $0x1  }
0x93: {  	v8 =	vnsel vm0, $0x0, v8;
	_ =	sdelay $0x2  }
0x94: {  	v12 =	vld.idx.msk [tilespmem:v7+s20+$0x0], $0xffff;
	_ =	sdelay $0x1  }
0x95: {  	v13 =	vld.idx.msk [tilespmem:v8+s21+$0x0], $0xffff;
	_ =	sdelay $0x3  }
0x96: {  	v10 =	vadd.f32 v10, v12;
	_ =	sdelay $0x1  }
0x97: {  	v10 =	vadd.f32 v10, v13;
	_ =	sdelay $0x1  }
0x98: {  	v10 =	vsub.f32 $0.0e+00, v10;
	_ =	sdelay $0x1  }
0x99: {  	v10 =	vmul.f32 $1.442695020e+00, v10;
	_ =	sdelay $0x1  }
0x9a: {  	(erf) = vpow2.f32 v10;
	_ =	sdelay $0x7  }
0x9b: {  	v9 =	vnsel vm0, $0x0, v9  }
0x9c: {  	v10 =	vpop (erf)  }
0x9d: {  	v7 =	vld.idx.msk [tilespmem:v7+s3+$0x0], $0xffff;
	v10 =	vadd.f32 $1.000000000e+00, v10  }
0x9e: {  	v12 =	vld.idx.msk [tilespmem:v8+s19+$0x0], $0xffff  }
0x9f: {  	(erf) = vrcp.f32 v10  }
0xa0: {  	v9 =	vld.idx.msk [tilespmem:v9+s22+$0x0], $0xffff;
	_ =	sdelay $0x3  }
0xa1: {  	v7 =	vadd.f32 v12, v7;
	_ =	sdelay $0x1  }
0xa2: {  	v7 =	vadd.f32 v9, v7;
	_ =	sdelay $0x1  }
0xa3: {  	v9 =	vmul.f32 $2.000000030e-01, v7;
	v10 =	vpop (erf)  }
0xa4: {  	vm1 =	vgt.f32 v7, $0.0e+00;
	v11 =	vmul.f32 v10, v11  }
0xa5: {  	v7 =	vsel vm1, v7, v9  }
0xa6: {  	v7 =	vadd.f32 v11, v7;
	_ =	sdelay $0x1  }
0xa7: {  	v7 =	vmul.f32 $1.442695020e+00, v7;
	_ =	sdelay $0x1  }
0xa8: {  	(erf) = vpow2.f32 v7;
	_ =	sdelay $0x7  }
0xa9: {  	s23 =	sadd.s32 $0x10, s23  }
.Ltmp1:
0xaa: {  	s29 =	sadd.s32 $0x10, s29;
	[tilespmem:s23+$0x0] =	vst v10;
	v7 =	vpop (erf);
	(pc) =	sbr.rel @p2 .LBB2_4-.Ltmp1, $4  }
0xab: {  	[tilespmem:s29+$0x0] =	vst v7  }
0xac: {  	s5 =	sadd.s32 $0x10, s5;
	[tilespmem:v8+s30+$0x0] =	vst.idx.add.f32.msk vm0, v7  }
0xad: {  	s26 =	sadd.s32 $0x10, s26;
	v7 =	vld [tilespmem:s5+$0x0]  }
0xae: {  	s2 =	sadd.s32 $0x10, s2;
	s24 =	sadd.s32 $0x10, s24;
	v8 =	vld [tilespmem:s26+$0x0]  }
0xaf: {  	_ = 	snop  }
0xb0: {  	v9 =	vmov s0  }
0xb1: {  	vm0 =	vlt.u32 v9, v6  }
0xb2: {  	v7 =	vnsel vm0, $0x0, v7;
	_ =	sdelay $0x1  }
0xb3: {  	v8 =	vnsel vm0, $0x0, v8  }
0xb4: {  	s2 =	sadd.s32 $0x10, s31  }
0xb5: {  	v9 =	vld [tilespmem:s2+$0x0]  }
0xb6: {  	v10 =	vld.idx.msk [tilespmem:v7+s20+$0x0], $0xffff;
	_ =	sdelay $0x1  }
0xb7: {  	v11 =	vld.idx.msk [tilespmem:v8+s21+$0x0], $0xffff;
	_ =	sdelay $0x2  }
0xb8: {  	v9 =	vadd.f32 v9, v10;
	_ =	sdelay $0x1  }
0xb9: {  	v9 =	vadd.f32 v9, v11;
	_ =	sdelay $0x1  }
0xba: {  	v9 =	vsub.f32 $0.0e+00, v9;
	_ =	sdelay $0x1  }
0xbb: {  	v9 =	vmul.f32 $1.442695020e+00, v9;
	_ =	sdelay $0x1  }
0xbc: {  	(erf) = vpow2.f32 v9;
	_ =	sdelay $0x3  }
0xbd: {  	v9 =	vld [tilespmem:s24+$0x0];
	_ =	sdelay $0x4  }
0xbe: {  	v9 =	vnsel vm0, $0x0, v9;
	v10 =	vpop (erf)  }
0xbf: {  	v10 =	vadd.f32 $1.000000000e+00, v10  }
0xc0: {  	v7 =	vld.idx.msk [tilespmem:v7+s3+$0x0], $0xffff  }
0xc1: {  	v11 =	vld.idx.msk [tilespmem:v8+s19+$0x0], $0xffff;
	(erf) = vrcp.f32 v10;
	_ =	sdelay $0x1  }
0xc2: {  	v9 =	vld.idx.msk [tilespmem:v9+s22+$0x0], $0xffff;
	_ =	sdelay $0x1  }
0xc3: {  	s5 =	sadd.s32 $0x10, s1  }
0xc4: {  	v7 =	vadd.f32 v11, v7;
	v10 =	vld [tilespmem:s5+$0x0];
	_ =	sdelay $0x1  }
0xc5: {  	v7 =	vadd.f32 v9, v7;
	_ =	sdelay $0x1  }
0xc6: {  	v9 =	vmul.f32 $2.000000030e-01, v7;
	v11 =	vpop (erf)  }
0xc7: {  	vm1 =	vgt.f32 v7, $0.0e+00;
	v10 =	vmul.f32 v11, v10  }
0xc8: {  	v7 =	vsel vm1, v7, v9  }
0xc9: {  	v7 =	vadd.f32 v10, v7;
	_ =	sdelay $0x1  }
0xca: {  	v7 =	vmul.f32 $1.442695020e+00, v7;
	_ =	sdelay $0x1  }
0xcb: {  	(erf) = vpow2.f32 v7;
	_ =	sdelay $0x7  }
0xcc: {  	s23 =	sadd.s32 $0x10, s23  }
0xcd: {  	s24 =	sadd.s32 $0x10, s29;
	[tilespmem:s23+$0x0] =	vst v11;
	v7 =	vpop (erf)  }
0xce: {  	[tilespmem:s24+$0x0] =	vst v7  }
0xcf: {  	s26 =	simm.s32 $0x0;
	s29 =	simm.s32 $0x10480;
	[tilespmem:v8+s30+$0x0] =	vst.idx.add.f32.msk vm0, v7  }
0xd0: {  	[hbm4b:s14+s26] =	stream.linear.scatter [tilespmem:s29], [sflag:$0x1], $0x1388, $0x38;
	[tilespmem:$0x17F80] =	vst v63  }
0xd1: {  	_ =	swait.ge [sflag:s18], $0x1388  }
0xd2: {  	[sflag:s18] =	ssyncset.done $0x0  }
0xd3: {  	s31 =	simm.s32 $0x11880;
	[sflag:s18] =	ssyncadd.s32 $0xFFFFEC78  }
0xd4: {  	[hbm4b:s15+s26] =	stream.linear.scatter [tilespmem:s31], [sflag:$0x1], $0x1388, $0x38;
	[tilespmem:$0x17F80] =	vst v63  }
0xd5: {  	_ =	swait.ge [sflag:s18], $0x1388  }
0xd6: {  	[sflag:s18] =	ssyncset.done $0x0  }
0xd7: {  	s0 =	simm.s32 $0x0;
	[sflag:s18] =	ssyncadd.s32 $0xFFFFEC78  }
0xd8: {  	v10 =	vld [tilespmem:s0+$0x12CF0]  }
0xd9: {  	v11 =	vld [tilespmem:s0+$0x12C80]  }
0xda: {  	v12 =	vld [tilespmem:s0+$0x12C90]  }
0xdb: {  	v9 =	vld [tilespmem:s0+$0x12CA0]  }
0xdc: {  	v7 =	vld [tilespmem:s0+$0x12CB0]  }
0xdd: {  	v8 =	vld [tilespmem:s0+$0x12CC0];
	[tilespmem:s0+$0x154F0] =	vst v10  }
0xde: {  	[tilespmem:s0+$0x15480] =	vst v11;
	v10 =	vld [tilespmem:s0+$0x12CD0]  }
0xdf: {  	s1 =	simm.s32 $0x80;
	s2 =	simm.s32 $0x400;
	[tilespmem:s0+$0x15490] =	vst v12;
	v11 =	vld [tilespmem:s0+$0x12CE0]  }
.LBB2_6:
0xe0: {  	p2 =	sne.s32 s2, $0x9E00;
	v12 =	vld [tilespmem:s1+$0x12CF0];
	[tilespmem:s0+$0x154A0] =	vst v9  }
0xe1: {  	v13 =	vld [tilespmem:s1+$0x12C80];
	[tilespmem:s0+$0x154B0] =	vst v7  }
0xe2: {  	v14 =	vld [tilespmem:s1+$0x12C90];
	[tilespmem:s0+$0x154C0] =	vst v8  }
.Ltmp2:
0xe3: {  	v9 =	vld [tilespmem:s1+$0x12CA0];
	[tilespmem:s0+$0x154D0] =	vst v10;
	(pc) =	sbr.rel @p2 .LBB2_6-.Ltmp2, $4  }
0xe4: {  	v7 =	vld [tilespmem:s1+$0x12CB0];
	[tilespmem:s0+$0x154E0] =	vst v11;
	s0 =	smov.u32 s1  }
0xe5: {  	v8 =	vld [tilespmem:s0+$0x12CC0];
	[tilespmem:s0+$0x154F0] =	vst v12  }
0xe6: {  	[tilespmem:s0+$0x15480] =	vst v13;
	v10 =	vld [tilespmem:s0+$0x12CD0]  }
0xe7: {  	s1 =	sshra.s32 s2, $0x2;
	s2 =	sadd.s32 $0x200, s2;
	[tilespmem:s0+$0x15490] =	vst v14;
	v11 =	vld [tilespmem:s0+$0x12CE0]  }
0xe8: {  	v12 =	vld [tilespmem:s1+$0x12CF0];
	[tilespmem:s0+$0x154A0] =	vst v9  }
0xe9: {  	v9 =	vld [tilespmem:s1+$0x12C80];
	[tilespmem:s0+$0x154B0] =	vst v7  }
0xea: {  	v7 =	vld [tilespmem:s1+$0x12C90];
	[tilespmem:s0+$0x154C0] =	vst v8  }
0xeb: {  	v8 =	vld [tilespmem:s1+$0x12CA0];
	[tilespmem:s0+$0x154D0] =	vst v10  }
0xec: {  	v10 =	vld [tilespmem:s1+$0x12CB0];
	[tilespmem:s0+$0x154E0] =	vst v11  }
0xed: {  	v11 =	vld [tilespmem:s1+$0x12CC0];
	[tilespmem:s1+$0x154F0] =	vst v12  }
0xee: {  	v63 =	vld [tilespmem:s1+$0x12CD0];
	[tilespmem:s1+$0x15480] =	vst v9  }
0xef: {  	[tilespmem:s1+$0x15490] =	vst v7;
	v7 =	vld [tilespmem:s1+$0x12CE0]  }
0xf0: {  	[tilespmem:s1+$0x154A0] =	vst v8  }
0xf1: {  	[tilespmem:s1+$0x154B0] =	vst v10  }
0xf2: {  	[tilespmem:s1+$0x154C0] =	vst v11  }
0xf3: {  	[tilespmem:s1+$0x154D0] =	vst v63  }
0xf4: {  	s29 =	simm.s32 $0x50;
	[tilespmem:s1+$0x154E0] =	vst v7  }
0xf5: {  	s31 =	simm.s32 $0x17C80;
	s2 =	simm.s32 $0x15480;
	[bflag:$0x0] =	sbarrier.arrive $0xFFFF  }
0xf6: {  	[spmem:s4] =	stream.indirect.scatter.add.f32 [tilespmem:s2], [sflag:$0x1], $0x80, s31, s29, $0xb8;
	[tilespmem:$0x17F80] =	vst v63  }
0xf7: {  	_ =	swait.ge [sflag:s18], $0x2800  }
0xf8: {  	s0 =	stileid.u32;
	[sflag:s18] =	ssyncset.done $0x0  }
0xf9: {  	s28 =	sadd.s32 $0x1, s28;
	s0 =	sshll.u32 @!p1 s0, $0x6;
	[sflag:s18] =	ssyncadd.s32 $0xFFFFD800  }
0xfa: {  	p2 =	sne.s32 s28, s17;
	s0 =	sor.u32 @!p1 $0x1C01, s0;
	[bflag:$0x0] =	sbarrier.arrive $0xFFFF  }
0xfb: {  	[hbm:s16], [sflag:s0] =	dma.local @!p1 [spmem:s25], $0x80  }
.Ltmp3:
0xfc: {  	_ = 	snop;
	(pc) =	sbr.rel @p2 .LBB2_1-.Ltmp3, $4  }
0xfd: {  	s0 =	simm.s32 @!p1 $0x1  }
0xfe: {  	_ =	swait.ge @!p1 [sflag:s0], $0x80  }
0xff: {  	[sflag:s0] =	ssyncset.done @!p1 $0x0  }
0x100: {  	s23 =	smov.u32 s4;
	[sflag:s0] =	ssyncadd.s32 @!p1 $0xFFFFFF80  }
0x101: {  	_ =	sfence.sel $0x180000  }
0x102: {  	[bflag:$0x0] =	sbarrier.arrive $0xFFFF  }
0x103: {  	_ =	strace $0x9000004D  }
0x104: {  	[bflag:$0x2] =	sbarrier.arrive $0xFFFF  }
0x105: {  	s0 =	rddreg [dreg:$0x6]  }
0x106: {  	s0 =	sadd.s32 @!p0 $0x100000, s0  }
0x107: {  	[sflag:s0] =	ssyncadd.tile.s32 @!p0 $0x1;
	_ =	shalt  }
.Lfunc_end2:
_tile_overlayer_lowered:
.L_overlay_start_2:
0x108: {  	(tag) =	ssettag $0x2  }
0x109: {  	s0 =	rddreg [dreg:$0x0];
	s2 =	stileid.u32  }
0x10a: {  	s1 =	rddreg [dreg:$0x1];
	p0 =	sne.s32 s2, $0x0  }
0x10b: {  	s3 =	rddreg [dreg:$0x2];
	[bflag:$0x3] =	sbarrier.arrive $0xFFFF;
	s2 =	simm.s32 @!p0 $0x1C01  }
0x10c: {  	[timem:s3], [sflag:s2] =	dma.local @!p0 [hbm:s0], s1  }
0x10d: {  	s0 =	simm.s32 @!p0 $0x1  }
0x10e: {  	_ =	swait.ge @!p0 [sflag:s0], s1  }
0x10f: {  	s1 =	ssub.s32 @!p0 $0x0, s1;
	[sflag:s0] =	ssyncset.done @!p0 $0x0  }
0x110: {  	[sflag:s0] =	ssyncadd.s32 @!p0 s1  }
0x111: {  	[bflag:$0x3] =	sbarrier.arrive $0xFFFF  }
0x112: {  	_ =	shalt  }

// kernel: kernel.20.cloned.1.call-start
scs
__scs_entry_jumppad:
0x0: {  	(pc) =	sbr.rel $0x88, $3  }
0x1: {  	(tag) =	ssettag $0x0;
	lr =	simm.s32 $0x1  }
0x2: {  	[smem:$0x3F6E] =	sst lr;
	_ =	strace $0xD0000000  }
0x3: {  	_ = 	snop  }
0x4: {  	_ = 	snop  }
0x5: {  	_ = 	snop  }
0x6: {  	_ = 	snop  }
0x7: {  	_ = 	snop  }
__scs_overlays_trampoline_lowered:
0x8: {  	[smem:$0x3F7D] =	sst s0  }
0x9: {  	[smem:$0x3F7E] =	sst s1  }
0xa: {  	[smem:$0x3F7F] =	sst s2  }
0xb: {  	[smem:$0x3F80] =	sst s3  }
0xc: {  	[smem:$0x3F81] =	sst s4  }
0xd: {  	[smem:$0x3F82] =	sst s5  }
0xe: {  	[smem:$0x3F83] =	sst s6  }
0xf: {  	[smem:$0x3F84] =	sst s7  }
0x10: {  	[smem:$0x3F85] =	sst s8  }
0x11: {  	[smem:$0x3F86] =	sst s9;
	s0 =	simm.s32 @!p0 $0x0  }
0x12: {  	s1 =	sld [smem:$0x3F6C];
	s0 =	simm.s32 @p0 $0x1  }
0x13: {  	[smem:$0x3F87] =	sst s0;
	s0 =	simm.s32 @!p1 $0x0  }
0x14: {  	s2 =	sld [smem:$0x3F6B];
	s0 =	simm.s32 @p1 $0x1  }
0x15: {  	[smem:$0x3F88] =	sst s0;
	s0 =	simm.s32 @!p2 $0x0  }
0x16: {  	s3 =	sld [smem:$0x3FDB];
	s0 =	simm.s32 @p2 $0x1  }
0x17: {  	s4 =	simm.s32 $0x1BF5;
	[smem:$0x3F8A] =	sst s0  }
0x18: {  	s0 =	sld [smem:$0x3F6D];
	_ =	swait.ge [sflag:s4], $0x0  }
0x19: {  	s7 =	sld [smem:$0x3F6E]  }
0x1a: {  	s8 =	sadd.s32 $0xFFFFE003, lr  }
0x1b: {  	s9 =	sadd.s32 $0xFFFFFEF7, lr;
	s5 =	simm.s32 $0xFFFFFFFF;
	p2 =	slt.u32 s8, $0xFFFFF086  }
0x1c: {  	p1 =	slt.u32 s9, $0xF7A;
	s5 =	simm.s32 @!p2 $0x0  }
0x1d: {  	s5 =	simm.s32 @p1 $0x1;
	p0 =	seq.s32 s7, s2  }
0x1e: {  	s7 =	smul.u32 @!p0 $0xF7A, s2;
	p2 =	seq.s32 @!p0 s5, $0x0  }
0x1f: {  	s9 =	smul.u32 $0xF7A, s1;
	s8 =	simm.s32 @!p0 $0x1BF5;
	p2 =	por !p2, p0  }
0x20: {  	[sflag:s8] =	ssyncset.s32 @!p0 $0xFFFFF086;
	s6 =	sadd.s32 @!p0 s3, s7;
	s7 =	simm.s32 @!p0 $0x108  }
0x21: {  	s3 =	sadd.s32 s3, s9;
	s6 =	sadd.s32 @!p0 $0x88, s6;
	s7 =	simm.s32 @p2 $0x1082  }
0x22: {  	[simem:s7], [sflag:s8] =	dma.local @!p0 [hbm:s6], $0xF7A  }
0x23: {  	s9 =	sor.u32 $0xD0000000, s2;
	s6 =	simm.s32 $0x108;
	_ =	swait.ge @!p0 [sflag:s8], $0x0  }
0x24: {  	s3 =	sadd.s32 $0x88, s3;
	s6 =	simm.s32 @!p1 $0x1082;
	[sflag:s4] =	ssyncset.s32 $0xFFFFF086  }
0x25: {  	[simem:s6], [sflag:s4] =	dma.local [hbm:s3], $0xF7A  }
0x26: {  	[smem:$0x3F6E] =	sst s1;
	(tag) =	ssettag s2;
	_ =	strace s9  }
0x27: {  	s1 =	sld [smem:$0x3F7E]  }
0x28: {  	s2 =	sld [smem:$0x3F7F]  }
0x29: {  	s4 =	sld [smem:$0x3F81]  }
0x2a: {  	p0 =	seq.s32 s5, $0x0;
	s5 =	sld [smem:$0x3F82]  }
0x2b: {  	s6 =	sld [smem:$0x3F83]  }
0x2c: {  	s7 =	sld [smem:$0x3F84]  }
0x2d: {  	s3 =	simm.s32 $0x108;
	s8 =	sld [smem:$0x3F85]  }
0x2e: {  	s3 =	simm.s32 @!p0 $0x1082;
	s9 =	sld [smem:$0x3F86]  }
0x2f: {  	lr =	sadd.s32 s0, s3;
	s0 =	sld [smem:$0x3F7D]  }
0x30: {  	s3 =	sld [smem:$0x3F80]  }
0x31: {  	[smem:$0x3F89] =	sst s10  }
0x32: {  	s10 =	sld [smem:$0x3F87];
	_ =	sdelay $0x3  }
0x33: {  	p0 =	seq.s32 s10, $0x1;
	s10 =	sld [smem:$0x3F89];
	_ =	sdelay $0x3  }
0x34: {  	[smem:$0x3F89] =	sst s10  }
0x35: {  	s10 =	sld [smem:$0x3F88];
	_ =	sdelay $0x3  }
0x36: {  	p1 =	seq.s32 s10, $0x1;
	s10 =	sld [smem:$0x3F89];
	_ =	sdelay $0x3  }
0x37: {  	[smem:$0x3F89] =	sst s10  }
0x38: {  	s10 =	sld [smem:$0x3F8A]  }
0x39: {  	_ = 	snop;
	(pc) =	sbr.ind lr, $3  }
0x3a: {  	_ = 	snop  }
0x3b: {  	_ = 	snop  }
0x3c: {  	p2 =	seq.s32 s10, $0x1;
	s10 =	sld [smem:$0x3F89]  }
0x3d: {  	_ =	shalt  }
0x3e: {  	_ =	shalt  }
0x3f: {  	_ =	shalt  }
0x40: {  	_ =	shalt  }
0x41: {  	_ =	shalt  }
0x42: {  	_ =	shalt  }
0x43: {  	_ =	shalt  }
0x44: {  	_ =	shalt  }
0x45: {  	_ =	shalt  }
0x46: {  	_ =	shalt  }
0x47: {  	_ =	shalt  }
0x48: {  	_ =	shalt  }
0x49: {  	_ =	shalt  }
0x4a: {  	_ =	shalt  }
0x4b: {  	_ =	shalt  }
0x4c: {  	_ =	shalt  }
0x4d: {  	_ =	shalt  }
0x4e: {  	_ =	shalt  }
0x4f: {  	_ =	shalt  }
0x50: {  	_ =	shalt  }
0x51: {  	_ =	shalt  }
0x52: {  	_ =	shalt  }
0x53: {  	_ =	shalt  }
0x54: {  	_ =	shalt  }
0x55: {  	_ =	shalt  }
0x56: {  	_ =	shalt  }
0x57: {  	_ =	shalt  }
0x58: {  	_ =	shalt  }
0x59: {  	_ =	shalt  }
0x5a: {  	_ =	shalt  }
0x5b: {  	_ =	shalt  }
0x5c: {  	_ =	shalt  }
0x5d: {  	_ =	shalt  }
0x5e: {  	_ =	shalt  }
0x5f: {  	_ =	shalt  }
0x60: {  	_ =	shalt  }
0x61: {  	_ =	shalt  }
0x62: {  	_ =	shalt  }
0x63: {  	_ =	shalt  }
0x64: {  	_ =	shalt  }
0x65: {  	_ =	shalt  }
0x66: {  	_ =	shalt  }
0x67: {  	_ =	shalt  }
0x68: {  	_ =	shalt  }
0x69: {  	_ =	shalt  }
0x6a: {  	_ =	shalt  }
0x6b: {  	_ =	shalt  }
0x6c: {  	_ =	shalt  }
0x6d: {  	_ =	shalt  }
0x6e: {  	_ =	shalt  }
0x6f: {  	_ =	shalt  }
0x70: {  	_ =	shalt  }
0x71: {  	_ =	shalt  }
0x72: {  	_ =	shalt  }
0x73: {  	_ =	shalt  }
0x74: {  	_ =	shalt  }
0x75: {  	_ =	shalt  }
0x76: {  	_ =	shalt  }
0x77: {  	_ =	shalt  }
0x78: {  	_ =	shalt  }
0x79: {  	_ =	shalt  }
0x7a: {  	_ =	shalt  }
0x7b: {  	_ =	shalt  }
0x7c: {  	_ =	shalt  }
0x7d: {  	_ =	shalt  }
0x7e: {  	_ =	shalt  }
0x7f: {  	_ =	shalt  }
0x80: {  	_ =	shalt  }
0x81: {  	_ =	shalt  }
0x82: {  	_ =	shalt  }
0x83: {  	_ =	shalt  }
0x84: {  	_ =	shalt  }
0x85: {  	_ =	shalt  }
0x86: {  	_ =	shalt  }
0x87: {  	_ =	shalt  }
.Lfunc_end0:
.L_simem_size_0:
called_computation.3_lowered:
.L_overlay_start_0:
0x88: {  	s2 =	sld [smem:$0x3FD9]  }
0x89: {  	s3 =	sld [smem:$0x3FFE];
	_ =	sdelay $0x1  }
0x8a: {  	s1 =	srdreg.scid  }
0x8b: {  	s0 =	sand.u32 $0x1, s1  }
0x8c: {  	s14 =	sshll.u32 s0, $0xA;
	s2 =	sadd.s32 s3, s2  }
0x8d: {  	s2 =	sadd.s32 s2, s14  }
0x8e: {  	[smem:$0x3F95] =	sst s2  }
0x8f: {  	_ = 	snop  }
0x90: {  	s2 =	sld [smem:$0x3FD0];
	_ =	sdelay $0x2  }
0x91: {  	s15 =	simm.s32 $0xA;
	s4 =	simm.s32 $0x10  }
0x92: {  	[smem:s4], [sflag:s15] =	dma.local [hbm:s2], $0x1  }
0x93: {  	_ =	swait.eq [sflag:s15], $0x1  }
0x94: {  	[sflag:s15] =	ssyncset.done $0x0  }
0x95: {  	s16 =	sld [smem:$0x10];
	[sflag:s15] =	ssyncadd.s32 $0xFFFFFFFF  }
0x96: {  	s17 =	sld [smem:$0x11];
	(tm) =	ssettm $0x1  }
0x97: {  	s18 =	sld [smem:$0x3FFB];
	_ =	sdelay $0x3  }
0x98: {  	_ =	strace s18  }
0x99: {  	s4 =	sld [smem:$0x3FFC];
	_ =	sdelay $0x3  }
0x9a: {  	_ =	strace s4  }
0x9b: {  	s4 =	sld [smem:$0x3FFD];
	_ =	sdelay $0x3  }
0x9c: {  	_ =	strace s4  }
0x9d: {  	_ =	strace $0x8FFFFFFF  }
0x9e: {  	s19 =	sld [smem:$0x3FDB];
	_ =	sdelay $0x1  }
0x9f: {  	s5 =	simm.s32 $_scs_section_size  }
0xa0: {  	s6 =	simm.s32 $_size__tile_overlayer_lowered;
	s7 =	simm.s32 $_tile_overlayer_lowered  }
0xa1: {  	s22 =	simm.s32 $0x1BFF;
	s21 =	sshll.u32 s7, $0x1;
	s4 =	sadd.s32 s5, s19  }
0xa2: {  	s8 =	simm.s32 $0x0;
	s20 =	sshll.u32 s6, $0x1;
	s6 =	sadd.s32 s21, s4  }
0xa3: {  	[timem:s8], [sflag:s22] =	dma.local [hbm:s6], s20  }
0xa4: {  	_ =	swait.ge [sflag:s22], s20  }
0xa5: {  	s5 =	ssub.s32 $0x0, s20;
	[sflag:s22] =	ssyncset.done $0x0  }
0xa6: {  	[sflag:s22] =	ssyncadd.s32 s5;
	_ =	sdelay $0x1  }
0xa7: {  	s23 =	simm.s32 $0x1B8B  }
0xa8: {  	_ =	swait.ge [sflag:s23], $0x1  }
0xa9: {  	[sflag:s23] =	ssyncset.done $0x0  }
0xaa: {  	s25 =	simm.s32 $0x1B8E;
	s24 =	sld [smem:$0x3FFE];
	[sflag:s23] =	ssyncadd.s32 $0xFFFFFFFF  }
0xab: {  	s26 =	simm.s32 $execute0_lowered;
	[smem:$0x3FD2] =	sst s25  }
0xac: {  	s6 =	sshll.u32 s26, $0x1;
	_ =	strace $0x8000004F;
	[dreg:$0x1] =	wrdreg $0xFFFFFFFF  }
0xad: {  	s28 =	simm.s32 $_size_execute0_lowered;
	s4 =	sadd.s32 s4, s6;
	[dreg:$0x0] =	wrdreg $0x0  }
0xae: {  	s6 =	sshll.u32 s28, $0x1;
	[dreg:$0x2] =	wrdreg s4  }
0xaf: {  	[dreg:$0x3] =	wrdreg s6  }
0xb0: {  	[dreg:$0x4] =	wrdreg $0xC0  }
0xb1: {  	_ =	task [dreg:s8], $0x5FFFF  }
0xb2: {  	[dreg:$0x1] =	wrdreg $0xFFFFFFFF  }
0xb3: {  	[dreg:$0x0] =	wrdreg $0x60  }
0xb4: {  	[dreg:$0x2] =	wrdreg s17  }
0xb5: {  	[dreg:$0x3] =	wrdreg s24  }
0xb6: {  	[dreg:$0x4] =	wrdreg s16  }
0xb7: {  	[dreg:$0x5] =	wrdreg $0xB2800  }
0xb8: {  	[dreg:$0x6] =	wrdreg $0x9  }
0xb9: {  	_ =	task.clear_ibuf [dreg:s8], $0x7FFFF;
	_ =	strace $0x9000004F  }
0xba: {  	s29 =	simm.s32 $0x9;
	_ =	strace $0x80000051  }
0xbb: {  	_ =	swait.ge [sflag:s29], $0x1  }
0xbc: {  	[sflag:s29] =	ssyncadd.s32 $0xFFFFFFFF  }
0xbd: {  	_ =	strace $0x90000051  }
0xbe: {  	_ =	sfence  }
0xbf: {  	s30 =	sld [smem:$0x0];
	_ =	sdelay $0x2  }
0xc0: {  	s31 =	sshll.u32 s1, $0xD;
	s1 =	sshrl.u32 s1, $0x2  }
0xc1: {  	s3 =	sand.u32 $0x4000, s31;
	s1 =	sadd.s32 s1, s30  }
0xc2: {  	s0 =	sor.u32 s3, s0;
	s1 =	sshll.u32 s1, $0x11  }
0xc3: {  	s0 =	sor.u32 s1, s0  }
0xc4: {  	s0 =	sadd.s32 $0x8F2B, s0  }
0xc5: {  	[sflag:s0] =	ssyncadd.remote.s32 $0x1  }
0xc6: {  	_ =	sfence.sel $0xFFFF  }
0xc7: {  	[dreg:$0x0] =	wrdreg $0xFFFFFFFF;
	(pc) =	sbr.abs _section_cstart, $3  }
0xc8: {  	[dreg:$0x1] =	wrdreg $0xFFFFFFFF  }
0xc9: {  	_ =	task.clear_ibuf [dreg:s8], $0x2FFFF;
	_ =	strace $0x9FFFFFFF  }
0xca: {  	(tm) =	ssettm $0x7FFFFFFF  }
0xcb: {  	_ =	shalt  }
tec
execute0_lowered:
.L_overlay_start_1:
0x0: {  	(tag) =	ssettag $0x1  }
0x1: {  	s1 =	rddreg [dreg:$0x0]  }
0x2: {  	s14 =	rddreg [dreg:$0x1]  }
0x3: {  	s0 =	rddreg [dreg:$0x2];
	s2 =	srdreg.scid  }
0x4: {  	s13 =	stileid.u32;
	s4 =	rddreg [dreg:$0x3];
	s5 =	simm.s32 $0x0  }
0x5: {  	s28 =	simm.s32 $0x2;
	s29 =	simm.s32 $0x1400;
	s30 =	simm.s32 $0x5500  }
0x6: {  	s31 =	simm.s32 $0x80;
	s2 =	sand.u32 $0x1, s2;
	s3 =	sshll.u32 s13, $0x1  }
0x7: {  	[smem:$0x7FF] =	sst s5;
	s25 =	sadd.s32 $0x1400, s14;
	s8 =	sadd.s32 $0xBA00, s14  }
0x8: {  	s9 =	sadd.s32 $0x10A00, s14;
	s10 =	sadd.s32 $0x15A00, s14;
	s16 =	sadd.s32 $0x10, s14  }
0x9: {  	s17 =	sadd.s32 $0x150, s14;
	_ =	strace $0x80000050;
	[dreg:$0x5] =	wrdreg s25  }
0xa: {  	s18 =	sadd.s32 $0x290, s14;
	s19 =	sadd.s32 $0x3D0, s14;
	[dreg:$0x8] =	wrdreg s16  }
0xb: {  	s20 =	smul.u32 $0x14000, s13;
	s21 =	sadd.s32 $0x510, s14;
	[dreg:$0x9] =	wrdreg s17  }
0xc: {  	s22 =	sadd.s32 $0x650, s14;
	p0 =	seq.s32 s13, $0xF;
	[dreg:$0xa] =	wrdreg s18  }
0xd: {  	s23 =	smul.u32 $0x50000, s13;
	s24 =	sadd.s32 $0x790, s14;
	[dreg:$0xb] =	wrdreg s19  }
0xe: {  	s13 =	simm.s32 $0x5D00;
	s3 =	sor.u32 s2, s3;
	[dreg:$0xc] =	wrdreg s21  }
0xf: {  	s7 =	ssub.s32 $0x2, s2;
	s2 =	smul.u32 $0x138800, s2;
	[dreg:$0xd] =	wrdreg s22  }
0x10: {  	s19 =	simm.s32 $0xA;
	[dreg:$0xe] =	wrdreg s24;
	s6 =	smul.u32 $0x1400, s3  }
0x11: {  	s12 =	sshrl.u32 s7, $0x1;
	s19 =	simm.s32 @!p0 $0x10;
	s25 =	sshrl.u32 s23, $0x2  }
0x12: {  	s7 =	ssub.s32 s7, s12;
	s22 =	sadd.s32 s25, s4;
	s26 =	sshrl.u32 s6, $0x3  }
0x13: {  	s12 =	simm.s32 $0xB200;
	s11 =	sadd.s32 s26, s14;
	s3 =	sadd.s32 s9, s26  }
0x14: {  	s26 =	smax.u32 s7, $0x1;
	s7 =	simm.s32 $0xB100;
	[dreg:$0x6] =	wrdreg s3  }
0x15: {  	s15 =	sadd.s32 $0x1600, s11;
	s3 =	sadd.s32 s20, s2;
	s2 =	sshrl.u32 s2, $0x3  }
0x16: {  	[dreg:$0x11] =	wrdreg s26;
	s26 =	sadd.s32 $0x8D0, s14;
	s11 =	simm.s32 $0xB180  }
0x17: {  	s14 =	simm.s32 $0x1;
	[dreg:$0x7] =	wrdreg s15;
	s3 =	sshrl.u32 s3, $0x3  }
0x18: {  	v0 =	vlaneseq.u32;
	s15 =	simm.s32 $0x0;
	s3 =	sadd.s32 s0, s3;
	s0 =	sadd.s32 s0, s2  }
0x19: {  	v1 =	vimm.f32 $0.0e+00;
	v2 =	vor.u32 $0x10, v0;
	s2 =	sadd.s32 $0x12C000, s4;
	[dreg:$0xf] =	wrdreg s3;
	s0 =	sadd.s32 $0x25800, s0  }
0x1a: {  	v3 =	vor.u32 $0x20, v0;
	v4 =	vor.u32 $0x30, v0;
	v5 =	vor.u32 $0x40, v0;
	s3 =	simm.s32 $0x100;
	[dreg:$0x10] =	wrdreg s0;
	s0 =	sshrl.u32 @p0 s2, $0x3  }
0x1b: {  	v6 =	vor.u32 $0x50, v0;
	v7 =	vor.u32 $0x60, v0;
	v8 =	vor.u32 $0x70, v0;
	s2 =	simm.s32 $0x9D00;
	[dreg:$0x12] =	wrdreg s0;
	s0 =	simm.s32 $0x2800  }
.LBB2_1:
0x1c: {  	s16 =	rddreg [dreg:$0x6]  }
0x1d: {  	[tilespmem:s5], [sflag:$0x2] =	stream.linear.gather [hbm4b:s16+s5], $0x1400, $0x38;
	[tilespmem:$0x1EB00] =	vst v63  }
0x1e: {  	_ =	swait.ge [sflag:s28], $0x1400  }
0x1f: {  	[sflag:s28] =	ssyncset.done $0x0  }
0x20: {  	s21 =	rddreg [dreg:$0x7];
	[sflag:s28] =	ssyncadd.s32 $0xFFFFEC00  }
0x21: {  	[tilespmem:s29], [sflag:$0x2] =	stream.linear.gather [hbm4b:s21+s5], $0x1400, $0x38;
	[tilespmem:$0x1EB00] =	vst v63  }
0x22: {  	_ =	swait.ge [sflag:s28], $0x1400  }
0x23: {  	[sflag:s28] =	ssyncset.done $0x0  }
0x24: {  	s23 =	rddreg [dreg:$0x5];
	[sflag:s28] =	ssyncadd.s32 $0xFFFFEC00  }
0x25: {  	[tilespmem:s30], [sflag:$0x2] =	stream.linear.gather [hbm4b:s23+s5], $0x800, $0x38;
	[tilespmem:$0x1EB00] =	vst v63  }
0x26: {  	_ =	swait.ge [sflag:s28], $0x800  }
0x27: {  	[sflag:s28] =	ssyncset.done $0x0  }
0x28: {  	[sflag:s28] =	ssyncadd.s32 $0xFFFFF800  }
0x29: {  	s24 =	rddreg [dreg:$0x1]  }
0x2a: {  	[tilespmem:s0], [sflag:$0x2] =	stream.strided.gather [hbm4b:s24+s31], $0x2800, s3, s31, $0x38;
	[tilespmem:$0x1EB00] =	vst v63  }
0x2b: {  	_ =	swait.ge [sflag:s28], $0x2800  }
0x2c: {  	[sflag:s28] =	ssyncset.done $0x0  }
0x2d: {  	s17 =	simm.s32 $0x5000;
	s25 =	rddreg [dreg:$0x8];
	[sflag:s28] =	ssyncadd.s32 $0xFFFFD800  }
0x2e: {  	[tilespmem:s17], [sflag:$0x2] =	stream.strided.gather [hbm4b:s25+s31], $0x500, s3, s31, $0x38;
	[tilespmem:$0x1EB00] =	vst v63  }
0x2f: {  	_ =	swait.ge [sflag:s28], $0x500  }
0x30: {  	[sflag:s28] =	ssyncset.done $0x0  }
0x31: {  	s16 =	simm.s32 $0x0;
	[sflag:s28] =	ssyncadd.s32 $0xFFFFFB00  }
0x32: {  	s17 =	simm.s32 $0x40;
	v9 =	vld [tilespmem:s16+$0x5000]  }
.LBB2_2:
0x33: {  	p1 =	sne.s32 s17, $0x13C0;
	v10 =	vld [tilespmem:s16+$0x2800];
	_ =	sdelay $0x2  }
.Ltmp0:
0x34: {  	(pc) =	sbr.rel @p1 .LBB2_2-.Ltmp0, $4  }
0x35: {  	_ = 	snop  }
0x36: {  	v10 =	vadd.f32 v9, v10  }
0x37: {  	s18 =	sshra.s32 s17, $0x2  }
0x38: {  	s17 =	sadd.s32 $0x40, s17;
	v9 =	vld [tilespmem:s18+$0x5000];
	[tilespmem:s16+$0x2800] =	vst v10;
	s16 =	smov.u32 s18  }
0x39: {  	v10 =	vld [tilespmem:s16+$0x2800];
	_ =	sdelay $0x4  }
0x3a: {  	v9 =	vadd.f32 v9, v10;
	_ =	sdelay $0x1  }
0x3b: {  	s17 =	rddreg [dreg:$0x9];
	[tilespmem:s16+$0x2800] =	vst v9;
	s16 =	simm.s32 $0x5000  }
0x3c: {  	[tilespmem:s16], [sflag:$0x2] =	stream.strided.gather [hbm4b:s17+s31], $0x500, s3, s31, $0x38;
	[tilespmem:$0x1EB00] =	vst v63  }
0x3d: {  	_ =	swait.ge [sflag:s28], $0x500  }
0x3e: {  	[sflag:s28] =	ssyncset.done $0x0  }
0x3f: {  	s25 =	simm.s32 $0x0;
	[sflag:s28] =	ssyncadd.s32 $0xFFFFFB00  }
0x40: {  	s18 =	simm.s32 $0x10;
	s17 =	sand.u32 $0x7F0, s25;
	v9 =	vld [tilespmem:s16+$0x0]  }
.LBB2_4:
0x41: {  	p1 =	sne.s32 s18, $0x4F0;
	v10 =	vld [tilespmem:s17+$0x2D00];
	_ =	sdelay $0x3  }
.Ltmp1:
0x42: {  	(pc) =	sbr.rel @p1 .LBB2_4-.Ltmp1, $3  }
0x43: {  	v9 =	vadd.f32 v9, v10;
	_ =	sdelay $0x1  }
0x44: {  	s16 =	sadd.s32 $0x10, s16;
	[tilespmem:s17+$0x2D00] =	vst v9  }
0x45: {  	s17 =	sand.u32 $0x7F0, s18;
	s18 =	sadd.s32 $0x10, s18;
	v9 =	vld [tilespmem:s16+$0x0]  }
0x46: {  	v10 =	vld [tilespmem:s17+$0x2D00];
	_ =	sdelay $0x4  }
0x47: {  	v9 =	vadd.f32 v9, v10;
	_ =	sdelay $0x1  }
0x48: {  	s16 =	simm.s32 $0x5000;
	s24 =	rddreg [dreg:$0xa];
	[tilespmem:s17+$0x2D00] =	vst v9  }
0x49: {  	[tilespmem:s16], [sflag:$0x2] =	stream.strided.gather [hbm4b:s24+s31], $0x500, s3, s31, $0x38;
	[tilespmem:$0x1EB00] =	vst v63  }
0x4a: {  	_ =	swait.ge [sflag:s28], $0x500  }
0x4b: {  	[sflag:s28] =	ssyncset.done $0x0  }
0x4c: {  	s25 =	simm.s32 $0x0;
	[sflag:s28] =	ssyncadd.s32 $0xFFFFFB00  }
0x4d: {  	s18 =	simm.s32 $0x10;
	s17 =	sand.u32 $0x7F0, s25;
	v9 =	vld [tilespmem:s16+$0x0]  }
.LBB2_6:
0x4e: {  	p1 =	sne.s32 s18, $0x4F0;
	v10 =	vld [tilespmem:s17+$0x3200];
	_ =	sdelay $0x3  }
.Ltmp2:
0x4f: {  	(pc) =	sbr.rel @p1 .LBB2_6-.Ltmp2, $3  }
0x50: {  	v9 =	vadd.f32 v9, v10;
	_ =	sdelay $0x1  }
0x51: {  	s16 =	sadd.s32 $0x10, s16;
	[tilespmem:s17+$0x3200] =	vst v9  }
0x52: {  	s17 =	sand.u32 $0x7F0, s18;
	s18 =	sadd.s32 $0x10, s18;
	v9 =	vld [tilespmem:s16+$0x0]  }
0x53: {  	v10 =	vld [tilespmem:s17+$0x3200];
	_ =	sdelay $0x4  }
0x54: {  	v9 =	vadd.f32 v9, v10;
	_ =	sdelay $0x1  }
0x55: {  	s16 =	simm.s32 $0x5000;
	s24 =	rddreg [dreg:$0xb];
	[tilespmem:s17+$0x3200] =	vst v9  }
0x56: {  	[tilespmem:s16], [sflag:$0x2] =	stream.strided.gather [hbm4b:s24+s31], $0x500, s3, s31, $0x38;
	[tilespmem:$0x1EB00] =	vst v63  }
0x57: {  	_ =	swait.ge [sflag:s28], $0x500  }
0x58: {  	[sflag:s28] =	ssyncset.done $0x0  }
0x59: {  	s25 =	simm.s32 $0x0;
	[sflag:s28] =	ssyncadd.s32 $0xFFFFFB00  }
0x5a: {  	s18 =	simm.s32 $0x10;
	s17 =	sand.u32 $0x7F0, s25;
	v9 =	vld [tilespmem:s16+$0x0]  }
.LBB2_8:
0x5b: {  	p1 =	sne.s32 s18, $0x4F0;
	v10 =	vld [tilespmem:s17+$0x3700];
	_ =	sdelay $0x3  }
.Ltmp3:
0x5c: {  	(pc) =	sbr.rel @p1 .LBB2_8-.Ltmp3, $3  }
0x5d: {  	v9 =	vadd.f32 v9, v10;
	_ =	sdelay $0x1  }
0x5e: {  	s16 =	sadd.s32 $0x10, s16;
	[tilespmem:s17+$0x3700] =	vst v9  }
0x5f: {  	s17 =	sand.u32 $0x7F0, s18;
	s18 =	sadd.s32 $0x10, s18;
	v9 =	vld [tilespmem:s16+$0x0]  }
0x60: {  	v10 =	vld [tilespmem:s17+$0x3700];
	_ =	sdelay $0x4  }
0x61: {  	v9 =	vadd.f32 v9, v10;
	_ =	sdelay $0x1  }
0x62: {  	s16 =	simm.s32 $0x5000;
	s24 =	rddreg [dreg:$0xc];
	[tilespmem:s17+$0x3700] =	vst v9  }
0x63: {  	[tilespmem:s16], [sflag:$0x2] =	stream.strided.gather [hbm4b:s24+s31], $0x500, s3, s31, $0x38;
	[tilespmem:$0x1EB00] =	vst v63  }
0x64: {  	_ =	swait.ge [sflag:s28], $0x500  }
0x65: {  	[sflag:s28] =	ssyncset.done $0x0  }
0x66: {  	s25 =	simm.s32 $0x0;
	[sflag:s28] =	ssyncadd.s32 $0xFFFFFB00  }
0x67: {  	s18 =	simm.s32 $0x10;
	s17 =	sand.u32 $0x7F0, s25;
	v9 =	vld [tilespmem:s16+$0x0]  }
.LBB2_10:
0x68: {  	p1 =	sne.s32 s18, $0x4F0;
	v10 =	vld [tilespmem:s17+$0x3C00];
	_ =	sdelay $0x3  }
.Ltmp4:
0x69: {  	(pc) =	sbr.rel @p1 .LBB2_10-.Ltmp4, $3  }
0x6a: {  	v9 =	vadd.f32 v9, v10;
	_ =	sdelay $0x1  }
0x6b: {  	s16 =	sadd.s32 $0x10, s16;
	[tilespmem:s17+$0x3C00] =	vst v9  }
0x6c: {  	s17 =	sand.u32 $0x7F0, s18;
	s18 =	sadd.s32 $0x10, s18;
	v9 =	vld [tilespmem:s16+$0x0]  }
0x6d: {  	v10 =	vld [tilespmem:s17+$0x3C00];
	_ =	sdelay $0x4  }
0x6e: {  	v9 =	vadd.f32 v9, v10;
	_ =	sdelay $0x1  }
0x6f: {  	s16 =	simm.s32 $0x5000;
	s24 =	rddreg [dreg:$0xd];
	[tilespmem:s17+$0x3C00] =	vst v9  }
0x70: {  	[tilespmem:s16], [sflag:$0x2] =	stream.strided.gather [hbm4b:s24+s31], $0x500, s3, s31, $0x38;
	[tilespmem:$0x1EB00] =	vst v63  }
0x71: {  	_ =	swait.ge [sflag:s28], $0x500  }
0x72: {  	[sflag:s28] =	ssyncset.done $0x0  }
0x73: {  	s25 =	simm.s32 $0x0;
	[sflag:s28] =	ssyncadd.s32 $0xFFFFFB00  }
0x74: {  	s18 =	simm.s32 $0x10;
	s17 =	sand.u32 $0x7F0, s25;
	v9 =	vld [tilespmem:s16+$0x0]  }
.LBB2_12:
0x75: {  	p1 =	sne.s32 s18, $0x4F0;
	v10 =	vld [tilespmem:s17+$0x4100];
	_ =	sdelay $0x3  }
.Ltmp5:
0x76: {  	(pc) =	sbr.rel @p1 .LBB2_12-.Ltmp5, $3  }
0x77: {  	v9 =	vadd.f32 v9, v10;
	_ =	sdelay $0x1  }
0x78: {  	s16 =	sadd.s32 $0x10, s16;
	[tilespmem:s17+$0x4100] =	vst v9  }
0x79: {  	s17 =	sand.u32 $0x7F0, s18;
	s18 =	sadd.s32 $0x10, s18;
	v9 =	vld [tilespmem:s16+$0x0]  }
0x7a: {  	v10 =	vld [tilespmem:s17+$0x4100];
	_ =	sdelay $0x4  }
0x7b: {  	v9 =	vadd.f32 v9, v10;
	_ =	sdelay $0x1  }
0x7c: {  	s16 =	simm.s32 $0x5000;
	s24 =	rddreg [dreg:$0xe];
	[tilespmem:s17+$0x4100] =	vst v9  }
0x7d: {  	[tilespmem:s16], [sflag:$0x2] =	stream.strided.gather [hbm4b:s24+s31], $0x500, s3, s31, $0x38;
	[tilespmem:$0x1EB00] =	vst v63  }
0x7e: {  	_ =	swait.ge [sflag:s28], $0x500  }
0x7f: {  	[sflag:s28] =	ssyncset.done $0x0  }
0x80: {  	s25 =	simm.s32 $0x0;
	[sflag:s28] =	ssyncadd.s32 $0xFFFFFB00  }
0x81: {  	s18 =	simm.s32 $0x10;
	s17 =	sand.u32 $0x7F0, s25;
	v9 =	vld [tilespmem:s16+$0x0]  }
.LBB2_14:
0x82: {  	p1 =	sne.s32 s18, $0x4F0;
	v10 =	vld [tilespmem:s17+$0x4600];
	_ =	sdelay $0x3  }
.Ltmp6:
0x83: {  	(pc) =	sbr.rel @p1 .LBB2_14-.Ltmp6, $3  }
0x84: {  	v9 =	vadd.f32 v9, v10;
	_ =	sdelay $0x1  }
0x85: {  	s16 =	sadd.s32 $0x10, s16;
	[tilespmem:s17+$0x4600] =	vst v9  }
0x86: {  	s17 =	sand.u32 $0x7F0, s18;
	s18 =	sadd.s32 $0x10, s18;
	v9 =	vld [tilespmem:s16+$0x0]  }
0x87: {  	v10 =	vld [tilespmem:s17+$0x4600];
	_ =	sdelay $0x4  }
0x88: {  	v9 =	vadd.f32 v9, v10;
	_ =	sdelay $0x1  }
0x89: {  	s16 =	simm.s32 $0x5000;
	[tilespmem:s17+$0x4600] =	vst v9  }
0x8a: {  	[tilespmem:s16], [sflag:$0x2] =	stream.strided.gather [hbm4b:s26+s31], $0x500, s3, s31, $0x38;
	[tilespmem:$0x1EB00] =	vst v63  }
0x8b: {  	_ =	swait.ge [sflag:s28], $0x500  }
0x8c: {  	[sflag:s28] =	ssyncset.done $0x0  }
0x8d: {  	s25 =	simm.s32 $0x0;
	[sflag:s28] =	ssyncadd.s32 $0xFFFFFB00  }
0x8e: {  	s18 =	simm.s32 $0x10;
	s17 =	sand.u32 $0x7F0, s25;
	v9 =	vld [tilespmem:s16+$0x0]  }
.LBB2_16:
0x8f: {  	p1 =	sne.s32 s18, $0x4F0;
	v10 =	vld [tilespmem:s17+$0x4B00];
	_ =	sdelay $0x3  }
.Ltmp7:
0x90: {  	(pc) =	sbr.rel @p1 .LBB2_16-.Ltmp7, $3  }
0x91: {  	v9 =	vadd.f32 v9, v10;
	_ =	sdelay $0x1  }
0x92: {  	s16 =	sadd.s32 $0x10, s16;
	[tilespmem:s17+$0x4B00] =	vst v9  }
0x93: {  	s17 =	sand.u32 $0x7F0, s18;
	s18 =	sadd.s32 $0x10, s18;
	v9 =	vld [tilespmem:s16+$0x0]  }
0x94: {  	v10 =	vld [tilespmem:s17+$0x4B00];
	_ =	sdelay $0x4  }
0x95: {  	v9 =	vadd.f32 v9, v10;
	_ =	sdelay $0x1  }
0x96: {  	s16 =	simm.s32 $0x0;
	[tilespmem:s17+$0x4B00] =	vst v9  }
0x97: {  	v9 =	vld [tilespmem:s16+$0x0];
	_ =	sdelay $0x7  }
0x98: {  	v9 =	vld.idx.msk [tilespmem:v9+s0+$0x0], $0xffff;
	_ =	sdelay $0x4  }
0x99: {  	v9 =	vadd.f32 $1.000000020e-16, v9;
	_ =	sdelay $0x1  }
0x9a: {  	(erf) = vrcp.f32 v9;
	_ =	sdelay $0x2  }
0x9b: {  	s18 =	simm.s32 $0x10  }
0x9c: {  	s17 =	simm.s32 $0x80;
	v9 =	vld [tilespmem:s18+$0x0]  }
.LBB2_18:
0x9d: {  	p1 =	sne.s32 s17, $0x4FC0;
	v10 =	vld [tilespmem:s16+$0x1400];
	_ =	sdelay $0x3  }
0x9e: {  	v11 =	vpop (erf)  }
0x9f: {  	v10 =	vmul.f32 v11, v10;
	_ =	sdelay $0x1  }
0xa0: {  	[tilespmem:s16+$0x1400] =	vst v10;
	s16 =	smov.u32 s18  }
0xa1: {  	v9 =	vld.idx.msk [tilespmem:v9+s0+$0x0], $0xffff;
	_ =	sdelay $0x5  }
0xa2: {  	v9 =	vadd.f32 $1.000000020e-16, v9;
	_ =	sdelay $0x1  }
.Ltmp8:
0xa3: {  	(erf) = vrcp.f32 v9;
	(pc) =	sbr.rel @p1 .LBB2_18-.Ltmp8, $3  }
0xa4: {  	_ =	sdelay $0x1  }
0xa5: {  	s18 =	sshra.s32 s17, $0x2  }
0xa6: {  	s17 =	sadd.s32 $0x40, s17;
	v9 =	vld [tilespmem:s18+$0x0]  }
0xa7: {  	v10 =	vld [tilespmem:s16+$0x1400];
	_ =	sdelay $0x3  }
0xa8: {  	v11 =	vpop (erf)  }
0xa9: {  	v10 =	vmul.f32 v11, v10;
	_ =	sdelay $0x1  }
0xaa: {  	[tilespmem:s16+$0x1400] =	vst v10  }
0xab: {  	v9 =	vld.idx.msk [tilespmem:v9+s0+$0x0], $0xffff;
	_ =	sdelay $0x4  }
0xac: {  	v9 =	vadd.f32 $1.000000020e-16, v9;
	_ =	sdelay $0x1  }
0xad: {  	(erf) = vrcp.f32 v9;
	_ =	sdelay $0x4  }
0xae: {  	v9 =	vld [tilespmem:s18+$0x1400];
	_ =	sdelay $0x3  }
0xaf: {  	v10 =	vpop (erf)  }
0xb0: {  	v9 =	vmul.f32 v10, v9;
	_ =	sdelay $0x1  }
0xb1: {  	s17 =	simm.s32 $0x200;
	s16 =	simm.s32 $0x0;
	[tilespmem:s18+$0x1400] =	vst v9  }
.LBB2_20:
0xb2: {  	p1 =	sne.s32 s17, $0x4E00;
	[tilespmem:s16+$0x9D70] =	vst v1  }
0xb3: {  	[tilespmem:s16+$0x9D00] =	vst v1  }
0xb4: {  	[tilespmem:s16+$0x9D10] =	vst v1  }
.Ltmp9:
0xb5: {  	[tilespmem:s16+$0x9D20] =	vst v1;
	(pc) =	sbr.rel @p1 .LBB2_20-.Ltmp9, $4  }
0xb6: {  	[tilespmem:s16+$0x9D30] =	vst v1  }
0xb7: {  	[tilespmem:s16+$0x9D40] =	vst v1  }
0xb8: {  	[tilespmem:s16+$0x9D50] =	vst v1  }
0xb9: {  	[tilespmem:s16+$0x9D60] =	vst v1;
	s16 =	sshra.s32 s17, $0x2;
	s17 =	sadd.s32 $0x200, s17  }
0xba: {  	[tilespmem:s16+$0x9D70] =	vst v1  }
0xbb: {  	[tilespmem:s16+$0x9D00] =	vst v1  }
0xbc: {  	[tilespmem:s16+$0x9D10] =	vst v1  }
0xbd: {  	[tilespmem:s16+$0x9D20] =	vst v1  }
0xbe: {  	[tilespmem:s16+$0x9D30] =	vst v1  }
0xbf: {  	[tilespmem:s16+$0x9D40] =	vst v1;
	p1 =	sne.s32 s19, $0x1  }
.Ltmp10:
0xc0: {  	[tilespmem:s16+$0x9D50] =	vst v1;
	(pc) =	sbr.rel @!p1 .LBB2_23-.Ltmp10, $4  }
0xc1: {  	[tilespmem:s16+$0x9D60] =	vst v1  }
0xc2: {  	[spmem:s22] =	stream.linear.scatter [tilespmem:s2], [sflag:$0x2], $0x1400, $0x38;
	[tilespmem:$0x1EB00] =	vst v63  }
0xc3: {  	_ =	swait.ge [sflag:s28], $0x1400  }
0xc4: {  	s16 =	sadd.s32 $0xFFFFFFFF, s19;
	s17 =	smov.u32 s22;
	[sflag:s28] =	ssyncset.done $0x0  }
.LBB2_22:
0xc5: {  	p1 =	sne.s32 s16, $0x1;
	[sflag:s28] =	ssyncadd.s32 $0xFFFFEC00;
	s17 =	sadd.s32 $0x1400, s17  }
.Ltmp11:
0xc6: {  	s16 =	sadd.s32 $0xFFFFFFFF, s16;
	(pc) =	sbr.rel @p1 .LBB2_22-.Ltmp11, $4  }
0xc7: {  	_ = 	snop  }
0xc8: {  	[spmem:s17] =	stream.linear.scatter [tilespmem:s2], [sflag:$0x2], $0x1400, $0x38;
	[tilespmem:$0x1EB00] =	vst v63  }
0xc9: {  	_ =	swait.ge [sflag:s28], $0x1400  }
0xca: {  	[sflag:s28] =	ssyncset.done $0x0  }
.LBB2_23:
0xcb: {  	[sflag:s28] =	ssyncadd.s32 $0xFFFFEC00;
	s16 =	simm.s32 $0x0  }
0xcc: {  	s17 =	simm.s32 $0x0;
	s18 =	simm.s32 $0x0;
	[bflag:$0x0] =	sbarrier.arrive $0xFFFF  }
.LBB2_24:
0xcd: {  	s20 =	sshll.u32 s18, $0x7  }
0xce: {  	s20 =	sadd.s32 s6, s20  }
0xcf: {  	s20 =	sshrl.u32 s20, $0x3  }
0xd0: {  	s21 =	sadd.s32 s8, s20  }
0xd1: {  	[tilespmem:s7], [sflag:$0x2] =	stream.linear.gather [hbm4b:s21+s16], $0x80, $0x38;
	[tilespmem:$0x1EB00] =	vst v63  }
0xd2: {  	_ =	swait.ge [sflag:s28], $0x80  }
0xd3: {  	[sflag:s28] =	ssyncset.done $0x0  }
0xd4: {  	s24 =	sadd.s32 s9, s20;
	[sflag:s28] =	ssyncadd.s32 $0xFFFFFF80  }
0xd5: {  	[tilespmem:s11], [sflag:$0x2] =	stream.linear.gather [hbm4b:s24+s16], $0x80, $0x38;
	[tilespmem:$0x1EB00] =	vst v63  }
0xd6: {  	_ =	swait.ge [sflag:s28], $0x80  }
0xd7: {  	[sflag:s28] =	ssyncset.done $0x0  }
0xd8: {  	s20 =	sadd.s32 s10, s20;
	[sflag:s28] =	ssyncadd.s32 $0xFFFFFF80  }
0xd9: {  	[tilespmem:s12], [sflag:$0x2] =	stream.linear.gather [hbm4b:s20+s16], $0x80, $0x38;
	[tilespmem:$0x1EB00] =	vst v63  }
0xda: {  	_ =	swait.ge [sflag:s28], $0x80  }
0xdb: {  	[sflag:s28] =	ssyncset.done $0x0  }
0xdc: {  	v9 =	vmov s16;
	[sflag:s28] =	ssyncadd.s32 $0xFFFFFF80  }
0xdd: {  	[tilespmem:s13], [sflag:$0x1] =	stream.indirect.gather [hbm4b:s1+s31], $0x80, s7, s31, $0xb8;
	[tilespmem:$0x1EB00] =	vst v63  }
0xde: {  	_ =	swait.ge [sflag:s14], $0x4000  }
0xdf: {  	[sflag:s14] =	ssyncset.done $0x0  }
0xe0: {  	[sflag:s14] =	ssyncadd.s32 $0xFFFFC000  }
0xe1: {  	v9 =	vld.idx.msk [tilespmem:v9+s12+$0x0], $0xffff;
	_ =	sdelay $0x4  }
0xe2: {  	v9 =	vshll.u32 v9, $0x7  }
0xe3: {  	v10 =	vor.u32 v0, v9  }
0xe4: {  	s25 =	sadd.s32 $0x0, s17  }
0xe5: {  	v11 =	vmov s25  }
0xe6: {  	s20 =	simm.s32 $0x5D40  }
0xe7: {  	v12 =	vld [tilespmem:s20+$0xFFFFFFC0]  }
0xe8: {  	v10 =	vld.idx.msk [tilespmem:v10+s30+$0x0], $0xffff;
	_ =	sdelay $0x1  }
0xe9: {  	v11 =	vld.idx.msk [tilespmem:v11+s29+$0x0], $0xffff;
	_ =	sdelay $0x2  }
0xea: {  	v52 =	vor.u32 v2, v9;
	v10 =	vadd.f32 v12, v10;
	_ =	sdelay $0x1  }
0xeb: {  	v10 =	vmul.f32 v10, v11;
	_ =	sdelay $0x1  }
0xec: {  	v53 =	vld [tilespmem:s20+$0xFFFFFFD0];
	[tilespmem:s20+$0xFFFFFFC0] =	vst v10  }
0xed: {  	v10 =	vld.idx.msk [tilespmem:v52+s30+$0x0], $0xffff;
	_ =	sdelay $0x4  }
0xee: {  	v54 =	vor.u32 v3, v9;
	v10 =	vadd.f32 v53, v10;
	_ =	sdelay $0x1  }
0xef: {  	v10 =	vmul.f32 v10, v11;
	_ =	sdelay $0x1  }
0xf0: {  	v55 =	vld [tilespmem:s20+$0xFFFFFFE0];
	[tilespmem:s20+$0xFFFFFFD0] =	vst v10  }
0xf1: {  	v10 =	vld.idx.msk [tilespmem:v54+s30+$0x0], $0xffff;
	_ =	sdelay $0x4  }
0xf2: {  	v56 =	vor.u32 v4, v9;
	v10 =	vadd.f32 v55, v10;
	_ =	sdelay $0x1  }
0xf3: {  	v10 =	vmul.f32 v10, v11;
	_ =	sdelay $0x1  }
0xf4: {  	v57 =	vld [tilespmem:s20+$0xFFFFFFF0];
	[tilespmem:s20+$0xFFFFFFE0] =	vst v10  }
0xf5: {  	v10 =	vld.idx.msk [tilespmem:v56+s30+$0x0], $0xffff;
	_ =	sdelay $0x4  }
0xf6: {  	v58 =	vor.u32 v5, v9;
	v10 =	vadd.f32 v57, v10;
	_ =	sdelay $0x1  }
0xf7: {  	v10 =	vmul.f32 v10, v11;
	_ =	sdelay $0x1  }
0xf8: {  	v59 =	vld [tilespmem:s20+$0x0];
	[tilespmem:s20+$0xFFFFFFF0] =	vst v10  }
0xf9: {  	v10 =	vld.idx.msk [tilespmem:v58+s30+$0x0], $0xffff;
	_ =	sdelay $0x4  }
0xfa: {  	v60 =	vor.u32 v6, v9;
	v10 =	vadd.f32 v59, v10;
	_ =	sdelay $0x1  }
0xfb: {  	v10 =	vmul.f32 v10, v11;
	_ =	sdelay $0x1  }
0xfc: {  	v61 =	vld [tilespmem:s20+$0x10];
	[tilespmem:s20+$0x0] =	vst v10  }
0xfd: {  	v10 =	vld.idx.msk [tilespmem:v60+s30+$0x0], $0xffff;
	_ =	sdelay $0x4  }
0xfe: {  	v62 =	vor.u32 v7, v9;
	v10 =	vadd.f32 v61, v10;
	_ =	sdelay $0x1  }
0xff: {  	v10 =	vmul.f32 v10, v11;
	_ =	sdelay $0x1  }
0x100: {  	v63 =	vld [tilespmem:s20+$0x20];
	[tilespmem:s20+$0x10] =	vst v10  }
0x101: {  	v10 =	vld.idx.msk [tilespmem:v62+s30+$0x0], $0xffff;
	_ =	sdelay $0x4  }
0x102: {  	v9 =	vor.u32 v8, v9;
	v10 =	vadd.f32 v63, v10;
	_ =	sdelay $0x1  }
0x103: {  	v10 =	vmul.f32 v10, v11;
	_ =	sdelay $0x1  }
0x104: {  	[tilespmem:s20+$0x20] =	vst v10;
	v10 =	vld [tilespmem:s20+$0x30]  }
0x105: {  	v9 =	vld.idx.msk [tilespmem:v9+s30+$0x0], $0xffff;
	_ =	sdelay $0x3  }
0x106: {  	s21 =	simm.s32 $0x1  }
0x107: {  	v10 =	vadd.f32 v10, v9;
	v9 =	vmov s21;
	_ =	sdelay $0x1  }
0x108: {  	s23 =	simm.s32 $0x2;
	v10 =	vmul.f32 v10, v11  }
.LBB2_25:
0x109: {  	p1 =	sne.s32 s23, $0x7F  }
0x10a: {  	s24 =	smov.u32 s23;
	s23 =	sadd.s32 $0x1, s23;
	[tilespmem:s20+$0x30] =	vst v10;
	s20 =	sadd.s32 $0x80, s20  }
0x10b: {  	v9 =	vld.idx.msk [tilespmem:v9+s12+$0x0], $0xffff;
	_ =	sdelay $0x5  }
0x10c: {  	v9 =	vshll.u32 v9, $0x7  }
0x10d: {  	v10 =	vor.u32 v0, v9  }
0x10e: {  	s25 =	sadd.s32 s21, s17;
	s21 =	smov.u32 s24  }
0x10f: {  	v11 =	vmov s25;
	_ =	sdelay $0x2  }
0x110: {  	v10 =	vld.idx.msk [tilespmem:v10+s30+$0x0], $0xffff  }
0x111: {  	v12 =	vld [tilespmem:s20+$0xFFFFFFC0]  }
0x112: {  	v11 =	vld.idx.msk [tilespmem:v11+s29+$0x0], $0xffff;
	_ =	sdelay $0x3  }
0x113: {  	v10 =	vadd.f32 v12, v10;
	v12 =	vor.u32 v2, v9;
	_ =	sdelay $0x1  }
0x114: {  	v10 =	vmul.f32 v10, v11;
	_ =	sdelay $0x1  }
0x115: {  	[tilespmem:s20+$0xFFFFFFC0] =	vst v10  }
0x116: {  	v10 =	vld.idx.msk [tilespmem:v12+s30+$0x0], $0xffff  }
0x117: {  	v12 =	vld [tilespmem:s20+$0xFFFFFFD0];
	_ =	sdelay $0x4  }
0x118: {  	v10 =	vadd.f32 v12, v10;
	v12 =	vor.u32 v3, v9;
	_ =	sdelay $0x1  }
0x119: {  	v10 =	vmul.f32 v10, v11;
	_ =	sdelay $0x1  }
0x11a: {  	[tilespmem:s20+$0xFFFFFFD0] =	vst v10  }
0x11b: {  	v10 =	vld.idx.msk [tilespmem:v12+s30+$0x0], $0xffff  }
0x11c: {  	v12 =	vld [tilespmem:s20+$0xFFFFFFE0];
	_ =	sdelay $0x4  }
0x11d: {  	v10 =	vadd.f32 v12, v10;
	v12 =	vor.u32 v4, v9;
	_ =	sdelay $0x1  }
0x11e: {  	v10 =	vmul.f32 v10, v11;
	_ =	sdelay $0x1  }
0x11f: {  	[tilespmem:s20+$0xFFFFFFE0] =	vst v10  }
0x120: {  	v10 =	vld.idx.msk [tilespmem:v12+s30+$0x0], $0xffff  }
0x121: {  	v12 =	vld [tilespmem:s20+$0xFFFFFFF0];
	_ =	sdelay $0x4  }
0x122: {  	v10 =	vadd.f32 v12, v10;
	v12 =	vor.u32 v5, v9;
	_ =	sdelay $0x1  }
0x123: {  	v10 =	vmul.f32 v10, v11;
	_ =	sdelay $0x1  }
0x124: {  	[tilespmem:s20+$0xFFFFFFF0] =	vst v10  }
0x125: {  	v10 =	vld.idx.msk [tilespmem:v12+s30+$0x0], $0xffff  }
0x126: {  	v12 =	vld [tilespmem:s20+$0x0];
	_ =	sdelay $0x4  }
0x127: {  	v10 =	vadd.f32 v12, v10;
	v12 =	vor.u32 v6, v9;
	_ =	sdelay $0x1  }
0x128: {  	v10 =	vmul.f32 v10, v11;
	_ =	sdelay $0x1  }
0x129: {  	[tilespmem:s20+$0x0] =	vst v10  }
0x12a: {  	v10 =	vld.idx.msk [tilespmem:v12+s30+$0x0], $0xffff  }
0x12b: {  	v12 =	vld [tilespmem:s20+$0x10];
	_ =	sdelay $0x4  }
0x12c: {  	v10 =	vadd.f32 v12, v10;
	v12 =	vor.u32 v7, v9;
	_ =	sdelay $0x1  }
0x12d: {  	v10 =	vmul.f32 v10, v11;
	_ =	sdelay $0x1  }
0x12e: {  	[tilespmem:s20+$0x10] =	vst v10  }
0x12f: {  	v10 =	vld.idx.msk [tilespmem:v12+s30+$0x0], $0xffff  }
0x130: {  	v12 =	vld [tilespmem:s20+$0x20];
	_ =	sdelay $0x4  }
0x131: {  	v9 =	vor.u32 v8, v9;
	v10 =	vadd.f32 v12, v10;
	_ =	sdelay $0x1  }
0x132: {  	v10 =	vmul.f32 v10, v11;
	_ =	sdelay $0x1  }
0x133: {  	[tilespmem:s20+$0x20] =	vst v10  }
0x134: {  	v10 =	vld.idx.msk [tilespmem:v9+s30+$0x0], $0xffff  }
0x135: {  	v12 =	vld [tilespmem:s20+$0x30];
	_ =	sdelay $0x2  }
.Ltmp12:
0x136: {  	(pc) =	sbr.rel @p1 .LBB2_25-.Ltmp12, $3  }
0x137: {  	_ = 	snop  }
0x138: {  	v9 =	vmov s21;
	v10 =	vadd.f32 v12, v10;
	_ =	sdelay $0x1  }
0x139: {  	v10 =	vmul.f32 v10, v11  }
0x13a: {  	_ =	sdelay $0x2  }
0x13b: {  	[tilespmem:s20+$0x30] =	vst v10  }
0x13c: {  	v9 =	vld.idx.msk [tilespmem:v9+s12+$0x0], $0xffff;
	_ =	sdelay $0x4  }
0x13d: {  	v9 =	vshll.u32 v9, $0x7  }
0x13e: {  	v10 =	vor.u32 v0, v9  }
0x13f: {  	s21 =	sadd.s32 s21, s17  }
0x140: {  	v11 =	vmov s21  }
0x141: {  	s25 =	sadd.s32 $0x80, s20  }
0x142: {  	v12 =	vld [tilespmem:s25+$0xFFFFFFC0]  }
0x143: {  	v10 =	vld.idx.msk [tilespmem:v10+s30+$0x0], $0xffff;
	_ =	sdelay $0x1  }
0x144: {  	v11 =	vld.idx.msk [tilespmem:v11+s29+$0x0], $0xffff;
	_ =	sdelay $0x2  }
0x145: {  	v52 =	vor.u32 v2, v9;
	v10 =	vadd.f32 v12, v10;
	_ =	sdelay $0x1  }
0x146: {  	v10 =	vmul.f32 v10, v11;
	_ =	sdelay $0x1  }
0x147: {  	v53 =	vld [tilespmem:s25+$0xFFFFFFD0];
	[tilespmem:s25+$0xFFFFFFC0] =	vst v10  }
0x148: {  	v10 =	vld.idx.msk [tilespmem:v52+s30+$0x0], $0xffff;
	_ =	sdelay $0x4  }
0x149: {  	v54 =	vor.u32 v3, v9;
	v10 =	vadd.f32 v53, v10;
	_ =	sdelay $0x1  }
0x14a: {  	v10 =	vmul.f32 v10, v11;
	_ =	sdelay $0x1  }
0x14b: {  	v55 =	vld [tilespmem:s25+$0xFFFFFFE0];
	[tilespmem:s25+$0xFFFFFFD0] =	vst v10  }
0x14c: {  	v10 =	vld.idx.msk [tilespmem:v54+s30+$0x0], $0xffff;
	_ =	sdelay $0x4  }
0x14d: {  	v56 =	vor.u32 v4, v9;
	v10 =	vadd.f32 v55, v10;
	_ =	sdelay $0x1  }
0x14e: {  	v10 =	vmul.f32 v10, v11;
	_ =	sdelay $0x1  }
0x14f: {  	v57 =	vld [tilespmem:s25+$0xFFFFFFF0];
	[tilespmem:s25+$0xFFFFFFE0] =	vst v10  }
0x150: {  	v10 =	vld.idx.msk [tilespmem:v56+s30+$0x0], $0xffff;
	_ =	sdelay $0x4  }
0x151: {  	v58 =	vor.u32 v5, v9;
	v10 =	vadd.f32 v57, v10;
	_ =	sdelay $0x1  }
0x152: {  	v10 =	vmul.f32 v10, v11;
	_ =	sdelay $0x1  }
0x153: {  	v59 =	vld [tilespmem:s25+$0x0];
	[tilespmem:s25+$0xFFFFFFF0] =	vst v10  }
0x154: {  	v10 =	vld.idx.msk [tilespmem:v58+s30+$0x0], $0xffff;
	_ =	sdelay $0x4  }
0x155: {  	v60 =	vor.u32 v6, v9;
	v10 =	vadd.f32 v59, v10;
	_ =	sdelay $0x1  }
0x156: {  	v10 =	vmul.f32 v10, v11;
	_ =	sdelay $0x1  }
0x157: {  	v61 =	vld [tilespmem:s25+$0x10];
	[tilespmem:s25+$0x0] =	vst v10  }
0x158: {  	v10 =	vld.idx.msk [tilespmem:v60+s30+$0x0], $0xffff;
	_ =	sdelay $0x4  }
0x159: {  	v62 =	vor.u32 v7, v9;
	v10 =	vadd.f32 v61, v10;
	_ =	sdelay $0x1  }
0x15a: {  	v10 =	vmul.f32 v10, v11;
	_ =	sdelay $0x1  }
0x15b: {  	v63 =	vld [tilespmem:s25+$0x20];
	[tilespmem:s25+$0x10] =	vst v10  }
0x15c: {  	v10 =	vld.idx.msk [tilespmem:v62+s30+$0x0], $0xffff;
	_ =	sdelay $0x4  }
0x15d: {  	v9 =	vor.u32 v8, v9;
	v10 =	vadd.f32 v63, v10;
	_ =	sdelay $0x1  }
0x15e: {  	v10 =	vmul.f32 v10, v11;
	_ =	sdelay $0x1  }
0x15f: {  	[tilespmem:s25+$0x20] =	vst v10;
	v10 =	vld [tilespmem:s25+$0x30]  }
0x160: {  	v9 =	vld.idx.msk [tilespmem:v9+s30+$0x0], $0xffff;
	_ =	sdelay $0x4  }
0x161: {  	v9 =	vadd.f32 v10, v9;
	_ =	sdelay $0x1  }
0x162: {  	s18 =	sadd.s32 $0x1, s18;
	v9 =	vmul.f32 v9, v11  }
0x163: {  	p1 =	sne.s32 s18, $0x28  }
.Ltmp13:
0x164: {  	[tilespmem:s25+$0x30] =	vst v9;
	(pc) =	sbr.rel @p1 .LBB2_24-.Ltmp13, $4  }
0x165: {  	[spmem:s4] =	stream.indirect.scatter.add.f32 [tilespmem:s13], [sflag:$0x2], $0x80, s11, s31, $0xb8;
	[tilespmem:$0x1EB00] =	vst v63  }
0x166: {  	_ =	swait.ge [sflag:s28], $0x4000  }
0x167: {  	[sflag:s28] =	ssyncset.done $0x0  }
0x168: {  	s17 =	sadd.s32 $0x80, s17;
	[sflag:s28] =	ssyncadd.s32 $0xFFFFC000  }
0x169: {  	[bflag:$0x0] =	sbarrier.arrive $0xFFFF  }
0x16a: {  	s17 =	rddreg [dreg:$0x10]  }
0x16b: {  	s16 =	simm.s32 @p0 $0x1FC2;
	s18 =	rddreg [dreg:$0x12]  }
0x16c: {  	[hbm:s17], [sflag:s16] =	dma.local @p0 [spmem:s18], $0x1900  }
0x16d: {  	s16 =	simm.s32 @p0 $0x2  }
0x16e: {  	s17 =	stileid.u32;
	_ =	swait.ge @p0 [sflag:s16], $0x1900  }
0x16f: {  	s17 =	sshll.u32 @!p0 s17, $0x6;
	[sflag:s16] =	ssyncset.done @p0 $0x0;
	s18 =	rddreg [dreg:$0xf]  }
0x170: {  	[sflag:s16] =	ssyncadd.s32 @p0 $0xFFFFE700;
	s16 =	sor.u32 @!p0 $0x1C02, s17;
	s17 =	sshrl.u32 @!p0 s22, $0x3  }
0x171: {  	[hbm:s18], [sflag:s16] =	dma.local @!p0 [spmem:s17], $0x2800  }
0x172: {  	s16 =	simm.s32 @!p0 $0x2  }
0x173: {  	_ =	swait.ge @!p0 [sflag:s16], $0x2800  }
0x174: {  	s15 =	sadd.s32 $0x1, s15;
	s25 =	rddreg [dreg:$0x11]  }
0x175: {  	p1 =	sne.s32 s15, s25  }
.Ltmp14:
0x176: {  	_ = 	snop;
	(pc) =	sbr.rel @p1 .LBB2_1-.Ltmp14, $3  }
0x177: {  	_ =	sdelay $0x1  }
0x178: {  	[sflag:s16] =	ssyncset.done @!p0 $0x0  }
0x179: {  	[sflag:s16] =	ssyncadd.s32 @!p0 $0xFFFFD800  }
0x17a: {  	_ =	sfence.sel $0x180000  }
0x17b: {  	[bflag:$0x0] =	sbarrier.arrive $0xFFFF  }
0x17c: {  	_ =	strace $0x90000050  }
0x17d: {  	s0 =	stileid.u32;
	[bflag:$0x2] =	sbarrier.arrive $0xFFFF  }
0x17e: {  	p0 =	sne.s32 s0, $0x0;
	s0 =	rddreg [dreg:$0x4]  }
0x17f: {  	s0 =	sadd.s32 @!p0 $0x100000, s0  }
0x180: {  	[sflag:s0] =	ssyncadd.tile.s32 @!p0 $0x1;
	_ =	shalt  }
.Lfunc_end2:
_tile_overlayer_lowered:
.L_overlay_start_2:
0x181: {  	(tag) =	ssettag $0x2  }
0x182: {  	s0 =	rddreg [dreg:$0x0];
	s2 =	stileid.u32  }
0x183: {  	s1 =	rddreg [dreg:$0x1];
	p0 =	sne.s32 s2, $0x0  }
0x184: {  	s3 =	rddreg [dreg:$0x2];
	[bflag:$0x3] =	sbarrier.arrive $0xFFFF;
	s2 =	simm.s32 @!p0 $0x1C02  }
0x185: {  	[timem:s3], [sflag:s2] =	dma.local @!p0 [hbm:s0], s1  }
0x186: {  	s0 =	simm.s32 @!p0 $0x2  }
0x187: {  	_ =	swait.ge @!p0 [sflag:s0], s1  }
0x188: {  	s1 =	ssub.s32 @!p0 $0x0, s1;
	[sflag:s0] =	ssyncset.done @!p0 $0x0  }
0x189: {  	[sflag:s0] =	ssyncadd.s32 @!p0 s1  }
0x18a: {  	[bflag:$0x3] =	sbarrier.arrive $0xFFFF  }
0x18b: {  	_ =	shalt  }

</sc_bundles>
